<compile_context>
chip_gen: v7x
topology: tpu7x:2x2x1
jax: 0.10.2.dev20260603
libtpu: 0.0.44.dev20260713+nightly
codegen_flags: <defaults>
</compile_context>

<pallas_src>
import functools

import jax
import jax.numpy as jnp
from jax import lax
from jax.experimental import pallas as pl
from jax.experimental.pallas import tpu as pltpu
from jax.experimental.pallas import tpu_sc as plsc

N = 50000
E = 800000
F = 4
C = 64
H = 4

NC, NS, L = 2, 16, 16
NW = NC * NS
CH = 256
GW = 24
CHG = 256
EPT = 25088
E_PAD = EPT * NW
NCHUNK = EPT // CH
TR = 50176
NP = 51200
RPT = NP // NS
ZB = 128
F32 = jnp.float32

_mesh = plsc.VectorSubcoreMesh(core_axis_name="c", subcore_axis_name="s",
                               num_cores=NC, num_subcores=NS)
_params = pltpu.CompilerParams(use_tc_tiling_on_sc=False)


def _zero_acc(zb, acc, s, width):
    z = jnp.zeros((L,), F32)
    offs = sorted({0, width - L})

    def zrow(i, _):
        for j in offs:
            zb[i, pl.ds(j, L)] = z
        return 0
    lax.fori_loop(0, ZB, zrow, 0)

    def zcp(j, _):
        pltpu.sync_copy(zb, acc.at[pl.ds(s * RPT + j * ZB, ZB)])
        return 0
    lax.fori_loop(0, RPT // ZB, zcp, 0)


def _dump_acc(zb, acc, out, c, s):
    def dcp(j, _):
        r = s * RPT + j * ZB
        pltpu.sync_copy(acc.at[pl.ds(r, ZB)], zb)
        pltpu.sync_copy(zb, out.at[c, pl.ds(r, ZB)])
        return 0
    lax.fori_loop(0, RPT // ZB, dcp, 0)


@functools.partial(
    pl.kernel,
    out_type=jax.ShapeDtypeStruct((NC, NP, GW), F32),
    mesh=_mesh,
    compiler_params=_params,
    scratch_types=[
        pltpu.VMEM((4, CH), jnp.int32),
        pltpu.VMEM((4, CH), jnp.int32),
        pltpu.VMEM((2, CH, L), F32),
        pltpu.VMEM((2, CH, L), F32),
        pltpu.VMEM((2, CH, GW), F32),
        pltpu.VMEM((ZB, GW), F32),
        pltpu.VMEM_SHARED((NP, GW), F32),
        pltpu.SemaphoreType.DMA,
        pltpu.SemaphoreType.DMA,
        pltpu.SemaphoreType.DMA,
    ],
)
def _gat_pass(asx, ad, srcs, dsts, out,
              isx, isd, rows_s, rows_d, vals, zb, acc, isem, gsem, ssem):
    c = lax.axis_index("c")
    s = lax.axis_index("s")
    w = c * NS + s
    base = w * EPT
    _zero_acc(zb, acc, s, GW)
    plsc.subcore_barrier()

    lane = lax.iota(jnp.int32, L)
    m4 = lane < 4
    cnt = jnp.where(lane == 4, 1.0, 0.0).astype(F32)
    i1 = lax.shift_right_logical(lane, 2)
    i2 = 4 + (lane & 3)

    def idx_start(j):
        r = j & 3
        eb = base + j * CH
        pltpu.async_copy(srcs.at[pl.ds(eb, CH)], isx.at[r], isem)
        pltpu.async_copy(dsts.at[pl.ds(eb, CH)], isd.at[r], isem)

    def idx_drain(r):
        pltpu.make_async_copy(srcs.at[pl.ds(0, CH)], isx.at[r], isem).wait()
        pltpu.make_async_copy(dsts.at[pl.ds(0, CH)], isd.at[r], isem).wait()

    def gather_start(p, r):
        pltpu.async_copy(asx.at[isx.at[r]], rows_s.at[p], gsem)
        pltpu.async_copy(ad.at[isd.at[r]], rows_d.at[p], gsem)

    idx_start(0)
    idx_drain(0)
    gather_start(0, 0)
    idx_start(1)

    def body(i, _):
        p = i & 1
        q = 1 - p
        pltpu.make_async_copy(asx.at[pl.ds(0, CH)], rows_s.at[p], gsem).wait()
        pltpu.make_async_copy(ad.at[pl.ds(0, CH)], rows_d.at[p], gsem).wait()
        @pl.when(i >= 2)
        def _():
            pltpu.make_async_copy(out.at[0, pl.ds(0, CH)], vals.at[p], ssem).wait()
        @pl.when(i + 2 < NCHUNK)
        def _():
            idx_start(i + 2)
        @pl.when(i + 1 < NCHUNK)
        def _():
            idx_drain((i + 1) & 3)
            gather_start(q, (i + 1) & 3)

        def edge(e, _):
            af = rows_s[p, e, :] + rows_d[p, e, :]
            ex = jnp.exp(jnp.maximum(af, 0.2 * af))
            vals[p, e, pl.ds(0, L)] = jnp.where(m4, ex, cnt)
            g1 = ex.at[i1].get(mode="promise_in_bounds")
            g2 = af.at[i2].get(mode="promise_in_bounds")
            vals[p, e, pl.ds(GW - L, L)] = g1 * g2
            return 0
        lax.fori_loop(0, CH, edge, 0, unroll=16)
        pltpu.async_copy(vals.at[p], acc.at[isd.at[i & 3]], ssem, add=True)
        return 0
    lax.fori_loop(0, NCHUNK, body, 0)
    pltpu.make_async_copy(out.at[0, pl.ds(0, CH)], vals.at[0], ssem).wait()
    pltpu.make_async_copy(out.at[0, pl.ds(0, CH)], vals.at[1], ssem).wait()
    plsc.subcore_barrier()
    _dump_acc(zb, acc, out, c, s)


NCH_G = (E_PAD // NS) // CHG


@functools.partial(
    pl.kernel,
    out_type=jax.ShapeDtypeStruct((NC, NP, 32), F32),
    mesh=_mesh,
    compiler_params=_params,
    scratch_types=[
        pltpu.VMEM((4, CHG), jnp.int32),
        pltpu.VMEM((4, CHG), jnp.int32),
        pltpu.VMEM((2, CHG, 32), F32),
        pltpu.VMEM((ZB, 32), F32),
        pltpu.VMEM_SHARED((NP, 32), F32),
        pltpu.SemaphoreType.DMA,
        pltpu.SemaphoreType.DMA,
        pltpu.SemaphoreType.DMA,
    ],
)
def _gcn_pass(hs2, srcs2, dsts, out, isx, isd, rows, zb, acc, isem, gsem, ssem):
    c = lax.axis_index("c")
    s = lax.axis_index("s")
    base = s * (E_PAD // NS)
    _zero_acc(zb, acc, s, 32)
    plsc.subcore_barrier()

    def idx_start(j):
        r = j & 3
        eb = base + j * CHG
        pltpu.async_copy(srcs2.at[c, pl.ds(eb, CHG)], isx.at[r], isem)
        pltpu.async_copy(dsts.at[pl.ds(eb, CHG)], isd.at[r], isem)

    def idx_drain(r):
        pltpu.make_async_copy(dsts.at[pl.ds(0, CHG)], isx.at[r], isem).wait()
        pltpu.make_async_copy(dsts.at[pl.ds(0, CHG)], isd.at[r], isem).wait()

    idx_start(0)
    idx_drain(0)
    pltpu.async_copy(hs2.at[isx.at[0]], rows.at[0], gsem)
    idx_start(1)

    def body(i, _):
        p = i & 1
        pltpu.make_async_copy(hs2.at[pl.ds(0, CHG)], rows.at[p], gsem).wait()
        @pl.when(i >= 1)
        def _():
            pltpu.make_async_copy(out.at[0, pl.ds(0, CHG)], rows.at[1 - p], ssem).wait()
        @pl.when(i + 2 < NCH_G)
        def _():
            idx_start(i + 2)
        @pl.when(i + 1 < NCH_G)
        def _():
            idx_drain((i + 1) & 3)
            pltpu.async_copy(hs2.at[isx.at[(i + 1) & 3]], rows.at[1 - p], gsem)
        pltpu.async_copy(rows.at[p], acc.at[isd.at[i & 3]], ssem, add=True)
        return 0
    lax.fori_loop(0, NCH_G, body, 0)
    pltpu.make_async_copy(out.at[0, pl.ds(0, CHG)], rows.at[0], ssem).wait()
    plsc.subcore_barrier()
    _dump_acc(zb, acc, out, c, s)

BK = 3584
GRID = TR // BK


def _sel(shape, fill):
    import numpy as np
    m = np.zeros(shape, np.float32)
    fill(m)
    return m


_PD = _sel((GW, 256), lambda m: [m.__setitem__((hh, slice(hh * 64, hh * 64 + 64)), 1.0) for hh in range(4)])
_PR = _sel((4, 256), lambda m: [m.__setitem__((hh, slice(hh * 64, hh * 64 + 64)), 1.0) for hh in range(4)])
_PS = _sel((GW, 16), lambda m: [m.__setitem__((GW - 16 + k, k), 1.0) for k in range(16)])
_EH = _sel((4, 16), lambda m: [m.__setitem__((hh, hh * 4 + ff), 1.0) for hh in range(4) for ff in range(4)])
_EF = _sel((4, 16), lambda m: [m.__setitem__((ff, hh * 4 + ff), 1.0) for hh in range(4) for ff in range(4)])
_PI = _sel((GW, 8), lambda m: m.__setitem__((4, slice(None)), 1.0))
_E0 = _sel((32, 64), lambda m: [m.__setitem__((j, j), 1.0) for j in range(32)])
_E1 = _sel((32, 64), lambda m: [m.__setitem__((j, 32 + j), 1.0) for j in range(32)])
_P4 = _sel((16, 4), lambda m: [m.__setitem__((k, k), 1.0) for k in range(4)])
_P48 = _sel((16, 4), lambda m: [m.__setitem__((4 + k, k), 1.0) for k in range(4)])
_SA = _sel((4, 16), lambda m: [m.__setitem__((k, k), 1.0) for k in range(4)])
_SX = _sel((4, 16), lambda m: [m.__setitem__((k, 4 + k), 1.0) for k in range(4)])
_PRT = _PR.T.copy()
_RHT = [_sel((4, 16), lambda m, h=h: [m.__setitem__((ff, h * 4 + ff), 1.0) for ff in range(4)]) for h in range(4)]
_CHT = [_sel((256, 64), lambda m, h=h: [m.__setitem__((h * 64 + cc, cc), 1.0) for cc in range(64)]) for h in range(4)]


def _full(shape):
    return pl.BlockSpec(shape, lambda i: tuple(0 for _ in shape))


def _rows(width):
    return pl.BlockSpec((BK, width), lambda i: (i, 0))


def _core(cc, width=32):
    return pl.BlockSpec((1, BK, width), lambda i, c=cc: (c, i, 0))


def _gelu(v):
    return 0.5 * v * (1.0 + lax.erf(v * (2.0 ** -0.5)))


def _dotT(a, bT):
    return lax.dot_general(a, bT, (((1,), (1,)), ((), ())))


def _k0_body(gw, afs, afd, prt, sa, sx, rh0, rh1, rh2, rh3,
             ch0, ch1, ch2, ch3, om1, om2, owbdT):
    gwv = gw[...]
    blk_s = afs[...] * prt[...]
    blk_d = afd[...] * prt[...]
    asT = lax.dot_general(gwv, blk_s, (((0,), (0,)), ((), ())))
    adT = lax.dot_general(gwv, blk_d, (((0,), (0,)), ((), ())))
    om1[...] = asT @ sa[...] + sx[...]
    om2[...] = adT @ sa[...]
    rhs = (rh0, rh1, rh2, rh3)
    chs = (ch0, ch1, ch2, ch3)
    acc = jnp.zeros((256, 16), F32)
    for hh in range(4):
        wh = gw[pl.ds(hh * 64, 64), :]
        acc = acc + chs[hh][...] @ (wh @ rhs[hh][...])
    owbdT[...] = acc


def _k1_body(xr, m1, m2, oasx, oadp):
    xb = xr[...]
    oasx[...] = xb @ m1[...]
    oadp[...] = xb @ m2[...]


def _k2_body(g0, g1, asxr, adpr, wbdT, w1a, w1b, bias, pd, pr, ps, eh, ef, pi,
             p4, p48, ohs, odinv):
    m = g0[0] + g1[0]
    av = asxr[...]
    dv = adpr[...]
    vad = (av + dv) @ p4[...]
    exb = jnp.exp(jnp.maximum(vad, 0.2 * vad))
    xb = av @ p48[...]
    den256 = m @ pd[...] + exb @ pr[...]
    s16 = m @ ps[...] + (exb @ eh[...]) * (xb @ ef[...])
    hg = _dotT(s16, wbdT[...]) / (den256 + 1e-16) + bias[...]
    hg = _gelu(hg)
    dinv = lax.rsqrt(m @ pi[...] + 1.0)
    d1 = dinv[:, 0:1]
    ohs[0] = (hg @ w1a[...]) * d1
    ohs[1] = (hg @ w1b[...]) * d1
    odinv[...] = dinv


def _k3_body(a0, a1, hsp, dinv8, b1, w2a, w2b, e0, e1, ohs):
    d1 = dinv8[:, 0:1]
    u0 = a0[0] + hsp[0]
    u1 = a1[0] + hsp[1]
    out1 = d1 * (u0 @ e0[...] + u1 @ e1[...]) + b1[...]
    h2 = _gelu(out1)
    ohs[0] = (h2 @ w2a[...]) * d1
    ohs[1] = (h2 @ w2b[...]) * d1


def _k4_body(a0, a1, hsn, dinv8, b2, e0, e1, out):
    d1 = dinv8[:, 0:1]
    u0 = a0[0] + hsn[0]
    u1 = a1[0] + hsn[1]
    out[...] = d1 * (u0 @ e0[...] + u1 @ e1[...]) + b2[...]


def kernel(x, edge_index, gat_W, gat_att_src, gat_att_dst, gat_bias,
           gcn1_W, gcn1_b, gcn2_W, gcn2_b):
    src = edge_index[0]
    dst = edge_index[1]
    npad = E_PAD - E
    src_p = jnp.concatenate([src, jnp.full((npad,), N, jnp.int32)])
    dst_p = jnp.concatenate([dst, jnp.full((npad,), N, jnp.int32)])
    srcs2 = jnp.stack([src_p, src_p + TR])

    m1, m2, wbdT = pl.pallas_call(
        _k0_body,
        grid=(1,),
        in_specs=[_full((H * C, F)), _full((H * C, 1)), _full((H * C, 1)),
                  _full((256, 4)), _full((4, 16)), _full((4, 16)),
                  *[_full((4, 16))] * 4, *[_full((256, 64))] * 4],
        out_specs=[_full((4, 16)), _full((4, 16)), _full((256, 16))],
        out_shape=[jax.ShapeDtypeStruct((4, 16), F32),
                   jax.ShapeDtypeStruct((4, 16), F32),
                   jax.ShapeDtypeStruct((256, 16), F32)],
    )(gat_W, gat_att_src.reshape(H * C, 1), gat_att_dst.reshape(H * C, 1),
      _PRT, _SA, _SX, *_RHT, *_CHT)

    asx, adp = pl.pallas_call(
        _k1_body,
        grid=(GRID,),
        in_specs=[_rows(4), _full((4, 16)), _full((4, 16))],
        out_specs=[_rows(16), _rows(16)],
        out_shape=[jax.ShapeDtypeStruct((TR, L), F32),
                   jax.ShapeDtypeStruct((TR, L), F32)],
    )(x, m1, m2)

    gat_p = _gat_pass(asx, adp, src_p, dst_p)

    hs2, dinv8 = pl.pallas_call(
        _k2_body,
        grid=(GRID,),
        in_specs=[_core(0, GW), _core(1, GW), _rows(16), _rows(16),
                  _full((256, 16)), _full((256, 32)), _full((256, 32)),
                  _full((1, 256)), _full((GW, 256)), _full((4, 256)),
                  _full((GW, 16)), _full((4, 16)), _full((4, 16)),
                  _full((GW, 8)), _full((16, 4)), _full((16, 4))],
        out_specs=[pl.BlockSpec((2, BK, 32), lambda i: (0, i, 0)), _rows(8)],
        out_shape=[jax.ShapeDtypeStruct((2, TR, 32), F32),
                   jax.ShapeDtypeStruct((TR, 8), F32)],
    )(gat_p, gat_p, asx, adp, wbdT, gcn1_W.T[:, 0:32], gcn1_W.T[:, 32:64],
      gat_bias.reshape(1, H * C), _PD, _PR, _PS, _EH, _EF, _PI, _P4, _P48)

    acc1 = _gcn_pass(hs2.reshape(2 * TR, 32), srcs2, dst_p)

    hs2b = pl.pallas_call(
        _k3_body,
        grid=(GRID,),
        in_specs=[_core(0), _core(1),
                  pl.BlockSpec((2, BK, 32), lambda i: (0, i, 0)), _rows(8),
                  _full((1, 64)), _full((64, 32)), _full((64, 32)),
                  _full((32, 64)), _full((32, 64))],
        out_specs=pl.BlockSpec((2, BK, 32), lambda i: (0, i, 0)),
        out_shape=jax.ShapeDtypeStruct((2, TR, 32), F32),
    )(acc1, acc1, hs2, dinv8, gcn1_b.reshape(1, C),
      gcn2_W.T[:, 0:32], gcn2_W.T[:, 32:64], _E0, _E1)

    acc2 = _gcn_pass(hs2b.reshape(2 * TR, 32), srcs2, dst_p)

    out = pl.pallas_call(
        _k4_body,
        grid=(GRID,),
        in_specs=[_core(0), _core(1),
                  pl.BlockSpec((2, BK, 32), lambda i: (0, i, 0)), _rows(8),
                  _full((1, 64)), _full((32, 64)), _full((32, 64))],
        out_specs=_rows(64),
        out_shape=jax.ShapeDtypeStruct((N, C), F32),
    )(acc2, acc2, hs2b, dinv8, gcn2_b.reshape(1, C), _E0, _E1)
    return out

# --- scband reference (transcript-rebuilt; emitter-appended) ---
"""Pipeline reference for scband-gatgcnencoder-22273700397757 (READ-ONLY COPY).

The authoritative reference and input builder live on the scoring server;
editing this copy changes nothing except your own understanding.
"""

import jax, jax.numpy as jnp
import numpy as np

N_NODES = 50000
N_EDGES = 800000
N_FEAT = 4
D_MODEL = 64
HEADS = 4


def _gat_conv(x, src, dst, W, att_src, att_dst, bias, n_nodes, heads, ch):
    # PyG GATConv with add_self_loops=True, concat=True, negative_slope=0.2
    xh = (x @ W.T).reshape(n_nodes, heads, ch)
    a_s = (xh * att_src[None, :, :]).sum(-1)  # [N, H]
    a_d = (xh * att_dst[None, :, :]).sum(-1)  # [N, H]
    loop = jnp.arange(n_nodes, dtype=src.dtype)
    s2 = jnp.concatenate([src, loop])
    d2 = jnp.concatenate([dst, loop])
    alpha = a_s[s2] + a_d[d2]
    alpha = jax.nn.leaky_relu(alpha, negative_slope=0.2)
    m = jax.ops.segment_max(alpha, d2, num_segments=n_nodes)
    m = jax.lax.stop_gradient(m)
    ex = jnp.exp(alpha - m[d2])
    den = jax.ops.segment_sum(ex, d2, num_segments=n_nodes)
    coef = ex / (den[d2] + 1e-16)  # softmax over incoming edges per dst, per head
    msg = xh[s2] * coef[:, :, None]
    out = jax.ops.segment_sum(msg, d2, num_segments=n_nodes)
    return out.reshape(n_nodes, heads * ch) + bias


def _gcn_conv(x, src, dst, W, b, n_nodes):
    # PyG GCNConv with add_self_loops=True, normalize=True
    h = x @ W.T
    loop = jnp.arange(n_nodes, dtype=src.dtype)
    s2 = jnp.concatenate([src, loop])
    d2 = jnp.concatenate([dst, loop])
    ones = jnp.ones(s2.shape[0], dtype=h.dtype)
    deg = jax.ops.segment_sum(ones, d2, num_segments=n_nodes)
    dinv = jnp.where(deg > 0, jax.lax.rsqrt(deg), 0.0)
    norm = dinv[s2] * dinv[d2]
    out = jax.ops.segment_sum(h[s2] * norm[:, None], d2, num_segments=n_nodes)
    return out + b


def setup_inputs(seed: int = 0):
    key = jax.random.key(seed)
    ks = jax.random.split(key, 12)
    H, C = HEADS, D_MODEL
    inp = {}
    inp["x"] = jax.random.normal(ks[0], (N_NODES, N_FEAT), dtype=jnp.float32)
    inp["edge_index"] = jax.random.randint(ks[1], (2, N_EDGES), 0, N_NODES, dtype=jnp.int32)
    # GATConv params: lin weight [H*C, F_in], att [H, C], bias [H*C]
    inp["gat_W"] = jax.random.normal(ks[2], (H * C, N_FEAT), dtype=jnp.float32) * (1.0 / np.sqrt(N_FEAT))
    inp["gat_att_src"] = jax.random.normal(ks[3], (H, C), dtype=jnp.float32) * (1.0 / np.sqrt(C))
    inp["gat_att_dst"] = jax.random.normal(ks[4], (H, C), dtype=jnp.float32) * (1.0 / np.sqrt(C))
    inp["gat_bias"] = jnp.zeros((H * C,), dtype=jnp.float32)
    # first GCN: (H*C) -> d_model
    inp["gcn1_W"] = jax.random.normal(ks[5], (D_MODEL, H * C), dtype=jnp.float32) * (1.0 / np.sqrt(H * C))
    inp["gcn1_b"] = jnp.zeros((D_MODEL,), dtype=jnp.float32)
    # second GCN: d_model -> d_model (n_gcn_conv=2 => one extra layer)
    inp["gcn2_W"] = jax.random.normal(ks[6], (D_MODEL, D_MODEL), dtype=jnp.float32) * (1.0 / np.sqrt(D_MODEL))
    inp["gcn2_b"] = jnp.zeros((D_MODEL,), dtype=jnp.float32)
    return inp


def reference(x, edge_index, gat_W, gat_att_src, gat_att_dst, gat_bias, gcn1_W, gcn1_b, gcn2_W, gcn2_b):
    src = edge_index[0]
    dst = edge_index[1]
    h = _gat_conv(x, src, dst, gat_W, gat_att_src, gat_att_dst, gat_bias, N_NODES, HEADS, D_MODEL)
    h = jax.nn.gelu(h, approximate=False)
    h = _gcn_conv(h, src, dst, gcn1_W, gcn1_b, N_NODES)
    h = jax.nn.gelu(h, approximate=False)
    h = _gcn_conv(h, src, dst, gcn2_W, gcn2_b, N_NODES)
    return h

if __name__ == "__main__":
    import jax
    _d = setup_inputs()
    print(jax.jit(kernel)(*tuple(_d.values())))

</pallas_src>

<mosaic_0001>
#map = affine_map<(d0, d1) -> (0, 0)>
#map1 = affine_map<(d0, d1) -> (0)>
#map2 = affine_map<(d0, d1) -> (0, 0, 0)>
module attributes {stable_mosaic.version = 14 : i64} {
  func.func @_gat_pass(%arg0: i32, %arg1: i32, %arg2: memref<50176x16xf32, #tpu.memory_space<hbm>>, %arg3: memref<50176x16xf32, #tpu.memory_space<hbm>>, %arg4: memref<802816xi32, #tpu.memory_space<hbm>>, %arg5: memref<802816xi32, #tpu.memory_space<hbm>>, %arg6: memref<2x51200x24xf32, #tpu.memory_space<hbm>>, %arg7: memref<4x256xi32, #tpu.memory_space<vmem>>, %arg8: memref<4x256xi32, #tpu.memory_space<vmem>>, %arg9: memref<2x256x16xf32, #tpu.memory_space<vmem>>, %arg10: memref<2x256x16xf32, #tpu.memory_space<vmem>>, %arg11: memref<2x256x24xf32, #tpu.memory_space<vmem>>, %arg12: memref<128x24xf32, #tpu.memory_space<vmem>>, %arg13: memref<51200x24xf32, #tpu.memory_space<vmem_shared>>, %arg14: memref<!tpu.dma_semaphore, #tpu.memory_space<semaphore_mem>>, %arg15: memref<!tpu.dma_semaphore, #tpu.memory_space<semaphore_mem>>, %arg16: memref<!tpu.dma_semaphore, #tpu.memory_space<semaphore_mem>>) attributes {dimension_semantics = [#tpu.dimension_semantics<core_parallel>, #tpu.dimension_semantics<subcore_parallel>], iteration_bounds = array<i64: 2, 16>, scalar_prefetch = 0 : i64, scratch_operands = 10 : i64, tpu.core_type = #tpu.core_type<sc_vector_subcore>, window_params = [{transform_indices = #map}, {transform_indices = #map}, {transform_indices = #map1}, {transform_indices = #map1}, {transform_indices = #map2}]} {
    %mul3A = arith.constant 16 : i32
    %mul3A_0 = arith.muli %arg0, %mul3A : i32
    %add3A = arith.addi %mul3A_0, %arg1 : i32
    %mul3A_1 = arith.constant 25088 : i32
    %mul3A_2 = arith.muli %add3A, %mul3A_1 : i32
    %broadcast_in_dim3A = arith.constant 0.000000e+00 : f32
    %broadcast_in_dim3A_3 = vector.broadcast %broadcast_in_dim3A : f32 to vector<16xf32>
    %scan3A = arith.constant 0 : i32
    %scan3A_4 = arith.constant 0 : i32
    %scan3A_5 = arith.constant 128 : i32
    %scan3A_6 = arith.addi %scan3A_4, %scan3A_5 : i32
    %scan3A_7 = arith.constant 1 : i32
    %scan3A_8 = scf.for %scan3A_166 = %scan3A_4 to %scan3A_6 step %scan3A_7 iter_args(%scan3A_167 = %scan3A) -> (i32)  : i32 {
      %swap3A = arith.index_cast %scan3A_166 : i32 to index
      %swap3A_168 = arith.constant 0 : index
      %swap3A_169 = tpu.vector_load %arg12[%swap3A, %swap3A_168] {strides = array<i32>} : memref<128x24xf32, #tpu.memory_space<vmem>>, vector<1x16xf32>,
      %swap3A_170 = vector.shape_cast %swap3A_169 : vector<1x16xf32> to vector<16xf32>
      %swap3A_171 = vector.shape_cast %broadcast_in_dim3A_3 : vector<16xf32> to vector<1x16xf32>
      tpu.vector_store %arg12[%swap3A, %swap3A_168], %swap3A_171 {strides = array<i32>} : memref<128x24xf32, #tpu.memory_space<vmem>>, vector<1x16xf32>,
      %swap3A_172 = arith.index_cast %scan3A_166 : i32 to index
      %swap3A_173 = arith.constant 8 : index
      %swap3A_174 = tpu.vector_load %arg12[%swap3A_172, %swap3A_173] {strides = array<i32>} : memref<128x24xf32, #tpu.memory_space<vmem>>, vector<1x16xf32>,
      %swap3A_175 = vector.shape_cast %swap3A_174 : vector<1x16xf32> to vector<16xf32>
      %swap3A_176 = vector.shape_cast %broadcast_in_dim3A_3 : vector<16xf32> to vector<1x16xf32>
      tpu.vector_store %arg12[%swap3A_172, %swap3A_173], %swap3A_176 {strides = array<i32>} : memref<128x24xf32, #tpu.memory_space<vmem>>, vector<1x16xf32>,
      %scan3A_177 = arith.constant 0 : i32
      scf.yield %scan3A_177 : i32
    }
    %scan3A_9 = arith.constant 128 : i32
    %scan3A_10 = arith.constant 0 : i32
    %scan3A_11 = arith.constant 0 : i32
    %scan3A_12 = arith.constant 25 : i32
    %scan3A_13 = arith.addi %scan3A_11, %scan3A_12 : i32
    %scan3A_14 = arith.constant 1 : i32
    %scan3A_15 = scf.for %scan3A_166 = %scan3A_11 to %scan3A_13 step %scan3A_14 iter_args(%scan3A_167 = %scan3A_10) -> (i32)  : i32 {
      %mul3A_168 = arith.constant 3200 : i32
      %mul3A_169 = arith.muli %arg1, %mul3A_168 : i32
      %mul3A_170 = arith.constant 128 : i32
      %mul3A_171 = arith.muli %scan3A_166, %mul3A_170 : i32
      %add3A_172 = arith.addi %mul3A_169, %mul3A_171 : i32
      "tpu.region"() ({
        %run_scoped3A = tpu.sem_alloc : memref<!tpu.dma_semaphore, #tpu.memory_space<semaphore_mem>>
        %dma_start3A_174 = arith.constant 0 : i32
        %dma_start3A_175 = tpu.memref_slice %arg13[%add3A_172, %dma_start3A_174] : memref<51200x24xf32, #tpu.memory_space<vmem_shared>> -> memref<128x24xf32, #tpu.memory_space<vmem_shared>>
        %dma_start3A_176 = arith.constant 0 : i32
        %dma_start3A_177 = tpu.memref_slice %arg13[%add3A_172, %dma_start3A_176] : memref<51200x24xf32, #tpu.memory_space<vmem_shared>> -> memref<128x24xf32, #tpu.memory_space<vmem_shared>>
        tpu.enqueue_dma source(%arg12 : memref<128x24xf32, #tpu.memory_space<vmem>>) target(%dma_start3A_177 : memref<128x24xf32, #tpu.memory_space<vmem_shared>>) target_semaphore(%run_scoped3A : memref<!tpu.dma_semaphore, #tpu.memory_space<semaphore_mem>>)
        %dma_wait3A_178 = arith.constant 0 : i32
        %dma_wait3A_179 = tpu.memref_slice %arg13[%add3A_172, %dma_wait3A_178] : memref<51200x24xf32, #tpu.memory_space<vmem_shared>> -> memref<128x24xf32, #tpu.memory_space<vmem_shared>>
        %dma_wait3A_180 = arith.constant 0 : i32
        %dma_wait3A_181 = tpu.memref_slice %arg13[%add3A_172, %dma_wait3A_180] : memref<51200x24xf32, #tpu.memory_space<vmem_shared>> -> memref<128x24xf32, #tpu.memory_space<vmem_shared>>
        tpu.wait_dma2 semaphore(%run_scoped3A : memref<!tpu.dma_semaphore, #tpu.memory_space<semaphore_mem>>) src(%arg12 : memref<128x24xf32, #tpu.memory_space<vmem>>) dst(%dma_wait3A_181 : memref<128x24xf32, #tpu.memory_space<vmem_shared>>)
        tpu.yield
      }) : () -> ()
      %scan3A_173 = arith.constant 0 : i32
      scf.yield %scan3A_173 : i32
    }
    %scan3A_16 = arith.constant 25 : i32
    %barrier3A = arith.constant 0 : index
    tpu.barrier barrier_id(%barrier3A)
    %iota3A = tpu.iota {dimensions = array<i32: 0>} : vector<16xi32>
    %lt3A = arith.constant 4 : i32
    %lt3A_17 = vector.broadcast %lt3A : i32 to vector<16xi32>
    %lt3A_18 = arith.cmpi slt, %iota3A, %lt3A_17 : vector<16xi32>
    %eq3A = arith.constant 4 : i32
    %eq3A_19 = vector.broadcast %eq3A : i32 to vector<16xi32>
    %eq3A_20 = arith.cmpi eq, %iota3A, %eq3A_19 : vector<16xi32>
    %jit3A = arith.constant 1.000000e+00 : f32
    %jit3A_21 = arith.constant 0.000000e+00 : f32
    %broadcast_in_dim3A_22 = vector.broadcast %jit3A : f32 to vector<16xf32>
    %broadcast_in_dim3A_23 = vector.broadcast %jit3A_21 : f32 to vector<16xf32>
    %select_n3A = arith.select %eq3A_20, %broadcast_in_dim3A_22, %broadcast_in_dim3A_23 : vector<16xi1>, vector<16xf32>
    %shift_right_logical3A = arith.constant 2 : i32
    %shift_right_logical3A_24 = vector.broadcast %shift_right_logical3A : i32 to vector<16xi32>
    %shift_right_logical3A_25 = arith.shrui %iota3A, %shift_right_logical3A_24 : vector<16xi32>
    %and3A = arith.constant 3 : i32
    %and3A_26 = vector.broadcast %and3A : i32 to vector<16xi32>
    %and3A_27 = arith.andi %iota3A, %and3A_26 : vector<16xi32>
    %add3A_28 = arith.constant 4 : i32
    %add3A_29 = vector.broadcast %add3A_28 : i32 to vector<16xi32>
    %add3A_30 = arith.addi %add3A_29, %and3A_27 : vector<16xi32>
    %add3A_31 = arith.constant 0 : i32
    %add3A_32 = arith.addi %mul3A_2, %add3A_31 : i32
    %dma_start3A = arith.constant 0 : i32
    %dma_start3A_33 = arith.constant 0 : i32
    %dma_start3A_34 = tpu.memref_slice %arg7[%dma_start3A, %dma_start3A_33] : memref<4x256xi32, #tpu.memory_space<vmem>> -> memref<1x256xi32, #tpu.memory_space<vmem>>
    %dma_start3A_35 = tpu.memref_squeeze %dma_start3A_34 : memref<1x256xi32, #tpu.memory_space<vmem>> -> memref<256xi32, #tpu.memory_space<vmem>>
    %dma_start3A_36 = tpu.memref_slice %arg4[%add3A_32] : memref<802816xi32, #tpu.memory_space<hbm>> -> memref<256xi32, #tpu.memory_space<hbm>>
    %dma_start3A_37 = arith.constant 0 : i32
    %dma_start3A_38 = tpu.memref_slice %arg7[%dma_start3A, %dma_start3A_37] : memref<4x256xi32, #tpu.memory_space<vmem>> -> memref<1x256xi32, #tpu.memory_space<vmem>>
    %dma_start3A_39 = tpu.memref_squeeze %dma_start3A_38 : memref<1x256xi32, #tpu.memory_space<vmem>> -> memref<256xi32, #tpu.memory_space<vmem>>
    %dma_start3A_40 = tpu.memref_slice %arg4[%add3A_32] : memref<802816xi32, #tpu.memory_space<hbm>> -> memref<256xi32, #tpu.memory_space<hbm>>
    tpu.enqueue_dma source(%dma_start3A_40 : memref<256xi32, #tpu.memory_space<hbm>>) target(%dma_start3A_39 : memref<256xi32, #tpu.memory_space<vmem>>) target_semaphore(%arg14 : memref<!tpu.dma_semaphore, #tpu.memory_space<semaphore_mem>>)
    %dma_start3A_41 = arith.constant 0 : i32
    %dma_start3A_42 = arith.constant 0 : i32
    %dma_start3A_43 = tpu.memref_slice %arg8[%dma_start3A_41, %dma_start3A_42] : memref<4x256xi32, #tpu.memory_space<vmem>> -> memref<1x256xi32, #tpu.memory_space<vmem>>
    %dma_start3A_44 = tpu.memref_squeeze %dma_start3A_43 : memref<1x256xi32, #tpu.memory_space<vmem>> -> memref<256xi32, #tpu.memory_space<vmem>>
    %dma_start3A_45 = tpu.memref_slice %arg5[%add3A_32] : memref<802816xi32, #tpu.memory_space<hbm>> -> memref<256xi32, #tpu.memory_space<hbm>>
    %dma_start3A_46 = arith.constant 0 : i32
    %dma_start3A_47 = tpu.memref_slice %arg8[%dma_start3A_41, %dma_start3A_46] : memref<4x256xi32, #tpu.memory_space<vmem>> -> memref<1x256xi32, #tpu.memory_space<vmem>>
    %dma_start3A_48 = tpu.memref_squeeze %dma_start3A_47 : memref<1x256xi32, #tpu.memory_space<vmem>> -> memref<256xi32, #tpu.memory_space<vmem>>
    %dma_start3A_49 = tpu.memref_slice %arg5[%add3A_32] : memref<802816xi32, #tpu.memory_space<hbm>> -> memref<256xi32, #tpu.memory_space<hbm>>
    tpu.enqueue_dma source(%dma_start3A_49 : memref<256xi32, #tpu.memory_space<hbm>>) target(%dma_start3A_48 : memref<256xi32, #tpu.memory_space<vmem>>) target_semaphore(%arg14 : memref<!tpu.dma_semaphore, #tpu.memory_space<semaphore_mem>>)
    %dma_wait3A = arith.constant 0 : i32
    %dma_wait3A_50 = arith.constant 0 : i32
    %dma_wait3A_51 = tpu.memref_slice %arg7[%dma_wait3A, %dma_wait3A_50] : memref<4x256xi32, #tpu.memory_space<vmem>> -> memref<1x256xi32, #tpu.memory_space<vmem>>
    %dma_wait3A_52 = tpu.memref_squeeze %dma_wait3A_51 : memref<1x256xi32, #tpu.memory_space<vmem>> -> memref<256xi32, #tpu.memory_space<vmem>>
    %dma_wait3A_53 = arith.constant 0 : i32
    %dma_wait3A_54 = tpu.memref_slice %arg4[%dma_wait3A_53] : memref<802816xi32, #tpu.memory_space<hbm>> -> memref<256xi32, #tpu.memory_space<hbm>>
    %dma_wait3A_55 = arith.constant 0 : i32
    %dma_wait3A_56 = tpu.memref_slice %arg7[%dma_wait3A, %dma_wait3A_55] : memref<4x256xi32, #tpu.memory_space<vmem>> -> memref<1x256xi32, #tpu.memory_space<vmem>>
    %dma_wait3A_57 = tpu.memref_squeeze %dma_wait3A_56 : memref<1x256xi32, #tpu.memory_space<vmem>> -> memref<256xi32, #tpu.memory_space<vmem>>
    %dma_wait3A_58 = arith.constant 0 : i32
    %dma_wait3A_59 = tpu.memref_slice %arg4[%dma_wait3A_58] : memref<802816xi32, #tpu.memory_space<hbm>> -> memref<256xi32, #tpu.memory_space<hbm>>
    tpu.wait_dma2 semaphore(%arg14 : memref<!tpu.dma_semaphore, #tpu.memory_space<semaphore_mem>>) src(%dma_wait3A_59 : memref<256xi32, #tpu.memory_space<hbm>>) dst(%dma_wait3A_57 : memref<256xi32, #tpu.memory_space<vmem>>)
    %dma_wait3A_60 = arith.constant 0 : i32
    %dma_wait3A_61 = arith.constant 0 : i32
    %dma_wait3A_62 = tpu.memref_slice %arg8[%dma_wait3A_60, %dma_wait3A_61] : memref<4x256xi32, #tpu.memory_space<vmem>> -> memref<1x256xi32, #tpu.memory_space<vmem>>
    %dma_wait3A_63 = tpu.memref_squeeze %dma_wait3A_62 : memref<1x256xi32, #tpu.memory_space<vmem>> -> memref<256xi32, #tpu.memory_space<vmem>>
    %dma_wait3A_64 = arith.constant 0 : i32
    %dma_wait3A_65 = tpu.memref_slice %arg5[%dma_wait3A_64] : memref<802816xi32, #tpu.memory_space<hbm>> -> memref<256xi32, #tpu.memory_space<hbm>>
    %dma_wait3A_66 = arith.constant 0 : i32
    %dma_wait3A_67 = tpu.memref_slice %arg8[%dma_wait3A_60, %dma_wait3A_66] : memref<4x256xi32, #tpu.memory_space<vmem>> -> memref<1x256xi32, #tpu.memory_space<vmem>>
    %dma_wait3A_68 = tpu.memref_squeeze %dma_wait3A_67 : memref<1x256xi32, #tpu.memory_space<vmem>> -> memref<256xi32, #tpu.memory_space<vmem>>
    %dma_wait3A_69 = arith.constant 0 : i32
    %dma_wait3A_70 = tpu.memref_slice %arg5[%dma_wait3A_69] : memref<802816xi32, #tpu.memory_space<hbm>> -> memref<256xi32, #tpu.memory_space<hbm>>
    tpu.wait_dma2 semaphore(%arg14 : memref<!tpu.dma_semaphore, #tpu.memory_space<semaphore_mem>>) src(%dma_wait3A_70 : memref<256xi32, #tpu.memory_space<hbm>>) dst(%dma_wait3A_68 : memref<256xi32, #tpu.memory_space<vmem>>)
    %dma_start3A_71 = arith.constant 0 : i32
    %dma_start3A_72 = arith.constant 0 : i32
    %dma_start3A_73 = arith.constant 0 : i32
    %dma_start3A_74 = arith.constant 0 : i32
    %dma_start3A_75 = tpu.memref_slice %arg9[%dma_start3A_72, %dma_start3A_73, %dma_start3A_74] : memref<2x256x16xf32, #tpu.memory_space<vmem>> -> memref<1x256x16xf32, #tpu.memory_space<vmem>>
    %dma_start3A_76 = tpu.memref_squeeze %dma_start3A_75 : memref<1x256x16xf32, #tpu.memory_space<vmem>> -> memref<256x16xf32, #tpu.memory_space<vmem>>
    %dma_start3A_77 = arith.constant 0 : i32
    %dma_start3A_78 = tpu.memref_slice %arg7[%dma_start3A_71, %dma_start3A_77] : memref<4x256xi32, #tpu.memory_space<vmem>> -> memref<1x256xi32, #tpu.memory_space<vmem>>
    %dma_start3A_79 = tpu.memref_squeeze %dma_start3A_78 : memref<1x256xi32, #tpu.memory_space<vmem>> -> memref<256xi32, #tpu.memory_space<vmem>>
    %dma_start3A_80 = arith.constant 0 : i32
    %dma_start3A_81 = arith.constant 0 : i32
    %dma_start3A_82 = tpu.memref_slice %arg2[%dma_start3A_80, %dma_start3A_81] : memref<50176x16xf32, #tpu.memory_space<hbm>> -> memref<50176x16xf32, #tpu.memory_space<hbm>>
    tpu.enqueue_indirect_dma source(%dma_start3A_82 : memref<50176x16xf32, #tpu.memory_space<hbm>>) target(%dma_start3A_76 : memref<256x16xf32, #tpu.memory_space<vmem>>) offsets(%dma_start3A_79 : memref<256xi32, #tpu.memory_space<vmem>>) semaphore(%arg15 : memref<!tpu.dma_semaphore, #tpu.memory_space<semaphore_mem>>)
    %dma_start3A_83 = arith.constant 0 : i32
    %dma_start3A_84 = arith.constant 0 : i32
    %dma_start3A_85 = arith.constant 0 : i32
    %dma_start3A_86 = arith.constant 0 : i32
    %dma_start3A_87 = tpu.memref_slice %arg10[%dma_start3A_84, %dma_start3A_85, %dma_start3A_86] : memref<2x256x16xf32, #tpu.memory_space<vmem>> -> memref<1x256x16xf32, #tpu.memory_space<vmem>>
    %dma_start3A_88 = tpu.memref_squeeze %dma_start3A_87 : memref<1x256x16xf32, #tpu.memory_space<vmem>> -> memref<256x16xf32, #tpu.memory_space<vmem>>
    %dma_start3A_89 = arith.constant 0 : i32
    %dma_start3A_90 = tpu.memref_slice %arg8[%dma_start3A_83, %dma_start3A_89] : memref<4x256xi32, #tpu.memory_space<vmem>> -> memref<1x256xi32, #tpu.memory_space<vmem>>
    %dma_start3A_91 = tpu.memref_squeeze %dma_start3A_90 : memref<1x256xi32, #tpu.memory_space<vmem>> -> memref<256xi32, #tpu.memory_space<vmem>>
    %dma_start3A_92 = arith.constant 0 : i32
    %dma_start3A_93 = arith.constant 0 : i32
    %dma_start3A_94 = tpu.memref_slice %arg3[%dma_start3A_92, %dma_start3A_93] : memref<50176x16xf32, #tpu.memory_space<hbm>> -> memref<50176x16xf32, #tpu.memory_space<hbm>>
    tpu.enqueue_indirect_dma source(%dma_start3A_94 : memref<50176x16xf32, #tpu.memory_space<hbm>>) target(%dma_start3A_88 : memref<256x16xf32, #tpu.memory_space<vmem>>) offsets(%dma_start3A_91 : memref<256xi32, #tpu.memory_space<vmem>>) semaphore(%arg15 : memref<!tpu.dma_semaphore, #tpu.memory_space<semaphore_mem>>)
    %add3A_95 = arith.constant 256 : i32
    %add3A_96 = arith.addi %mul3A_2, %add3A_95 : i32
    %dma_start3A_97 = arith.constant 1 : i32
    %dma_start3A_98 = arith.constant 0 : i32
    %dma_start3A_99 = tpu.memref_slice %arg7[%dma_start3A_97, %dma_start3A_98] : memref<4x256xi32, #tpu.memory_space<vmem>> -> memref<1x256xi32, #tpu.memory_space<vmem>>
    %dma_start3A_100 = tpu.memref_squeeze %dma_start3A_99 : memref<1x256xi32, #tpu.memory_space<vmem>> -> memref<256xi32, #tpu.memory_space<vmem>>
    %dma_start3A_101 = tpu.memref_slice %arg4[%add3A_96] : memref<802816xi32, #tpu.memory_space<hbm>> -> memref<256xi32, #tpu.memory_space<hbm>>
    %dma_start3A_102 = arith.constant 0 : i32
    %dma_start3A_103 = tpu.memref_slice %arg7[%dma_start3A_97, %dma_start3A_102] : memref<4x256xi32, #tpu.memory_space<vmem>> -> memref<1x256xi32, #tpu.memory_space<vmem>>
    %dma_start3A_104 = tpu.memref_squeeze %dma_start3A_103 : memref<1x256xi32, #tpu.memory_space<vmem>> -> memref<256xi32, #tpu.memory_space<vmem>>
    %dma_start3A_105 = tpu.memref_slice %arg4[%add3A_96] : memref<802816xi32, #tpu.memory_space<hbm>> -> memref<256xi32, #tpu.memory_space<hbm>>
    tpu.enqueue_dma source(%dma_start3A_105 : memref<256xi32, #tpu.memory_space<hbm>>) target(%dma_start3A_104 : memref<256xi32, #tpu.memory_space<vmem>>) target_semaphore(%arg14 : memref<!tpu.dma_semaphore, #tpu.memory_space<semaphore_mem>>)
    %dma_start3A_106 = arith.constant 1 : i32
    %dma_start3A_107 = arith.constant 0 : i32
    %dma_start3A_108 = tpu.memref_slice %arg8[%dma_start3A_106, %dma_start3A_107] : memref<4x256xi32, #tpu.memory_space<vmem>> -> memref<1x256xi32, #tpu.memory_space<vmem>>
    %dma_start3A_109 = tpu.memref_squeeze %dma_start3A_108 : memref<1x256xi32, #tpu.memory_space<vmem>> -> memref<256xi32, #tpu.memory_space<vmem>>
    %dma_start3A_110 = tpu.memref_slice %arg5[%add3A_96] : memref<802816xi32, #tpu.memory_space<hbm>> -> memref<256xi32, #tpu.memory_space<hbm>>
    %dma_start3A_111 = arith.constant 0 : i32
    %dma_start3A_112 = tpu.memref_slice %arg8[%dma_start3A_106, %dma_start3A_111] : memref<4x256xi32, #tpu.memory_space<vmem>> -> memref<1x256xi32, #tpu.memory_space<vmem>>
    %dma_start3A_113 = tpu.memref_squeeze %dma_start3A_112 : memref<1x256xi32, #tpu.memory_space<vmem>> -> memref<256xi32, #tpu.memory_space<vmem>>
    %dma_start3A_114 = tpu.memref_slice %arg5[%add3A_96] : memref<802816xi32, #tpu.memory_space<hbm>> -> memref<256xi32, #tpu.memory_space<hbm>>
    tpu.enqueue_dma source(%dma_start3A_114 : memref<256xi32, #tpu.memory_space<hbm>>) target(%dma_start3A_113 : memref<256xi32, #tpu.memory_space<vmem>>) target_semaphore(%arg14 : memref<!tpu.dma_semaphore, #tpu.memory_space<semaphore_mem>>)
    %scan3A_115 = arith.constant 0 : i32
    %scan3A_116 = arith.constant 0 : i32
    %scan3A_117 = arith.constant 98 : i32
    %scan3A_118 = arith.addi %scan3A_116, %scan3A_117 : i32
    %scan3A_119 = arith.constant 1 : i32
    %scan3A_120 = scf.for %scan3A_166 = %scan3A_116 to %scan3A_118 step %scan3A_119 iter_args(%scan3A_167 = %scan3A_115) -> (i32)  : i32 {
      %and3A_168 = arith.constant 1 : i32
      %and3A_169 = arith.andi %scan3A_166, %and3A_168 : i32
      %sub3A = arith.constant 1 : i32
      %sub3A_170 = arith.subi %sub3A, %and3A_169 : i32
      %dma_wait3A_171 = arith.constant 0 : i32
      %dma_wait3A_172 = arith.constant 0 : i32
      %dma_wait3A_173 = tpu.memref_slice %arg9[%and3A_169, %dma_wait3A_171, %dma_wait3A_172] : memref<2x256x16xf32, #tpu.memory_space<vmem>> -> memref<1x256x16xf32, #tpu.memory_space<vmem>>
      %dma_wait3A_174 = tpu.memref_squeeze %dma_wait3A_173 : memref<1x256x16xf32, #tpu.memory_space<vmem>> -> memref<256x16xf32, #tpu.memory_space<vmem>>
      %dma_wait3A_175 = arith.constant 0 : i32
      %dma_wait3A_176 = arith.constant 0 : i32
      %dma_wait3A_177 = tpu.memref_slice %arg2[%dma_wait3A_175, %dma_wait3A_176] : memref<50176x16xf32, #tpu.memory_space<hbm>> -> memref<256x16xf32, #tpu.memory_space<hbm>>
      %dma_wait3A_178 = arith.constant 0 : i32
      %dma_wait3A_179 = arith.constant 0 : i32
      %dma_wait3A_180 = tpu.memref_slice %arg9[%and3A_169, %dma_wait3A_178, %dma_wait3A_179] : memref<2x256x16xf32, #tpu.memory_space<vmem>> -> memref<1x256x16xf32, #tpu.memory_space<vmem>>
      %dma_wait3A_181 = tpu.memref_squeeze %dma_wait3A_180 : memref<1x256x16xf32, #tpu.memory_space<vmem>> -> memref<256x16xf32, #tpu.memory_space<vmem>>
      %dma_wait3A_182 = arith.constant 0 : i32
      %dma_wait3A_183 = arith.constant 0 : i32
      %dma_wait3A_184 = tpu.memref_slice %arg2[%dma_wait3A_182, %dma_wait3A_183] : memref<50176x16xf32, #tpu.memory_space<hbm>> -> memref<256x16xf32, #tpu.memory_space<hbm>>
      tpu.wait_dma2 semaphore(%arg15 : memref<!tpu.dma_semaphore, #tpu.memory_space<semaphore_mem>>) src(%dma_wait3A_184 : memref<256x16xf32, #tpu.memory_space<hbm>>) dst(%dma_wait3A_181 : memref<256x16xf32, #tpu.memory_space<vmem>>)
      %dma_wait3A_185 = arith.constant 0 : i32
      %dma_wait3A_186 = arith.constant 0 : i32
      %dma_wait3A_187 = tpu.memref_slice %arg10[%and3A_169, %dma_wait3A_185, %dma_wait3A_186] : memref<2x256x16xf32, #tpu.memory_space<vmem>> -> memref<1x256x16xf32, #tpu.memory_space<vmem>>
      %dma_wait3A_188 = tpu.memref_squeeze %dma_wait3A_187 : memref<1x256x16xf32, #tpu.memory_space<vmem>> -> memref<256x16xf32, #tpu.memory_space<vmem>>
      %dma_wait3A_189 = arith.constant 0 : i32
      %dma_wait3A_190 = arith.constant 0 : i32
      %dma_wait3A_191 = tpu.memref_slice %arg3[%dma_wait3A_189, %dma_wait3A_190] : memref<50176x16xf32, #tpu.memory_space<hbm>> -> memref<256x16xf32, #tpu.memory_space<hbm>>
      %dma_wait3A_192 = arith.constant 0 : i32
      %dma_wait3A_193 = arith.constant 0 : i32
      %dma_wait3A_194 = tpu.memref_slice %arg10[%and3A_169, %dma_wait3A_192, %dma_wait3A_193] : memref<2x256x16xf32, #tpu.memory_space<vmem>> -> memref<1x256x16xf32, #tpu.memory_space<vmem>>
      %dma_wait3A_195 = tpu.memref_squeeze %dma_wait3A_194 : memref<1x256x16xf32, #tpu.memory_space<vmem>> -> memref<256x16xf32, #tpu.memory_space<vmem>>
      %dma_wait3A_196 = arith.constant 0 : i32
      %dma_wait3A_197 = arith.constant 0 : i32
      %dma_wait3A_198 = tpu.memref_slice %arg3[%dma_wait3A_196, %dma_wait3A_197] : memref<50176x16xf32, #tpu.memory_space<hbm>> -> memref<256x16xf32, #tpu.memory_space<hbm>>
      tpu.wait_dma2 semaphore(%arg15 : memref<!tpu.dma_semaphore, #tpu.memory_space<semaphore_mem>>) src(%dma_wait3A_198 : memref<256x16xf32, #tpu.memory_space<hbm>>) dst(%dma_wait3A_195 : memref<256x16xf32, #tpu.memory_space<vmem>>)
      %ge3A = arith.constant 2 : i32
      %ge3A_199 = arith.cmpi sge, %scan3A_166, %ge3A : i32
      %convert_element_type3A = arith.extui %ge3A_199 : i1 to i32
      %cond3A = arith.constant 0 : i32
      %cond3A_200 = arith.cmpi ne, %convert_element_type3A, %cond3A : i32
      scf.if %cond3A_200 {
        %dma_wait3A_235 = arith.constant 0 : i32
        %dma_wait3A_236 = arith.constant 0 : i32
        %dma_wait3A_237 = arith.constant 0 : i32
        %dma_wait3A_238 = tpu.memref_slice %arg11[%and3A_169, %dma_wait3A_236, %dma_wait3A_237] : memref<2x256x24xf32, #tpu.memory_space<vmem>> -> memref<1x256x24xf32, #tpu.memory_space<vmem>>
        %dma_wait3A_239 = tpu.memref_squeeze %dma_wait3A_238 : memref<1x256x24xf32, #tpu.memory_space<vmem>> -> memref<256x24xf32, #tpu.memory_space<vmem>>
        %dma_wait3A_240 = arith.constant 0 : i32
        %dma_wait3A_241 = arith.constant 0 : i32
        %dma_wait3A_242 = tpu.memref_slice %arg6[%dma_wait3A_235, %dma_wait3A_240, %dma_wait3A_241] : memref<2x51200x24xf32, #tpu.memory_space<hbm>> -> memref<1x256x24xf32, #tpu.memory_space<hbm>>
        %dma_wait3A_243 = tpu.memref_squeeze %dma_wait3A_242 : memref<1x256x24xf32, #tpu.memory_space<hbm>> -> memref<256x24xf32, #tpu.memory_space<hbm>>
        %dma_wait3A_244 = arith.constant 0 : i32
        %dma_wait3A_245 = arith.constant 0 : i32
        %dma_wait3A_246 = tpu.memref_slice %arg11[%and3A_169, %dma_wait3A_244, %dma_wait3A_245] : memref<2x256x24xf32, #tpu.memory_space<vmem>> -> memref<1x256x24xf32, #tpu.memory_space<vmem>>
        %dma_wait3A_247 = tpu.memref_squeeze %dma_wait3A_246 : memref<1x256x24xf32, #tpu.memory_space<vmem>> -> memref<256x24xf32, #tpu.memory_space<vmem>>
        %dma_wait3A_248 = arith.constant 0 : i32
        %dma_wait3A_249 = arith.constant 0 : i32
        %dma_wait3A_250 = tpu.memref_slice %arg6[%dma_wait3A_235, %dma_wait3A_248, %dma_wait3A_249] : memref<2x51200x24xf32, #tpu.memory_space<hbm>> -> memref<1x256x24xf32, #tpu.memory_space<hbm>>
        %dma_wait3A_251 = tpu.memref_squeeze %dma_wait3A_250 : memref<1x256x24xf32, #tpu.memory_space<hbm>> -> memref<256x24xf32, #tpu.memory_space<hbm>>
        tpu.wait_dma2 semaphore(%arg16 : memref<!tpu.dma_semaphore, #tpu.memory_space<semaphore_mem>>) src(%dma_wait3A_251 : memref<256x24xf32, #tpu.memory_space<hbm>>) dst(%dma_wait3A_247 : memref<256x24xf32, #tpu.memory_space<vmem>>)
      } else {
      }
      %add3A_201 = arith.constant 2 : i32
      %add3A_202 = arith.addi %scan3A_166, %add3A_201 : i32
      %lt3A_203 = arith.constant 98 : i32
      %lt3A_204 = arith.cmpi slt, %add3A_202, %lt3A_203 : i32
      %convert_element_type3A_205 = arith.extui %lt3A_204 : i1 to i32
      %cond3A_206 = arith.constant 0 : i32
      %cond3A_207 = arith.cmpi ne, %convert_element_type3A_205, %cond3A_206 : i32
      scf.if %cond3A_207 {
        %add3A_235 = arith.constant 2 : i32
        %add3A_236 = arith.addi %scan3A_166, %add3A_235 : i32
        %and3A_237 = arith.constant 3 : i32
        %and3A_238 = arith.andi %add3A_236, %and3A_237 : i32
        %mul3A_239 = arith.constant 256 : i32
        %mul3A_240 = arith.muli %add3A_236, %mul3A_239 : i32
        %add3A_241 = arith.addi %mul3A_2, %mul3A_240 : i32
        %dma_start3A_242 = arith.constant 0 : i32
        %dma_start3A_243 = tpu.memref_slice %arg7[%and3A_238, %dma_start3A_242] : memref<4x256xi32, #tpu.memory_space<vmem>> -> memref<1x256xi32, #tpu.memory_space<vmem>>
        %dma_start3A_244 = tpu.memref_squeeze %dma_start3A_243 : memref<1x256xi32, #tpu.memory_space<vmem>> -> memref<256xi32, #tpu.memory_space<vmem>>
        %dma_start3A_245 = tpu.memref_slice %arg4[%add3A_241] : memref<802816xi32, #tpu.memory_space<hbm>> -> memref<256xi32, #tpu.memory_space<hbm>>
        %dma_start3A_246 = arith.constant 0 : i32
        %dma_start3A_247 = tpu.memref_slice %arg7[%and3A_238, %dma_start3A_246] : memref<4x256xi32, #tpu.memory_space<vmem>> -> memref<1x256xi32, #tpu.memory_space<vmem>>
        %dma_start3A_248 = tpu.memref_squeeze %dma_start3A_247 : memref<1x256xi32, #tpu.memory_space<vmem>> -> memref<256xi32, #tpu.memory_space<vmem>>
        %dma_start3A_249 = tpu.memref_slice %arg4[%add3A_241] : memref<802816xi32, #tpu.memory_space<hbm>> -> memref<256xi32, #tpu.memory_space<hbm>>
        tpu.enqueue_dma source(%dma_start3A_249 : memref<256xi32, #tpu.memory_space<hbm>>) target(%dma_start3A_248 : memref<256xi32, #tpu.memory_space<vmem>>) target_semaphore(%arg14 : memref<!tpu.dma_semaphore, #tpu.memory_space<semaphore_mem>>)
        %dma_start3A_250 = arith.constant 0 : i32
        %dma_start3A_251 = tpu.memref_slice %arg8[%and3A_238, %dma_start3A_250] : memref<4x256xi32, #tpu.memory_space<vmem>> -> memref<1x256xi32, #tpu.memory_space<vmem>>
        %dma_start3A_252 = tpu.memref_squeeze %dma_start3A_251 : memref<1x256xi32, #tpu.memory_space<vmem>> -> memref<256xi32, #tpu.memory_space<vmem>>
        %dma_start3A_253 = tpu.memref_slice %arg5[%add3A_241] : memref<802816xi32, #tpu.memory_space<hbm>> -> memref<256xi32, #tpu.memory_space<hbm>>
        %dma_start3A_254 = arith.constant 0 : i32
        %dma_start3A_255 = tpu.memref_slice %arg8[%and3A_238, %dma_start3A_254] : memref<4x256xi32, #tpu.memory_space<vmem>> -> memref<1x256xi32, #tpu.memory_space<vmem>>
        %dma_start3A_256 = tpu.memref_squeeze %dma_start3A_255 : memref<1x256xi32, #tpu.memory_space<vmem>> -> memref<256xi32, #tpu.memory_space<vmem>>
        %dma_start3A_257 = tpu.memref_slice %arg5[%add3A_241] : memref<802816xi32, #tpu.memory_space<hbm>> -> memref<256xi32, #tpu.memory_space<hbm>>
        tpu.enqueue_dma source(%dma_start3A_257 : memref<256xi32, #tpu.memory_space<hbm>>) target(%dma_start3A_256 : memref<256xi32, #tpu.memory_space<vmem>>) target_semaphore(%arg14 : memref<!tpu.dma_semaphore, #tpu.memory_space<semaphore_mem>>)
      } else {
      }
      %add3A_208 = arith.constant 1 : i32
      %add3A_209 = arith.addi %scan3A_166, %add3A_208 : i32
      %lt3A_210 = arith.constant 98 : i32
      %lt3A_211 = arith.cmpi slt, %add3A_209, %lt3A_210 : i32
      %convert_element_type3A_212 = arith.extui %lt3A_211 : i1 to i32
      %cond3A_213 = arith.constant 0 : i32
      %cond3A_214 = arith.cmpi ne, %convert_element_type3A_212, %cond3A_213 : i32
      scf.if %cond3A_214 {
        %add3A_235 = arith.constant 1 : i32
        %add3A_236 = arith.addi %scan3A_166, %add3A_235 : i32
        %and3A_237 = arith.constant 3 : i32
        %and3A_238 = arith.andi %add3A_236, %and3A_237 : i32
        %dma_wait3A_239 = arith.constant 0 : i32
        %dma_wait3A_240 = tpu.memref_slice %arg7[%and3A_238, %dma_wait3A_239] : memref<4x256xi32, #tpu.memory_space<vmem>> -> memref<1x256xi32, #tpu.memory_space<vmem>>
        %dma_wait3A_241 = tpu.memref_squeeze %dma_wait3A_240 : memref<1x256xi32, #tpu.memory_space<vmem>> -> memref<256xi32, #tpu.memory_space<vmem>>
        %dma_wait3A_242 = arith.constant 0 : i32
        %dma_wait3A_243 = tpu.memref_slice %arg4[%dma_wait3A_242] : memref<802816xi32, #tpu.memory_space<hbm>> -> memref<256xi32, #tpu.memory_space<hbm>>
        %dma_wait3A_244 = arith.constant 0 : i32
        %dma_wait3A_245 = tpu.memref_slice %arg7[%and3A_238, %dma_wait3A_244] : memref<4x256xi32, #tpu.memory_space<vmem>> -> memref<1x256xi32, #tpu.memory_space<vmem>>
        %dma_wait3A_246 = tpu.memref_squeeze %dma_wait3A_245 : memref<1x256xi32, #tpu.memory_space<vmem>> -> memref<256xi32, #tpu.memory_space<vmem>>
        %dma_wait3A_247 = arith.constant 0 : i32
        %dma_wait3A_248 = tpu.memref_slice %arg4[%dma_wait3A_247] : memref<802816xi32, #tpu.memory_space<hbm>> -> memref<256xi32, #tpu.memory_space<hbm>>
        tpu.wait_dma2 semaphore(%arg14 : memref<!tpu.dma_semaphore, #tpu.memory_space<semaphore_mem>>) src(%dma_wait3A_248 : memref<256xi32, #tpu.memory_space<hbm>>) dst(%dma_wait3A_246 : memref<256xi32, #tpu.memory_space<vmem>>)
        %dma_wait3A_249 = arith.constant 0 : i32
        %dma_wait3A_250 = tpu.memref_slice %arg8[%and3A_238, %dma_wait3A_249] : memref<4x256xi32, #tpu.memory_space<vmem>> -> memref<1x256xi32, #tpu.memory_space<vmem>>
        %dma_wait3A_251 = tpu.memref_squeeze %dma_wait3A_250 : memref<1x256xi32, #tpu.memory_space<vmem>> -> memref<256xi32, #tpu.memory_space<vmem>>
        %dma_wait3A_252 = arith.constant 0 : i32
        %dma_wait3A_253 = tpu.memref_slice %arg5[%dma_wait3A_252] : memref<802816xi32, #tpu.memory_space<hbm>> -> memref<256xi32, #tpu.memory_space<hbm>>
        %dma_wait3A_254 = arith.constant 0 : i32
        %dma_wait3A_255 = tpu.memref_slice %arg8[%and3A_238, %dma_wait3A_254] : memref<4x256xi32, #tpu.memory_space<vmem>> -> memref<1x256xi32, #tpu.memory_space<vmem>>
        %dma_wait3A_256 = tpu.memref_squeeze %dma_wait3A_255 : memref<1x256xi32, #tpu.memory_space<vmem>> -> memref<256xi32, #tpu.memory_space<vmem>>
        %dma_wait3A_257 = arith.constant 0 : i32
        %dma_wait3A_258 = tpu.memref_slice %arg5[%dma_wait3A_257] : memref<802816xi32, #tpu.memory_space<hbm>> -> memref<256xi32, #tpu.memory_space<hbm>>
        tpu.wait_dma2 semaphore(%arg14 : memref<!tpu.dma_semaphore, #tpu.memory_space<semaphore_mem>>) src(%dma_wait3A_258 : memref<256xi32, #tpu.memory_space<hbm>>) dst(%dma_wait3A_256 : memref<256xi32, #tpu.memory_space<vmem>>)
        %add3A_259 = arith.constant 1 : i32
        %add3A_260 = arith.addi %scan3A_166, %add3A_259 : i32
        %and3A_261 = arith.constant 3 : i32
        %and3A_262 = arith.andi %add3A_260, %and3A_261 : i32
        %dma_start3A_263 = arith.constant 0 : i32
        %dma_start3A_264 = arith.constant 0 : i32
        %dma_start3A_265 = tpu.memref_slice %arg9[%sub3A_170, %dma_start3A_263, %dma_start3A_264] : memref<2x256x16xf32, #tpu.memory_space<vmem>> -> memref<1x256x16xf32, #tpu.memory_space<vmem>>
        %dma_start3A_266 = tpu.memref_squeeze %dma_start3A_265 : memref<1x256x16xf32, #tpu.memory_space<vmem>> -> memref<256x16xf32, #tpu.memory_space<vmem>>
        %dma_start3A_267 = arith.constant 0 : i32
        %dma_start3A_268 = tpu.memref_slice %arg7[%and3A_262, %dma_start3A_267] : memref<4x256xi32, #tpu.memory_space<vmem>> -> memref<1x256xi32, #tpu.memory_space<vmem>>
        %dma_start3A_269 = tpu.memref_squeeze %dma_start3A_268 : memref<1x256xi32, #tpu.memory_space<vmem>> -> memref<256xi32, #tpu.memory_space<vmem>>
        %dma_start3A_270 = arith.constant 0 : i32
        %dma_start3A_271 = arith.constant 0 : i32
        %dma_start3A_272 = tpu.memref_slice %arg2[%dma_start3A_270, %dma_start3A_271] : memref<50176x16xf32, #tpu.memory_space<hbm>> -> memref<50176x16xf32, #tpu.memory_space<hbm>>
        tpu.enqueue_indirect_dma source(%dma_start3A_272 : memref<50176x16xf32, #tpu.memory_space<hbm>>) target(%dma_start3A_266 : memref<256x16xf32, #tpu.memory_space<vmem>>) offsets(%dma_start3A_269 : memref<256xi32, #tpu.memory_space<vmem>>) semaphore(%arg15 : memref<!tpu.dma_semaphore, #tpu.memory_space<semaphore_mem>>)
        %dma_start3A_273 = arith.constant 0 : i32
        %dma_start3A_274 = arith.constant 0 : i32
        %dma_start3A_275 = tpu.memref_slice %arg10[%sub3A_170, %dma_start3A_273, %dma_start3A_274] : memref<2x256x16xf32, #tpu.memory_space<vmem>> -> memref<1x256x16xf32, #tpu.memory_space<vmem>>
        %dma_start3A_276 = tpu.memref_squeeze %dma_start3A_275 : memref<1x256x16xf32, #tpu.memory_space<vmem>> -> memref<256x16xf32, #tpu.memory_space<vmem>>
        %dma_start3A_277 = arith.constant 0 : i32
        %dma_start3A_278 = tpu.memref_slice %arg8[%and3A_262, %dma_start3A_277] : memref<4x256xi32, #tpu.memory_space<vmem>> -> memref<1x256xi32, #tpu.memory_space<vmem>>
        %dma_start3A_279 = tpu.memref_squeeze %dma_start3A_278 : memref<1x256xi32, #tpu.memory_space<vmem>> -> memref<256xi32, #tpu.memory_space<vmem>>
        %dma_start3A_280 = arith.constant 0 : i32
        %dma_start3A_281 = arith.constant 0 : i32
        %dma_start3A_282 = tpu.memref_slice %arg3[%dma_start3A_280, %dma_start3A_281] : memref<50176x16xf32, #tpu.memory_space<hbm>> -> memref<50176x16xf32, #tpu.memory_space<hbm>>
        tpu.enqueue_indirect_dma source(%dma_start3A_282 : memref<50176x16xf32, #tpu.memory_space<hbm>>) target(%dma_start3A_276 : memref<256x16xf32, #tpu.memory_space<vmem>>) offsets(%dma_start3A_279 : memref<256xi32, #tpu.memory_space<vmem>>) semaphore(%arg15 : memref<!tpu.dma_semaphore, #tpu.memory_space<semaphore_mem>>)
      } else {
      }
      %scan3A_215 = arith.constant 0 : i32
      %scan3A_216 = arith.constant 0 : i32
      %scan3A_217 = arith.constant 256 : i32
      %scan3A_218 = arith.addi %scan3A_216, %scan3A_217 : i32
      %scan3A_219 = arith.constant 16 : i32
      %scan3A_220 = scf.for %scan3A_235 = %scan3A_216 to %scan3A_218 step %scan3A_219 iter_args(%scan3A_236 = %scan3A_215) -> (i32)  : i32 {
        %get3A = arith.index_cast %and3A_169 : i32 to index
        %get3A_237 = arith.index_cast %scan3A_235 : i32 to index
        %get3A_238 = arith.constant 0 : index
        %get3A_239 = tpu.vector_load %arg9[%get3A, %get3A_237, %get3A_238] {strides = array<i32>} : memref<2x256x16xf32, #tpu.memory_space<vmem>>, vector<1x1x16xf32>,
        %get3A_240 = vector.shape_cast %get3A_239 : vector<1x1x16xf32> to vector<16xf32>
        %get3A_241 = arith.index_cast %and3A_169 : i32 to index
        %get3A_242 = arith.index_cast %scan3A_235 : i32 to index
        %get3A_243 = arith.constant 0 : index
        %get3A_244 = tpu.vector_load %arg10[%get3A_241, %get3A_242, %get3A_243] {strides = array<i32>} : memref<2x256x16xf32, #tpu.memory_space<vmem>>, vector<1x1x16xf32>,
        %get3A_245 = vector.shape_cast %get3A_244 : vector<1x1x16xf32> to vector<16xf32>
        %add3A_246 = arith.addf %get3A_240, %get3A_245 : vector<16xf32>
        %mul3A_247 = arith.constant 2.000000e-01 : f32
        %mul3A_248 = vector.broadcast %mul3A_247 : f32 to vector<16xf32>
        %mul3A_249 = arith.mulf %mul3A_248, %add3A_246 : vector<16xf32>
        %max3A = arith.maximumf %add3A_246, %mul3A_249 : vector<16xf32>
        %exp3A = math.exp %max3A : vector<16xf32>
        %select_n3A_250 = arith.select %lt3A_18, %exp3A, %select_n3A : vector<16xi1>, vector<16xf32>
        %swap3A = arith.index_cast %and3A_169 : i32 to index
        %swap3A_251 = arith.index_cast %scan3A_235 : i32 to index
        %swap3A_252 = arith.constant 0 : index
        %swap3A_253 = tpu.vector_load %arg11[%swap3A, %swap3A_251, %swap3A_252] {strides = array<i32>} : memref<2x256x24xf32, #tpu.memory_space<vmem>>, vector<1x1x16xf32>,
        %swap3A_254 = vector.shape_cast %swap3A_253 : vector<1x1x16xf32> to vector<16xf32>
        %swap3A_255 = vector.shape_cast %select_n3A_250 : vector<16xf32> to vector<1x1x16xf32>
        tpu.vector_store %arg11[%swap3A, %swap3A_251, %swap3A_252], %swap3A_255 {strides = array<i32>} : memref<2x256x24xf32, #tpu.memory_space<vmem>>, vector<1x1x16xf32>,
        %lt3A_256 = arith.constant 0 : i32
        %lt3A_257 = vector.broadcast %lt3A_256 : i32 to vector<16xi32>
        %lt3A_258 = arith.cmpi slt, %shift_right_logical3A_25, %lt3A_257 : vector<16xi32>
        %add3A_259 = arith.constant 16 : i32
        %add3A_260 = vector.broadcast %add3A_259 : i32 to vector<16xi32>
        %add3A_261 = arith.addi %shift_right_logical3A_25, %add3A_260 : vector<16xi32>
        %select_n3A_262 = arith.select %lt3A_258, %add3A_261, %shift_right_logical3A_25 : vector<16xi1>, vector<16xi32>
        %broadcast_in_dim3A_263 = vector.shape_cast %select_n3A_262 : vector<16xi32> to vector<16x1xi32>
        %gather3A = vector.shape_cast %broadcast_in_dim3A_263 : vector<16x1xi32> to vector<16xi32>
        %gather3A_264 = tpu.dynamic_gather %exp3A[%gather3A] in [0] : vector<16xf32>, vector<16xi32> -> vector<16xf32>
        %lt3A_265 = arith.constant 0 : i32
        %lt3A_266 = vector.broadcast %lt3A_265 : i32 to vector<16xi32>
        %lt3A_267 = arith.cmpi slt, %add3A_30, %lt3A_266 : vector<16xi32>
        %add3A_268 = arith.constant 16 : i32
        %add3A_269 = vector.broadcast %add3A_268 : i32 to vector<16xi32>
        %add3A_270 = arith.addi %add3A_30, %add3A_269 : vector<16xi32>
        %select_n3A_271 = arith.select %lt3A_267, %add3A_270, %add3A_30 : vector<16xi1>, vector<16xi32>
        %broadcast_in_dim3A_272 = vector.shape_cast %select_n3A_271 : vector<16xi32> to vector<16x1xi32>
        %gather3A_273 = vector.shape_cast %broadcast_in_dim3A_272 : vector<16x1xi32> to vector<16xi32>
        %gather3A_274 = tpu.dynamic_gather %add3A_246[%gather3A_273] in [0] : vector<16xf32>, vector<16xi32> -> vector<16xf32>
        %mul3A_275 = arith.mulf %gather3A_264, %gather3A_274 : vector<16xf32>
        %swap3A_276 = arith.index_cast %and3A_169 : i32 to index
        %swap3A_277 = arith.index_cast %scan3A_235 : i32 to index
        %swap3A_278 = arith.constant 8 : index
        %swap3A_279 = tpu.vector_load %arg11[%swap3A_276, %swap3A_277, %swap3A_278] {strides = array<i32>} : memref<2x256x24xf32, #tpu.memory_space<vmem>>, vector<1x1x16xf32>,
        %swap3A_280 = vector.shape_cast %swap3A_279 : vector<1x1x16xf32> to vector<16xf32>
        %swap3A_281 = vector.shape_cast %mul3A_275 : vector<16xf32> to vector<1x1x16xf32>
        tpu.vector_store %arg11[%swap3A_276, %swap3A_277, %swap3A_278], %swap3A_281 {strides = array<i32>} : memref<2x256x24xf32, #tpu.memory_space<vmem>>, vector<1x1x16xf32>,
        %scan3A_282 = arith.constant 0 : i32
        %scan3A_283 = arith.constant 1 : i32
        %scan3A_284 = arith.addi %scan3A_235, %scan3A_283 : i32
        %get3A_285 = arith.index_cast %and3A_169 : i32 to index
        %get3A_286 = arith.index_cast %scan3A_284 : i32 to index
        %get3A_287 = arith.constant 0 : index
        %get3A_288 = tpu.vector_load %arg9[%get3A_285, %get3A_286, %get3A_287] {strides = array<i32>} : memref<2x256x16xf32, #tpu.memory_space<vmem>>, vector<1x1x16xf32>,
        %get3A_289 = vector.shape_cast %get3A_288 : vector<1x1x16xf32> to vector<16xf32>
        %get3A_290 = arith.index_cast %and3A_169 : i32 to index
        %get3A_291 = arith.index_cast %scan3A_284 : i32 to index
        %get3A_292 = arith.constant 0 : index
        %get3A_293 = tpu.vector_load %arg10[%get3A_290, %get3A_291, %get3A_292] {strides = array<i32>} : memref<2x256x16xf32, #tpu.memory_space<vmem>>, vector<1x1x16xf32>,
        %get3A_294 = vector.shape_cast %get3A_293 : vector<1x1x16xf32> to vector<16xf32>
        %add3A_295 = arith.addf %get3A_289, %get3A_294 : vector<16xf32>
        %mul3A_296 = arith.constant 2.000000e-01 : f32
        %mul3A_297 = vector.broadcast %mul3A_296 : f32 to vector<16xf32>
        %mul3A_298 = arith.mulf %mul3A_297, %add3A_295 : vector<16xf32>
        %max3A_299 = arith.maximumf %add3A_295, %mul3A_298 : vector<16xf32>
        %exp3A_300 = math.exp %max3A_299 : vector<16xf32>
        %select_n3A_301 = arith.select %lt3A_18, %exp3A_300, %select_n3A : vector<16xi1>, vector<16xf32>
        %swap3A_302 = arith.index_cast %and3A_169 : i32 to index
        %swap3A_303 = arith.index_cast %scan3A_284 : i32 to index
        %swap3A_304 = arith.constant 0 : index
        %swap3A_305 = tpu.vector_load %arg11[%swap3A_302, %swap3A_303, %swap3A_304] {strides = array<i32>} : memref<2x256x24xf32, #tpu.memory_space<vmem>>, vector<1x1x16xf32>,
        %swap3A_306 = vector.shape_cast %swap3A_305 : vector<1x1x16xf32> to vector<16xf32>
        %swap3A_307 = vector.shape_cast %select_n3A_301 : vector<16xf32> to vector<1x1x16xf32>
        tpu.vector_store %arg11[%swap3A_302, %swap3A_303, %swap3A_304], %swap3A_307 {strides = array<i32>} : memref<2x256x24xf32, #tpu.memory_space<vmem>>, vector<1x1x16xf32>,
        %lt3A_308 = arith.constant 0 : i32
        %lt3A_309 = vector.broadcast %lt3A_308 : i32 to vector<16xi32>
        %lt3A_310 = arith.cmpi slt, %shift_right_logical3A_25, %lt3A_309 : vector<16xi32>
        %add3A_311 = arith.constant 16 : i32
        %add3A_312 = vector.broadcast %add3A_311 : i32 to vector<16xi32>
        %add3A_313 = arith.addi %shift_right_logical3A_25, %add3A_312 : vector<16xi32>
        %select_n3A_314 = arith.select %lt3A_310, %add3A_313, %shift_right_logical3A_25 : vector<16xi1>, vector<16xi32>
        %broadcast_in_dim3A_315 = vector.shape_cast %select_n3A_314 : vector<16xi32> to vector<16x1xi32>
        %gather3A_316 = vector.shape_cast %broadcast_in_dim3A_315 : vector<16x1xi32> to vector<16xi32>
        %gather3A_317 = tpu.dynamic_gather %exp3A_300[%gather3A_316] in [0] : vector<16xf32>, vector<16xi32> -> vector<16xf32>
        %lt3A_318 = arith.constant 0 : i32
        %lt3A_319 = vector.broadcast %lt3A_318 : i32 to vector<16xi32>
        %lt3A_320 = arith.cmpi slt, %add3A_30, %lt3A_319 : vector<16xi32>
        %add3A_321 = arith.constant 16 : i32
        %add3A_322 = vector.broadcast %add3A_321 : i32 to vector<16xi32>
        %add3A_323 = arith.addi %add3A_30, %add3A_322 : vector<16xi32>
        %select_n3A_324 = arith.select %lt3A_320, %add3A_323, %add3A_30 : vector<16xi1>, vector<16xi32>
        %broadcast_in_dim3A_325 = vector.shape_cast %select_n3A_324 : vector<16xi32> to vector<16x1xi32>
        %gather3A_326 = vector.shape_cast %broadcast_in_dim3A_325 : vector<16x1xi32> to vector<16xi32>
        %gather3A_327 = tpu.dynamic_gather %add3A_295[%gather3A_326] in [0] : vector<16xf32>, vector<16xi32> -> vector<16xf32>
        %mul3A_328 = arith.mulf %gather3A_317, %gather3A_327 : vector<16xf32>
        %swap3A_329 = arith.index_cast %and3A_169 : i32 to index
        %swap3A_330 = arith.index_cast %scan3A_284 : i32 to index
        %swap3A_331 = arith.constant 8 : index
        %swap3A_332 = tpu.vector_load %arg11[%swap3A_329, %swap3A_330, %swap3A_331] {strides = array<i32>} : memref<2x256x24xf32, #tpu.memory_space<vmem>>, vector<1x1x16xf32>,
        %swap3A_333 = vector.shape_cast %swap3A_332 : vector<1x1x16xf32> to vector<16xf32>
        %swap3A_334 = vector.shape_cast %mul3A_328 : vector<16xf32> to vector<1x1x16xf32>
        tpu.vector_store %arg11[%swap3A_329, %swap3A_330, %swap3A_331], %swap3A_334 {strides = array<i32>} : memref<2x256x24xf32, #tpu.memory_space<vmem>>, vector<1x1x16xf32>,
        %scan3A_335 = arith.constant 0 : i32
        %scan3A_336 = arith.constant 2 : i32
        %scan3A_337 = arith.addi %scan3A_235, %scan3A_336 : i32
        %get3A_338 = arith.index_cast %and3A_169 : i32 to index
        %get3A_339 = arith.index_cast %scan3A_337 : i32 to index
        %get3A_340 = arith.constant 0 : index
        %get3A_341 = tpu.vector_load %arg9[%get3A_338, %get3A_339, %get3A_340] {strides = array<i32>} : memref<2x256x16xf32, #tpu.memory_space<vmem>>, vector<1x1x16xf32>,
        %get3A_342 = vector.shape_cast %get3A_341 : vector<1x1x16xf32> to vector<16xf32>
        %get3A_343 = arith.index_cast %and3A_169 : i32 to index
        %get3A_344 = arith.index_cast %scan3A_337 : i32 to index
        %get3A_345 = arith.constant 0 : index
        %get3A_346 = tpu.vector_load %arg10[%get3A_343, %get3A_344, %get3A_345] {strides = array<i32>} : memref<2x256x16xf32, #tpu.memory_space<vmem>>, vector<1x1x16xf32>,
        %get3A_347 = vector.shape_cast %get3A_346 : vector<1x1x16xf32> to vector<16xf32>
        %add3A_348 = arith.addf %get3A_342, %get3A_347 : vector<16xf32>
        %mul3A_349 = arith.constant 2.000000e-01 : f32
        %mul3A_350 = vector.broadcast %mul3A_349 : f32 to vector<16xf32>
        %mul3A_351 = arith.mulf %mul3A_350, %add3A_348 : vector<16xf32>
        %max3A_352 = arith.maximumf %add3A_348, %mul3A_351 : vector<16xf32>
        %exp3A_353 = math.exp %max3A_352 : vector<16xf32>
        %select_n3A_354 = arith.select %lt3A_18, %exp3A_353, %select_n3A : vector<16xi1>, vector<16xf32>
        %swap3A_355 = arith.index_cast %and3A_169 : i32 to index
        %swap3A_356 = arith.index_cast %scan3A_337 : i32 to index
        %swap3A_357 = arith.constant 0 : index
        %swap3A_358 = tpu.vector_load %arg11[%swap3A_355, %swap3A_356, %swap3A_357] {strides = array<i32>} : memref<2x256x24xf32, #tpu.memory_space<vmem>>, vector<1x1x16xf32>,
        %swap3A_359 = vector.shape_cast %swap3A_358 : vector<1x1x16xf32> to vector<16xf32>
        %swap3A_360 = vector.shape_cast %select_n3A_354 : vector<16xf32> to vector<1x1x16xf32>
        tpu.vector_store %arg11[%swap3A_355, %swap3A_356, %swap3A_357], %swap3A_360 {strides = array<i32>} : memref<2x256x24xf32, #tpu.memory_space<vmem>>, vector<1x1x16xf32>,
        %lt3A_361 = arith.constant 0 : i32
        %lt3A_362 = vector.broadcast %lt3A_361 : i32 to vector<16xi32>
        %lt3A_363 = arith.cmpi slt, %shift_right_logical3A_25, %lt3A_362 : vector<16xi32>
        %add3A_364 = arith.constant 16 : i32
        %add3A_365 = vector.broadcast %add3A_364 : i32 to vector<16xi32>
        %add3A_366 = arith.addi %shift_right_logical3A_25, %add3A_365 : vector<16xi32>
        %select_n3A_367 = arith.select %lt3A_363, %add3A_366, %shift_right_logical3A_25 : vector<16xi1>, vector<16xi32>
        %broadcast_in_dim3A_368 = vector.shape_cast %select_n3A_367 : vector<16xi32> to vector<16x1xi32>
        %gather3A_369 = vector.shape_cast %broadcast_in_dim3A_368 : vector<16x1xi32> to vector<16xi32>
        %gather3A_370 = tpu.dynamic_gather %exp3A_353[%gather3A_369] in [0] : vector<16xf32>, vector<16xi32> -> vector<16xf32>
        %lt3A_371 = arith.constant 0 : i32
        %lt3A_372 = vector.broadcast %lt3A_371 : i32 to vector<16xi32>
        %lt3A_373 = arith.cmpi slt, %add3A_30, %lt3A_372 : vector<16xi32>
        %add3A_374 = arith.constant 16 : i32
        %add3A_375 = vector.broadcast %add3A_374 : i32 to vector<16xi32>
        %add3A_376 = arith.addi %add3A_30, %add3A_375 : vector<16xi32>
        %select_n3A_377 = arith.select %lt3A_373, %add3A_376, %add3A_30 : vector<16xi1>, vector<16xi32>
        %broadcast_in_dim3A_378 = vector.shape_cast %select_n3A_377 : vector<16xi32> to vector<16x1xi32>
        %gather3A_379 = vector.shape_cast %broadcast_in_dim3A_378 : vector<16x1xi32> to vector<16xi32>
        %gather3A_380 = tpu.dynamic_gather %add3A_348[%gather3A_379] in [0] : vector<16xf32>, vector<16xi32> -> vector<16xf32>
        %mul3A_381 = arith.mulf %gather3A_370, %gather3A_380 : vector<16xf32>
        %swap3A_382 = arith.index_cast %and3A_169 : i32 to index
        %swap3A_383 = arith.index_cast %scan3A_337 : i32 to index
        %swap3A_384 = arith.constant 8 : index
        %swap3A_385 = tpu.vector_load %arg11[%swap3A_382, %swap3A_383, %swap3A_384] {strides = array<i32>} : memref<2x256x24xf32, #tpu.memory_space<vmem>>, vector<1x1x16xf32>,
        %swap3A_386 = vector.shape_cast %swap3A_385 : vector<1x1x16xf32> to vector<16xf32>
        %swap3A_387 = vector.shape_cast %mul3A_381 : vector<16xf32> to vector<1x1x16xf32>
        tpu.vector_store %arg11[%swap3A_382, %swap3A_383, %swap3A_384], %swap3A_387 {strides = array<i32>} : memref<2x256x24xf32, #tpu.memory_space<vmem>>, vector<1x1x16xf32>,
        %scan3A_388 = arith.constant 0 : i32
        %scan3A_389 = arith.constant 3 : i32
        %scan3A_390 = arith.addi %scan3A_235, %scan3A_389 : i32
        %get3A_391 = arith.index_cast %and3A_169 : i32 to index
        %get3A_392 = arith.index_cast %scan3A_390 : i32 to index
        %get3A_393 = arith.constant 0 : index
        %get3A_394 = tpu.vector_load %arg9[%get3A_391, %get3A_392, %get3A_393] {strides = array<i32>} : memref<2x256x16xf32, #tpu.memory_space<vmem>>, vector<1x1x16xf32>,
        %get3A_395 = vector.shape_cast %get3A_394 : vector<1x1x16xf32> to vector<16xf32>
        %get3A_396 = arith.index_cast %and3A_169 : i32 to index
        %get3A_397 = arith.index_cast %scan3A_390 : i32 to index
        %get3A_398 = arith.constant 0 : index
        %get3A_399 = tpu.vector_load %arg10[%get3A_396, %get3A_397, %get3A_398] {strides = array<i32>} : memref<2x256x16xf32, #tpu.memory_space<vmem>>, vector<1x1x16xf32>,
        %get3A_400 = vector.shape_cast %get3A_399 : vector<1x1x16xf32> to vector<16xf32>
        %add3A_401 = arith.addf %get3A_395, %get3A_400 : vector<16xf32>
        %mul3A_402 = arith.constant 2.000000e-01 : f32
        %mul3A_403 = vector.broadcast %mul3A_402 : f32 to vector<16xf32>
        %mul3A_404 = arith.mulf %mul3A_403, %add3A_401 : vector<16xf32>
        %max3A_405 = arith.maximumf %add3A_401, %mul3A_404 : vector<16xf32>
        %exp3A_406 = math.exp %max3A_405 : vector<16xf32>
        %select_n3A_407 = arith.select %lt3A_18, %exp3A_406, %select_n3A : vector<16xi1>, vector<16xf32>
        %swap3A_408 = arith.index_cast %and3A_169 : i32 to index
        %swap3A_409 = arith.index_cast %scan3A_390 : i32 to index
        %swap3A_410 = arith.constant 0 : index
        %swap3A_411 = tpu.vector_load %arg11[%swap3A_408, %swap3A_409, %swap3A_410] {strides = array<i32>} : memref<2x256x24xf32, #tpu.memory_space<vmem>>, vector<1x1x16xf32>,
        %swap3A_412 = vector.shape_cast %swap3A_411 : vector<1x1x16xf32> to vector<16xf32>
        %swap3A_413 = vector.shape_cast %select_n3A_407 : vector<16xf32> to vector<1x1x16xf32>
        tpu.vector_store %arg11[%swap3A_408, %swap3A_409, %swap3A_410], %swap3A_413 {strides = array<i32>} : memref<2x256x24xf32, #tpu.memory_space<vmem>>, vector<1x1x16xf32>,
        %lt3A_414 = arith.constant 0 : i32
        %lt3A_415 = vector.broadcast %lt3A_414 : i32 to vector<16xi32>
        %lt3A_416 = arith.cmpi slt, %shift_right_logical3A_25, %lt3A_415 : vector<16xi32>
        %add3A_417 = arith.constant 16 : i32
        %add3A_418 = vector.broadcast %add3A_417 : i32 to vector<16xi32>
        %add3A_419 = arith.addi %shift_right_logical3A_25, %add3A_418 : vector<16xi32>
        %select_n3A_420 = arith.select %lt3A_416, %add3A_419, %shift_right_logical3A_25 : vector<16xi1>, vector<16xi32>
        %broadcast_in_dim3A_421 = vector.shape_cast %select_n3A_420 : vector<16xi32> to vector<16x1xi32>
        %gather3A_422 = vector.shape_cast %broadcast_in_dim3A_421 : vector<16x1xi32> to vector<16xi32>
        %gather3A_423 = tpu.dynamic_gather %exp3A_406[%gather3A_422] in [0] : vector<16xf32>, vector<16xi32> -> vector<16xf32>
        %lt3A_424 = arith.constant 0 : i32
        %lt3A_425 = vector.broadcast %lt3A_424 : i32 to vector<16xi32>
        %lt3A_426 = arith.cmpi slt, %add3A_30, %lt3A_425 : vector<16xi32>
        %add3A_427 = arith.constant 16 : i32
        %add3A_428 = vector.broadcast %add3A_427 : i32 to vector<16xi32>
        %add3A_429 = arith.addi %add3A_30, %add3A_428 : vector<16xi32>
        %select_n3A_430 = arith.select %lt3A_426, %add3A_429, %add3A_30 : vector<16xi1>, vector<16xi32>
        %broadcast_in_dim3A_431 = vector.shape_cast %select_n3A_430 : vector<16xi32> to vector<16x1xi32>
        %gather3A_432 = vector.shape_cast %broadcast_in_dim3A_431 : vector<16x1xi32> to vector<16xi32>
        %gather3A_433 = tpu.dynamic_gather %add3A_401[%gather3A_432] in [0] : vector<16xf32>, vector<16xi32> -> vector<16xf32>
        %mul3A_434 = arith.mulf %gather3A_423, %gather3A_433 : vector<16xf32>
        %swap3A_435 = arith.index_cast %and3A_169 : i32 to index
        %swap3A_436 = arith.index_cast %scan3A_390 : i32 to index
        %swap3A_437 = arith.constant 8 : index
        %swap3A_438 = tpu.vector_load %arg11[%swap3A_435, %swap3A_436, %swap3A_437] {strides = array<i32>} : memref<2x256x24xf32, #tpu.memory_space<vmem>>, vector<1x1x16xf32>,
        %swap3A_439 = vector.shape_cast %swap3A_438 : vector<1x1x16xf32> to vector<16xf32>
        %swap3A_440 = vector.shape_cast %mul3A_434 : vector<16xf32> to vector<1x1x16xf32>
        tpu.vector_store %arg11[%swap3A_435, %swap3A_436, %swap3A_437], %swap3A_440 {strides = array<i32>} : memref<2x256x24xf32, #tpu.memory_space<vmem>>, vector<1x1x16xf32>,
        %scan3A_441 = arith.constant 0 : i32
        %scan3A_442 = arith.constant 4 : i32
        %scan3A_443 = arith.addi %scan3A_235, %scan3A_442 : i32
        %get3A_444 = arith.index_cast %and3A_169 : i32 to index
        %get3A_445 = arith.index_cast %scan3A_443 : i32 to index
        %get3A_446 = arith.constant 0 : index
        %get3A_447 = tpu.vector_load %arg9[%get3A_444, %get3A_445, %get3A_446] {strides = array<i32>} : memref<2x256x16xf32, #tpu.memory_space<vmem>>, vector<1x1x16xf32>,
        %get3A_448 = vector.shape_cast %get3A_447 : vector<1x1x16xf32> to vector<16xf32>
        %get3A_449 = arith.index_cast %and3A_169 : i32 to index
        %get3A_450 = arith.index_cast %scan3A_443 : i32 to index
        %get3A_451 = arith.constant 0 : index
        %get3A_452 = tpu.vector_load %arg10[%get3A_449, %get3A_450, %get3A_451] {strides = array<i32>} : memref<2x256x16xf32, #tpu.memory_space<vmem>>, vector<1x1x16xf32>,
        %get3A_453 = vector.shape_cast %get3A_452 : vector<1x1x16xf32> to vector<16xf32>
        %add3A_454 = arith.addf %get3A_448, %get3A_453 : vector<16xf32>
        %mul3A_455 = arith.constant 2.000000e-01 : f32
        %mul3A_456 = vector.broadcast %mul3A_455 : f32 to vector<16xf32>
        %mul3A_457 = arith.mulf %mul3A_456, %add3A_454 : vector<16xf32>
        %max3A_458 = arith.maximumf %add3A_454, %mul3A_457 : vector<16xf32>
        %exp3A_459 = math.exp %max3A_458 : vector<16xf32>
        %select_n3A_460 = arith.select %lt3A_18, %exp3A_459, %select_n3A : vector<16xi1>, vector<16xf32>
        %swap3A_461 = arith.index_cast %and3A_169 : i32 to index
        %swap3A_462 = arith.index_cast %scan3A_443 : i32 to index
        %swap3A_463 = arith.constant 0 : index
        %swap3A_464 = tpu.vector_load %arg11[%swap3A_461, %swap3A_462, %swap3A_463] {strides = array<i32>} : memref<2x256x24xf32, #tpu.memory_space<vmem>>, vector<1x1x16xf32>,
        %swap3A_465 = vector.shape_cast %swap3A_464 : vector<1x1x16xf32> to vector<16xf32>
        %swap3A_466 = vector.shape_cast %select_n3A_460 : vector<16xf32> to vector<1x1x16xf32>
        tpu.vector_store %arg11[%swap3A_461, %swap3A_462, %swap3A_463], %swap3A_466 {strides = array<i32>} : memref<2x256x24xf32, #tpu.memory_space<vmem>>, vector<1x1x16xf32>,
        %lt3A_467 = arith.constant 0 : i32
        %lt3A_468 = vector.broadcast %lt3A_467 : i32 to vector<16xi32>
        %lt3A_469 = arith.cmpi slt, %shift_right_logical3A_25, %lt3A_468 : vector<16xi32>
        %add3A_470 = arith.constant 16 : i32
        %add3A_471 = vector.broadcast %add3A_470 : i32 to vector<16xi32>
        %add3A_472 = arith.addi %shift_right_logical3A_25, %add3A_471 : vector<16xi32>
        %select_n3A_473 = arith.select %lt3A_469, %add3A_472, %shift_right_logical3A_25 : vector<16xi1>, vector<16xi32>
        %broadcast_in_dim3A_474 = vector.shape_cast %select_n3A_473 : vector<16xi32> to vector<16x1xi32>
        %gather3A_475 = vector.shape_cast %broadcast_in_dim3A_474 : vector<16x1xi32> to vector<16xi32>
        %gather3A_476 = tpu.dynamic_gather %exp3A_459[%gather3A_475] in [0] : vector<16xf32>, vector<16xi32> -> vector<16xf32>
        %lt3A_477 = arith.constant 0 : i32
        %lt3A_478 = vector.broadcast %lt3A_477 : i32 to vector<16xi32>
        %lt3A_479 = arith.cmpi slt, %add3A_30, %lt3A_478 : vector<16xi32>
        %add3A_480 = arith.constant 16 : i32
        %add3A_481 = vector.broadcast %add3A_480 : i32 to vector<16xi32>
        %add3A_482 = arith.addi %add3A_30, %add3A_481 : vector<16xi32>
        %select_n3A_483 = arith.select %lt3A_479, %add3A_482, %add3A_30 : vector<16xi1>, vector<16xi32>
        %broadcast_in_dim3A_484 = vector.shape_cast %select_n3A_483 : vector<16xi32> to vector<16x1xi32>
        %gather3A_485 = vector.shape_cast %broadcast_in_dim3A_484 : vector<16x1xi32> to vector<16xi32>
        %gather3A_486 = tpu.dynamic_gather %add3A_454[%gather3A_485] in [0] : vector<16xf32>, vector<16xi32> -> vector<16xf32>
        %mul3A_487 = arith.mulf %gather3A_476, %gather3A_486 : vector<16xf32>
        %swap3A_488 = arith.index_cast %and3A_169 : i32 to index
        %swap3A_489 = arith.index_cast %scan3A_443 : i32 to index
        %swap3A_490 = arith.constant 8 : index
        %swap3A_491 = tpu.vector_load %arg11[%swap3A_488, %swap3A_489, %swap3A_490] {strides = array<i32>} : memref<2x256x24xf32, #tpu.memory_space<vmem>>, vector<1x1x16xf32>,
        %swap3A_492 = vector.shape_cast %swap3A_491 : vector<1x1x16xf32> to vector<16xf32>
        %swap3A_493 = vector.shape_cast %mul3A_487 : vector<16xf32> to vector<1x1x16xf32>
        tpu.vector_store %arg11[%swap3A_488, %swap3A_489, %swap3A_490], %swap3A_493 {strides = array<i32>} : memref<2x256x24xf32, #tpu.memory_space<vmem>>, vector<1x1x16xf32>,
        %scan3A_494 = arith.constant 0 : i32
        %scan3A_495 = arith.constant 5 : i32
        %scan3A_496 = arith.addi %scan3A_235, %scan3A_495 : i32
        %get3A_497 = arith.index_cast %and3A_169 : i32 to index
        %get3A_498 = arith.index_cast %scan3A_496 : i32 to index
        %get3A_499 = arith.constant 0 : index
        %get3A_500 = tpu.vector_load %arg9[%get3A_497, %get3A_498, %get3A_499] {strides = array<i32>} : memref<2x256x16xf32, #tpu.memory_space<vmem>>, vector<1x1x16xf32>,
        %get3A_501 = vector.shape_cast %get3A_500 : vector<1x1x16xf32> to vector<16xf32>
        %get3A_502 = arith.index_cast %and3A_169 : i32 to index
        %get3A_503 = arith.index_cast %scan3A_496 : i32 to index
        %get3A_504 = arith.constant 0 : index
        %get3A_505 = tpu.vector_load %arg10[%get3A_502, %get3A_503, %get3A_504] {strides = array<i32>} : memref<2x256x16xf32, #tpu.memory_space<vmem>>, vector<1x1x16xf32>,
        %get3A_506 = vector.shape_cast %get3A_505 : vector<1x1x16xf32> to vector<16xf32>
        %add3A_507 = arith.addf %get3A_501, %get3A_506 : vector<16xf32>
        %mul3A_508 = arith.constant 2.000000e-01 : f32
        %mul3A_509 = vector.broadcast %mul3A_508 : f32 to vector<16xf32>
        %mul3A_510 = arith.mulf %mul3A_509, %add3A_507 : vector<16xf32>
        %max3A_511 = arith.maximumf %add3A_507, %mul3A_510 : vector<16xf32>
        %exp3A_512 = math.exp %max3A_511 : vector<16xf32>
        %select_n3A_513 = arith.select %lt3A_18, %exp3A_512, %select_n3A : vector<16xi1>, vector<16xf32>
        %swap3A_514 = arith.index_cast %and3A_169 : i32 to index
        %swap3A_515 = arith.index_cast %scan3A_496 : i32 to index
        %swap3A_516 = arith.constant 0 : index
        %swap3A_517 = tpu.vector_load %arg11[%swap3A_514, %swap3A_515, %swap3A_516] {strides = array<i32>} : memref<2x256x24xf32, #tpu.memory_space<vmem>>, vector<1x1x16xf32>,
        %swap3A_518 = vector.shape_cast %swap3A_517 : vector<1x1x16xf32> to vector<16xf32>
        %swap3A_519 = vector.shape_cast %select_n3A_513 : vector<16xf32> to vector<1x1x16xf32>
        tpu.vector_store %arg11[%swap3A_514, %swap3A_515, %swap3A_516], %swap3A_519 {strides = array<i32>} : memref<2x256x24xf32, #tpu.memory_space<vmem>>, vector<1x1x16xf32>,
        %lt3A_520 = arith.constant 0 : i32
        %lt3A_521 = vector.broadcast %lt3A_520 : i32 to vector<16xi32>
        %lt3A_522 = arith.cmpi slt, %shift_right_logical3A_25, %lt3A_521 : vector<16xi32>
        %add3A_523 = arith.constant 16 : i32
        %add3A_524 = vector.broadcast %add3A_523 : i32 to vector<16xi32>
        %add3A_525 = arith.addi %shift_right_logical3A_25, %add3A_524 : vector<16xi32>
        %select_n3A_526 = arith.select %lt3A_522, %add3A_525, %shift_right_logical3A_25 : vector<16xi1>, vector<16xi32>
        %broadcast_in_dim3A_527 = vector.shape_cast %select_n3A_526 : vector<16xi32> to vector<16x1xi32>
        %gather3A_528 = vector.shape_cast %broadcast_in_dim3A_527 : vector<16x1xi32> to vector<16xi32>
        %gather3A_529 = tpu.dynamic_gather %exp3A_512[%gather3A_528] in [0] : vector<16xf32>, vector<16xi32> -> vector<16xf32>
        %lt3A_530 = arith.constant 0 : i32
        %lt3A_531 = vector.broadcast %lt3A_530 : i32 to vector<16xi32>
        %lt3A_532 = arith.cmpi slt, %add3A_30, %lt3A_531 : vector<16xi32>
        %add3A_533 = arith.constant 16 : i32
        %add3A_534 = vector.broadcast %add3A_533 : i32 to vector<16xi32>
        %add3A_535 = arith.addi %add3A_30, %add3A_534 : vector<16xi32>
        %select_n3A_536 = arith.select %lt3A_532, %add3A_535, %add3A_30 : vector<16xi1>, vector<16xi32>
        %broadcast_in_dim3A_537 = vector.shape_cast %select_n3A_536 : vector<16xi32> to vector<16x1xi32>
        %gather3A_538 = vector.shape_cast %broadcast_in_dim3A_537 : vector<16x1xi32> to vector<16xi32>
        %gather3A_539 = tpu.dynamic_gather %add3A_507[%gather3A_538] in [0] : vector<16xf32>, vector<16xi32> -> vector<16xf32>
        %mul3A_540 = arith.mulf %gather3A_529, %gather3A_539 : vector<16xf32>
        %swap3A_541 = arith.index_cast %and3A_169 : i32 to index
        %swap3A_542 = arith.index_cast %scan3A_496 : i32 to index
        %swap3A_543 = arith.constant 8 : index
        %swap3A_544 = tpu.vector_load %arg11[%swap3A_541, %swap3A_542, %swap3A_543] {strides = array<i32>} : memref<2x256x24xf32, #tpu.memory_space<vmem>>, vector<1x1x16xf32>,
        %swap3A_545 = vector.shape_cast %swap3A_544 : vector<1x1x16xf32> to vector<16xf32>
        %swap3A_546 = vector.shape_cast %mul3A_540 : vector<16xf32> to vector<1x1x16xf32>
        tpu.vector_store %arg11[%swap3A_541, %swap3A_542, %swap3A_543], %swap3A_546 {strides = array<i32>} : memref<2x256x24xf32, #tpu.memory_space<vmem>>, vector<1x1x16xf32>,
        %scan3A_547 = arith.constant 0 : i32
        %scan3A_548 = arith.constant 6 : i32
        %scan3A_549 = arith.addi %scan3A_235, %scan3A_548 : i32
        %get3A_550 = arith.index_cast %and3A_169 : i32 to index
        %get3A_551 = arith.index_cast %scan3A_549 : i32 to index
        %get3A_552 = arith.constant 0 : index
        %get3A_553 = tpu.vector_load %arg9[%get3A_550, %get3A_551, %get3A_552] {strides = array<i32>} : memref<2x256x16xf32, #tpu.memory_space<vmem>>, vector<1x1x16xf32>,
        %get3A_554 = vector.shape_cast %get3A_553 : vector<1x1x16xf32> to vector<16xf32>
        %get3A_555 = arith.index_cast %and3A_169 : i32 to index
        %get3A_556 = arith.index_cast %scan3A_549 : i32 to index
        %get3A_557 = arith.constant 0 : index
        %get3A_558 = tpu.vector_load %arg10[%get3A_555, %get3A_556, %get3A_557] {strides = array<i32>} : memref<2x256x16xf32, #tpu.memory_space<vmem>>, vector<1x1x16xf32>,
        %get3A_559 = vector.shape_cast %get3A_558 : vector<1x1x16xf32> to vector<16xf32>
        %add3A_560 = arith.addf %get3A_554, %get3A_559 : vector<16xf32>
        %mul3A_561 = arith.constant 2.000000e-01 : f32
        %mul3A_562 = vector.broadcast %mul3A_561 : f32 to vector<16xf32>
        %mul3A_563 = arith.mulf %mul3A_562, %add3A_560 : vector<16xf32>
        %max3A_564 = arith.maximumf %add3A_560, %mul3A_563 : vector<16xf32>
        %exp3A_565 = math.exp %max3A_564 : vector<16xf32>
        %select_n3A_566 = arith.select %lt3A_18, %exp3A_565, %select_n3A : vector<16xi1>, vector<16xf32>
        %swap3A_567 = arith.index_cast %and3A_169 : i32 to index
        %swap3A_568 = arith.index_cast %scan3A_549 : i32 to index
        %swap3A_569 = arith.constant 0 : index
        %swap3A_570 = tpu.vector_load %arg11[%swap3A_567, %swap3A_568, %swap3A_569] {strides = array<i32>} : memref<2x256x24xf32, #tpu.memory_space<vmem>>, vector<1x1x16xf32>,
        %swap3A_571 = vector.shape_cast %swap3A_570 : vector<1x1x16xf32> to vector<16xf32>
        %swap3A_572 = vector.shape_cast %select_n3A_566 : vector<16xf32> to vector<1x1x16xf32>
        tpu.vector_store %arg11[%swap3A_567, %swap3A_568, %swap3A_569], %swap3A_572 {strides = array<i32>} : memref<2x256x24xf32, #tpu.memory_space<vmem>>, vector<1x1x16xf32>,
        %lt3A_573 = arith.constant 0 : i32
        %lt3A_574 = vector.broadcast %lt3A_573 : i32 to vector<16xi32>
        %lt3A_575 = arith.cmpi slt, %shift_right_logical3A_25, %lt3A_574 : vector<16xi32>
        %add3A_576 = arith.constant 16 : i32
        %add3A_577 = vector.broadcast %add3A_576 : i32 to vector<16xi32>
        %add3A_578 = arith.addi %shift_right_logical3A_25, %add3A_577 : vector<16xi32>
        %select_n3A_579 = arith.select %lt3A_575, %add3A_578, %shift_right_logical3A_25 : vector<16xi1>, vector<16xi32>
        %broadcast_in_dim3A_580 = vector.shape_cast %select_n3A_579 : vector<16xi32> to vector<16x1xi32>
        %gather3A_581 = vector.shape_cast %broadcast_in_dim3A_580 : vector<16x1xi32> to vector<16xi32>
        %gather3A_582 = tpu.dynamic_gather %exp3A_565[%gather3A_581] in [0] : vector<16xf32>, vector<16xi32> -> vector<16xf32>
        %lt3A_583 = arith.constant 0 : i32
        %lt3A_584 = vector.broadcast %lt3A_583 : i32 to vector<16xi32>
        %lt3A_585 = arith.cmpi slt, %add3A_30, %lt3A_584 : vector<16xi32>
        %add3A_586 = arith.constant 16 : i32
        %add3A_587 = vector.broadcast %add3A_586 : i32 to vector<16xi32>
        %add3A_588 = arith.addi %add3A_30, %add3A_587 : vector<16xi32>
        %select_n3A_589 = arith.select %lt3A_585, %add3A_588, %add3A_30 : vector<16xi1>, vector<16xi32>
        %broadcast_in_dim3A_590 = vector.shape_cast %select_n3A_589 : vector<16xi32> to vector<16x1xi32>
        %gather3A_591 = vector.shape_cast %broadcast_in_dim3A_590 : vector<16x1xi32> to vector<16xi32>
        %gather3A_592 = tpu.dynamic_gather %add3A_560[%gather3A_591] in [0] : vector<16xf32>, vector<16xi32> -> vector<16xf32>
        %mul3A_593 = arith.mulf %gather3A_582, %gather3A_592 : vector<16xf32>
        %swap3A_594 = arith.index_cast %and3A_169 : i32 to index
        %swap3A_595 = arith.index_cast %scan3A_549 : i32 to index
        %swap3A_596 = arith.constant 8 : index
        %swap3A_597 = tpu.vector_load %arg11[%swap3A_594, %swap3A_595, %swap3A_596] {strides = array<i32>} : memref<2x256x24xf32, #tpu.memory_space<vmem>>, vector<1x1x16xf32>,
        %swap3A_598 = vector.shape_cast %swap3A_597 : vector<1x1x16xf32> to vector<16xf32>
        %swap3A_599 = vector.shape_cast %mul3A_593 : vector<16xf32> to vector<1x1x16xf32>
        tpu.vector_store %arg11[%swap3A_594, %swap3A_595, %swap3A_596], %swap3A_599 {strides = array<i32>} : memref<2x256x24xf32, #tpu.memory_space<vmem>>, vector<1x1x16xf32>,
        %scan3A_600 = arith.constant 0 : i32
        %scan3A_601 = arith.constant 7 : i32
        %scan3A_602 = arith.addi %scan3A_235, %scan3A_601 : i32
        %get3A_603 = arith.index_cast %and3A_169 : i32 to index
        %get3A_604 = arith.index_cast %scan3A_602 : i32 to index
        %get3A_605 = arith.constant 0 : index
        %get3A_606 = tpu.vector_load %arg9[%get3A_603, %get3A_604, %get3A_605] {strides = array<i32>} : memref<2x256x16xf32, #tpu.memory_space<vmem>>, vector<1x1x16xf32>,
        %get3A_607 = vector.shape_cast %get3A_606 : vector<1x1x16xf32> to vector<16xf32>
        %get3A_608 = arith.index_cast %and3A_169 : i32 to index
        %get3A_609 = arith.index_cast %scan3A_602 : i32 to index
        %get3A_610 = arith.constant 0 : index
        %get3A_611 = tpu.vector_load %arg10[%get3A_608, %get3A_609, %get3A_610] {strides = array<i32>} : memref<2x256x16xf32, #tpu.memory_space<vmem>>, vector<1x1x16xf32>,
        %get3A_612 = vector.shape_cast %get3A_611 : vector<1x1x16xf32> to vector<16xf32>
        %add3A_613 = arith.addf %get3A_607, %get3A_612 : vector<16xf32>
        %mul3A_614 = arith.constant 2.000000e-01 : f32
        %mul3A_615 = vector.broadcast %mul3A_614 : f32 to vector<16xf32>
        %mul3A_616 = arith.mulf %mul3A_615, %add3A_613 : vector<16xf32>
        %max3A_617 = arith.maximumf %add3A_613, %mul3A_616 : vector<16xf32>
        %exp3A_618 = math.exp %max3A_617 : vector<16xf32>
        %select_n3A_619 = arith.select %lt3A_18, %exp3A_618, %select_n3A : vector<16xi1>, vector<16xf32>
        %swap3A_620 = arith.index_cast %and3A_169 : i32 to index
        %swap3A_621 = arith.index_cast %scan3A_602 : i32 to index
        %swap3A_622 = arith.constant 0 : index
        %swap3A_623 = tpu.vector_load %arg11[%swap3A_620, %swap3A_621, %swap3A_622] {strides = array<i32>} : memref<2x256x24xf32, #tpu.memory_space<vmem>>, vector<1x1x16xf32>,
        %swap3A_624 = vector.shape_cast %swap3A_623 : vector<1x1x16xf32> to vector<16xf32>
        %swap3A_625 = vector.shape_cast %select_n3A_619 : vector<16xf32> to vector<1x1x16xf32>
        tpu.vector_store %arg11[%swap3A_620, %swap3A_621, %swap3A_622], %swap3A_625 {strides = array<i32>} : memref<2x256x24xf32, #tpu.memory_space<vmem>>, vector<1x1x16xf32>,
        %lt3A_626 = arith.constant 0 : i32
        %lt3A_627 = vector.broadcast %lt3A_626 : i32 to vector<16xi32>
        %lt3A_628 = arith.cmpi slt, %shift_right_logical3A_25, %lt3A_627 : vector<16xi32>
        %add3A_629 = arith.constant 16 : i32
        %add3A_630 = vector.broadcast %add3A_629 : i32 to vector<16xi32>
        %add3A_631 = arith.addi %shift_right_logical3A_25, %add3A_630 : vector<16xi32>
        %select_n3A_632 = arith.select %lt3A_628, %add3A_631, %shift_right_logical3A_25 : vector<16xi1>, vector<16xi32>
        %broadcast_in_dim3A_633 = vector.shape_cast %select_n3A_632 : vector<16xi32> to vector<16x1xi32>
        %gather3A_634 = vector.shape_cast %broadcast_in_dim3A_633 : vector<16x1xi32> to vector<16xi32>
        %gather3A_635 = tpu.dynamic_gather %exp3A_618[%gather3A_634] in [0] : vector<16xf32>, vector<16xi32> -> vector<16xf32>
        %lt3A_636 = arith.constant 0 : i32
        %lt3A_637 = vector.broadcast %lt3A_636 : i32 to vector<16xi32>
        %lt3A_638 = arith.cmpi slt, %add3A_30, %lt3A_637 : vector<16xi32>
        %add3A_639 = arith.constant 16 : i32
        %add3A_640 = vector.broadcast %add3A_639 : i32 to vector<16xi32>
        %add3A_641 = arith.addi %add3A_30, %add3A_640 : vector<16xi32>
        %select_n3A_642 = arith.select %lt3A_638, %add3A_641, %add3A_30 : vector<16xi1>, vector<16xi32>
        %broadcast_in_dim3A_643 = vector.shape_cast %select_n3A_642 : vector<16xi32> to vector<16x1xi32>
        %gather3A_644 = vector.shape_cast %broadcast_in_dim3A_643 : vector<16x1xi32> to vector<16xi32>
        %gather3A_645 = tpu.dynamic_gather %add3A_613[%gather3A_644] in [0] : vector<16xf32>, vector<16xi32> -> vector<16xf32>
        %mul3A_646 = arith.mulf %gather3A_635, %gather3A_645 : vector<16xf32>
        %swap3A_647 = arith.index_cast %and3A_169 : i32 to index
        %swap3A_648 = arith.index_cast %scan3A_602 : i32 to index
        %swap3A_649 = arith.constant 8 : index
        %swap3A_650 = tpu.vector_load %arg11[%swap3A_647, %swap3A_648, %swap3A_649] {strides = array<i32>} : memref<2x256x24xf32, #tpu.memory_space<vmem>>, vector<1x1x16xf32>,
        %swap3A_651 = vector.shape_cast %swap3A_650 : vector<1x1x16xf32> to vector<16xf32>
        %swap3A_652 = vector.shape_cast %mul3A_646 : vector<16xf32> to vector<1x1x16xf32>
        tpu.vector_store %arg11[%swap3A_647, %swap3A_648, %swap3A_649], %swap3A_652 {strides = array<i32>} : memref<2x256x24xf32, #tpu.memory_space<vmem>>, vector<1x1x16xf32>,
        %scan3A_653 = arith.constant 0 : i32
        %scan3A_654 = arith.constant 8 : i32
        %scan3A_655 = arith.addi %scan3A_235, %scan3A_654 : i32
        %get3A_656 = arith.index_cast %and3A_169 : i32 to index
        %get3A_657 = arith.index_cast %scan3A_655 : i32 to index
        %get3A_658 = arith.constant 0 : index
        %get3A_659 = tpu.vector_load %arg9[%get3A_656, %get3A_657, %get3A_658] {strides = array<i32>} : memref<2x256x16xf32, #tpu.memory_space<vmem>>, vector<1x1x16xf32>,
        %get3A_660 = vector.shape_cast %get3A_659 : vector<1x1x16xf32> to vector<16xf32>
        %get3A_661 = arith.index_cast %and3A_169 : i32 to index
        %get3A_662 = arith.index_cast %scan3A_655 : i32 to index
        %get3A_663 = arith.constant 0 : index
        %get3A_664 = tpu.vector_load %arg10[%get3A_661, %get3A_662, %get3A_663] {strides = array<i32>} : memref<2x256x16xf32, #tpu.memory_space<vmem>>, vector<1x1x16xf32>,
        %get3A_665 = vector.shape_cast %get3A_664 : vector<1x1x16xf32> to vector<16xf32>
        %add3A_666 = arith.addf %get3A_660, %get3A_665 : vector<16xf32>
        %mul3A_667 = arith.constant 2.000000e-01 : f32
        %mul3A_668 = vector.broadcast %mul3A_667 : f32 to vector<16xf32>
        %mul3A_669 = arith.mulf %mul3A_668, %add3A_666 : vector<16xf32>
        %max3A_670 = arith.maximumf %add3A_666, %mul3A_669 : vector<16xf32>
        %exp3A_671 = math.exp %max3A_670 : vector<16xf32>
        %select_n3A_672 = arith.select %lt3A_18, %exp3A_671, %select_n3A : vector<16xi1>, vector<16xf32>
        %swap3A_673 = arith.index_cast %and3A_169 : i32 to index
        %swap3A_674 = arith.index_cast %scan3A_655 : i32 to index
        %swap3A_675 = arith.constant 0 : index
        %swap3A_676 = tpu.vector_load %arg11[%swap3A_673, %swap3A_674, %swap3A_675] {strides = array<i32>} : memref<2x256x24xf32, #tpu.memory_space<vmem>>, vector<1x1x16xf32>,
        %swap3A_677 = vector.shape_cast %swap3A_676 : vector<1x1x16xf32> to vector<16xf32>
        %swap3A_678 = vector.shape_cast %select_n3A_672 : vector<16xf32> to vector<1x1x16xf32>
        tpu.vector_store %arg11[%swap3A_673, %swap3A_674, %swap3A_675], %swap3A_678 {strides = array<i32>} : memref<2x256x24xf32, #tpu.memory_space<vmem>>, vector<1x1x16xf32>,
        %lt3A_679 = arith.constant 0 : i32
        %lt3A_680 = vector.broadcast %lt3A_679 : i32 to vector<16xi32>
        %lt3A_681 = arith.cmpi slt, %shift_right_logical3A_25, %lt3A_680 : vector<16xi32>
        %add3A_682 = arith.constant 16 : i32
        %add3A_683 = vector.broadcast %add3A_682 : i32 to vector<16xi32>
        %add3A_684 = arith.addi %shift_right_logical3A_25, %add3A_683 : vector<16xi32>
        %select_n3A_685 = arith.select %lt3A_681, %add3A_684, %shift_right_logical3A_25 : vector<16xi1>, vector<16xi32>
        %broadcast_in_dim3A_686 = vector.shape_cast %select_n3A_685 : vector<16xi32> to vector<16x1xi32>
        %gather3A_687 = vector.shape_cast %broadcast_in_dim3A_686 : vector<16x1xi32> to vector<16xi32>
        %gather3A_688 = tpu.dynamic_gather %exp3A_671[%gather3A_687] in [0] : vector<16xf32>, vector<16xi32> -> vector<16xf32>
        %lt3A_689 = arith.constant 0 : i32
        %lt3A_690 = vector.broadcast %lt3A_689 : i32 to vector<16xi32>
        %lt3A_691 = arith.cmpi slt, %add3A_30, %lt3A_690 : vector<16xi32>
        %add3A_692 = arith.constant 16 : i32
        %add3A_693 = vector.broadcast %add3A_692 : i32 to vector<16xi32>
        %add3A_694 = arith.addi %add3A_30, %add3A_693 : vector<16xi32>
        %select_n3A_695 = arith.select %lt3A_691, %add3A_694, %add3A_30 : vector<16xi1>, vector<16xi32>
        %broadcast_in_dim3A_696 = vector.shape_cast %select_n3A_695 : vector<16xi32> to vector<16x1xi32>
        %gather3A_697 = vector.shape_cast %broadcast_in_dim3A_696 : vector<16x1xi32> to vector<16xi32>
        %gather3A_698 = tpu.dynamic_gather %add3A_666[%gather3A_697] in [0] : vector<16xf32>, vector<16xi32> -> vector<16xf32>
        %mul3A_699 = arith.mulf %gather3A_688, %gather3A_698 : vector<16xf32>
        %swap3A_700 = arith.index_cast %and3A_169 : i32 to index
        %swap3A_701 = arith.index_cast %scan3A_655 : i32 to index
        %swap3A_702 = arith.constant 8 : index
        %swap3A_703 = tpu.vector_load %arg11[%swap3A_700, %swap3A_701, %swap3A_702] {strides = array<i32>} : memref<2x256x24xf32, #tpu.memory_space<vmem>>, vector<1x1x16xf32>,
        %swap3A_704 = vector.shape_cast %swap3A_703 : vector<1x1x16xf32> to vector<16xf32>
        %swap3A_705 = vector.shape_cast %mul3A_699 : vector<16xf32> to vector<1x1x16xf32>
        tpu.vector_store %arg11[%swap3A_700, %swap3A_701, %swap3A_702], %swap3A_705 {strides = array<i32>} : memref<2x256x24xf32, #tpu.memory_space<vmem>>, vector<1x1x16xf32>,
        %scan3A_706 = arith.constant 0 : i32
        %scan3A_707 = arith.constant 9 : i32
        %scan3A_708 = arith.addi %scan3A_235, %scan3A_707 : i32
        %get3A_709 = arith.index_cast %and3A_169 : i32 to index
        %get3A_710 = arith.index_cast %scan3A_708 : i32 to index
        %get3A_711 = arith.constant 0 : index
        %get3A_712 = tpu.vector_load %arg9[%get3A_709, %get3A_710, %get3A_711] {strides = array<i32>} : memref<2x256x16xf32, #tpu.memory_space<vmem>>, vector<1x1x16xf32>,
        %get3A_713 = vector.shape_cast %get3A_712 : vector<1x1x16xf32> to vector<16xf32>
        %get3A_714 = arith.index_cast %and3A_169 : i32 to index
        %get3A_715 = arith.index_cast %scan3A_708 : i32 to index
        %get3A_716 = arith.constant 0 : index
        %get3A_717 = tpu.vector_load %arg10[%get3A_714, %get3A_715, %get3A_716] {strides = array<i32>} : memref<2x256x16xf32, #tpu.memory_space<vmem>>, vector<1x1x16xf32>,
        %get3A_718 = vector.shape_cast %get3A_717 : vector<1x1x16xf32> to vector<16xf32>
        %add3A_719 = arith.addf %get3A_713, %get3A_718 : vector<16xf32>
        %mul3A_720 = arith.constant 2.000000e-01 : f32
        %mul3A_721 = vector.broadcast %mul3A_720 : f32 to vector<16xf32>
        %mul3A_722 = arith.mulf %mul3A_721, %add3A_719 : vector<16xf32>
        %max3A_723 = arith.maximumf %add3A_719, %mul3A_722 : vector<16xf32>
        %exp3A_724 = math.exp %max3A_723 : vector<16xf32>
        %select_n3A_725 = arith.select %lt3A_18, %exp3A_724, %select_n3A : vector<16xi1>, vector<16xf32>
        %swap3A_726 = arith.index_cast %and3A_169 : i32 to index
        %swap3A_727 = arith.index_cast %scan3A_708 : i32 to index
        %swap3A_728 = arith.constant 0 : index
        %swap3A_729 = tpu.vector_load %arg11[%swap3A_726, %swap3A_727, %swap3A_728] {strides = array<i32>} : memref<2x256x24xf32, #tpu.memory_space<vmem>>, vector<1x1x16xf32>,
        %swap3A_730 = vector.shape_cast %swap3A_729 : vector<1x1x16xf32> to vector<16xf32>
        %swap3A_731 = vector.shape_cast %select_n3A_725 : vector<16xf32> to vector<1x1x16xf32>
        tpu.vector_store %arg11[%swap3A_726, %swap3A_727, %swap3A_728], %swap3A_731 {strides = array<i32>} : memref<2x256x24xf32, #tpu.memory_space<vmem>>, vector<1x1x16xf32>,
        %lt3A_732 = arith.constant 0 : i32
        %lt3A_733 = vector.broadcast %lt3A_732 : i32 to vector<16xi32>
        %lt3A_734 = arith.cmpi slt, %shift_right_logical3A_25, %lt3A_733 : vector<16xi32>
        %add3A_735 = arith.constant 16 : i32
        %add3A_736 = vector.broadcast %add3A_735 : i32 to vector<16xi32>
        %add3A_737 = arith.addi %shift_right_logical3A_25, %add3A_736 : vector<16xi32>
        %select_n3A_738 = arith.select %lt3A_734, %add3A_737, %shift_right_logical3A_25 : vector<16xi1>, vector<16xi32>
        %broadcast_in_dim3A_739 = vector.shape_cast %select_n3A_738 : vector<16xi32> to vector<16x1xi32>
        %gather3A_740 = vector.shape_cast %broadcast_in_dim3A_739 : vector<16x1xi32> to vector<16xi32>
        %gather3A_741 = tpu.dynamic_gather %exp3A_724[%gather3A_740] in [0] : vector<16xf32>, vector<16xi32> -> vector<16xf32>
        %lt3A_742 = arith.constant 0 : i32
        %lt3A_743 = vector.broadcast %lt3A_742 : i32 to vector<16xi32>
        %lt3A_744 = arith.cmpi slt, %add3A_30, %lt3A_743 : vector<16xi32>
        %add3A_745 = arith.constant 16 : i32
        %add3A_746 = vector.broadcast %add3A_745 : i32 to vector<16xi32>
        %add3A_747 = arith.addi %add3A_30, %add3A_746 : vector<16xi32>
        %select_n3A_748 = arith.select %lt3A_744, %add3A_747, %add3A_30 : vector<16xi1>, vector<16xi32>
        %broadcast_in_dim3A_749 = vector.shape_cast %select_n3A_748 : vector<16xi32> to vector<16x1xi32>
        %gather3A_750 = vector.shape_cast %broadcast_in_dim3A_749 : vector<16x1xi32> to vector<16xi32>
        %gather3A_751 = tpu.dynamic_gather %add3A_719[%gather3A_750] in [0] : vector<16xf32>, vector<16xi32> -> vector<16xf32>
        %mul3A_752 = arith.mulf %gather3A_741, %gather3A_751 : vector<16xf32>
        %swap3A_753 = arith.index_cast %and3A_169 : i32 to index
        %swap3A_754 = arith.index_cast %scan3A_708 : i32 to index
        %swap3A_755 = arith.constant 8 : index
        %swap3A_756 = tpu.vector_load %arg11[%swap3A_753, %swap3A_754, %swap3A_755] {strides = array<i32>} : memref<2x256x24xf32, #tpu.memory_space<vmem>>, vector<1x1x16xf32>,
        %swap3A_757 = vector.shape_cast %swap3A_756 : vector<1x1x16xf32> to vector<16xf32>
        %swap3A_758 = vector.shape_cast %mul3A_752 : vector<16xf32> to vector<1x1x16xf32>
        tpu.vector_store %arg11[%swap3A_753, %swap3A_754, %swap3A_755], %swap3A_758 {strides = array<i32>} : memref<2x256x24xf32, #tpu.memory_space<vmem>>, vector<1x1x16xf32>,
        %scan3A_759 = arith.constant 0 : i32
        %scan3A_760 = arith.constant 10 : i32
        %scan3A_761 = arith.addi %scan3A_235, %scan3A_760 : i32
        %get3A_762 = arith.index_cast %and3A_169 : i32 to index
        %get3A_763 = arith.index_cast %scan3A_761 : i32 to index
        %get3A_764 = arith.constant 0 : index
        %get3A_765 = tpu.vector_load %arg9[%get3A_762, %get3A_763, %get3A_764] {strides = array<i32>} : memref<2x256x16xf32, #tpu.memory_space<vmem>>, vector<1x1x16xf32>,
        %get3A_766 = vector.shape_cast %get3A_765 : vector<1x1x16xf32> to vector<16xf32>
        %get3A_767 = arith.index_cast %and3A_169 : i32 to index
        %get3A_768 = arith.index_cast %scan3A_761 : i32 to index
        %get3A_769 = arith.constant 0 : index
        %get3A_770 = tpu.vector_load %arg10[%get3A_767, %get3A_768, %get3A_769] {strides = array<i32>} : memref<2x256x16xf32, #tpu.memory_space<vmem>>, vector<1x1x16xf32>,
        %get3A_771 = vector.shape_cast %get3A_770 : vector<1x1x16xf32> to vector<16xf32>
        %add3A_772 = arith.addf %get3A_766, %get3A_771 : vector<16xf32>
        %mul3A_773 = arith.constant 2.000000e-01 : f32
        %mul3A_774 = vector.broadcast %mul3A_773 : f32 to vector<16xf32>
        %mul3A_775 = arith.mulf %mul3A_774, %add3A_772 : vector<16xf32>
        %max3A_776 = arith.maximumf %add3A_772, %mul3A_775 : vector<16xf32>
        %exp3A_777 = math.exp %max3A_776 : vector<16xf32>
        %select_n3A_778 = arith.select %lt3A_18, %exp3A_777, %select_n3A : vector<16xi1>, vector<16xf32>
        %swap3A_779 = arith.index_cast %and3A_169 : i32 to index
        %swap3A_780 = arith.index_cast %scan3A_761 : i32 to index
        %swap3A_781 = arith.constant 0 : index
        %swap3A_782 = tpu.vector_load %arg11[%swap3A_779, %swap3A_780, %swap3A_781] {strides = array<i32>} : memref<2x256x24xf32, #tpu.memory_space<vmem>>, vector<1x1x16xf32>,
        %swap3A_783 = vector.shape_cast %swap3A_782 : vector<1x1x16xf32> to vector<16xf32>
        %swap3A_784 = vector.shape_cast %select_n3A_778 : vector<16xf32> to vector<1x1x16xf32>
        tpu.vector_store %arg11[%swap3A_779, %swap3A_780, %swap3A_781], %swap3A_784 {strides = array<i32>} : memref<2x256x24xf32, #tpu.memory_space<vmem>>, vector<1x1x16xf32>,
        %lt3A_785 = arith.constant 0 : i32
        %lt3A_786 = vector.broadcast %lt3A_785 : i32 to vector<16xi32>
        %lt3A_787 = arith.cmpi slt, %shift_right_logical3A_25, %lt3A_786 : vector<16xi32>
        %add3A_788 = arith.constant 16 : i32
        %add3A_789 = vector.broadcast %add3A_788 : i32 to vector<16xi32>
        %add3A_790 = arith.addi %shift_right_logical3A_25, %add3A_789 : vector<16xi32>
        %select_n3A_791 = arith.select %lt3A_787, %add3A_790, %shift_right_logical3A_25 : vector<16xi1>, vector<16xi32>
        %broadcast_in_dim3A_792 = vector.shape_cast %select_n3A_791 : vector<16xi32> to vector<16x1xi32>
        %gather3A_793 = vector.shape_cast %broadcast_in_dim3A_792 : vector<16x1xi32> to vector<16xi32>
        %gather3A_794 = tpu.dynamic_gather %exp3A_777[%gather3A_793] in [0] : vector<16xf32>, vector<16xi32> -> vector<16xf32>
        %lt3A_795 = arith.constant 0 : i32
        %lt3A_796 = vector.broadcast %lt3A_795 : i32 to vector<16xi32>
        %lt3A_797 = arith.cmpi slt, %add3A_30, %lt3A_796 : vector<16xi32>
        %add3A_798 = arith.constant 16 : i32
        %add3A_799 = vector.broadcast %add3A_798 : i32 to vector<16xi32>
        %add3A_800 = arith.addi %add3A_30, %add3A_799 : vector<16xi32>
        %select_n3A_801 = arith.select %lt3A_797, %add3A_800, %add3A_30 : vector<16xi1>, vector<16xi32>
        %broadcast_in_dim3A_802 = vector.shape_cast %select_n3A_801 : vector<16xi32> to vector<16x1xi32>
        %gather3A_803 = vector.shape_cast %broadcast_in_dim3A_802 : vector<16x1xi32> to vector<16xi32>
        %gather3A_804 = tpu.dynamic_gather %add3A_772[%gather3A_803] in [0] : vector<16xf32>, vector<16xi32> -> vector<16xf32>
        %mul3A_805 = arith.mulf %gather3A_794, %gather3A_804 : vector<16xf32>
        %swap3A_806 = arith.index_cast %and3A_169 : i32 to index
        %swap3A_807 = arith.index_cast %scan3A_761 : i32 to index
        %swap3A_808 = arith.constant 8 : index
        %swap3A_809 = tpu.vector_load %arg11[%swap3A_806, %swap3A_807, %swap3A_808] {strides = array<i32>} : memref<2x256x24xf32, #tpu.memory_space<vmem>>, vector<1x1x16xf32>,
        %swap3A_810 = vector.shape_cast %swap3A_809 : vector<1x1x16xf32> to vector<16xf32>
        %swap3A_811 = vector.shape_cast %mul3A_805 : vector<16xf32> to vector<1x1x16xf32>
        tpu.vector_store %arg11[%swap3A_806, %swap3A_807, %swap3A_808], %swap3A_811 {strides = array<i32>} : memref<2x256x24xf32, #tpu.memory_space<vmem>>, vector<1x1x16xf32>,
        %scan3A_812 = arith.constant 0 : i32
        %scan3A_813 = arith.constant 11 : i32
        %scan3A_814 = arith.addi %scan3A_235, %scan3A_813 : i32
        %get3A_815 = arith.index_cast %and3A_169 : i32 to index
        %get3A_816 = arith.index_cast %scan3A_814 : i32 to index
        %get3A_817 = arith.constant 0 : index
        %get3A_818 = tpu.vector_load %arg9[%get3A_815, %get3A_816, %get3A_817] {strides = array<i32>} : memref<2x256x16xf32, #tpu.memory_space<vmem>>, vector<1x1x16xf32>,
        %get3A_819 = vector.shape_cast %get3A_818 : vector<1x1x16xf32> to vector<16xf32>
        %get3A_820 = arith.index_cast %and3A_169 : i32 to index
        %get3A_821 = arith.index_cast %scan3A_814 : i32 to index
        %get3A_822 = arith.constant 0 : index
        %get3A_823 = tpu.vector_load %arg10[%get3A_820, %get3A_821, %get3A_822] {strides = array<i32>} : memref<2x256x16xf32, #tpu.memory_space<vmem>>, vector<1x1x16xf32>,
        %get3A_824 = vector.shape_cast %get3A_823 : vector<1x1x16xf32> to vector<16xf32>
        %add3A_825 = arith.addf %get3A_819, %get3A_824 : vector<16xf32>
        %mul3A_826 = arith.constant 2.000000e-01 : f32
        %mul3A_827 = vector.broadcast %mul3A_826 : f32 to vector<16xf32>
        %mul3A_828 = arith.mulf %mul3A_827, %add3A_825 : vector<16xf32>
        %max3A_829 = arith.maximumf %add3A_825, %mul3A_828 : vector<16xf32>
        %exp3A_830 = math.exp %max3A_829 : vector<16xf32>
        %select_n3A_831 = arith.select %lt3A_18, %exp3A_830, %select_n3A : vector<16xi1>, vector<16xf32>
        %swap3A_832 = arith.index_cast %and3A_169 : i32 to index
        %swap3A_833 = arith.index_cast %scan3A_814 : i32 to index
        %swap3A_834 = arith.constant 0 : index
        %swap3A_835 = tpu.vector_load %arg11[%swap3A_832, %swap3A_833, %swap3A_834] {strides = array<i32>} : memref<2x256x24xf32, #tpu.memory_space<vmem>>, vector<1x1x16xf32>,
        %swap3A_836 = vector.shape_cast %swap3A_835 : vector<1x1x16xf32> to vector<16xf32>
        %swap3A_837 = vector.shape_cast %select_n3A_831 : vector<16xf32> to vector<1x1x16xf32>
        tpu.vector_store %arg11[%swap3A_832, %swap3A_833, %swap3A_834], %swap3A_837 {strides = array<i32>} : memref<2x256x24xf32, #tpu.memory_space<vmem>>, vector<1x1x16xf32>,
        %lt3A_838 = arith.constant 0 : i32
        %lt3A_839 = vector.broadcast %lt3A_838 : i32 to vector<16xi32>
        %lt3A_840 = arith.cmpi slt, %shift_right_logical3A_25, %lt3A_839 : vector<16xi32>
        %add3A_841 = arith.constant 16 : i32
        %add3A_842 = vector.broadcast %add3A_841 : i32 to vector<16xi32>
        %add3A_843 = arith.addi %shift_right_logical3A_25, %add3A_842 : vector<16xi32>
        %select_n3A_844 = arith.select %lt3A_840, %add3A_843, %shift_right_logical3A_25 : vector<16xi1>, vector<16xi32>
        %broadcast_in_dim3A_845 = vector.shape_cast %select_n3A_844 : vector<16xi32> to vector<16x1xi32>
        %gather3A_846 = vector.shape_cast %broadcast_in_dim3A_845 : vector<16x1xi32> to vector<16xi32>
        %gather3A_847 = tpu.dynamic_gather %exp3A_830[%gather3A_846] in [0] : vector<16xf32>, vector<16xi32> -> vector<16xf32>
        %lt3A_848 = arith.constant 0 : i32
        %lt3A_849 = vector.broadcast %lt3A_848 : i32 to vector<16xi32>
        %lt3A_850 = arith.cmpi slt, %add3A_30, %lt3A_849 : vector<16xi32>
        %add3A_851 = arith.constant 16 : i32
        %add3A_852 = vector.broadcast %add3A_851 : i32 to vector<16xi32>
        %add3A_853 = arith.addi %add3A_30, %add3A_852 : vector<16xi32>
        %select_n3A_854 = arith.select %lt3A_850, %add3A_853, %add3A_30 : vector<16xi1>, vector<16xi32>
        %broadcast_in_dim3A_855 = vector.shape_cast %select_n3A_854 : vector<16xi32> to vector<16x1xi32>
        %gather3A_856 = vector.shape_cast %broadcast_in_dim3A_855 : vector<16x1xi32> to vector<16xi32>
        %gather3A_857 = tpu.dynamic_gather %add3A_825[%gather3A_856] in [0] : vector<16xf32>, vector<16xi32> -> vector<16xf32>
        %mul3A_858 = arith.mulf %gather3A_847, %gather3A_857 : vector<16xf32>
        %swap3A_859 = arith.index_cast %and3A_169 : i32 to index
        %swap3A_860 = arith.index_cast %scan3A_814 : i32 to index
        %swap3A_861 = arith.constant 8 : index
        %swap3A_862 = tpu.vector_load %arg11[%swap3A_859, %swap3A_860, %swap3A_861] {strides = array<i32>} : memref<2x256x24xf32, #tpu.memory_space<vmem>>, vector<1x1x16xf32>,
        %swap3A_863 = vector.shape_cast %swap3A_862 : vector<1x1x16xf32> to vector<16xf32>
        %swap3A_864 = vector.shape_cast %mul3A_858 : vector<16xf32> to vector<1x1x16xf32>
        tpu.vector_store %arg11[%swap3A_859, %swap3A_860, %swap3A_861], %swap3A_864 {strides = array<i32>} : memref<2x256x24xf32, #tpu.memory_space<vmem>>, vector<1x1x16xf32>,
        %scan3A_865 = arith.constant 0 : i32
        %scan3A_866 = arith.constant 12 : i32
        %scan3A_867 = arith.addi %scan3A_235, %scan3A_866 : i32
        %get3A_868 = arith.index_cast %and3A_169 : i32 to index
        %get3A_869 = arith.index_cast %scan3A_867 : i32 to index
        %get3A_870 = arith.constant 0 : index
        %get3A_871 = tpu.vector_load %arg9[%get3A_868, %get3A_869, %get3A_870] {strides = array<i32>} : memref<2x256x16xf32, #tpu.memory_space<vmem>>, vector<1x1x16xf32>,
        %get3A_872 = vector.shape_cast %get3A_871 : vector<1x1x16xf32> to vector<16xf32>
        %get3A_873 = arith.index_cast %and3A_169 : i32 to index
        %get3A_874 = arith.index_cast %scan3A_867 : i32 to index
        %get3A_875 = arith.constant 0 : index
        %get3A_876 = tpu.vector_load %arg10[%get3A_873, %get3A_874, %get3A_875] {strides = array<i32>} : memref<2x256x16xf32, #tpu.memory_space<vmem>>, vector<1x1x16xf32>,
        %get3A_877 = vector.shape_cast %get3A_876 : vector<1x1x16xf32> to vector<16xf32>
        %add3A_878 = arith.addf %get3A_872, %get3A_877 : vector<16xf32>
        %mul3A_879 = arith.constant 2.000000e-01 : f32
        %mul3A_880 = vector.broadcast %mul3A_879 : f32 to vector<16xf32>
        %mul3A_881 = arith.mulf %mul3A_880, %add3A_878 : vector<16xf32>
        %max3A_882 = arith.maximumf %add3A_878, %mul3A_881 : vector<16xf32>
        %exp3A_883 = math.exp %max3A_882 : vector<16xf32>
        %select_n3A_884 = arith.select %lt3A_18, %exp3A_883, %select_n3A : vector<16xi1>, vector<16xf32>
        %swap3A_885 = arith.index_cast %and3A_169 : i32 to index
        %swap3A_886 = arith.index_cast %scan3A_867 : i32 to index
        %swap3A_887 = arith.constant 0 : index
        %swap3A_888 = tpu.vector_load %arg11[%swap3A_885, %swap3A_886, %swap3A_887] {strides = array<i32>} : memref<2x256x24xf32, #tpu.memory_space<vmem>>, vector<1x1x16xf32>,
        %swap3A_889 = vector.shape_cast %swap3A_888 : vector<1x1x16xf32> to vector<16xf32>
        %swap3A_890 = vector.shape_cast %select_n3A_884 : vector<16xf32> to vector<1x1x16xf32>
        tpu.vector_store %arg11[%swap3A_885, %swap3A_886, %swap3A_887], %swap3A_890 {strides = array<i32>} : memref<2x256x24xf32, #tpu.memory_space<vmem>>, vector<1x1x16xf32>,
        %lt3A_891 = arith.constant 0 : i32
        %lt3A_892 = vector.broadcast %lt3A_891 : i32 to vector<16xi32>
        %lt3A_893 = arith.cmpi slt, %shift_right_logical3A_25, %lt3A_892 : vector<16xi32>
        %add3A_894 = arith.constant 16 : i32
        %add3A_895 = vector.broadcast %add3A_894 : i32 to vector<16xi32>
        %add3A_896 = arith.addi %shift_right_logical3A_25, %add3A_895 : vector<16xi32>
        %select_n3A_897 = arith.select %lt3A_893, %add3A_896, %shift_right_logical3A_25 : vector<16xi1>, vector<16xi32>
        %broadcast_in_dim3A_898 = vector.shape_cast %select_n3A_897 : vector<16xi32> to vector<16x1xi32>
        %gather3A_899 = vector.shape_cast %broadcast_in_dim3A_898 : vector<16x1xi32> to vector<16xi32>
        %gather3A_900 = tpu.dynamic_gather %exp3A_883[%gather3A_899] in [0] : vector<16xf32>, vector<16xi32> -> vector<16xf32>
        %lt3A_901 = arith.constant 0 : i32
        %lt3A_902 = vector.broadcast %lt3A_901 : i32 to vector<16xi32>
        %lt3A_903 = arith.cmpi slt, %add3A_30, %lt3A_902 : vector<16xi32>
        %add3A_904 = arith.constant 16 : i32
        %add3A_905 = vector.broadcast %add3A_904 : i32 to vector<16xi32>
        %add3A_906 = arith.addi %add3A_30, %add3A_905 : vector<16xi32>
        %select_n3A_907 = arith.select %lt3A_903, %add3A_906, %add3A_30 : vector<16xi1>, vector<16xi32>
        %broadcast_in_dim3A_908 = vector.shape_cast %select_n3A_907 : vector<16xi32> to vector<16x1xi32>
        %gather3A_909 = vector.shape_cast %broadcast_in_dim3A_908 : vector<16x1xi32> to vector<16xi32>
        %gather3A_910 = tpu.dynamic_gather %add3A_878[%gather3A_909] in [0] : vector<16xf32>, vector<16xi32> -> vector<16xf32>
        %mul3A_911 = arith.mulf %gather3A_900, %gather3A_910 : vector<16xf32>
        %swap3A_912 = arith.index_cast %and3A_169 : i32 to index
        %swap3A_913 = arith.index_cast %scan3A_867 : i32 to index
        %swap3A_914 = arith.constant 8 : index
        %swap3A_915 = tpu.vector_load %arg11[%swap3A_912, %swap3A_913, %swap3A_914] {strides = array<i32>} : memref<2x256x24xf32, #tpu.memory_space<vmem>>, vector<1x1x16xf32>,
        %swap3A_916 = vector.shape_cast %swap3A_915 : vector<1x1x16xf32> to vector<16xf32>
        %swap3A_917 = vector.shape_cast %mul3A_911 : vector<16xf32> to vector<1x1x16xf32>
        tpu.vector_store %arg11[%swap3A_912, %swap3A_913, %swap3A_914], %swap3A_917 {strides = array<i32>} : memref<2x256x24xf32, #tpu.memory_space<vmem>>, vector<1x1x16xf32>,
        %scan3A_918 = arith.constant 0 : i32
        %scan3A_919 = arith.constant 13 : i32
        %scan3A_920 = arith.addi %scan3A_235, %scan3A_919 : i32
        %get3A_921 = arith.index_cast %and3A_169 : i32 to index
        %get3A_922 = arith.index_cast %scan3A_920 : i32 to index
        %get3A_923 = arith.constant 0 : index
        %get3A_924 = tpu.vector_load %arg9[%get3A_921, %get3A_922, %get3A_923] {strides = array<i32>} : memref<2x256x16xf32, #tpu.memory_space<vmem>>, vector<1x1x16xf32>,
        %get3A_925 = vector.shape_cast %get3A_924 : vector<1x1x16xf32> to vector<16xf32>
        %get3A_926 = arith.index_cast %and3A_169 : i32 to index
        %get3A_927 = arith.index_cast %scan3A_920 : i32 to index
        %get3A_928 = arith.constant 0 : index
        %get3A_929 = tpu.vector_load %arg10[%get3A_926, %get3A_927, %get3A_928] {strides = array<i32>} : memref<2x256x16xf32, #tpu.memory_space<vmem>>, vector<1x1x16xf32>,
        %get3A_930 = vector.shape_cast %get3A_929 : vector<1x1x16xf32> to vector<16xf32>
        %add3A_931 = arith.addf %get3A_925, %get3A_930 : vector<16xf32>
        %mul3A_932 = arith.constant 2.000000e-01 : f32
        %mul3A_933 = vector.broadcast %mul3A_932 : f32 to vector<16xf32>
        %mul3A_934 = arith.mulf %mul3A_933, %add3A_931 : vector<16xf32>
        %max3A_935 = arith.maximumf %add3A_931, %mul3A_934 : vector<16xf32>
        %exp3A_936 = math.exp %max3A_935 : vector<16xf32>
        %select_n3A_937 = arith.select %lt3A_18, %exp3A_936, %select_n3A : vector<16xi1>, vector<16xf32>
        %swap3A_938 = arith.index_cast %and3A_169 : i32 to index
        %swap3A_939 = arith.index_cast %scan3A_920 : i32 to index
        %swap3A_940 = arith.constant 0 : index
        %swap3A_941 = tpu.vector_load %arg11[%swap3A_938, %swap3A_939, %swap3A_940] {strides = array<i32>} : memref<2x256x24xf32, #tpu.memory_space<vmem>>, vector<1x1x16xf32>,
        %swap3A_942 = vector.shape_cast %swap3A_941 : vector<1x1x16xf32> to vector<16xf32>
        %swap3A_943 = vector.shape_cast %select_n3A_937 : vector<16xf32> to vector<1x1x16xf32>
        tpu.vector_store %arg11[%swap3A_938, %swap3A_939, %swap3A_940], %swap3A_943 {strides = array<i32>} : memref<2x256x24xf32, #tpu.memory_space<vmem>>, vector<1x1x16xf32>,
        %lt3A_944 = arith.constant 0 : i32
        %lt3A_945 = vector.broadcast %lt3A_944 : i32 to vector<16xi32>
        %lt3A_946 = arith.cmpi slt, %shift_right_logical3A_25, %lt3A_945 : vector<16xi32>
        %add3A_947 = arith.constant 16 : i32
        %add3A_948 = vector.broadcast %add3A_947 : i32 to vector<16xi32>
        %add3A_949 = arith.addi %shift_right_logical3A_25, %add3A_948 : vector<16xi32>
        %select_n3A_950 = arith.select %lt3A_946, %add3A_949, %shift_right_logical3A_25 : vector<16xi1>, vector<16xi32>
        %broadcast_in_dim3A_951 = vector.shape_cast %select_n3A_950 : vector<16xi32> to vector<16x1xi32>
        %gather3A_952 = vector.shape_cast %broadcast_in_dim3A_951 : vector<16x1xi32> to vector<16xi32>
        %gather3A_953 = tpu.dynamic_gather %exp3A_936[%gather3A_952] in [0] : vector<16xf32>, vector<16xi32> -> vector<16xf32>
        %lt3A_954 = arith.constant 0 : i32
        %lt3A_955 = vector.broadcast %lt3A_954 : i32 to vector<16xi32>
        %lt3A_956 = arith.cmpi slt, %add3A_30, %lt3A_955 : vector<16xi32>
        %add3A_957 = arith.constant 16 : i32
        %add3A_958 = vector.broadcast %add3A_957 : i32 to vector<16xi32>
        %add3A_959 = arith.addi %add3A_30, %add3A_958 : vector<16xi32>
        %select_n3A_960 = arith.select %lt3A_956, %add3A_959, %add3A_30 : vector<16xi1>, vector<16xi32>
        %broadcast_in_dim3A_961 = vector.shape_cast %select_n3A_960 : vector<16xi32> to vector<16x1xi32>
        %gather3A_962 = vector.shape_cast %broadcast_in_dim3A_961 : vector<16x1xi32> to vector<16xi32>
        %gather3A_963 = tpu.dynamic_gather %add3A_931[%gather3A_962] in [0] : vector<16xf32>, vector<16xi32> -> vector<16xf32>
        %mul3A_964 = arith.mulf %gather3A_953, %gather3A_963 : vector<16xf32>
        %swap3A_965 = arith.index_cast %and3A_169 : i32 to index
        %swap3A_966 = arith.index_cast %scan3A_920 : i32 to index
        %swap3A_967 = arith.constant 8 : index
        %swap3A_968 = tpu.vector_load %arg11[%swap3A_965, %swap3A_966, %swap3A_967] {strides = array<i32>} : memref<2x256x24xf32, #tpu.memory_space<vmem>>, vector<1x1x16xf32>,
        %swap3A_969 = vector.shape_cast %swap3A_968 : vector<1x1x16xf32> to vector<16xf32>
        %swap3A_970 = vector.shape_cast %mul3A_964 : vector<16xf32> to vector<1x1x16xf32>
        tpu.vector_store %arg11[%swap3A_965, %swap3A_966, %swap3A_967], %swap3A_970 {strides = array<i32>} : memref<2x256x24xf32, #tpu.memory_space<vmem>>, vector<1x1x16xf32>,
        %scan3A_971 = arith.constant 0 : i32
        %scan3A_972 = arith.constant 14 : i32
        %scan3A_973 = arith.addi %scan3A_235, %scan3A_972 : i32
        %get3A_974 = arith.index_cast %and3A_169 : i32 to index
        %get3A_975 = arith.index_cast %scan3A_973 : i32 to index
        %get3A_976 = arith.constant 0 : index
        %get3A_977 = tpu.vector_load %arg9[%get3A_974, %get3A_975, %get3A_976] {strides = array<i32>} : memref<2x256x16xf32, #tpu.memory_space<vmem>>, vector<1x1x16xf32>,
        %get3A_978 = vector.shape_cast %get3A_977 : vector<1x1x16xf32> to vector<16xf32>
        %get3A_979 = arith.index_cast %and3A_169 : i32 to index
        %get3A_980 = arith.index_cast %scan3A_973 : i32 to index
        %get3A_981 = arith.constant 0 : index
        %get3A_982 = tpu.vector_load %arg10[%get3A_979, %get3A_980, %get3A_981] {strides = array<i32>} : memref<2x256x16xf32, #tpu.memory_space<vmem>>, vector<1x1x16xf32>,
        %get3A_983 = vector.shape_cast %get3A_982 : vector<1x1x16xf32> to vector<16xf32>
        %add3A_984 = arith.addf %get3A_978, %get3A_983 : vector<16xf32>
        %mul3A_985 = arith.constant 2.000000e-01 : f32
        %mul3A_986 = vector.broadcast %mul3A_985 : f32 to vector<16xf32>
        %mul3A_987 = arith.mulf %mul3A_986, %add3A_984 : vector<16xf32>
        %max3A_988 = arith.maximumf %add3A_984, %mul3A_987 : vector<16xf32>
        %exp3A_989 = math.exp %max3A_988 : vector<16xf32>
        %select_n3A_990 = arith.select %lt3A_18, %exp3A_989, %select_n3A : vector<16xi1>, vector<16xf32>
        %swap3A_991 = arith.index_cast %and3A_169 : i32 to index
        %swap3A_992 = arith.index_cast %scan3A_973 : i32 to index
        %swap3A_993 = arith.constant 0 : index
        %swap3A_994 = tpu.vector_load %arg11[%swap3A_991, %swap3A_992, %swap3A_993] {strides = array<i32>} : memref<2x256x24xf32, #tpu.memory_space<vmem>>, vector<1x1x16xf32>,
        %swap3A_995 = vector.shape_cast %swap3A_994 : vector<1x1x16xf32> to vector<16xf32>
        %swap3A_996 = vector.shape_cast %select_n3A_990 : vector<16xf32> to vector<1x1x16xf32>
        tpu.vector_store %arg11[%swap3A_991, %swap3A_992, %swap3A_993], %swap3A_996 {strides = array<i32>} : memref<2x256x24xf32, #tpu.memory_space<vmem>>, vector<1x1x16xf32>,
        %lt3A_997 = arith.constant 0 : i32
        %lt3A_998 = vector.broadcast %lt3A_997 : i32 to vector<16xi32>
        %lt3A_999 = arith.cmpi slt, %shift_right_logical3A_25, %lt3A_998 : vector<16xi32>
        %add3A_1000 = arith.constant 16 : i32
        %add3A_1001 = vector.broadcast %add3A_1000 : i32 to vector<16xi32>
        %add3A_1002 = arith.addi %shift_right_logical3A_25, %add3A_1001 : vector<16xi32>
        %select_n3A_1003 = arith.select %lt3A_999, %add3A_1002, %shift_right_logical3A_25 : vector<16xi1>, vector<16xi32>
        %broadcast_in_dim3A_1004 = vector.shape_cast %select_n3A_1003 : vector<16xi32> to vector<16x1xi32>
        %gather3A_1005 = vector.shape_cast %broadcast_in_dim3A_1004 : vector<16x1xi32> to vector<16xi32>
        %gather3A_1006 = tpu.dynamic_gather %exp3A_989[%gather3A_1005] in [0] : vector<16xf32>, vector<16xi32> -> vector<16xf32>
        %lt3A_1007 = arith.constant 0 : i32
        %lt3A_1008 = vector.broadcast %lt3A_1007 : i32 to vector<16xi32>
        %lt3A_1009 = arith.cmpi slt, %add3A_30, %lt3A_1008 : vector<16xi32>
        %add3A_1010 = arith.constant 16 : i32
        %add3A_1011 = vector.broadcast %add3A_1010 : i32 to vector<16xi32>
        %add3A_1012 = arith.addi %add3A_30, %add3A_1011 : vector<16xi32>
        %select_n3A_1013 = arith.select %lt3A_1009, %add3A_1012, %add3A_30 : vector<16xi1>, vector<16xi32>
        %broadcast_in_dim3A_1014 = vector.shape_cast %select_n3A_1013 : vector<16xi32> to vector<16x1xi32>
        %gather3A_1015 = vector.shape_cast %broadcast_in_dim3A_1014 : vector<16x1xi32> to vector<16xi32>
        %gather3A_1016 = tpu.dynamic_gather %add3A_984[%gather3A_1015] in [0] : vector<16xf32>, vector<16xi32> -> vector<16xf32>
        %mul3A_1017 = arith.mulf %gather3A_1006, %gather3A_1016 : vector<16xf32>
        %swap3A_1018 = arith.index_cast %and3A_169 : i32 to index
        %swap3A_1019 = arith.index_cast %scan3A_973 : i32 to index
        %swap3A_1020 = arith.constant 8 : index
        %swap3A_1021 = tpu.vector_load %arg11[%swap3A_1018, %swap3A_1019, %swap3A_1020] {strides = array<i32>} : memref<2x256x24xf32, #tpu.memory_space<vmem>>, vector<1x1x16xf32>,
        %swap3A_1022 = vector.shape_cast %swap3A_1021 : vector<1x1x16xf32> to vector<16xf32>
        %swap3A_1023 = vector.shape_cast %mul3A_1017 : vector<16xf32> to vector<1x1x16xf32>
        tpu.vector_store %arg11[%swap3A_1018, %swap3A_1019, %swap3A_1020], %swap3A_1023 {strides = array<i32>} : memref<2x256x24xf32, #tpu.memory_space<vmem>>, vector<1x1x16xf32>,
        %scan3A_1024 = arith.constant 0 : i32
        %scan3A_1025 = arith.constant 15 : i32
        %scan3A_1026 = arith.addi %scan3A_235, %scan3A_1025 : i32
        %get3A_1027 = arith.index_cast %and3A_169 : i32 to index
        %get3A_1028 = arith.index_cast %scan3A_1026 : i32 to index
        %get3A_1029 = arith.constant 0 : index
        %get3A_1030 = tpu.vector_load %arg9[%get3A_1027, %get3A_1028, %get3A_1029] {strides = array<i32>} : memref<2x256x16xf32, #tpu.memory_space<vmem>>, vector<1x1x16xf32>,
        %get3A_1031 = vector.shape_cast %get3A_1030 : vector<1x1x16xf32> to vector<16xf32>
        %get3A_1032 = arith.index_cast %and3A_169 : i32 to index
        %get3A_1033 = arith.index_cast %scan3A_1026 : i32 to index
        %get3A_1034 = arith.constant 0 : index
        %get3A_1035 = tpu.vector_load %arg10[%get3A_1032, %get3A_1033, %get3A_1034] {strides = array<i32>} : memref<2x256x16xf32, #tpu.memory_space<vmem>>, vector<1x1x16xf32>,
        %get3A_1036 = vector.shape_cast %get3A_1035 : vector<1x1x16xf32> to vector<16xf32>
        %add3A_1037 = arith.addf %get3A_1031, %get3A_1036 : vector<16xf32>
        %mul3A_1038 = arith.constant 2.000000e-01 : f32
        %mul3A_1039 = vector.broadcast %mul3A_1038 : f32 to vector<16xf32>
        %mul3A_1040 = arith.mulf %mul3A_1039, %add3A_1037 : vector<16xf32>
        %max3A_1041 = arith.maximumf %add3A_1037, %mul3A_1040 : vector<16xf32>
        %exp3A_1042 = math.exp %max3A_1041 : vector<16xf32>
        %select_n3A_1043 = arith.select %lt3A_18, %exp3A_1042, %select_n3A : vector<16xi1>, vector<16xf32>
        %swap3A_1044 = arith.index_cast %and3A_169 : i32 to index
        %swap3A_1045 = arith.index_cast %scan3A_1026 : i32 to index
        %swap3A_1046 = arith.constant 0 : index
        %swap3A_1047 = tpu.vector_load %arg11[%swap3A_1044, %swap3A_1045, %swap3A_1046] {strides = array<i32>} : memref<2x256x24xf32, #tpu.memory_space<vmem>>, vector<1x1x16xf32>,
        %swap3A_1048 = vector.shape_cast %swap3A_1047 : vector<1x1x16xf32> to vector<16xf32>
        %swap3A_1049 = vector.shape_cast %select_n3A_1043 : vector<16xf32> to vector<1x1x16xf32>
        tpu.vector_store %arg11[%swap3A_1044, %swap3A_1045, %swap3A_1046], %swap3A_1049 {strides = array<i32>} : memref<2x256x24xf32, #tpu.memory_space<vmem>>, vector<1x1x16xf32>,
        %lt3A_1050 = arith.constant 0 : i32
        %lt3A_1051 = vector.broadcast %lt3A_1050 : i32 to vector<16xi32>
        %lt3A_1052 = arith.cmpi slt, %shift_right_logical3A_25, %lt3A_1051 : vector<16xi32>
        %add3A_1053 = arith.constant 16 : i32
        %add3A_1054 = vector.broadcast %add3A_1053 : i32 to vector<16xi32>
        %add3A_1055 = arith.addi %shift_right_logical3A_25, %add3A_1054 : vector<16xi32>
        %select_n3A_1056 = arith.select %lt3A_1052, %add3A_1055, %shift_right_logical3A_25 : vector<16xi1>, vector<16xi32>
        %broadcast_in_dim3A_1057 = vector.shape_cast %select_n3A_1056 : vector<16xi32> to vector<16x1xi32>
        %gather3A_1058 = vector.shape_cast %broadcast_in_dim3A_1057 : vector<16x1xi32> to vector<16xi32>
        %gather3A_1059 = tpu.dynamic_gather %exp3A_1042[%gather3A_1058] in [0] : vector<16xf32>, vector<16xi32> -> vector<16xf32>
        %lt3A_1060 = arith.constant 0 : i32
        %lt3A_1061 = vector.broadcast %lt3A_1060 : i32 to vector<16xi32>
        %lt3A_1062 = arith.cmpi slt, %add3A_30, %lt3A_1061 : vector<16xi32>
        %add3A_1063 = arith.constant 16 : i32
        %add3A_1064 = vector.broadcast %add3A_1063 : i32 to vector<16xi32>
        %add3A_1065 = arith.addi %add3A_30, %add3A_1064 : vector<16xi32>
        %select_n3A_1066 = arith.select %lt3A_1062, %add3A_1065, %add3A_30 : vector<16xi1>, vector<16xi32>
        %broadcast_in_dim3A_1067 = vector.shape_cast %select_n3A_1066 : vector<16xi32> to vector<16x1xi32>
        %gather3A_1068 = vector.shape_cast %broadcast_in_dim3A_1067 : vector<16x1xi32> to vector<16xi32>
        %gather3A_1069 = tpu.dynamic_gather %add3A_1037[%gather3A_1068] in [0] : vector<16xf32>, vector<16xi32> -> vector<16xf32>
        %mul3A_1070 = arith.mulf %gather3A_1059, %gather3A_1069 : vector<16xf32>
        %swap3A_1071 = arith.index_cast %and3A_169 : i32 to index
        %swap3A_1072 = arith.index_cast %scan3A_1026 : i32 to index
        %swap3A_1073 = arith.constant 8 : index
        %swap3A_1074 = tpu.vector_load %arg11[%swap3A_1071, %swap3A_1072, %swap3A_1073] {strides = array<i32>} : memref<2x256x24xf32, #tpu.memory_space<vmem>>, vector<1x1x16xf32>,
        %swap3A_1075 = vector.shape_cast %swap3A_1074 : vector<1x1x16xf32> to vector<16xf32>
        %swap3A_1076 = vector.shape_cast %mul3A_1070 : vector<16xf32> to vector<1x1x16xf32>
        tpu.vector_store %arg11[%swap3A_1071, %swap3A_1072, %swap3A_1073], %swap3A_1076 {strides = array<i32>} : memref<2x256x24xf32, #tpu.memory_space<vmem>>, vector<1x1x16xf32>,
        %scan3A_1077 = arith.constant 0 : i32
        scf.yield %scan3A_1077 : i32
      }
      %scan3A_221 = arith.constant 256 : i32
      %and3A_222 = arith.constant 3 : i32
      %and3A_223 = arith.andi %scan3A_166, %and3A_222 : i32
      %dma_start3A_224 = arith.constant 0 : i32
      %dma_start3A_225 = arith.constant 0 : i32
      %dma_start3A_226 = tpu.memref_slice %arg11[%and3A_169, %dma_start3A_224, %dma_start3A_225] : memref<2x256x24xf32, #tpu.memory_space<vmem>> -> memref<1x256x24xf32, #tpu.memory_space<vmem>>
      %dma_start3A_227 = tpu.memref_squeeze %dma_start3A_226 : memref<1x256x24xf32, #tpu.memory_space<vmem>> -> memref<256x24xf32, #tpu.memory_space<vmem>>
      %dma_start3A_228 = arith.constant 0 : i32
      %dma_start3A_229 = tpu.memref_slice %arg8[%and3A_223, %dma_start3A_228] : memref<4x256xi32, #tpu.memory_space<vmem>> -> memref<1x256xi32, #tpu.memory_space<vmem>>
      %dma_start3A_230 = tpu.memref_squeeze %dma_start3A_229 : memref<1x256xi32, #tpu.memory_space<vmem>> -> memref<256xi32, #tpu.memory_space<vmem>>
      %dma_start3A_231 = arith.constant 0 : i32
      %dma_start3A_232 = arith.constant 0 : i32
      %dma_start3A_233 = tpu.memref_slice %arg13[%dma_start3A_231, %dma_start3A_232] : memref<51200x24xf32, #tpu.memory_space<vmem_shared>> -> memref<51200x24xf32, #tpu.memory_space<vmem_shared>>
      tpu.enqueue_indirect_dma source(%dma_start3A_227 : memref<256x24xf32, #tpu.memory_space<vmem>>) target(%dma_start3A_233 : memref<51200x24xf32, #tpu.memory_space<vmem_shared>>) offsets(%dma_start3A_230 : memref<256xi32, #tpu.memory_space<vmem>>) semaphore(%arg16 : memref<!tpu.dma_semaphore, #tpu.memory_space<semaphore_mem>>) {add = true}
      %scan3A_234 = arith.constant 0 : i32
      scf.yield %scan3A_234 : i32
    }
    %scan3A_121 = arith.constant 98 : i32
    %dma_wait3A_122 = arith.constant 0 : i32
    %dma_wait3A_123 = arith.constant 0 : i32
    %dma_wait3A_124 = arith.constant 0 : i32
    %dma_wait3A_125 = arith.constant 0 : i32
    %dma_wait3A_126 = tpu.memref_slice %arg11[%dma_wait3A_123, %dma_wait3A_124, %dma_wait3A_125] : memref<2x256x24xf32, #tpu.memory_space<vmem>> -> memref<1x256x24xf32, #tpu.memory_space<vmem>>
    %dma_wait3A_127 = tpu.memref_squeeze %dma_wait3A_126 : memref<1x256x24xf32, #tpu.memory_space<vmem>> -> memref<256x24xf32, #tpu.memory_space<vmem>>
    %dma_wait3A_128 = arith.constant 0 : i32
    %dma_wait3A_129 = arith.constant 0 : i32
    %dma_wait3A_130 = tpu.memref_slice %arg6[%dma_wait3A_122, %dma_wait3A_128, %dma_wait3A_129] : memref<2x51200x24xf32, #tpu.memory_space<hbm>> -> memref<1x256x24xf32, #tpu.memory_space<hbm>>
    %dma_wait3A_131 = tpu.memref_squeeze %dma_wait3A_130 : memref<1x256x24xf32, #tpu.memory_space<hbm>> -> memref<256x24xf32, #tpu.memory_space<hbm>>
    %dma_wait3A_132 = arith.constant 0 : i32
    %dma_wait3A_133 = arith.constant 0 : i32
    %dma_wait3A_134 = tpu.memref_slice %arg11[%dma_wait3A_123, %dma_wait3A_132, %dma_wait3A_133] : memref<2x256x24xf32, #tpu.memory_space<vmem>> -> memref<1x256x24xf32, #tpu.memory_space<vmem>>
    %dma_wait3A_135 = tpu.memref_squeeze %dma_wait3A_134 : memref<1x256x24xf32, #tpu.memory_space<vmem>> -> memref<256x24xf32, #tpu.memory_space<vmem>>
    %dma_wait3A_136 = arith.constant 0 : i32
    %dma_wait3A_137 = arith.constant 0 : i32
    %dma_wait3A_138 = tpu.memref_slice %arg6[%dma_wait3A_122, %dma_wait3A_136, %dma_wait3A_137] : memref<2x51200x24xf32, #tpu.memory_space<hbm>> -> memref<1x256x24xf32, #tpu.memory_space<hbm>>
    %dma_wait3A_139 = tpu.memref_squeeze %dma_wait3A_138 : memref<1x256x24xf32, #tpu.memory_space<hbm>> -> memref<256x24xf32, #tpu.memory_space<hbm>>
    tpu.wait_dma2 semaphore(%arg16 : memref<!tpu.dma_semaphore, #tpu.memory_space<semaphore_mem>>) src(%dma_wait3A_139 : memref<256x24xf32, #tpu.memory_space<hbm>>) dst(%dma_wait3A_135 : memref<256x24xf32, #tpu.memory_space<vmem>>)
    %dma_wait3A_140 = arith.constant 0 : i32
    %dma_wait3A_141 = arith.constant 1 : i32
    %dma_wait3A_142 = arith.constant 0 : i32
    %dma_wait3A_143 = arith.constant 0 : i32
    %dma_wait3A_144 = tpu.memref_slice %arg11[%dma_wait3A_141, %dma_wait3A_142, %dma_wait3A_143] : memref<2x256x24xf32, #tpu.memory_space<vmem>> -> memref<1x256x24xf32, #tpu.memory_space<vmem>>
    %dma_wait3A_145 = tpu.memref_squeeze %dma_wait3A_144 : memref<1x256x24xf32, #tpu.memory_space<vmem>> -> memref<256x24xf32, #tpu.memory_space<vmem>>
    %dma_wait3A_146 = arith.constant 0 : i32
    %dma_wait3A_147 = arith.constant 0 : i32
    %dma_wait3A_148 = tpu.memref_slice %arg6[%dma_wait3A_140, %dma_wait3A_146, %dma_wait3A_147] : memref<2x51200x24xf32, #tpu.memory_space<hbm>> -> memref<1x256x24xf32, #tpu.memory_space<hbm>>
    %dma_wait3A_149 = tpu.memref_squeeze %dma_wait3A_148 : memref<1x256x24xf32, #tpu.memory_space<hbm>> -> memref<256x24xf32, #tpu.memory_space<hbm>>
    %dma_wait3A_150 = arith.constant 0 : i32
    %dma_wait3A_151 = arith.constant 0 : i32
    %dma_wait3A_152 = tpu.memref_slice %arg11[%dma_wait3A_141, %dma_wait3A_150, %dma_wait3A_151] : memref<2x256x24xf32, #tpu.memory_space<vmem>> -> memref<1x256x24xf32, #tpu.memory_space<vmem>>
    %dma_wait3A_153 = tpu.memref_squeeze %dma_wait3A_152 : memref<1x256x24xf32, #tpu.memory_space<vmem>> -> memref<256x24xf32, #tpu.memory_space<vmem>>
    %dma_wait3A_154 = arith.constant 0 : i32
    %dma_wait3A_155 = arith.constant 0 : i32
    %dma_wait3A_156 = tpu.memref_slice %arg6[%dma_wait3A_140, %dma_wait3A_154, %dma_wait3A_155] : memref<2x51200x24xf32, #tpu.memory_space<hbm>> -> memref<1x256x24xf32, #tpu.memory_space<hbm>>
    %dma_wait3A_157 = tpu.memref_squeeze %dma_wait3A_156 : memref<1x256x24xf32, #tpu.memory_space<hbm>> -> memref<256x24xf32, #tpu.memory_space<hbm>>
    tpu.wait_dma2 semaphore(%arg16 : memref<!tpu.dma_semaphore, #tpu.memory_space<semaphore_mem>>) src(%dma_wait3A_157 : memref<256x24xf32, #tpu.memory_space<hbm>>) dst(%dma_wait3A_153 : memref<256x24xf32, #tpu.memory_space<vmem>>)
    %barrier3A_158 = arith.constant 0 : index
    tpu.barrier barrier_id(%barrier3A_158)
    %scan3A_159 = arith.constant 0 : i32
    %scan3A_160 = arith.constant 0 : i32
    %scan3A_161 = arith.constant 25 : i32
    %scan3A_162 = arith.addi %scan3A_160, %scan3A_161 : i32
    %scan3A_163 = arith.constant 1 : i32
    %scan3A_164 = scf.for %scan3A_166 = %scan3A_160 to %scan3A_162 step %scan3A_163 iter_args(%scan3A_167 = %scan3A_159) -> (i32)  : i32 {
      %mul3A_168 = arith.constant 3200 : i32
      %mul3A_169 = arith.muli %arg1, %mul3A_168 : i32
      %mul3A_170 = arith.constant 128 : i32
      %mul3A_171 = arith.muli %scan3A_166, %mul3A_170 : i32
      %add3A_172 = arith.addi %mul3A_169, %mul3A_171 : i32
      "tpu.region"() ({
        %run_scoped3A = tpu.sem_alloc : memref<!tpu.dma_semaphore, #tpu.memory_space<semaphore_mem>>
        %dma_start3A_174 = arith.constant 0 : i32
        %dma_start3A_175 = tpu.memref_slice %arg13[%add3A_172, %dma_start3A_174] : memref<51200x24xf32, #tpu.memory_space<vmem_shared>> -> memref<128x24xf32, #tpu.memory_space<vmem_shared>>
        %dma_start3A_176 = arith.constant 0 : i32
        %dma_start3A_177 = tpu.memref_slice %arg13[%add3A_172, %dma_start3A_176] : memref<51200x24xf32, #tpu.memory_space<vmem_shared>> -> memref<128x24xf32, #tpu.memory_space<vmem_shared>>
        tpu.enqueue_dma source(%dma_start3A_177 : memref<128x24xf32, #tpu.memory_space<vmem_shared>>) target(%arg12 : memref<128x24xf32, #tpu.memory_space<vmem>>) target_semaphore(%run_scoped3A : memref<!tpu.dma_semaphore, #tpu.memory_space<semaphore_mem>>)
        %dma_wait3A_178 = arith.constant 0 : i32
        %dma_wait3A_179 = tpu.memref_slice %arg13[%add3A_172, %dma_wait3A_178] : memref<51200x24xf32, #tpu.memory_space<vmem_shared>> -> memref<128x24xf32, #tpu.memory_space<vmem_shared>>
        %dma_wait3A_180 = arith.constant 0 : i32
        %dma_wait3A_181 = tpu.memref_slice %arg13[%add3A_172, %dma_wait3A_180] : memref<51200x24xf32, #tpu.memory_space<vmem_shared>> -> memref<128x24xf32, #tpu.memory_space<vmem_shared>>
        tpu.wait_dma2 semaphore(%run_scoped3A : memref<!tpu.dma_semaphore, #tpu.memory_space<semaphore_mem>>) src(%dma_wait3A_181 : memref<128x24xf32, #tpu.memory_space<vmem_shared>>) dst(%arg12 : memref<128x24xf32, #tpu.memory_space<vmem>>)
        tpu.yield
      }) : () -> ()
      "tpu.region"() ({
        %run_scoped3A = tpu.sem_alloc : memref<!tpu.dma_semaphore, #tpu.memory_space<semaphore_mem>>
        %dma_start3A_174 = arith.constant 0 : i32
        %dma_start3A_175 = tpu.memref_slice %arg6[%arg0, %add3A_172, %dma_start3A_174] : memref<2x51200x24xf32, #tpu.memory_space<hbm>> -> memref<1x128x24xf32, #tpu.memory_space<hbm>>
        %dma_start3A_176 = tpu.memref_squeeze %dma_start3A_175 : memref<1x128x24xf32, #tpu.memory_space<hbm>> -> memref<128x24xf32, #tpu.memory_space<hbm>>
        %dma_start3A_177 = arith.constant 0 : i32
        %dma_start3A_178 = tpu.memref_slice %arg6[%arg0, %add3A_172, %dma_start3A_177] : memref<2x51200x24xf32, #tpu.memory_space<hbm>> -> memref<1x128x24xf32, #tpu.memory_space<hbm>>
        %dma_start3A_179 = tpu.memref_squeeze %dma_start3A_178 : memref<1x128x24xf32, #tpu.memory_space<hbm>> -> memref<128x24xf32, #tpu.memory_space<hbm>>
        tpu.enqueue_dma source(%arg12 : memref<128x24xf32, #tpu.memory_space<vmem>>) target(%dma_start3A_179 : memref<128x24xf32, #tpu.memory_space<hbm>>) target_semaphore(%run_scoped3A : memref<!tpu.dma_semaphore, #tpu.memory_space<semaphore_mem>>)
        %dma_wait3A_180 = arith.constant 0 : i32
        %dma_wait3A_181 = tpu.memref_slice %arg6[%arg0, %add3A_172, %dma_wait3A_180] : memref<2x51200x24xf32, #tpu.memory_space<hbm>> -> memref<1x128x24xf32, #tpu.memory_space<hbm>>
        %dma_wait3A_182 = tpu.memref_squeeze %dma_wait3A_181 : memref<1x128x24xf32, #tpu.memory_space<hbm>> -> memref<128x24xf32, #tpu.memory_space<hbm>>
        %dma_wait3A_183 = arith.constant 0 : i32
        %dma_wait3A_184 = tpu.memref_slice %arg6[%arg0, %add3A_172, %dma_wait3A_183] : memref<2x51200x24xf32, #tpu.memory_space<hbm>> -> memref<1x128x24xf32, #tpu.memory_space<hbm>>
        %dma_wait3A_185 = tpu.memref_squeeze %dma_wait3A_184 : memref<1x128x24xf32, #tpu.memory_space<hbm>> -> memref<128x24xf32, #tpu.memory_space<hbm>>
        tpu.wait_dma2 semaphore(%run_scoped3A : memref<!tpu.dma_semaphore, #tpu.memory_space<semaphore_mem>>) src(%arg12 : memref<128x24xf32, #tpu.memory_space<vmem>>) dst(%dma_wait3A_185 : memref<128x24xf32, #tpu.memory_space<hbm>>)
        tpu.yield
      }) : () -> ()
      %scan3A_173 = arith.constant 0 : i32
      scf.yield %scan3A_173 : i32
    }
    %scan3A_165 = arith.constant 25 : i32
    return
  }
}

#map = affine_map<(d0, d1) -> (0, 0)>
#map1 = affine_map<(d0, d1) -> (0)>
#map2 = affine_map<(d0, d1) -> (0, 0, 0)>
module attributes {stable_mosaic.version = 14 : i64} {
  func.func @_gcn_pass(%arg0: i32, %arg1: i32, %arg2: memref<100352x32xf32, #tpu.memory_space<hbm>>, %arg3: memref<2x802816xi32, #tpu.memory_space<hbm>>, %arg4: memref<802816xi32, #tpu.memory_space<hbm>>, %arg5: memref<2x51200x32xf32, #tpu.memory_space<hbm>>, %arg6: memref<4x256xi32, #tpu.memory_space<vmem>>, %arg7: memref<4x256xi32, #tpu.memory_space<vmem>>, %arg8: memref<2x256x32xf32, #tpu.memory_space<vmem>>, %arg9: memref<128x32xf32, #tpu.memory_space<vmem>>, %arg10: memref<51200x32xf32, #tpu.memory_space<vmem_shared>>, %arg11: memref<!tpu.dma_semaphore, #tpu.memory_space<semaphore_mem>>, %arg12: memref<!tpu.dma_semaphore, #tpu.memory_space<semaphore_mem>>, %arg13: memref<!tpu.dma_semaphore, #tpu.memory_space<semaphore_mem>>) attributes {dimension_semantics = [#tpu.dimension_semantics<core_parallel>, #tpu.dimension_semantics<subcore_parallel>], iteration_bounds = array<i64: 2, 16>, scalar_prefetch = 0 : i64, scratch_operands = 8 : i64, tpu.core_type = #tpu.core_type<sc_vector_subcore>, window_params = [{transform_indices = #map}, {transform_indices = #map}, {transform_indices = #map1}, {transform_indices = #map2}]} {
    %mul3A = arith.constant 50176 : i32
    %mul3A_0 = arith.muli %arg1, %mul3A : i32
    %broadcast_in_dim3A = arith.constant 0.000000e+00 : f32
    %broadcast_in_dim3A_1 = vector.broadcast %broadcast_in_dim3A : f32 to vector<16xf32>
    %scan3A = arith.constant 0 : i32
    %scan3A_2 = arith.constant 0 : i32
    %scan3A_3 = arith.constant 128 : i32
    %scan3A_4 = arith.addi %scan3A_2, %scan3A_3 : i32
    %scan3A_5 = arith.constant 1 : i32
    %scan3A_6 = scf.for %scan3A_123 = %scan3A_2 to %scan3A_4 step %scan3A_5 iter_args(%scan3A_124 = %scan3A) -> (i32)  : i32 {
      %swap3A = arith.index_cast %scan3A_123 : i32 to index
      %swap3A_125 = arith.constant 0 : index
      %swap3A_126 = tpu.vector_load %arg9[%swap3A, %swap3A_125] {strides = array<i32>} : memref<128x32xf32, #tpu.memory_space<vmem>>, vector<1x16xf32>,
      %swap3A_127 = vector.shape_cast %swap3A_126 : vector<1x16xf32> to vector<16xf32>
      %swap3A_128 = vector.shape_cast %broadcast_in_dim3A_1 : vector<16xf32> to vector<1x16xf32>
      tpu.vector_store %arg9[%swap3A, %swap3A_125], %swap3A_128 {strides = array<i32>} : memref<128x32xf32, #tpu.memory_space<vmem>>, vector<1x16xf32>,
      %swap3A_129 = arith.index_cast %scan3A_123 : i32 to index
      %swap3A_130 = arith.constant 16 : index
      %swap3A_131 = tpu.vector_load %arg9[%swap3A_129, %swap3A_130] {strides = array<i32>} : memref<128x32xf32, #tpu.memory_space<vmem>>, vector<1x16xf32>,
      %swap3A_132 = vector.shape_cast %swap3A_131 : vector<1x16xf32> to vector<16xf32>
      %swap3A_133 = vector.shape_cast %broadcast_in_dim3A_1 : vector<16xf32> to vector<1x16xf32>
      tpu.vector_store %arg9[%swap3A_129, %swap3A_130], %swap3A_133 {strides = array<i32>} : memref<128x32xf32, #tpu.memory_space<vmem>>, vector<1x16xf32>,
      %scan3A_134 = arith.constant 0 : i32
      scf.yield %scan3A_134 : i32
    }
    %scan3A_7 = arith.constant 128 : i32
    %scan3A_8 = arith.constant 0 : i32
    %scan3A_9 = arith.constant 0 : i32
    %scan3A_10 = arith.constant 25 : i32
    %scan3A_11 = arith.addi %scan3A_9, %scan3A_10 : i32
    %scan3A_12 = arith.constant 1 : i32
    %scan3A_13 = scf.for %scan3A_123 = %scan3A_9 to %scan3A_11 step %scan3A_12 iter_args(%scan3A_124 = %scan3A_8) -> (i32)  : i32 {
      %mul3A_125 = arith.constant 3200 : i32
      %mul3A_126 = arith.muli %arg1, %mul3A_125 : i32
      %mul3A_127 = arith.constant 128 : i32
      %mul3A_128 = arith.muli %scan3A_123, %mul3A_127 : i32
      %add3A_129 = arith.addi %mul3A_126, %mul3A_128 : i32
      "tpu.region"() ({
        %run_scoped3A = tpu.sem_alloc : memref<!tpu.dma_semaphore, #tpu.memory_space<semaphore_mem>>
        %dma_start3A_131 = arith.constant 0 : i32
        %dma_start3A_132 = tpu.memref_slice %arg10[%add3A_129, %dma_start3A_131] : memref<51200x32xf32, #tpu.memory_space<vmem_shared>> -> memref<128x32xf32, #tpu.memory_space<vmem_shared>>
        %dma_start3A_133 = arith.constant 0 : i32
        %dma_start3A_134 = tpu.memref_slice %arg10[%add3A_129, %dma_start3A_133] : memref<51200x32xf32, #tpu.memory_space<vmem_shared>> -> memref<128x32xf32, #tpu.memory_space<vmem_shared>>
        tpu.enqueue_dma source(%arg9 : memref<128x32xf32, #tpu.memory_space<vmem>>) target(%dma_start3A_134 : memref<128x32xf32, #tpu.memory_space<vmem_shared>>) target_semaphore(%run_scoped3A : memref<!tpu.dma_semaphore, #tpu.memory_space<semaphore_mem>>)
        %dma_wait3A_135 = arith.constant 0 : i32
        %dma_wait3A_136 = tpu.memref_slice %arg10[%add3A_129, %dma_wait3A_135] : memref<51200x32xf32, #tpu.memory_space<vmem_shared>> -> memref<128x32xf32, #tpu.memory_space<vmem_shared>>
        %dma_wait3A_137 = arith.constant 0 : i32
        %dma_wait3A_138 = tpu.memref_slice %arg10[%add3A_129, %dma_wait3A_137] : memref<51200x32xf32, #tpu.memory_space<vmem_shared>> -> memref<128x32xf32, #tpu.memory_space<vmem_shared>>
        tpu.wait_dma2 semaphore(%run_scoped3A : memref<!tpu.dma_semaphore, #tpu.memory_space<semaphore_mem>>) src(%arg9 : memref<128x32xf32, #tpu.memory_space<vmem>>) dst(%dma_wait3A_138 : memref<128x32xf32, #tpu.memory_space<vmem_shared>>)
        tpu.yield
      }) : () -> ()
      %scan3A_130 = arith.constant 0 : i32
      scf.yield %scan3A_130 : i32
    }
    %scan3A_14 = arith.constant 25 : i32
    %barrier3A = arith.constant 0 : index
    tpu.barrier barrier_id(%barrier3A)
    %add3A = arith.constant 0 : i32
    %add3A_15 = arith.addi %mul3A_0, %add3A : i32
    %dma_start3A = arith.constant 0 : i32
    %dma_start3A_16 = arith.constant 0 : i32
    %dma_start3A_17 = tpu.memref_slice %arg6[%dma_start3A, %dma_start3A_16] : memref<4x256xi32, #tpu.memory_space<vmem>> -> memref<1x256xi32, #tpu.memory_space<vmem>>
    %dma_start3A_18 = tpu.memref_squeeze %dma_start3A_17 : memref<1x256xi32, #tpu.memory_space<vmem>> -> memref<256xi32, #tpu.memory_space<vmem>>
    %dma_start3A_19 = tpu.memref_slice %arg3[%arg0, %add3A_15] : memref<2x802816xi32, #tpu.memory_space<hbm>> -> memref<1x256xi32, #tpu.memory_space<hbm>>
    %dma_start3A_20 = tpu.memref_squeeze %dma_start3A_19 : memref<1x256xi32, #tpu.memory_space<hbm>> -> memref<256xi32, #tpu.memory_space<hbm>>
    %dma_start3A_21 = arith.constant 0 : i32
    %dma_start3A_22 = tpu.memref_slice %arg6[%dma_start3A, %dma_start3A_21] : memref<4x256xi32, #tpu.memory_space<vmem>> -> memref<1x256xi32, #tpu.memory_space<vmem>>
    %dma_start3A_23 = tpu.memref_squeeze %dma_start3A_22 : memref<1x256xi32, #tpu.memory_space<vmem>> -> memref<256xi32, #tpu.memory_space<vmem>>
    %dma_start3A_24 = tpu.memref_slice %arg3[%arg0, %add3A_15] : memref<2x802816xi32, #tpu.memory_space<hbm>> -> memref<1x256xi32, #tpu.memory_space<hbm>>
    %dma_start3A_25 = tpu.memref_squeeze %dma_start3A_24 : memref<1x256xi32, #tpu.memory_space<hbm>> -> memref<256xi32, #tpu.memory_space<hbm>>
    tpu.enqueue_dma source(%dma_start3A_25 : memref<256xi32, #tpu.memory_space<hbm>>) target(%dma_start3A_23 : memref<256xi32, #tpu.memory_space<vmem>>) target_semaphore(%arg11 : memref<!tpu.dma_semaphore, #tpu.memory_space<semaphore_mem>>)
    %dma_start3A_26 = arith.constant 0 : i32
    %dma_start3A_27 = arith.constant 0 : i32
    %dma_start3A_28 = tpu.memref_slice %arg7[%dma_start3A_26, %dma_start3A_27] : memref<4x256xi32, #tpu.memory_space<vmem>> -> memref<1x256xi32, #tpu.memory_space<vmem>>
    %dma_start3A_29 = tpu.memref_squeeze %dma_start3A_28 : memref<1x256xi32, #tpu.memory_space<vmem>> -> memref<256xi32, #tpu.memory_space<vmem>>
    %dma_start3A_30 = tpu.memref_slice %arg4[%add3A_15] : memref<802816xi32, #tpu.memory_space<hbm>> -> memref<256xi32, #tpu.memory_space<hbm>>
    %dma_start3A_31 = arith.constant 0 : i32
    %dma_start3A_32 = tpu.memref_slice %arg7[%dma_start3A_26, %dma_start3A_31] : memref<4x256xi32, #tpu.memory_space<vmem>> -> memref<1x256xi32, #tpu.memory_space<vmem>>
    %dma_start3A_33 = tpu.memref_squeeze %dma_start3A_32 : memref<1x256xi32, #tpu.memory_space<vmem>> -> memref<256xi32, #tpu.memory_space<vmem>>
    %dma_start3A_34 = tpu.memref_slice %arg4[%add3A_15] : memref<802816xi32, #tpu.memory_space<hbm>> -> memref<256xi32, #tpu.memory_space<hbm>>
    tpu.enqueue_dma source(%dma_start3A_34 : memref<256xi32, #tpu.memory_space<hbm>>) target(%dma_start3A_33 : memref<256xi32, #tpu.memory_space<vmem>>) target_semaphore(%arg11 : memref<!tpu.dma_semaphore, #tpu.memory_space<semaphore_mem>>)
    %dma_wait3A = arith.constant 0 : i32
    %dma_wait3A_35 = arith.constant 0 : i32
    %dma_wait3A_36 = tpu.memref_slice %arg6[%dma_wait3A, %dma_wait3A_35] : memref<4x256xi32, #tpu.memory_space<vmem>> -> memref<1x256xi32, #tpu.memory_space<vmem>>
    %dma_wait3A_37 = tpu.memref_squeeze %dma_wait3A_36 : memref<1x256xi32, #tpu.memory_space<vmem>> -> memref<256xi32, #tpu.memory_space<vmem>>
    %dma_wait3A_38 = arith.constant 0 : i32
    %dma_wait3A_39 = tpu.memref_slice %arg4[%dma_wait3A_38] : memref<802816xi32, #tpu.memory_space<hbm>> -> memref<256xi32, #tpu.memory_space<hbm>>
    %dma_wait3A_40 = arith.constant 0 : i32
    %dma_wait3A_41 = tpu.memref_slice %arg6[%dma_wait3A, %dma_wait3A_40] : memref<4x256xi32, #tpu.memory_space<vmem>> -> memref<1x256xi32, #tpu.memory_space<vmem>>
    %dma_wait3A_42 = tpu.memref_squeeze %dma_wait3A_41 : memref<1x256xi32, #tpu.memory_space<vmem>> -> memref<256xi32, #tpu.memory_space<vmem>>
    %dma_wait3A_43 = arith.constant 0 : i32
    %dma_wait3A_44 = tpu.memref_slice %arg4[%dma_wait3A_43] : memref<802816xi32, #tpu.memory_space<hbm>> -> memref<256xi32, #tpu.memory_space<hbm>>
    tpu.wait_dma2 semaphore(%arg11 : memref<!tpu.dma_semaphore, #tpu.memory_space<semaphore_mem>>) src(%dma_wait3A_44 : memref<256xi32, #tpu.memory_space<hbm>>) dst(%dma_wait3A_42 : memref<256xi32, #tpu.memory_space<vmem>>)
    %dma_wait3A_45 = arith.constant 0 : i32
    %dma_wait3A_46 = arith.constant 0 : i32
    %dma_wait3A_47 = tpu.memref_slice %arg7[%dma_wait3A_45, %dma_wait3A_46] : memref<4x256xi32, #tpu.memory_space<vmem>> -> memref<1x256xi32, #tpu.memory_space<vmem>>
    %dma_wait3A_48 = tpu.memref_squeeze %dma_wait3A_47 : memref<1x256xi32, #tpu.memory_space<vmem>> -> memref<256xi32, #tpu.memory_space<vmem>>
    %dma_wait3A_49 = arith.constant 0 : i32
    %dma_wait3A_50 = tpu.memref_slice %arg4[%dma_wait3A_49] : memref<802816xi32, #tpu.memory_space<hbm>> -> memref<256xi32, #tpu.memory_space<hbm>>
    %dma_wait3A_51 = arith.constant 0 : i32
    %dma_wait3A_52 = tpu.memref_slice %arg7[%dma_wait3A_45, %dma_wait3A_51] : memref<4x256xi32, #tpu.memory_space<vmem>> -> memref<1x256xi32, #tpu.memory_space<vmem>>
    %dma_wait3A_53 = tpu.memref_squeeze %dma_wait3A_52 : memref<1x256xi32, #tpu.memory_space<vmem>> -> memref<256xi32, #tpu.memory_space<vmem>>
    %dma_wait3A_54 = arith.constant 0 : i32
    %dma_wait3A_55 = tpu.memref_slice %arg4[%dma_wait3A_54] : memref<802816xi32, #tpu.memory_space<hbm>> -> memref<256xi32, #tpu.memory_space<hbm>>
    tpu.wait_dma2 semaphore(%arg11 : memref<!tpu.dma_semaphore, #tpu.memory_space<semaphore_mem>>) src(%dma_wait3A_55 : memref<256xi32, #tpu.memory_space<hbm>>) dst(%dma_wait3A_53 : memref<256xi32, #tpu.memory_space<vmem>>)
    %dma_start3A_56 = arith.constant 0 : i32
    %dma_start3A_57 = arith.constant 0 : i32
    %dma_start3A_58 = arith.constant 0 : i32
    %dma_start3A_59 = arith.constant 0 : i32
    %dma_start3A_60 = tpu.memref_slice %arg8[%dma_start3A_57, %dma_start3A_58, %dma_start3A_59] : memref<2x256x32xf32, #tpu.memory_space<vmem>> -> memref<1x256x32xf32, #tpu.memory_space<vmem>>
    %dma_start3A_61 = tpu.memref_squeeze %dma_start3A_60 : memref<1x256x32xf32, #tpu.memory_space<vmem>> -> memref<256x32xf32, #tpu.memory_space<vmem>>
    %dma_start3A_62 = arith.constant 0 : i32
    %dma_start3A_63 = tpu.memref_slice %arg6[%dma_start3A_56, %dma_start3A_62] : memref<4x256xi32, #tpu.memory_space<vmem>> -> memref<1x256xi32, #tpu.memory_space<vmem>>
    %dma_start3A_64 = tpu.memref_squeeze %dma_start3A_63 : memref<1x256xi32, #tpu.memory_space<vmem>> -> memref<256xi32, #tpu.memory_space<vmem>>
    %dma_start3A_65 = arith.constant 0 : i32
    %dma_start3A_66 = arith.constant 0 : i32
    %dma_start3A_67 = tpu.memref_slice %arg2[%dma_start3A_65, %dma_start3A_66] : memref<100352x32xf32, #tpu.memory_space<hbm>> -> memref<100352x32xf32, #tpu.memory_space<hbm>>
    tpu.enqueue_indirect_dma source(%dma_start3A_67 : memref<100352x32xf32, #tpu.memory_space<hbm>>) target(%dma_start3A_61 : memref<256x32xf32, #tpu.memory_space<vmem>>) offsets(%dma_start3A_64 : memref<256xi32, #tpu.memory_space<vmem>>) semaphore(%arg12 : memref<!tpu.dma_semaphore, #tpu.memory_space<semaphore_mem>>)
    %add3A_68 = arith.constant 256 : i32
    %add3A_69 = arith.addi %mul3A_0, %add3A_68 : i32
    %dma_start3A_70 = arith.constant 1 : i32
    %dma_start3A_71 = arith.constant 0 : i32
    %dma_start3A_72 = tpu.memref_slice %arg6[%dma_start3A_70, %dma_start3A_71] : memref<4x256xi32, #tpu.memory_space<vmem>> -> memref<1x256xi32, #tpu.memory_space<vmem>>
    %dma_start3A_73 = tpu.memref_squeeze %dma_start3A_72 : memref<1x256xi32, #tpu.memory_space<vmem>> -> memref<256xi32, #tpu.memory_space<vmem>>
    %dma_start3A_74 = tpu.memref_slice %arg3[%arg0, %add3A_69] : memref<2x802816xi32, #tpu.memory_space<hbm>> -> memref<1x256xi32, #tpu.memory_space<hbm>>
    %dma_start3A_75 = tpu.memref_squeeze %dma_start3A_74 : memref<1x256xi32, #tpu.memory_space<hbm>> -> memref<256xi32, #tpu.memory_space<hbm>>
    %dma_start3A_76 = arith.constant 0 : i32
    %dma_start3A_77 = tpu.memref_slice %arg6[%dma_start3A_70, %dma_start3A_76] : memref<4x256xi32, #tpu.memory_space<vmem>> -> memref<1x256xi32, #tpu.memory_space<vmem>>
    %dma_start3A_78 = tpu.memref_squeeze %dma_start3A_77 : memref<1x256xi32, #tpu.memory_space<vmem>> -> memref<256xi32, #tpu.memory_space<vmem>>
    %dma_start3A_79 = tpu.memref_slice %arg3[%arg0, %add3A_69] : memref<2x802816xi32, #tpu.memory_space<hbm>> -> memref<1x256xi32, #tpu.memory_space<hbm>>
    %dma_start3A_80 = tpu.memref_squeeze %dma_start3A_79 : memref<1x256xi32, #tpu.memory_space<hbm>> -> memref<256xi32, #tpu.memory_space<hbm>>
    tpu.enqueue_dma source(%dma_start3A_80 : memref<256xi32, #tpu.memory_space<hbm>>) target(%dma_start3A_78 : memref<256xi32, #tpu.memory_space<vmem>>) target_semaphore(%arg11 : memref<!tpu.dma_semaphore, #tpu.memory_space<semaphore_mem>>)
    %dma_start3A_81 = arith.constant 1 : i32
    %dma_start3A_82 = arith.constant 0 : i32
    %dma_start3A_83 = tpu.memref_slice %arg7[%dma_start3A_81, %dma_start3A_82] : memref<4x256xi32, #tpu.memory_space<vmem>> -> memref<1x256xi32, #tpu.memory_space<vmem>>
    %dma_start3A_84 = tpu.memref_squeeze %dma_start3A_83 : memref<1x256xi32, #tpu.memory_space<vmem>> -> memref<256xi32, #tpu.memory_space<vmem>>
    %dma_start3A_85 = tpu.memref_slice %arg4[%add3A_69] : memref<802816xi32, #tpu.memory_space<hbm>> -> memref<256xi32, #tpu.memory_space<hbm>>
    %dma_start3A_86 = arith.constant 0 : i32
    %dma_start3A_87 = tpu.memref_slice %arg7[%dma_start3A_81, %dma_start3A_86] : memref<4x256xi32, #tpu.memory_space<vmem>> -> memref<1x256xi32, #tpu.memory_space<vmem>>
    %dma_start3A_88 = tpu.memref_squeeze %dma_start3A_87 : memref<1x256xi32, #tpu.memory_space<vmem>> -> memref<256xi32, #tpu.memory_space<vmem>>
    %dma_start3A_89 = tpu.memref_slice %arg4[%add3A_69] : memref<802816xi32, #tpu.memory_space<hbm>> -> memref<256xi32, #tpu.memory_space<hbm>>
    tpu.enqueue_dma source(%dma_start3A_89 : memref<256xi32, #tpu.memory_space<hbm>>) target(%dma_start3A_88 : memref<256xi32, #tpu.memory_space<vmem>>) target_semaphore(%arg11 : memref<!tpu.dma_semaphore, #tpu.memory_space<semaphore_mem>>)
    %scan3A_90 = arith.constant 0 : i32
    %scan3A_91 = arith.constant 0 : i32
    %scan3A_92 = arith.constant 196 : i32
    %scan3A_93 = arith.addi %scan3A_91, %scan3A_92 : i32
    %scan3A_94 = arith.constant 1 : i32
    %scan3A_95 = scf.for %scan3A_123 = %scan3A_91 to %scan3A_93 step %scan3A_94 iter_args(%scan3A_124 = %scan3A_90) -> (i32)  : i32 {
      %and3A = arith.constant 1 : i32
      %and3A_125 = arith.andi %scan3A_123, %and3A : i32
      %dma_wait3A_126 = arith.constant 0 : i32
      %dma_wait3A_127 = arith.constant 0 : i32
      %dma_wait3A_128 = tpu.memref_slice %arg8[%and3A_125, %dma_wait3A_126, %dma_wait3A_127] : memref<2x256x32xf32, #tpu.memory_space<vmem>> -> memref<1x256x32xf32, #tpu.memory_space<vmem>>
      %dma_wait3A_129 = tpu.memref_squeeze %dma_wait3A_128 : memref<1x256x32xf32, #tpu.memory_space<vmem>> -> memref<256x32xf32, #tpu.memory_space<vmem>>
      %dma_wait3A_130 = arith.constant 0 : i32
      %dma_wait3A_131 = arith.constant 0 : i32
      %dma_wait3A_132 = tpu.memref_slice %arg2[%dma_wait3A_130, %dma_wait3A_131] : memref<100352x32xf32, #tpu.memory_space<hbm>> -> memref<256x32xf32, #tpu.memory_space<hbm>>
      %dma_wait3A_133 = arith.constant 0 : i32
      %dma_wait3A_134 = arith.constant 0 : i32
      %dma_wait3A_135 = tpu.memref_slice %arg8[%and3A_125, %dma_wait3A_133, %dma_wait3A_134] : memref<2x256x32xf32, #tpu.memory_space<vmem>> -> memref<1x256x32xf32, #tpu.memory_space<vmem>>
      %dma_wait3A_136 = tpu.memref_squeeze %dma_wait3A_135 : memref<1x256x32xf32, #tpu.memory_space<vmem>> -> memref<256x32xf32, #tpu.memory_space<vmem>>
      %dma_wait3A_137 = arith.constant 0 : i32
      %dma_wait3A_138 = arith.constant 0 : i32
      %dma_wait3A_139 = tpu.memref_slice %arg2[%dma_wait3A_137, %dma_wait3A_138] : memref<100352x32xf32, #tpu.memory_space<hbm>> -> memref<256x32xf32, #tpu.memory_space<hbm>>
      tpu.wait_dma2 semaphore(%arg12 : memref<!tpu.dma_semaphore, #tpu.memory_space<semaphore_mem>>) src(%dma_wait3A_139 : memref<256x32xf32, #tpu.memory_space<hbm>>) dst(%dma_wait3A_136 : memref<256x32xf32, #tpu.memory_space<vmem>>)
      %ge3A = arith.constant 1 : i32
      %ge3A_140 = arith.cmpi sge, %scan3A_123, %ge3A : i32
      %convert_element_type3A = arith.extui %ge3A_140 : i1 to i32
      %cond3A = arith.constant 0 : i32
      %cond3A_141 = arith.cmpi ne, %convert_element_type3A, %cond3A : i32
      scf.if %cond3A_141 {
        %sub3A = arith.constant 1 : i32
        %sub3A_168 = arith.subi %sub3A, %and3A_125 : i32
        %dma_wait3A_169 = arith.constant 0 : i32
        %dma_wait3A_170 = arith.constant 0 : i32
        %dma_wait3A_171 = arith.constant 0 : i32
        %dma_wait3A_172 = tpu.memref_slice %arg8[%sub3A_168, %dma_wait3A_170, %dma_wait3A_171] : memref<2x256x32xf32, #tpu.memory_space<vmem>> -> memref<1x256x32xf32, #tpu.memory_space<vmem>>
        %dma_wait3A_173 = tpu.memref_squeeze %dma_wait3A_172 : memref<1x256x32xf32, #tpu.memory_space<vmem>> -> memref<256x32xf32, #tpu.memory_space<vmem>>
        %dma_wait3A_174 = arith.constant 0 : i32
        %dma_wait3A_175 = arith.constant 0 : i32
        %dma_wait3A_176 = tpu.memref_slice %arg5[%dma_wait3A_169, %dma_wait3A_174, %dma_wait3A_175] : memref<2x51200x32xf32, #tpu.memory_space<hbm>> -> memref<1x256x32xf32, #tpu.memory_space<hbm>>
        %dma_wait3A_177 = tpu.memref_squeeze %dma_wait3A_176 : memref<1x256x32xf32, #tpu.memory_space<hbm>> -> memref<256x32xf32, #tpu.memory_space<hbm>>
        %dma_wait3A_178 = arith.constant 0 : i32
        %dma_wait3A_179 = arith.constant 0 : i32
        %dma_wait3A_180 = tpu.memref_slice %arg8[%sub3A_168, %dma_wait3A_178, %dma_wait3A_179] : memref<2x256x32xf32, #tpu.memory_space<vmem>> -> memref<1x256x32xf32, #tpu.memory_space<vmem>>
        %dma_wait3A_181 = tpu.memref_squeeze %dma_wait3A_180 : memref<1x256x32xf32, #tpu.memory_space<vmem>> -> memref<256x32xf32, #tpu.memory_space<vmem>>
        %dma_wait3A_182 = arith.constant 0 : i32
        %dma_wait3A_183 = arith.constant 0 : i32
        %dma_wait3A_184 = tpu.memref_slice %arg5[%dma_wait3A_169, %dma_wait3A_182, %dma_wait3A_183] : memref<2x51200x32xf32, #tpu.memory_space<hbm>> -> memref<1x256x32xf32, #tpu.memory_space<hbm>>
        %dma_wait3A_185 = tpu.memref_squeeze %dma_wait3A_184 : memref<1x256x32xf32, #tpu.memory_space<hbm>> -> memref<256x32xf32, #tpu.memory_space<hbm>>
        tpu.wait_dma2 semaphore(%arg13 : memref<!tpu.dma_semaphore, #tpu.memory_space<semaphore_mem>>) src(%dma_wait3A_185 : memref<256x32xf32, #tpu.memory_space<hbm>>) dst(%dma_wait3A_181 : memref<256x32xf32, #tpu.memory_space<vmem>>)
      } else {
      }
      %add3A_142 = arith.constant 2 : i32
      %add3A_143 = arith.addi %scan3A_123, %add3A_142 : i32
      %lt3A = arith.constant 196 : i32
      %lt3A_144 = arith.cmpi slt, %add3A_143, %lt3A : i32
      %convert_element_type3A_145 = arith.extui %lt3A_144 : i1 to i32
      %cond3A_146 = arith.constant 0 : i32
      %cond3A_147 = arith.cmpi ne, %convert_element_type3A_145, %cond3A_146 : i32
      scf.if %cond3A_147 {
        %add3A_168 = arith.constant 2 : i32
        %add3A_169 = arith.addi %scan3A_123, %add3A_168 : i32
        %and3A_170 = arith.constant 3 : i32
        %and3A_171 = arith.andi %add3A_169, %and3A_170 : i32
        %mul3A_172 = arith.constant 256 : i32
        %mul3A_173 = arith.muli %add3A_169, %mul3A_172 : i32
        %add3A_174 = arith.addi %mul3A_0, %mul3A_173 : i32
        %dma_start3A_175 = arith.constant 0 : i32
        %dma_start3A_176 = tpu.memref_slice %arg6[%and3A_171, %dma_start3A_175] : memref<4x256xi32, #tpu.memory_space<vmem>> -> memref<1x256xi32, #tpu.memory_space<vmem>>
        %dma_start3A_177 = tpu.memref_squeeze %dma_start3A_176 : memref<1x256xi32, #tpu.memory_space<vmem>> -> memref<256xi32, #tpu.memory_space<vmem>>
        %dma_start3A_178 = tpu.memref_slice %arg3[%arg0, %add3A_174] : memref<2x802816xi32, #tpu.memory_space<hbm>> -> memref<1x256xi32, #tpu.memory_space<hbm>>
        %dma_start3A_179 = tpu.memref_squeeze %dma_start3A_178 : memref<1x256xi32, #tpu.memory_space<hbm>> -> memref<256xi32, #tpu.memory_space<hbm>>
        %dma_start3A_180 = arith.constant 0 : i32
        %dma_start3A_181 = tpu.memref_slice %arg6[%and3A_171, %dma_start3A_180] : memref<4x256xi32, #tpu.memory_space<vmem>> -> memref<1x256xi32, #tpu.memory_space<vmem>>
        %dma_start3A_182 = tpu.memref_squeeze %dma_start3A_181 : memref<1x256xi32, #tpu.memory_space<vmem>> -> memref<256xi32, #tpu.memory_space<vmem>>
        %dma_start3A_183 = tpu.memref_slice %arg3[%arg0, %add3A_174] : memref<2x802816xi32, #tpu.memory_space<hbm>> -> memref<1x256xi32, #tpu.memory_space<hbm>>
        %dma_start3A_184 = tpu.memref_squeeze %dma_start3A_183 : memref<1x256xi32, #tpu.memory_space<hbm>> -> memref<256xi32, #tpu.memory_space<hbm>>
        tpu.enqueue_dma source(%dma_start3A_184 : memref<256xi32, #tpu.memory_space<hbm>>) target(%dma_start3A_182 : memref<256xi32, #tpu.memory_space<vmem>>) target_semaphore(%arg11 : memref<!tpu.dma_semaphore, #tpu.memory_space<semaphore_mem>>)
        %dma_start3A_185 = arith.constant 0 : i32
        %dma_start3A_186 = tpu.memref_slice %arg7[%and3A_171, %dma_start3A_185] : memref<4x256xi32, #tpu.memory_space<vmem>> -> memref<1x256xi32, #tpu.memory_space<vmem>>
        %dma_start3A_187 = tpu.memref_squeeze %dma_start3A_186 : memref<1x256xi32, #tpu.memory_space<vmem>> -> memref<256xi32, #tpu.memory_space<vmem>>
        %dma_start3A_188 = tpu.memref_slice %arg4[%add3A_174] : memref<802816xi32, #tpu.memory_space<hbm>> -> memref<256xi32, #tpu.memory_space<hbm>>
        %dma_start3A_189 = arith.constant 0 : i32
        %dma_start3A_190 = tpu.memref_slice %arg7[%and3A_171, %dma_start3A_189] : memref<4x256xi32, #tpu.memory_space<vmem>> -> memref<1x256xi32, #tpu.memory_space<vmem>>
        %dma_start3A_191 = tpu.memref_squeeze %dma_start3A_190 : memref<1x256xi32, #tpu.memory_space<vmem>> -> memref<256xi32, #tpu.memory_space<vmem>>
        %dma_start3A_192 = tpu.memref_slice %arg4[%add3A_174] : memref<802816xi32, #tpu.memory_space<hbm>> -> memref<256xi32, #tpu.memory_space<hbm>>
        tpu.enqueue_dma source(%dma_start3A_192 : memref<256xi32, #tpu.memory_space<hbm>>) target(%dma_start3A_191 : memref<256xi32, #tpu.memory_space<vmem>>) target_semaphore(%arg11 : memref<!tpu.dma_semaphore, #tpu.memory_space<semaphore_mem>>)
      } else {
      }
      %add3A_148 = arith.constant 1 : i32
      %add3A_149 = arith.addi %scan3A_123, %add3A_148 : i32
      %lt3A_150 = arith.constant 196 : i32
      %lt3A_151 = arith.cmpi slt, %add3A_149, %lt3A_150 : i32
      %convert_element_type3A_152 = arith.extui %lt3A_151 : i1 to i32
      %cond3A_153 = arith.constant 0 : i32
      %cond3A_154 = arith.cmpi ne, %convert_element_type3A_152, %cond3A_153 : i32
      scf.if %cond3A_154 {
        %add3A_168 = arith.constant 1 : i32
        %add3A_169 = arith.addi %scan3A_123, %add3A_168 : i32
        %and3A_170 = arith.constant 3 : i32
        %and3A_171 = arith.andi %add3A_169, %and3A_170 : i32
        %dma_wait3A_172 = arith.constant 0 : i32
        %dma_wait3A_173 = tpu.memref_slice %arg6[%and3A_171, %dma_wait3A_172] : memref<4x256xi32, #tpu.memory_space<vmem>> -> memref<1x256xi32, #tpu.memory_space<vmem>>
        %dma_wait3A_174 = tpu.memref_squeeze %dma_wait3A_173 : memref<1x256xi32, #tpu.memory_space<vmem>> -> memref<256xi32, #tpu.memory_space<vmem>>
        %dma_wait3A_175 = arith.constant 0 : i32
        %dma_wait3A_176 = tpu.memref_slice %arg4[%dma_wait3A_175] : memref<802816xi32, #tpu.memory_space<hbm>> -> memref<256xi32, #tpu.memory_space<hbm>>
        %dma_wait3A_177 = arith.constant 0 : i32
        %dma_wait3A_178 = tpu.memref_slice %arg6[%and3A_171, %dma_wait3A_177] : memref<4x256xi32, #tpu.memory_space<vmem>> -> memref<1x256xi32, #tpu.memory_space<vmem>>
        %dma_wait3A_179 = tpu.memref_squeeze %dma_wait3A_178 : memref<1x256xi32, #tpu.memory_space<vmem>> -> memref<256xi32, #tpu.memory_space<vmem>>
        %dma_wait3A_180 = arith.constant 0 : i32
        %dma_wait3A_181 = tpu.memref_slice %arg4[%dma_wait3A_180] : memref<802816xi32, #tpu.memory_space<hbm>> -> memref<256xi32, #tpu.memory_space<hbm>>
        tpu.wait_dma2 semaphore(%arg11 : memref<!tpu.dma_semaphore, #tpu.memory_space<semaphore_mem>>) src(%dma_wait3A_181 : memref<256xi32, #tpu.memory_space<hbm>>) dst(%dma_wait3A_179 : memref<256xi32, #tpu.memory_space<vmem>>)
        %dma_wait3A_182 = arith.constant 0 : i32
        %dma_wait3A_183 = tpu.memref_slice %arg7[%and3A_171, %dma_wait3A_182] : memref<4x256xi32, #tpu.memory_space<vmem>> -> memref<1x256xi32, #tpu.memory_space<vmem>>
        %dma_wait3A_184 = tpu.memref_squeeze %dma_wait3A_183 : memref<1x256xi32, #tpu.memory_space<vmem>> -> memref<256xi32, #tpu.memory_space<vmem>>
        %dma_wait3A_185 = arith.constant 0 : i32
        %dma_wait3A_186 = tpu.memref_slice %arg4[%dma_wait3A_185] : memref<802816xi32, #tpu.memory_space<hbm>> -> memref<256xi32, #tpu.memory_space<hbm>>
        %dma_wait3A_187 = arith.constant 0 : i32
        %dma_wait3A_188 = tpu.memref_slice %arg7[%and3A_171, %dma_wait3A_187] : memref<4x256xi32, #tpu.memory_space<vmem>> -> memref<1x256xi32, #tpu.memory_space<vmem>>
        %dma_wait3A_189 = tpu.memref_squeeze %dma_wait3A_188 : memref<1x256xi32, #tpu.memory_space<vmem>> -> memref<256xi32, #tpu.memory_space<vmem>>
        %dma_wait3A_190 = arith.constant 0 : i32
        %dma_wait3A_191 = tpu.memref_slice %arg4[%dma_wait3A_190] : memref<802816xi32, #tpu.memory_space<hbm>> -> memref<256xi32, #tpu.memory_space<hbm>>
        tpu.wait_dma2 semaphore(%arg11 : memref<!tpu.dma_semaphore, #tpu.memory_space<semaphore_mem>>) src(%dma_wait3A_191 : memref<256xi32, #tpu.memory_space<hbm>>) dst(%dma_wait3A_189 : memref<256xi32, #tpu.memory_space<vmem>>)
        %add3A_192 = arith.constant 1 : i32
        %add3A_193 = arith.addi %scan3A_123, %add3A_192 : i32
        %and3A_194 = arith.constant 3 : i32
        %and3A_195 = arith.andi %add3A_193, %and3A_194 : i32
        %sub3A = arith.constant 1 : i32
        %sub3A_196 = arith.subi %sub3A, %and3A_125 : i32
        %dma_start3A_197 = arith.constant 0 : i32
        %dma_start3A_198 = arith.constant 0 : i32
        %dma_start3A_199 = tpu.memref_slice %arg8[%sub3A_196, %dma_start3A_197, %dma_start3A_198] : memref<2x256x32xf32, #tpu.memory_space<vmem>> -> memref<1x256x32xf32, #tpu.memory_space<vmem>>
        %dma_start3A_200 = tpu.memref_squeeze %dma_start3A_199 : memref<1x256x32xf32, #tpu.memory_space<vmem>> -> memref<256x32xf32, #tpu.memory_space<vmem>>
        %dma_start3A_201 = arith.constant 0 : i32
        %dma_start3A_202 = tpu.memref_slice %arg6[%and3A_195, %dma_start3A_201] : memref<4x256xi32, #tpu.memory_space<vmem>> -> memref<1x256xi32, #tpu.memory_space<vmem>>
        %dma_start3A_203 = tpu.memref_squeeze %dma_start3A_202 : memref<1x256xi32, #tpu.memory_space<vmem>> -> memref<256xi32, #tpu.memory_space<vmem>>
        %dma_start3A_204 = arith.constant 0 : i32
        %dma_start3A_205 = arith.constant 0 : i32
        %dma_start3A_206 = tpu.memref_slice %arg2[%dma_start3A_204, %dma_start3A_205] : memref<100352x32xf32, #tpu.memory_space<hbm>> -> memref<100352x32xf32, #tpu.memory_space<hbm>>
        tpu.enqueue_indirect_dma source(%dma_start3A_206 : memref<100352x32xf32, #tpu.memory_space<hbm>>) target(%dma_start3A_200 : memref<256x32xf32, #tpu.memory_space<vmem>>) offsets(%dma_start3A_203 : memref<256xi32, #tpu.memory_space<vmem>>) semaphore(%arg12 : memref<!tpu.dma_semaphore, #tpu.memory_space<semaphore_mem>>)
      } else {
      }
      %and3A_155 = arith.constant 3 : i32
      %and3A_156 = arith.andi %scan3A_123, %and3A_155 : i32
      %dma_start3A_157 = arith.constant 0 : i32
      %dma_start3A_158 = arith.constant 0 : i32
      %dma_start3A_159 = tpu.memref_slice %arg8[%and3A_125, %dma_start3A_157, %dma_start3A_158] : memref<2x256x32xf32, #tpu.memory_space<vmem>> -> memref<1x256x32xf32, #tpu.memory_space<vmem>>
      %dma_start3A_160 = tpu.memref_squeeze %dma_start3A_159 : memref<1x256x32xf32, #tpu.memory_space<vmem>> -> memref<256x32xf32, #tpu.memory_space<vmem>>
      %dma_start3A_161 = arith.constant 0 : i32
      %dma_start3A_162 = tpu.memref_slice %arg7[%and3A_156, %dma_start3A_161] : memref<4x256xi32, #tpu.memory_space<vmem>> -> memref<1x256xi32, #tpu.memory_space<vmem>>
      %dma_start3A_163 = tpu.memref_squeeze %dma_start3A_162 : memref<1x256xi32, #tpu.memory_space<vmem>> -> memref<256xi32, #tpu.memory_space<vmem>>
      %dma_start3A_164 = arith.constant 0 : i32
      %dma_start3A_165 = arith.constant 0 : i32
      %dma_start3A_166 = tpu.memref_slice %arg10[%dma_start3A_164, %dma_start3A_165] : memref<51200x32xf32, #tpu.memory_space<vmem_shared>> -> memref<51200x32xf32, #tpu.memory_space<vmem_shared>>
      tpu.enqueue_indirect_dma source(%dma_start3A_160 : memref<256x32xf32, #tpu.memory_space<vmem>>) target(%dma_start3A_166 : memref<51200x32xf32, #tpu.memory_space<vmem_shared>>) offsets(%dma_start3A_163 : memref<256xi32, #tpu.memory_space<vmem>>) semaphore(%arg13 : memref<!tpu.dma_semaphore, #tpu.memory_space<semaphore_mem>>) {add = true}
      %scan3A_167 = arith.constant 0 : i32
      scf.yield %scan3A_167 : i32
    }
    %scan3A_96 = arith.constant 196 : i32
    %dma_wait3A_97 = arith.constant 0 : i32
    %dma_wait3A_98 = arith.constant 0 : i32
    %dma_wait3A_99 = arith.constant 0 : i32
    %dma_wait3A_100 = arith.constant 0 : i32
    %dma_wait3A_101 = tpu.memref_slice %arg8[%dma_wait3A_98, %dma_wait3A_99, %dma_wait3A_100] : memref<2x256x32xf32, #tpu.memory_space<vmem>> -> memref<1x256x32xf32, #tpu.memory_space<vmem>>
    %dma_wait3A_102 = tpu.memref_squeeze %dma_wait3A_101 : memref<1x256x32xf32, #tpu.memory_space<vmem>> -> memref<256x32xf32, #tpu.memory_space<vmem>>
    %dma_wait3A_103 = arith.constant 0 : i32
    %dma_wait3A_104 = arith.constant 0 : i32
    %dma_wait3A_105 = tpu.memref_slice %arg5[%dma_wait3A_97, %dma_wait3A_103, %dma_wait3A_104] : memref<2x51200x32xf32, #tpu.memory_space<hbm>> -> memref<1x256x32xf32, #tpu.memory_space<hbm>>
    %dma_wait3A_106 = tpu.memref_squeeze %dma_wait3A_105 : memref<1x256x32xf32, #tpu.memory_space<hbm>> -> memref<256x32xf32, #tpu.memory_space<hbm>>
    %dma_wait3A_107 = arith.constant 0 : i32
    %dma_wait3A_108 = arith.constant 0 : i32
    %dma_wait3A_109 = tpu.memref_slice %arg8[%dma_wait3A_98, %dma_wait3A_107, %dma_wait3A_108] : memref<2x256x32xf32, #tpu.memory_space<vmem>> -> memref<1x256x32xf32, #tpu.memory_space<vmem>>
    %dma_wait3A_110 = tpu.memref_squeeze %dma_wait3A_109 : memref<1x256x32xf32, #tpu.memory_space<vmem>> -> memref<256x32xf32, #tpu.memory_space<vmem>>
    %dma_wait3A_111 = arith.constant 0 : i32
    %dma_wait3A_112 = arith.constant 0 : i32
    %dma_wait3A_113 = tpu.memref_slice %arg5[%dma_wait3A_97, %dma_wait3A_111, %dma_wait3A_112] : memref<2x51200x32xf32, #tpu.memory_space<hbm>> -> memref<1x256x32xf32, #tpu.memory_space<hbm>>
    %dma_wait3A_114 = tpu.memref_squeeze %dma_wait3A_113 : memref<1x256x32xf32, #tpu.memory_space<hbm>> -> memref<256x32xf32, #tpu.memory_space<hbm>>
    tpu.wait_dma2 semaphore(%arg13 : memref<!tpu.dma_semaphore, #tpu.memory_space<semaphore_mem>>) src(%dma_wait3A_114 : memref<256x32xf32, #tpu.memory_space<hbm>>) dst(%dma_wait3A_110 : memref<256x32xf32, #tpu.memory_space<vmem>>)
    %barrier3A_115 = arith.constant 0 : index
    tpu.barrier barrier_id(%barrier3A_115)
    %scan3A_116 = arith.constant 0 : i32
    %scan3A_117 = arith.constant 0 : i32
    %scan3A_118 = arith.constant 25 : i32
    %scan3A_119 = arith.addi %scan3A_117, %scan3A_118 : i32
    %scan3A_120 = arith.constant 1 : i32
    %scan3A_121 = scf.for %scan3A_123 = %scan3A_117 to %scan3A_119 step %scan3A_120 iter_args(%scan3A_124 = %scan3A_116) -> (i32)  : i32 {
      %mul3A_125 = arith.constant 3200 : i32
      %mul3A_126 = arith.muli %arg1, %mul3A_125 : i32
      %mul3A_127 = arith.constant 128 : i32
      %mul3A_128 = arith.muli %scan3A_123, %mul3A_127 : i32
      %add3A_129 = arith.addi %mul3A_126, %mul3A_128 : i32
      "tpu.region"() ({
        %run_scoped3A = tpu.sem_alloc : memref<!tpu.dma_semaphore, #tpu.memory_space<semaphore_mem>>
        %dma_start3A_131 = arith.constant 0 : i32
        %dma_start3A_132 = tpu.memref_slice %arg10[%add3A_129, %dma_start3A_131] : memref<51200x32xf32, #tpu.memory_space<vmem_shared>> -> memref<128x32xf32, #tpu.memory_space<vmem_shared>>
        %dma_start3A_133 = arith.constant 0 : i32
        %dma_start3A_134 = tpu.memref_slice %arg10[%add3A_129, %dma_start3A_133] : memref<51200x32xf32, #tpu.memory_space<vmem_shared>> -> memref<128x32xf32, #tpu.memory_space<vmem_shared>>
        tpu.enqueue_dma source(%dma_start3A_134 : memref<128x32xf32, #tpu.memory_space<vmem_shared>>) target(%arg9 : memref<128x32xf32, #tpu.memory_space<vmem>>) target_semaphore(%run_scoped3A : memref<!tpu.dma_semaphore, #tpu.memory_space<semaphore_mem>>)
        %dma_wait3A_135 = arith.constant 0 : i32
        %dma_wait3A_136 = tpu.memref_slice %arg10[%add3A_129, %dma_wait3A_135] : memref<51200x32xf32, #tpu.memory_space<vmem_shared>> -> memref<128x32xf32, #tpu.memory_space<vmem_shared>>
        %dma_wait3A_137 = arith.constant 0 : i32
        %dma_wait3A_138 = tpu.memref_slice %arg10[%add3A_129, %dma_wait3A_137] : memref<51200x32xf32, #tpu.memory_space<vmem_shared>> -> memref<128x32xf32, #tpu.memory_space<vmem_shared>>
        tpu.wait_dma2 semaphore(%run_scoped3A : memref<!tpu.dma_semaphore, #tpu.memory_space<semaphore_mem>>) src(%dma_wait3A_138 : memref<128x32xf32, #tpu.memory_space<vmem_shared>>) dst(%arg9 : memref<128x32xf32, #tpu.memory_space<vmem>>)
        tpu.yield
      }) : () -> ()
      "tpu.region"() ({
        %run_scoped3A = tpu.sem_alloc : memref<!tpu.dma_semaphore, #tpu.memory_space<semaphore_mem>>
        %dma_start3A_131 = arith.constant 0 : i32
        %dma_start3A_132 = tpu.memref_slice %arg5[%arg0, %add3A_129, %dma_start3A_131] : memref<2x51200x32xf32, #tpu.memory_space<hbm>> -> memref<1x128x32xf32, #tpu.memory_space<hbm>>
        %dma_start3A_133 = tpu.memref_squeeze %dma_start3A_132 : memref<1x128x32xf32, #tpu.memory_space<hbm>> -> memref<128x32xf32, #tpu.memory_space<hbm>>
        %dma_start3A_134 = arith.constant 0 : i32
        %dma_start3A_135 = tpu.memref_slice %arg5[%arg0, %add3A_129, %dma_start3A_134] : memref<2x51200x32xf32, #tpu.memory_space<hbm>> -> memref<1x128x32xf32, #tpu.memory_space<hbm>>
        %dma_start3A_136 = tpu.memref_squeeze %dma_start3A_135 : memref<1x128x32xf32, #tpu.memory_space<hbm>> -> memref<128x32xf32, #tpu.memory_space<hbm>>
        tpu.enqueue_dma source(%arg9 : memref<128x32xf32, #tpu.memory_space<vmem>>) target(%dma_start3A_136 : memref<128x32xf32, #tpu.memory_space<hbm>>) target_semaphore(%run_scoped3A : memref<!tpu.dma_semaphore, #tpu.memory_space<semaphore_mem>>)
        %dma_wait3A_137 = arith.constant 0 : i32
        %dma_wait3A_138 = tpu.memref_slice %arg5[%arg0, %add3A_129, %dma_wait3A_137] : memref<2x51200x32xf32, #tpu.memory_space<hbm>> -> memref<1x128x32xf32, #tpu.memory_space<hbm>>
        %dma_wait3A_139 = tpu.memref_squeeze %dma_wait3A_138 : memref<1x128x32xf32, #tpu.memory_space<hbm>> -> memref<128x32xf32, #tpu.memory_space<hbm>>
        %dma_wait3A_140 = arith.constant 0 : i32
        %dma_wait3A_141 = tpu.memref_slice %arg5[%arg0, %add3A_129, %dma_wait3A_140] : memref<2x51200x32xf32, #tpu.memory_space<hbm>> -> memref<1x128x32xf32, #tpu.memory_space<hbm>>
        %dma_wait3A_142 = tpu.memref_squeeze %dma_wait3A_141 : memref<1x128x32xf32, #tpu.memory_space<hbm>> -> memref<128x32xf32, #tpu.memory_space<hbm>>
        tpu.wait_dma2 semaphore(%run_scoped3A : memref<!tpu.dma_semaphore, #tpu.memory_space<semaphore_mem>>) src(%arg9 : memref<128x32xf32, #tpu.memory_space<vmem>>) dst(%dma_wait3A_142 : memref<128x32xf32, #tpu.memory_space<hbm>>)
        tpu.yield
      }) : () -> ()
      %scan3A_130 = arith.constant 0 : i32
      scf.yield %scan3A_130 : i32
    }
    %scan3A_122 = arith.constant 25 : i32
    return
  }
}

#map = affine_map<(d0, d1) -> (0, 0)>
#map1 = affine_map<(d0, d1) -> (0)>
#map2 = affine_map<(d0, d1) -> (0, 0, 0)>
module attributes {stable_mosaic.version = 14 : i64} {
  func.func @_gcn_pass(%arg0: i32, %arg1: i32, %arg2: memref<100352x32xf32, #tpu.memory_space<hbm>>, %arg3: memref<2x802816xi32, #tpu.memory_space<hbm>>, %arg4: memref<802816xi32, #tpu.memory_space<hbm>>, %arg5: memref<2x51200x32xf32, #tpu.memory_space<hbm>>, %arg6: memref<4x256xi32, #tpu.memory_space<vmem>>, %arg7: memref<4x256xi32, #tpu.memory_space<vmem>>, %arg8: memref<2x256x32xf32, #tpu.memory_space<vmem>>, %arg9: memref<128x32xf32, #tpu.memory_space<vmem>>, %arg10: memref<51200x32xf32, #tpu.memory_space<vmem_shared>>, %arg11: memref<!tpu.dma_semaphore, #tpu.memory_space<semaphore_mem>>, %arg12: memref<!tpu.dma_semaphore, #tpu.memory_space<semaphore_mem>>, %arg13: memref<!tpu.dma_semaphore, #tpu.memory_space<semaphore_mem>>) attributes {dimension_semantics = [#tpu.dimension_semantics<core_parallel>, #tpu.dimension_semantics<subcore_parallel>], iteration_bounds = array<i64: 2, 16>, scalar_prefetch = 0 : i64, scratch_operands = 8 : i64, tpu.core_type = #tpu.core_type<sc_vector_subcore>, window_params = [{transform_indices = #map}, {transform_indices = #map}, {transform_indices = #map1}, {transform_indices = #map2}]} {
    %mul3A = arith.constant 50176 : i32
    %mul3A_0 = arith.muli %arg1, %mul3A : i32
    %broadcast_in_dim3A = arith.constant 0.000000e+00 : f32
    %broadcast_in_dim3A_1 = vector.broadcast %broadcast_in_dim3A : f32 to vector<16xf32>
    %scan3A = arith.constant 0 : i32
    %scan3A_2 = arith.constant 0 : i32
    %scan3A_3 = arith.constant 128 : i32
    %scan3A_4 = arith.addi %scan3A_2, %scan3A_3 : i32
    %scan3A_5 = arith.constant 1 : i32
    %scan3A_6 = scf.for %scan3A_123 = %scan3A_2 to %scan3A_4 step %scan3A_5 iter_args(%scan3A_124 = %scan3A) -> (i32)  : i32 {
      %swap3A = arith.index_cast %scan3A_123 : i32 to index
      %swap3A_125 = arith.constant 0 : index
      %swap3A_126 = tpu.vector_load %arg9[%swap3A, %swap3A_125] {strides = array<i32>} : memref<128x32xf32, #tpu.memory_space<vmem>>, vector<1x16xf32>,
      %swap3A_127 = vector.shape_cast %swap3A_126 : vector<1x16xf32> to vector<16xf32>
      %swap3A_128 = vector.shape_cast %broadcast_in_dim3A_1 : vector<16xf32> to vector<1x16xf32>
      tpu.vector_store %arg9[%swap3A, %swap3A_125], %swap3A_128 {strides = array<i32>} : memref<128x32xf32, #tpu.memory_space<vmem>>, vector<1x16xf32>,
      %swap3A_129 = arith.index_cast %scan3A_123 : i32 to index
      %swap3A_130 = arith.constant 16 : index
      %swap3A_131 = tpu.vector_load %arg9[%swap3A_129, %swap3A_130] {strides = array<i32>} : memref<128x32xf32, #tpu.memory_space<vmem>>, vector<1x16xf32>,
      %swap3A_132 = vector.shape_cast %swap3A_131 : vector<1x16xf32> to vector<16xf32>
      %swap3A_133 = vector.shape_cast %broadcast_in_dim3A_1 : vector<16xf32> to vector<1x16xf32>
      tpu.vector_store %arg9[%swap3A_129, %swap3A_130], %swap3A_133 {strides = array<i32>} : memref<128x32xf32, #tpu.memory_space<vmem>>, vector<1x16xf32>,
      %scan3A_134 = arith.constant 0 : i32
      scf.yield %scan3A_134 : i32
    }
    %scan3A_7 = arith.constant 128 : i32
    %scan3A_8 = arith.constant 0 : i32
    %scan3A_9 = arith.constant 0 : i32
    %scan3A_10 = arith.constant 25 : i32
    %scan3A_11 = arith.addi %scan3A_9, %scan3A_10 : i32
    %scan3A_12 = arith.constant 1 : i32
    %scan3A_13 = scf.for %scan3A_123 = %scan3A_9 to %scan3A_11 step %scan3A_12 iter_args(%scan3A_124 = %scan3A_8) -> (i32)  : i32 {
      %mul3A_125 = arith.constant 3200 : i32
      %mul3A_126 = arith.muli %arg1, %mul3A_125 : i32
      %mul3A_127 = arith.constant 128 : i32
      %mul3A_128 = arith.muli %scan3A_123, %mul3A_127 : i32
      %add3A_129 = arith.addi %mul3A_126, %mul3A_128 : i32
      "tpu.region"() ({
        %run_scoped3A = tpu.sem_alloc : memref<!tpu.dma_semaphore, #tpu.memory_space<semaphore_mem>>
        %dma_start3A_131 = arith.constant 0 : i32
        %dma_start3A_132 = tpu.memref_slice %arg10[%add3A_129, %dma_start3A_131] : memref<51200x32xf32, #tpu.memory_space<vmem_shared>> -> memref<128x32xf32, #tpu.memory_space<vmem_shared>>
        %dma_start3A_133 = arith.constant 0 : i32
        %dma_start3A_134 = tpu.memref_slice %arg10[%add3A_129, %dma_start3A_133] : memref<51200x32xf32, #tpu.memory_space<vmem_shared>> -> memref<128x32xf32, #tpu.memory_space<vmem_shared>>
        tpu.enqueue_dma source(%arg9 : memref<128x32xf32, #tpu.memory_space<vmem>>) target(%dma_start3A_134 : memref<128x32xf32, #tpu.memory_space<vmem_shared>>) target_semaphore(%run_scoped3A : memref<!tpu.dma_semaphore, #tpu.memory_space<semaphore_mem>>)
        %dma_wait3A_135 = arith.constant 0 : i32
        %dma_wait3A_136 = tpu.memref_slice %arg10[%add3A_129, %dma_wait3A_135] : memref<51200x32xf32, #tpu.memory_space<vmem_shared>> -> memref<128x32xf32, #tpu.memory_space<vmem_shared>>
        %dma_wait3A_137 = arith.constant 0 : i32
        %dma_wait3A_138 = tpu.memref_slice %arg10[%add3A_129, %dma_wait3A_137] : memref<51200x32xf32, #tpu.memory_space<vmem_shared>> -> memref<128x32xf32, #tpu.memory_space<vmem_shared>>
        tpu.wait_dma2 semaphore(%run_scoped3A : memref<!tpu.dma_semaphore, #tpu.memory_space<semaphore_mem>>) src(%arg9 : memref<128x32xf32, #tpu.memory_space<vmem>>) dst(%dma_wait3A_138 : memref<128x32xf32, #tpu.memory_space<vmem_shared>>)
        tpu.yield
      }) : () -> ()
      %scan3A_130 = arith.constant 0 : i32
      scf.yield %scan3A_130 : i32
    }
    %scan3A_14 = arith.constant 25 : i32
    %barrier3A = arith.constant 0 : index
    tpu.barrier barrier_id(%barrier3A)
    %add3A = arith.constant 0 : i32
    %add3A_15 = arith.addi %mul3A_0, %add3A : i32
    %dma_start3A = arith.constant 0 : i32
    %dma_start3A_16 = arith.constant 0 : i32
    %dma_start3A_17 = tpu.memref_slice %arg6[%dma_start3A, %dma_start3A_16] : memref<4x256xi32, #tpu.memory_space<vmem>> -> memref<1x256xi32, #tpu.memory_space<vmem>>
    %dma_start3A_18 = tpu.memref_squeeze %dma_start3A_17 : memref<1x256xi32, #tpu.memory_space<vmem>> -> memref<256xi32, #tpu.memory_space<vmem>>
    %dma_start3A_19 = tpu.memref_slice %arg3[%arg0, %add3A_15] : memref<2x802816xi32, #tpu.memory_space<hbm>> -> memref<1x256xi32, #tpu.memory_space<hbm>>
    %dma_start3A_20 = tpu.memref_squeeze %dma_start3A_19 : memref<1x256xi32, #tpu.memory_space<hbm>> -> memref<256xi32, #tpu.memory_space<hbm>>
    %dma_start3A_21 = arith.constant 0 : i32
    %dma_start3A_22 = tpu.memref_slice %arg6[%dma_start3A, %dma_start3A_21] : memref<4x256xi32, #tpu.memory_space<vmem>> -> memref<1x256xi32, #tpu.memory_space<vmem>>
    %dma_start3A_23 = tpu.memref_squeeze %dma_start3A_22 : memref<1x256xi32, #tpu.memory_space<vmem>> -> memref<256xi32, #tpu.memory_space<vmem>>
    %dma_start3A_24 = tpu.memref_slice %arg3[%arg0, %add3A_15] : memref<2x802816xi32, #tpu.memory_space<hbm>> -> memref<1x256xi32, #tpu.memory_space<hbm>>
    %dma_start3A_25 = tpu.memref_squeeze %dma_start3A_24 : memref<1x256xi32, #tpu.memory_space<hbm>> -> memref<256xi32, #tpu.memory_space<hbm>>
    tpu.enqueue_dma source(%dma_start3A_25 : memref<256xi32, #tpu.memory_space<hbm>>) target(%dma_start3A_23 : memref<256xi32, #tpu.memory_space<vmem>>) target_semaphore(%arg11 : memref<!tpu.dma_semaphore, #tpu.memory_space<semaphore_mem>>)
    %dma_start3A_26 = arith.constant 0 : i32
    %dma_start3A_27 = arith.constant 0 : i32
    %dma_start3A_28 = tpu.memref_slice %arg7[%dma_start3A_26, %dma_start3A_27] : memref<4x256xi32, #tpu.memory_space<vmem>> -> memref<1x256xi32, #tpu.memory_space<vmem>>
    %dma_start3A_29 = tpu.memref_squeeze %dma_start3A_28 : memref<1x256xi32, #tpu.memory_space<vmem>> -> memref<256xi32, #tpu.memory_space<vmem>>
    %dma_start3A_30 = tpu.memref_slice %arg4[%add3A_15] : memref<802816xi32, #tpu.memory_space<hbm>> -> memref<256xi32, #tpu.memory_space<hbm>>
    %dma_start3A_31 = arith.constant 0 : i32
    %dma_start3A_32 = tpu.memref_slice %arg7[%dma_start3A_26, %dma_start3A_31] : memref<4x256xi32, #tpu.memory_space<vmem>> -> memref<1x256xi32, #tpu.memory_space<vmem>>
    %dma_start3A_33 = tpu.memref_squeeze %dma_start3A_32 : memref<1x256xi32, #tpu.memory_space<vmem>> -> memref<256xi32, #tpu.memory_space<vmem>>
    %dma_start3A_34 = tpu.memref_slice %arg4[%add3A_15] : memref<802816xi32, #tpu.memory_space<hbm>> -> memref<256xi32, #tpu.memory_space<hbm>>
    tpu.enqueue_dma source(%dma_start3A_34 : memref<256xi32, #tpu.memory_space<hbm>>) target(%dma_start3A_33 : memref<256xi32, #tpu.memory_space<vmem>>) target_semaphore(%arg11 : memref<!tpu.dma_semaphore, #tpu.memory_space<semaphore_mem>>)
    %dma_wait3A = arith.constant 0 : i32
    %dma_wait3A_35 = arith.constant 0 : i32
    %dma_wait3A_36 = tpu.memref_slice %arg6[%dma_wait3A, %dma_wait3A_35] : memref<4x256xi32, #tpu.memory_space<vmem>> -> memref<1x256xi32, #tpu.memory_space<vmem>>
    %dma_wait3A_37 = tpu.memref_squeeze %dma_wait3A_36 : memref<1x256xi32, #tpu.memory_space<vmem>> -> memref<256xi32, #tpu.memory_space<vmem>>
    %dma_wait3A_38 = arith.constant 0 : i32
    %dma_wait3A_39 = tpu.memref_slice %arg4[%dma_wait3A_38] : memref<802816xi32, #tpu.memory_space<hbm>> -> memref<256xi32, #tpu.memory_space<hbm>>
    %dma_wait3A_40 = arith.constant 0 : i32
    %dma_wait3A_41 = tpu.memref_slice %arg6[%dma_wait3A, %dma_wait3A_40] : memref<4x256xi32, #tpu.memory_space<vmem>> -> memref<1x256xi32, #tpu.memory_space<vmem>>
    %dma_wait3A_42 = tpu.memref_squeeze %dma_wait3A_41 : memref<1x256xi32, #tpu.memory_space<vmem>> -> memref<256xi32, #tpu.memory_space<vmem>>
    %dma_wait3A_43 = arith.constant 0 : i32
    %dma_wait3A_44 = tpu.memref_slice %arg4[%dma_wait3A_43] : memref<802816xi32, #tpu.memory_space<hbm>> -> memref<256xi32, #tpu.memory_space<hbm>>
    tpu.wait_dma2 semaphore(%arg11 : memref<!tpu.dma_semaphore, #tpu.memory_space<semaphore_mem>>) src(%dma_wait3A_44 : memref<256xi32, #tpu.memory_space<hbm>>) dst(%dma_wait3A_42 : memref<256xi32, #tpu.memory_space<vmem>>)
    %dma_wait3A_45 = arith.constant 0 : i32
    %dma_wait3A_46 = arith.constant 0 : i32
    %dma_wait3A_47 = tpu.memref_slice %arg7[%dma_wait3A_45, %dma_wait3A_46] : memref<4x256xi32, #tpu.memory_space<vmem>> -> memref<1x256xi32, #tpu.memory_space<vmem>>
    %dma_wait3A_48 = tpu.memref_squeeze %dma_wait3A_47 : memref<1x256xi32, #tpu.memory_space<vmem>> -> memref<256xi32, #tpu.memory_space<vmem>>
    %dma_wait3A_49 = arith.constant 0 : i32
    %dma_wait3A_50 = tpu.memref_slice %arg4[%dma_wait3A_49] : memref<802816xi32, #tpu.memory_space<hbm>> -> memref<256xi32, #tpu.memory_space<hbm>>
    %dma_wait3A_51 = arith.constant 0 : i32
    %dma_wait3A_52 = tpu.memref_slice %arg7[%dma_wait3A_45, %dma_wait3A_51] : memref<4x256xi32, #tpu.memory_space<vmem>> -> memref<1x256xi32, #tpu.memory_space<vmem>>
    %dma_wait3A_53 = tpu.memref_squeeze %dma_wait3A_52 : memref<1x256xi32, #tpu.memory_space<vmem>> -> memref<256xi32, #tpu.memory_space<vmem>>
    %dma_wait3A_54 = arith.constant 0 : i32
    %dma_wait3A_55 = tpu.memref_slice %arg4[%dma_wait3A_54] : memref<802816xi32, #tpu.memory_space<hbm>> -> memref<256xi32, #tpu.memory_space<hbm>>
    tpu.wait_dma2 semaphore(%arg11 : memref<!tpu.dma_semaphore, #tpu.memory_space<semaphore_mem>>) src(%dma_wait3A_55 : memref<256xi32, #tpu.memory_space<hbm>>) dst(%dma_wait3A_53 : memref<256xi32, #tpu.memory_space<vmem>>)
    %dma_start3A_56 = arith.constant 0 : i32
    %dma_start3A_57 = arith.constant 0 : i32
    %dma_start3A_58 = arith.constant 0 : i32
    %dma_start3A_59 = arith.constant 0 : i32
    %dma_start3A_60 = tpu.memref_slice %arg8[%dma_start3A_57, %dma_start3A_58, %dma_start3A_59] : memref<2x256x32xf32, #tpu.memory_space<vmem>> -> memref<1x256x32xf32, #tpu.memory_space<vmem>>
    %dma_start3A_61 = tpu.memref_squeeze %dma_start3A_60 : memref<1x256x32xf32, #tpu.memory_space<vmem>> -> memref<256x32xf32, #tpu.memory_space<vmem>>
    %dma_start3A_62 = arith.constant 0 : i32
    %dma_start3A_63 = tpu.memref_slice %arg6[%dma_start3A_56, %dma_start3A_62] : memref<4x256xi32, #tpu.memory_space<vmem>> -> memref<1x256xi32, #tpu.memory_space<vmem>>
    %dma_start3A_64 = tpu.memref_squeeze %dma_start3A_63 : memref<1x256xi32, #tpu.memory_space<vmem>> -> memref<256xi32, #tpu.memory_space<vmem>>
    %dma_start3A_65 = arith.constant 0 : i32
    %dma_start3A_66 = arith.constant 0 : i32
    %dma_start3A_67 = tpu.memref_slice %arg2[%dma_start3A_65, %dma_start3A_66] : memref<100352x32xf32, #tpu.memory_space<hbm>> -> memref<100352x32xf32, #tpu.memory_space<hbm>>
    tpu.enqueue_indirect_dma source(%dma_start3A_67 : memref<100352x32xf32, #tpu.memory_space<hbm>>) target(%dma_start3A_61 : memref<256x32xf32, #tpu.memory_space<vmem>>) offsets(%dma_start3A_64 : memref<256xi32, #tpu.memory_space<vmem>>) semaphore(%arg12 : memref<!tpu.dma_semaphore, #tpu.memory_space<semaphore_mem>>)
    %add3A_68 = arith.constant 256 : i32
    %add3A_69 = arith.addi %mul3A_0, %add3A_68 : i32
    %dma_start3A_70 = arith.constant 1 : i32
    %dma_start3A_71 = arith.constant 0 : i32
    %dma_start3A_72 = tpu.memref_slice %arg6[%dma_start3A_70, %dma_start3A_71] : memref<4x256xi32, #tpu.memory_space<vmem>> -> memref<1x256xi32, #tpu.memory_space<vmem>>
    %dma_start3A_73 = tpu.memref_squeeze %dma_start3A_72 : memref<1x256xi32, #tpu.memory_space<vmem>> -> memref<256xi32, #tpu.memory_space<vmem>>
    %dma_start3A_74 = tpu.memref_slice %arg3[%arg0, %add3A_69] : memref<2x802816xi32, #tpu.memory_space<hbm>> -> memref<1x256xi32, #tpu.memory_space<hbm>>
    %dma_start3A_75 = tpu.memref_squeeze %dma_start3A_74 : memref<1x256xi32, #tpu.memory_space<hbm>> -> memref<256xi32, #tpu.memory_space<hbm>>
    %dma_start3A_76 = arith.constant 0 : i32
    %dma_start3A_77 = tpu.memref_slice %arg6[%dma_start3A_70, %dma_start3A_76] : memref<4x256xi32, #tpu.memory_space<vmem>> -> memref<1x256xi32, #tpu.memory_space<vmem>>
    %dma_start3A_78 = tpu.memref_squeeze %dma_start3A_77 : memref<1x256xi32, #tpu.memory_space<vmem>> -> memref<256xi32, #tpu.memory_space<vmem>>
    %dma_start3A_79 = tpu.memref_slice %arg3[%arg0, %add3A_69] : memref<2x802816xi32, #tpu.memory_space<hbm>> -> memref<1x256xi32, #tpu.memory_space<hbm>>
    %dma_start3A_80 = tpu.memref_squeeze %dma_start3A_79 : memref<1x256xi32, #tpu.memory_space<hbm>> -> memref<256xi32, #tpu.memory_space<hbm>>
    tpu.enqueue_dma source(%dma_start3A_80 : memref<256xi32, #tpu.memory_space<hbm>>) target(%dma_start3A_78 : memref<256xi32, #tpu.memory_space<vmem>>) target_semaphore(%arg11 : memref<!tpu.dma_semaphore, #tpu.memory_space<semaphore_mem>>)
    %dma_start3A_81 = arith.constant 1 : i32
    %dma_start3A_82 = arith.constant 0 : i32
    %dma_start3A_83 = tpu.memref_slice %arg7[%dma_start3A_81, %dma_start3A_82] : memref<4x256xi32, #tpu.memory_space<vmem>> -> memref<1x256xi32, #tpu.memory_space<vmem>>
    %dma_start3A_84 = tpu.memref_squeeze %dma_start3A_83 : memref<1x256xi32, #tpu.memory_space<vmem>> -> memref<256xi32, #tpu.memory_space<vmem>>
    %dma_start3A_85 = tpu.memref_slice %arg4[%add3A_69] : memref<802816xi32, #tpu.memory_space<hbm>> -> memref<256xi32, #tpu.memory_space<hbm>>
    %dma_start3A_86 = arith.constant 0 : i32
    %dma_start3A_87 = tpu.memref_slice %arg7[%dma_start3A_81, %dma_start3A_86] : memref<4x256xi32, #tpu.memory_space<vmem>> -> memref<1x256xi32, #tpu.memory_space<vmem>>
    %dma_start3A_88 = tpu.memref_squeeze %dma_start3A_87 : memref<1x256xi32, #tpu.memory_space<vmem>> -> memref<256xi32, #tpu.memory_space<vmem>>
    %dma_start3A_89 = tpu.memref_slice %arg4[%add3A_69] : memref<802816xi32, #tpu.memory_space<hbm>> -> memref<256xi32, #tpu.memory_space<hbm>>
    tpu.enqueue_dma source(%dma_start3A_89 : memref<256xi32, #tpu.memory_space<hbm>>) target(%dma_start3A_88 : memref<256xi32, #tpu.memory_space<vmem>>) target_semaphore(%arg11 : memref<!tpu.dma_semaphore, #tpu.memory_space<semaphore_mem>>)
    %scan3A_90 = arith.constant 0 : i32
    %scan3A_91 = arith.constant 0 : i32
    %scan3A_92 = arith.constant 196 : i32
    %scan3A_93 = arith.addi %scan3A_91, %scan3A_92 : i32
    %scan3A_94 = arith.constant 1 : i32
    %scan3A_95 = scf.for %scan3A_123 = %scan3A_91 to %scan3A_93 step %scan3A_94 iter_args(%scan3A_124 = %scan3A_90) -> (i32)  : i32 {
      %and3A = arith.constant 1 : i32
      %and3A_125 = arith.andi %scan3A_123, %and3A : i32
      %dma_wait3A_126 = arith.constant 0 : i32
      %dma_wait3A_127 = arith.constant 0 : i32
      %dma_wait3A_128 = tpu.memref_slice %arg8[%and3A_125, %dma_wait3A_126, %dma_wait3A_127] : memref<2x256x32xf32, #tpu.memory_space<vmem>> -> memref<1x256x32xf32, #tpu.memory_space<vmem>>
      %dma_wait3A_129 = tpu.memref_squeeze %dma_wait3A_128 : memref<1x256x32xf32, #tpu.memory_space<vmem>> -> memref<256x32xf32, #tpu.memory_space<vmem>>
      %dma_wait3A_130 = arith.constant 0 : i32
      %dma_wait3A_131 = arith.constant 0 : i32
      %dma_wait3A_132 = tpu.memref_slice %arg2[%dma_wait3A_130, %dma_wait3A_131] : memref<100352x32xf32, #tpu.memory_space<hbm>> -> memref<256x32xf32, #tpu.memory_space<hbm>>
      %dma_wait3A_133 = arith.constant 0 : i32
      %dma_wait3A_134 = arith.constant 0 : i32
      %dma_wait3A_135 = tpu.memref_slice %arg8[%and3A_125, %dma_wait3A_133, %dma_wait3A_134] : memref<2x256x32xf32, #tpu.memory_space<vmem>> -> memref<1x256x32xf32, #tpu.memory_space<vmem>>
      %dma_wait3A_136 = tpu.memref_squeeze %dma_wait3A_135 : memref<1x256x32xf32, #tpu.memory_space<vmem>> -> memref<256x32xf32, #tpu.memory_space<vmem>>
      %dma_wait3A_137 = arith.constant 0 : i32
      %dma_wait3A_138 = arith.constant 0 : i32
      %dma_wait3A_139 = tpu.memref_slice %arg2[%dma_wait3A_137, %dma_wait3A_138] : memref<100352x32xf32, #tpu.memory_space<hbm>> -> memref<256x32xf32, #tpu.memory_space<hbm>>
      tpu.wait_dma2 semaphore(%arg12 : memref<!tpu.dma_semaphore, #tpu.memory_space<semaphore_mem>>) src(%dma_wait3A_139 : memref<256x32xf32, #tpu.memory_space<hbm>>) dst(%dma_wait3A_136 : memref<256x32xf32, #tpu.memory_space<vmem>>)
      %ge3A = arith.constant 1 : i32
      %ge3A_140 = arith.cmpi sge, %scan3A_123, %ge3A : i32
      %convert_element_type3A = arith.extui %ge3A_140 : i1 to i32
      %cond3A = arith.constant 0 : i32
      %cond3A_141 = arith.cmpi ne, %convert_element_type3A, %cond3A : i32
      scf.if %cond3A_141 {
        %sub3A = arith.constant 1 : i32
        %sub3A_168 = arith.subi %sub3A, %and3A_125 : i32
        %dma_wait3A_169 = arith.constant 0 : i32
        %dma_wait3A_170 = arith.constant 0 : i32
        %dma_wait3A_171 = arith.constant 0 : i32
        %dma_wait3A_172 = tpu.memref_slice %arg8[%sub3A_168, %dma_wait3A_170, %dma_wait3A_171] : memref<2x256x32xf32, #tpu.memory_space<vmem>> -> memref<1x256x32xf32, #tpu.memory_space<vmem>>
        %dma_wait3A_173 = tpu.memref_squeeze %dma_wait3A_172 : memref<1x256x32xf32, #tpu.memory_space<vmem>> -> memref<256x32xf32, #tpu.memory_space<vmem>>
        %dma_wait3A_174 = arith.constant 0 : i32
        %dma_wait3A_175 = arith.constant 0 : i32
        %dma_wait3A_176 = tpu.memref_slice %arg5[%dma_wait3A_169, %dma_wait3A_174, %dma_wait3A_175] : memref<2x51200x32xf32, #tpu.memory_space<hbm>> -> memref<1x256x32xf32, #tpu.memory_space<hbm>>
        %dma_wait3A_177 = tpu.memref_squeeze %dma_wait3A_176 : memref<1x256x32xf32, #tpu.memory_space<hbm>> -> memref<256x32xf32, #tpu.memory_space<hbm>>
        %dma_wait3A_178 = arith.constant 0 : i32
        %dma_wait3A_179 = arith.constant 0 : i32
        %dma_wait3A_180 = tpu.memref_slice %arg8[%sub3A_168, %dma_wait3A_178, %dma_wait3A_179] : memref<2x256x32xf32, #tpu.memory_space<vmem>> -> memref<1x256x32xf32, #tpu.memory_space<vmem>>
        %dma_wait3A_181 = tpu.memref_squeeze %dma_wait3A_180 : memref<1x256x32xf32, #tpu.memory_space<vmem>> -> memref<256x32xf32, #tpu.memory_space<vmem>>
        %dma_wait3A_182 = arith.constant 0 : i32
        %dma_wait3A_183 = arith.constant 0 : i32
        %dma_wait3A_184 = tpu.memref_slice %arg5[%dma_wait3A_169, %dma_wait3A_182, %dma_wait3A_183] : memref<2x51200x32xf32, #tpu.memory_space<hbm>> -> memref<1x256x32xf32, #tpu.memory_space<hbm>>
        %dma_wait3A_185 = tpu.memref_squeeze %dma_wait3A_184 : memref<1x256x32xf32, #tpu.memory_space<hbm>> -> memref<256x32xf32, #tpu.memory_space<hbm>>
        tpu.wait_dma2 semaphore(%arg13 : memref<!tpu.dma_semaphore, #tpu.memory_space<semaphore_mem>>) src(%dma_wait3A_185 : memref<256x32xf32, #tpu.memory_space<hbm>>) dst(%dma_wait3A_181 : memref<256x32xf32, #tpu.memory_space<vmem>>)
      } else {
      }
      %add3A_142 = arith.constant 2 : i32
      %add3A_143 = arith.addi %scan3A_123, %add3A_142 : i32
      %lt3A = arith.constant 196 : i32
      %lt3A_144 = arith.cmpi slt, %add3A_143, %lt3A : i32
      %convert_element_type3A_145 = arith.extui %lt3A_144 : i1 to i32
      %cond3A_146 = arith.constant 0 : i32
      %cond3A_147 = arith.cmpi ne, %convert_element_type3A_145, %cond3A_146 : i32
      scf.if %cond3A_147 {
        %add3A_168 = arith.constant 2 : i32
        %add3A_169 = arith.addi %scan3A_123, %add3A_168 : i32
        %and3A_170 = arith.constant 3 : i32
        %and3A_171 = arith.andi %add3A_169, %and3A_170 : i32
        %mul3A_172 = arith.constant 256 : i32
        %mul3A_173 = arith.muli %add3A_169, %mul3A_172 : i32
        %add3A_174 = arith.addi %mul3A_0, %mul3A_173 : i32
        %dma_start3A_175 = arith.constant 0 : i32
        %dma_start3A_176 = tpu.memref_slice %arg6[%and3A_171, %dma_start3A_175] : memref<4x256xi32, #tpu.memory_space<vmem>> -> memref<1x256xi32, #tpu.memory_space<vmem>>
        %dma_start3A_177 = tpu.memref_squeeze %dma_start3A_176 : memref<1x256xi32, #tpu.memory_space<vmem>> -> memref<256xi32, #tpu.memory_space<vmem>>
        %dma_start3A_178 = tpu.memref_slice %arg3[%arg0, %add3A_174] : memref<2x802816xi32, #tpu.memory_space<hbm>> -> memref<1x256xi32, #tpu.memory_space<hbm>>
        %dma_start3A_179 = tpu.memref_squeeze %dma_start3A_178 : memref<1x256xi32, #tpu.memory_space<hbm>> -> memref<256xi32, #tpu.memory_space<hbm>>
        %dma_start3A_180 = arith.constant 0 : i32
        %dma_start3A_181 = tpu.memref_slice %arg6[%and3A_171, %dma_start3A_180] : memref<4x256xi32, #tpu.memory_space<vmem>> -> memref<1x256xi32, #tpu.memory_space<vmem>>
        %dma_start3A_182 = tpu.memref_squeeze %dma_start3A_181 : memref<1x256xi32, #tpu.memory_space<vmem>> -> memref<256xi32, #tpu.memory_space<vmem>>
        %dma_start3A_183 = tpu.memref_slice %arg3[%arg0, %add3A_174] : memref<2x802816xi32, #tpu.memory_space<hbm>> -> memref<1x256xi32, #tpu.memory_space<hbm>>
        %dma_start3A_184 = tpu.memref_squeeze %dma_start3A_183 : memref<1x256xi32, #tpu.memory_space<hbm>> -> memref<256xi32, #tpu.memory_space<hbm>>
        tpu.enqueue_dma source(%dma_start3A_184 : memref<256xi32, #tpu.memory_space<hbm>>) target(%dma_start3A_182 : memref<256xi32, #tpu.memory_space<vmem>>) target_semaphore(%arg11 : memref<!tpu.dma_semaphore, #tpu.memory_space<semaphore_mem>>)
        %dma_start3A_185 = arith.constant 0 : i32
        %dma_start3A_186 = tpu.memref_slice %arg7[%and3A_171, %dma_start3A_185] : memref<4x256xi32, #tpu.memory_space<vmem>> -> memref<1x256xi32, #tpu.memory_space<vmem>>
        %dma_start3A_187 = tpu.memref_squeeze %dma_start3A_186 : memref<1x256xi32, #tpu.memory_space<vmem>> -> memref<256xi32, #tpu.memory_space<vmem>>
        %dma_start3A_188 = tpu.memref_slice %arg4[%add3A_174] : memref<802816xi32, #tpu.memory_space<hbm>> -> memref<256xi32, #tpu.memory_space<hbm>>
        %dma_start3A_189 = arith.constant 0 : i32
        %dma_start3A_190 = tpu.memref_slice %arg7[%and3A_171, %dma_start3A_189] : memref<4x256xi32, #tpu.memory_space<vmem>> -> memref<1x256xi32, #tpu.memory_space<vmem>>
        %dma_start3A_191 = tpu.memref_squeeze %dma_start3A_190 : memref<1x256xi32, #tpu.memory_space<vmem>> -> memref<256xi32, #tpu.memory_space<vmem>>
        %dma_start3A_192 = tpu.memref_slice %arg4[%add3A_174] : memref<802816xi32, #tpu.memory_space<hbm>> -> memref<256xi32, #tpu.memory_space<hbm>>
        tpu.enqueue_dma source(%dma_start3A_192 : memref<256xi32, #tpu.memory_space<hbm>>) target(%dma_start3A_191 : memref<256xi32, #tpu.memory_space<vmem>>) target_semaphore(%arg11 : memref<!tpu.dma_semaphore, #tpu.memory_space<semaphore_mem>>)
      } else {
      }
      %add3A_148 = arith.constant 1 : i32
      %add3A_149 = arith.addi %scan3A_123, %add3A_148 : i32
      %lt3A_150 = arith.constant 196 : i32
      %lt3A_151 = arith.cmpi slt, %add3A_149, %lt3A_150 : i32
      %convert_element_type3A_152 = arith.extui %lt3A_151 : i1 to i32
      %cond3A_153 = arith.constant 0 : i32
      %cond3A_154 = arith.cmpi ne, %convert_element_type3A_152, %cond3A_153 : i32
      scf.if %cond3A_154 {
        %add3A_168 = arith.constant 1 : i32
        %add3A_169 = arith.addi %scan3A_123, %add3A_168 : i32
        %and3A_170 = arith.constant 3 : i32
        %and3A_171 = arith.andi %add3A_169, %and3A_170 : i32
        %dma_wait3A_172 = arith.constant 0 : i32
        %dma_wait3A_173 = tpu.memref_slice %arg6[%and3A_171, %dma_wait3A_172] : memref<4x256xi32, #tpu.memory_space<vmem>> -> memref<1x256xi32, #tpu.memory_space<vmem>>
        %dma_wait3A_174 = tpu.memref_squeeze %dma_wait3A_173 : memref<1x256xi32, #tpu.memory_space<vmem>> -> memref<256xi32, #tpu.memory_space<vmem>>
        %dma_wait3A_175 = arith.constant 0 : i32
        %dma_wait3A_176 = tpu.memref_slice %arg4[%dma_wait3A_175] : memref<802816xi32, #tpu.memory_space<hbm>> -> memref<256xi32, #tpu.memory_space<hbm>>
        %dma_wait3A_177 = arith.constant 0 : i32
        %dma_wait3A_178 = tpu.memref_slice %arg6[%and3A_171, %dma_wait3A_177] : memref<4x256xi32, #tpu.memory_space<vmem>> -> memref<1x256xi32, #tpu.memory_space<vmem>>
        %dma_wait3A_179 = tpu.memref_squeeze %dma_wait3A_178 : memref<1x256xi32, #tpu.memory_space<vmem>> -> memref<256xi32, #tpu.memory_space<vmem>>
        %dma_wait3A_180 = arith.constant 0 : i32
        %dma_wait3A_181 = tpu.memref_slice %arg4[%dma_wait3A_180] : memref<802816xi32, #tpu.memory_space<hbm>> -> memref<256xi32, #tpu.memory_space<hbm>>
        tpu.wait_dma2 semaphore(%arg11 : memref<!tpu.dma_semaphore, #tpu.memory_space<semaphore_mem>>) src(%dma_wait3A_181 : memref<256xi32, #tpu.memory_space<hbm>>) dst(%dma_wait3A_179 : memref<256xi32, #tpu.memory_space<vmem>>)
        %dma_wait3A_182 = arith.constant 0 : i32
        %dma_wait3A_183 = tpu.memref_slice %arg7[%and3A_171, %dma_wait3A_182] : memref<4x256xi32, #tpu.memory_space<vmem>> -> memref<1x256xi32, #tpu.memory_space<vmem>>
        %dma_wait3A_184 = tpu.memref_squeeze %dma_wait3A_183 : memref<1x256xi32, #tpu.memory_space<vmem>> -> memref<256xi32, #tpu.memory_space<vmem>>
        %dma_wait3A_185 = arith.constant 0 : i32
        %dma_wait3A_186 = tpu.memref_slice %arg4[%dma_wait3A_185] : memref<802816xi32, #tpu.memory_space<hbm>> -> memref<256xi32, #tpu.memory_space<hbm>>
        %dma_wait3A_187 = arith.constant 0 : i32
        %dma_wait3A_188 = tpu.memref_slice %arg7[%and3A_171, %dma_wait3A_187] : memref<4x256xi32, #tpu.memory_space<vmem>> -> memref<1x256xi32, #tpu.memory_space<vmem>>
        %dma_wait3A_189 = tpu.memref_squeeze %dma_wait3A_188 : memref<1x256xi32, #tpu.memory_space<vmem>> -> memref<256xi32, #tpu.memory_space<vmem>>
        %dma_wait3A_190 = arith.constant 0 : i32
        %dma_wait3A_191 = tpu.memref_slice %arg4[%dma_wait3A_190] : memref<802816xi32, #tpu.memory_space<hbm>> -> memref<256xi32, #tpu.memory_space<hbm>>
        tpu.wait_dma2 semaphore(%arg11 : memref<!tpu.dma_semaphore, #tpu.memory_space<semaphore_mem>>) src(%dma_wait3A_191 : memref<256xi32, #tpu.memory_space<hbm>>) dst(%dma_wait3A_189 : memref<256xi32, #tpu.memory_space<vmem>>)
        %add3A_192 = arith.constant 1 : i32
        %add3A_193 = arith.addi %scan3A_123, %add3A_192 : i32
        %and3A_194 = arith.constant 3 : i32
        %and3A_195 = arith.andi %add3A_193, %and3A_194 : i32
        %sub3A = arith.constant 1 : i32
        %sub3A_196 = arith.subi %sub3A, %and3A_125 : i32
        %dma_start3A_197 = arith.constant 0 : i32
        %dma_start3A_198 = arith.constant 0 : i32
        %dma_start3A_199 = tpu.memref_slice %arg8[%sub3A_196, %dma_start3A_197, %dma_start3A_198] : memref<2x256x32xf32, #tpu.memory_space<vmem>> -> memref<1x256x32xf32, #tpu.memory_space<vmem>>
        %dma_start3A_200 = tpu.memref_squeeze %dma_start3A_199 : memref<1x256x32xf32, #tpu.memory_space<vmem>> -> memref<256x32xf32, #tpu.memory_space<vmem>>
        %dma_start3A_201 = arith.constant 0 : i32
        %dma_start3A_202 = tpu.memref_slice %arg6[%and3A_195, %dma_start3A_201] : memref<4x256xi32, #tpu.memory_space<vmem>> -> memref<1x256xi32, #tpu.memory_space<vmem>>
        %dma_start3A_203 = tpu.memref_squeeze %dma_start3A_202 : memref<1x256xi32, #tpu.memory_space<vmem>> -> memref<256xi32, #tpu.memory_space<vmem>>
        %dma_start3A_204 = arith.constant 0 : i32
        %dma_start3A_205 = arith.constant 0 : i32
        %dma_start3A_206 = tpu.memref_slice %arg2[%dma_start3A_204, %dma_start3A_205] : memref<100352x32xf32, #tpu.memory_space<hbm>> -> memref<100352x32xf32, #tpu.memory_space<hbm>>
        tpu.enqueue_indirect_dma source(%dma_start3A_206 : memref<100352x32xf32, #tpu.memory_space<hbm>>) target(%dma_start3A_200 : memref<256x32xf32, #tpu.memory_space<vmem>>) offsets(%dma_start3A_203 : memref<256xi32, #tpu.memory_space<vmem>>) semaphore(%arg12 : memref<!tpu.dma_semaphore, #tpu.memory_space<semaphore_mem>>)
      } else {
      }
      %and3A_155 = arith.constant 3 : i32
      %and3A_156 = arith.andi %scan3A_123, %and3A_155 : i32
      %dma_start3A_157 = arith.constant 0 : i32
      %dma_start3A_158 = arith.constant 0 : i32
      %dma_start3A_159 = tpu.memref_slice %arg8[%and3A_125, %dma_start3A_157, %dma_start3A_158] : memref<2x256x32xf32, #tpu.memory_space<vmem>> -> memref<1x256x32xf32, #tpu.memory_space<vmem>>
      %dma_start3A_160 = tpu.memref_squeeze %dma_start3A_159 : memref<1x256x32xf32, #tpu.memory_space<vmem>> -> memref<256x32xf32, #tpu.memory_space<vmem>>
      %dma_start3A_161 = arith.constant 0 : i32
      %dma_start3A_162 = tpu.memref_slice %arg7[%and3A_156, %dma_start3A_161] : memref<4x256xi32, #tpu.memory_space<vmem>> -> memref<1x256xi32, #tpu.memory_space<vmem>>
      %dma_start3A_163 = tpu.memref_squeeze %dma_start3A_162 : memref<1x256xi32, #tpu.memory_space<vmem>> -> memref<256xi32, #tpu.memory_space<vmem>>
      %dma_start3A_164 = arith.constant 0 : i32
      %dma_start3A_165 = arith.constant 0 : i32
      %dma_start3A_166 = tpu.memref_slice %arg10[%dma_start3A_164, %dma_start3A_165] : memref<51200x32xf32, #tpu.memory_space<vmem_shared>> -> memref<51200x32xf32, #tpu.memory_space<vmem_shared>>
      tpu.enqueue_indirect_dma source(%dma_start3A_160 : memref<256x32xf32, #tpu.memory_space<vmem>>) target(%dma_start3A_166 : memref<51200x32xf32, #tpu.memory_space<vmem_shared>>) offsets(%dma_start3A_163 : memref<256xi32, #tpu.memory_space<vmem>>) semaphore(%arg13 : memref<!tpu.dma_semaphore, #tpu.memory_space<semaphore_mem>>) {add = true}
      %scan3A_167 = arith.constant 0 : i32
      scf.yield %scan3A_167 : i32
    }
    %scan3A_96 = arith.constant 196 : i32
    %dma_wait3A_97 = arith.constant 0 : i32
    %dma_wait3A_98 = arith.constant 0 : i32
    %dma_wait3A_99 = arith.constant 0 : i32
    %dma_wait3A_100 = arith.constant 0 : i32
    %dma_wait3A_101 = tpu.memref_slice %arg8[%dma_wait3A_98, %dma_wait3A_99, %dma_wait3A_100] : memref<2x256x32xf32, #tpu.memory_space<vmem>> -> memref<1x256x32xf32, #tpu.memory_space<vmem>>
    %dma_wait3A_102 = tpu.memref_squeeze %dma_wait3A_101 : memref<1x256x32xf32, #tpu.memory_space<vmem>> -> memref<256x32xf32, #tpu.memory_space<vmem>>
    %dma_wait3A_103 = arith.constant 0 : i32
    %dma_wait3A_104 = arith.constant 0 : i32
    %dma_wait3A_105 = tpu.memref_slice %arg5[%dma_wait3A_97, %dma_wait3A_103, %dma_wait3A_104] : memref<2x51200x32xf32, #tpu.memory_space<hbm>> -> memref<1x256x32xf32, #tpu.memory_space<hbm>>
    %dma_wait3A_106 = tpu.memref_squeeze %dma_wait3A_105 : memref<1x256x32xf32, #tpu.memory_space<hbm>> -> memref<256x32xf32, #tpu.memory_space<hbm>>
    %dma_wait3A_107 = arith.constant 0 : i32
    %dma_wait3A_108 = arith.constant 0 : i32
    %dma_wait3A_109 = tpu.memref_slice %arg8[%dma_wait3A_98, %dma_wait3A_107, %dma_wait3A_108] : memref<2x256x32xf32, #tpu.memory_space<vmem>> -> memref<1x256x32xf32, #tpu.memory_space<vmem>>
    %dma_wait3A_110 = tpu.memref_squeeze %dma_wait3A_109 : memref<1x256x32xf32, #tpu.memory_space<vmem>> -> memref<256x32xf32, #tpu.memory_space<vmem>>
    %dma_wait3A_111 = arith.constant 0 : i32
    %dma_wait3A_112 = arith.constant 0 : i32
    %dma_wait3A_113 = tpu.memref_slice %arg5[%dma_wait3A_97, %dma_wait3A_111, %dma_wait3A_112] : memref<2x51200x32xf32, #tpu.memory_space<hbm>> -> memref<1x256x32xf32, #tpu.memory_space<hbm>>
    %dma_wait3A_114 = tpu.memref_squeeze %dma_wait3A_113 : memref<1x256x32xf32, #tpu.memory_space<hbm>> -> memref<256x32xf32, #tpu.memory_space<hbm>>
    tpu.wait_dma2 semaphore(%arg13 : memref<!tpu.dma_semaphore, #tpu.memory_space<semaphore_mem>>) src(%dma_wait3A_114 : memref<256x32xf32, #tpu.memory_space<hbm>>) dst(%dma_wait3A_110 : memref<256x32xf32, #tpu.memory_space<vmem>>)
    %barrier3A_115 = arith.constant 0 : index
    tpu.barrier barrier_id(%barrier3A_115)
    %scan3A_116 = arith.constant 0 : i32
    %scan3A_117 = arith.constant 0 : i32
    %scan3A_118 = arith.constant 25 : i32
    %scan3A_119 = arith.addi %scan3A_117, %scan3A_118 : i32
    %scan3A_120 = arith.constant 1 : i32
    %scan3A_121 = scf.for %scan3A_123 = %scan3A_117 to %scan3A_119 step %scan3A_120 iter_args(%scan3A_124 = %scan3A_116) -> (i32)  : i32 {
      %mul3A_125 = arith.constant 3200 : i32
      %mul3A_126 = arith.muli %arg1, %mul3A_125 : i32
      %mul3A_127 = arith.constant 128 : i32
      %mul3A_128 = arith.muli %scan3A_123, %mul3A_127 : i32
      %add3A_129 = arith.addi %mul3A_126, %mul3A_128 : i32
      "tpu.region"() ({
        %run_scoped3A = tpu.sem_alloc : memref<!tpu.dma_semaphore, #tpu.memory_space<semaphore_mem>>
        %dma_start3A_131 = arith.constant 0 : i32
        %dma_start3A_132 = tpu.memref_slice %arg10[%add3A_129, %dma_start3A_131] : memref<51200x32xf32, #tpu.memory_space<vmem_shared>> -> memref<128x32xf32, #tpu.memory_space<vmem_shared>>
        %dma_start3A_133 = arith.constant 0 : i32
        %dma_start3A_134 = tpu.memref_slice %arg10[%add3A_129, %dma_start3A_133] : memref<51200x32xf32, #tpu.memory_space<vmem_shared>> -> memref<128x32xf32, #tpu.memory_space<vmem_shared>>
        tpu.enqueue_dma source(%dma_start3A_134 : memref<128x32xf32, #tpu.memory_space<vmem_shared>>) target(%arg9 : memref<128x32xf32, #tpu.memory_space<vmem>>) target_semaphore(%run_scoped3A : memref<!tpu.dma_semaphore, #tpu.memory_space<semaphore_mem>>)
        %dma_wait3A_135 = arith.constant 0 : i32
        %dma_wait3A_136 = tpu.memref_slice %arg10[%add3A_129, %dma_wait3A_135] : memref<51200x32xf32, #tpu.memory_space<vmem_shared>> -> memref<128x32xf32, #tpu.memory_space<vmem_shared>>
        %dma_wait3A_137 = arith.constant 0 : i32
        %dma_wait3A_138 = tpu.memref_slice %arg10[%add3A_129, %dma_wait3A_137] : memref<51200x32xf32, #tpu.memory_space<vmem_shared>> -> memref<128x32xf32, #tpu.memory_space<vmem_shared>>
        tpu.wait_dma2 semaphore(%run_scoped3A : memref<!tpu.dma_semaphore, #tpu.memory_space<semaphore_mem>>) src(%dma_wait3A_138 : memref<128x32xf32, #tpu.memory_space<vmem_shared>>) dst(%arg9 : memref<128x32xf32, #tpu.memory_space<vmem>>)
        tpu.yield
      }) : () -> ()
      "tpu.region"() ({
        %run_scoped3A = tpu.sem_alloc : memref<!tpu.dma_semaphore, #tpu.memory_space<semaphore_mem>>
        %dma_start3A_131 = arith.constant 0 : i32
        %dma_start3A_132 = tpu.memref_slice %arg5[%arg0, %add3A_129, %dma_start3A_131] : memref<2x51200x32xf32, #tpu.memory_space<hbm>> -> memref<1x128x32xf32, #tpu.memory_space<hbm>>
        %dma_start3A_133 = tpu.memref_squeeze %dma_start3A_132 : memref<1x128x32xf32, #tpu.memory_space<hbm>> -> memref<128x32xf32, #tpu.memory_space<hbm>>
        %dma_start3A_134 = arith.constant 0 : i32
        %dma_start3A_135 = tpu.memref_slice %arg5[%arg0, %add3A_129, %dma_start3A_134] : memref<2x51200x32xf32, #tpu.memory_space<hbm>> -> memref<1x128x32xf32, #tpu.memory_space<hbm>>
        %dma_start3A_136 = tpu.memref_squeeze %dma_start3A_135 : memref<1x128x32xf32, #tpu.memory_space<hbm>> -> memref<128x32xf32, #tpu.memory_space<hbm>>
        tpu.enqueue_dma source(%arg9 : memref<128x32xf32, #tpu.memory_space<vmem>>) target(%dma_start3A_136 : memref<128x32xf32, #tpu.memory_space<hbm>>) target_semaphore(%run_scoped3A : memref<!tpu.dma_semaphore, #tpu.memory_space<semaphore_mem>>)
        %dma_wait3A_137 = arith.constant 0 : i32
        %dma_wait3A_138 = tpu.memref_slice %arg5[%arg0, %add3A_129, %dma_wait3A_137] : memref<2x51200x32xf32, #tpu.memory_space<hbm>> -> memref<1x128x32xf32, #tpu.memory_space<hbm>>
        %dma_wait3A_139 = tpu.memref_squeeze %dma_wait3A_138 : memref<1x128x32xf32, #tpu.memory_space<hbm>> -> memref<128x32xf32, #tpu.memory_space<hbm>>
        %dma_wait3A_140 = arith.constant 0 : i32
        %dma_wait3A_141 = tpu.memref_slice %arg5[%arg0, %add3A_129, %dma_wait3A_140] : memref<2x51200x32xf32, #tpu.memory_space<hbm>> -> memref<1x128x32xf32, #tpu.memory_space<hbm>>
        %dma_wait3A_142 = tpu.memref_squeeze %dma_wait3A_141 : memref<1x128x32xf32, #tpu.memory_space<hbm>> -> memref<128x32xf32, #tpu.memory_space<hbm>>
        tpu.wait_dma2 semaphore(%run_scoped3A : memref<!tpu.dma_semaphore, #tpu.memory_space<semaphore_mem>>) src(%arg9 : memref<128x32xf32, #tpu.memory_space<vmem>>) dst(%dma_wait3A_142 : memref<128x32xf32, #tpu.memory_space<hbm>>)
        tpu.yield
      }) : () -> ()
      %scan3A_130 = arith.constant 0 : i32
      scf.yield %scan3A_130 : i32
    }
    %scan3A_122 = arith.constant 25 : i32
    return
  }
}

module attributes {stable_mosaic.version = 14 : i64} {
  func.func @_k0_body(%arg0: i32, %arg1: memref<256x4xf32, #tpu.memory_space<vmem>>, %arg2: memref<256x1xf32, #tpu.memory_space<vmem>>, %arg3: memref<256x1xf32, #tpu.memory_space<vmem>>, %arg4: memref<256x4xf32, #tpu.memory_space<vmem>>, %arg5: memref<4x16xf32, #tpu.memory_space<vmem>>, %arg6: memref<4x16xf32, #tpu.memory_space<vmem>>, %arg7: memref<4x16xf32, #tpu.memory_space<vmem>>, %arg8: memref<4x16xf32, #tpu.memory_space<vmem>>, %arg9: memref<4x16xf32, #tpu.memory_space<vmem>>, %arg10: memref<4x16xf32, #tpu.memory_space<vmem>>, %arg11: memref<256x64xf32, #tpu.memory_space<vmem>>, %arg12: memref<256x64xf32, #tpu.memory_space<vmem>>, %arg13: memref<256x64xf32, #tpu.memory_space<vmem>>, %arg14: memref<256x64xf32, #tpu.memory_space<vmem>>, %arg15: memref<4x16xf32, #tpu.memory_space<vmem>>, %arg16: memref<4x16xf32, #tpu.memory_space<vmem>>, %arg17: memref<256x16xf32, #tpu.memory_space<vmem>>) attributes {dimension_semantics = [#tpu.dimension_semantics<arbitrary>], iteration_bounds = array<i64: 1>, scalar_prefetch = 0 : i64, scratch_operands = 0 : i64, tpu.core_type = #tpu.core_type<tc>, window_params = [{pipeline_mode = #tpu.pipeline_mode<synchronous>, transform_indices = @transform_0, window_bounds = array<i64: 256, 4>}, {pipeline_mode = #tpu.pipeline_mode<synchronous>, transform_indices = @transform_1, window_bounds = array<i64: 256, 1>}, {pipeline_mode = #tpu.pipeline_mode<synchronous>, transform_indices = @transform_2, window_bounds = array<i64: 256, 1>}, {pipeline_mode = #tpu.pipeline_mode<synchronous>, transform_indices = @transform_3, window_bounds = array<i64: 256, 4>}, {pipeline_mode = #tpu.pipeline_mode<synchronous>, transform_indices = @transform_4, window_bounds = array<i64: 4, 16>}, {pipeline_mode = #tpu.pipeline_mode<synchronous>, transform_indices = @transform_5, window_bounds = array<i64: 4, 16>}, {pipeline_mode = #tpu.pipeline_mode<synchronous>, transform_indices = @transform_6, window_bounds = array<i64: 4, 16>}, {pipeline_mode = #tpu.pipeline_mode<synchronous>, transform_indices = @transform_7, window_bounds = array<i64: 4, 16>}, {pipeline_mode = #tpu.pipeline_mode<synchronous>, transform_indices = @transform_8, window_bounds = array<i64: 4, 16>}, {pipeline_mode = #tpu.pipeline_mode<synchronous>, transform_indices = @transform_9, window_bounds = array<i64: 4, 16>}, {pipeline_mode = #tpu.pipeline_mode<synchronous>, transform_indices = @transform_10, window_bounds = array<i64: 256, 64>}, {pipeline_mode = #tpu.pipeline_mode<synchronous>, transform_indices = @transform_11, window_bounds = array<i64: 256, 64>}, {pipeline_mode = #tpu.pipeline_mode<synchronous>, transform_indices = @transform_12, window_bounds = array<i64: 256, 64>}, {pipeline_mode = #tpu.pipeline_mode<synchronous>, transform_indices = @transform_13, window_bounds = array<i64: 256, 64>}, {pipeline_mode = #tpu.pipeline_mode<synchronous>, transform_indices = @transform_14, window_bounds = array<i64: 4, 16>}, {pipeline_mode = #tpu.pipeline_mode<synchronous>, transform_indices = @transform_15, window_bounds = array<i64: 4, 16>}, {pipeline_mode = #tpu.pipeline_mode<synchronous>, transform_indices = @transform_16, window_bounds = array<i64: 256, 16>}]} {
    %get3A = arith.constant 0 : index
    %get3A_0 = arith.constant 0 : index
    %get3A_1 = vector.load %arg1[%get3A, %get3A_0] : memref<256x4xf32, #tpu.memory_space<vmem>>, vector<256x4xf32>
    %get3A_2 = arith.constant 0 : index
    %get3A_3 = arith.constant 0 : index
    %get3A_4 = vector.load %arg2[%get3A_2, %get3A_3] : memref<256x1xf32, #tpu.memory_space<vmem>>, vector<256x1xf32>
    %get3A_5 = arith.constant 0 : index
    %get3A_6 = arith.constant 0 : index
    %get3A_7 = vector.load %arg4[%get3A_5, %get3A_6] : memref<256x4xf32, #tpu.memory_space<vmem>>, vector<256x4xf32>
    %mul3A = vector.broadcast %get3A_4 : vector<256x1xf32> to vector<256x4xf32>
    %mul3A_8 = arith.mulf %mul3A, %get3A_7 : vector<256x4xf32>
    %get3A_9 = arith.constant 0 : index
    %get3A_10 = arith.constant 0 : index
    %get3A_11 = vector.load %arg3[%get3A_9, %get3A_10] : memref<256x1xf32, #tpu.memory_space<vmem>>, vector<256x1xf32>
    %get3A_12 = arith.constant 0 : index
    %get3A_13 = arith.constant 0 : index
    %get3A_14 = vector.load %arg4[%get3A_12, %get3A_13] : memref<256x4xf32, #tpu.memory_space<vmem>>, vector<256x4xf32>
    %mul3A_15 = vector.broadcast %get3A_11 : vector<256x1xf32> to vector<256x4xf32>
    %mul3A_16 = arith.mulf %mul3A_15, %get3A_14 : vector<256x4xf32>
    %dot_general3A = arith.constant dense<0.000000e+00> : vector<4x4xf32>
    %dot_general3A_17 = tpu.matmul %get3A_1, %mul3A_8, %dot_general3A {dimension_numbers = #tpu.dot_dimension_numbers<[0], [0], [1], [1], [0, 1, 1, 1], [], []>, transpose_lhs_hint = false} : vector<256x4xf32>, vector<256x4xf32>, vector<4x4xf32> -> vector<4x4xf32>
    %dot_general3A_18 = arith.constant dense<0.000000e+00> : vector<4x4xf32>
    %dot_general3A_19 = tpu.matmul %get3A_1, %mul3A_16, %dot_general3A_18 {dimension_numbers = #tpu.dot_dimension_numbers<[0], [0], [1], [1], [0, 1, 1, 1], [], []>, transpose_lhs_hint = false} : vector<256x4xf32>, vector<256x4xf32>, vector<4x4xf32> -> vector<4x4xf32>
    %get3A_20 = arith.constant 0 : index
    %get3A_21 = arith.constant 0 : index
    %get3A_22 = vector.load %arg5[%get3A_20, %get3A_21] : memref<4x16xf32, #tpu.memory_space<vmem>>, vector<4x16xf32>
    %dot_general3A_23 = arith.constant dense<0.000000e+00> : vector<4x16xf32>
    %dot_general3A_24 = tpu.matmul %dot_general3A_17, %get3A_22, %dot_general3A_23 {dimension_numbers = #tpu.dot_dimension_numbers<[1], [0], [0], [1], [0, 0, 1, 1], [], []>, transpose_lhs_hint = false} : vector<4x4xf32>, vector<4x16xf32>, vector<4x16xf32> -> vector<4x16xf32>
    %get3A_25 = arith.constant 0 : index
    %get3A_26 = arith.constant 0 : index
    %get3A_27 = vector.load %arg6[%get3A_25, %get3A_26] : memref<4x16xf32, #tpu.memory_space<vmem>>, vector<4x16xf32>
    %add3A = arith.addf %dot_general3A_24, %get3A_27 : vector<4x16xf32>
    %swap3A = arith.constant 0 : index
    %swap3A_28 = arith.constant 0 : index
    %swap3A_29 = vector.load %arg15[%swap3A, %swap3A_28] : memref<4x16xf32, #tpu.memory_space<vmem>>, vector<4x16xf32>
    tpu.vector_store %arg15[%swap3A, %swap3A_28], %add3A {strides = array<i32>} : memref<4x16xf32, #tpu.memory_space<vmem>>, vector<4x16xf32>,
    %get3A_30 = arith.constant 0 : index
    %get3A_31 = arith.constant 0 : index
    %get3A_32 = vector.load %arg5[%get3A_30, %get3A_31] : memref<4x16xf32, #tpu.memory_space<vmem>>, vector<4x16xf32>
    %dot_general3A_33 = arith.constant dense<0.000000e+00> : vector<4x16xf32>
    %dot_general3A_34 = tpu.matmul %dot_general3A_19, %get3A_32, %dot_general3A_33 {dimension_numbers = #tpu.dot_dimension_numbers<[1], [0], [0], [1], [0, 0, 1, 1], [], []>, transpose_lhs_hint = false} : vector<4x4xf32>, vector<4x16xf32>, vector<4x16xf32> -> vector<4x16xf32>
    %swap3A_35 = arith.constant 0 : index
    %swap3A_36 = arith.constant 0 : index
    %swap3A_37 = vector.load %arg16[%swap3A_35, %swap3A_36] : memref<4x16xf32, #tpu.memory_space<vmem>>, vector<4x16xf32>
    tpu.vector_store %arg16[%swap3A_35, %swap3A_36], %dot_general3A_34 {strides = array<i32>} : memref<4x16xf32, #tpu.memory_space<vmem>>, vector<4x16xf32>,
    %broadcast_in_dim3A = arith.constant 0.000000e+00 : f32
    %broadcast_in_dim3A_38 = vector.broadcast %broadcast_in_dim3A : f32 to vector<256x16xf32>
    %get3A_39 = arith.constant 0 : index
    %get3A_40 = arith.constant 0 : index
    %get3A_41 = vector.load %arg1[%get3A_39, %get3A_40] : memref<256x4xf32, #tpu.memory_space<vmem>>, vector<64x4xf32>
    %get3A_42 = arith.constant 0 : index
    %get3A_43 = arith.constant 0 : index
    %get3A_44 = vector.load %arg11[%get3A_42, %get3A_43] : memref<256x64xf32, #tpu.memory_space<vmem>>, vector<256x64xf32>
    %get3A_45 = arith.constant 0 : index
    %get3A_46 = arith.constant 0 : index
    %get3A_47 = vector.load %arg7[%get3A_45, %get3A_46] : memref<4x16xf32, #tpu.memory_space<vmem>>, vector<4x16xf32>
    %dot_general3A_48 = arith.constant dense<0.000000e+00> : vector<64x16xf32>
    %dot_general3A_49 = tpu.matmul %get3A_41, %get3A_47, %dot_general3A_48 {dimension_numbers = #tpu.dot_dimension_numbers<[1], [0], [0], [1], [0, 0, 1, 1], [], []>, transpose_lhs_hint = false} : vector<64x4xf32>, vector<4x16xf32>, vector<64x16xf32> -> vector<64x16xf32>
    %dot_general3A_50 = arith.constant dense<0.000000e+00> : vector<256x16xf32>
    %dot_general3A_51 = tpu.matmul %get3A_44, %dot_general3A_49, %dot_general3A_50 {dimension_numbers = #tpu.dot_dimension_numbers<[1], [0], [0], [1], [0, 0, 1, 1], [], []>, transpose_lhs_hint = false} : vector<256x64xf32>, vector<64x16xf32>, vector<256x16xf32> -> vector<256x16xf32>
    %add3A_52 = arith.addf %broadcast_in_dim3A_38, %dot_general3A_51 : vector<256x16xf32>
    %get3A_53 = arith.constant 64 : index
    %get3A_54 = arith.constant 0 : index
    %get3A_55 = vector.load %arg1[%get3A_53, %get3A_54] : memref<256x4xf32, #tpu.memory_space<vmem>>, vector<64x4xf32>
    %get3A_56 = arith.constant 0 : index
    %get3A_57 = arith.constant 0 : index
    %get3A_58 = vector.load %arg12[%get3A_56, %get3A_57] : memref<256x64xf32, #tpu.memory_space<vmem>>, vector<256x64xf32>
    %get3A_59 = arith.constant 0 : index
    %get3A_60 = arith.constant 0 : index
    %get3A_61 = vector.load %arg8[%get3A_59, %get3A_60] : memref<4x16xf32, #tpu.memory_space<vmem>>, vector<4x16xf32>
    %dot_general3A_62 = arith.constant dense<0.000000e+00> : vector<64x16xf32>
    %dot_general3A_63 = tpu.matmul %get3A_55, %get3A_61, %dot_general3A_62 {dimension_numbers = #tpu.dot_dimension_numbers<[1], [0], [0], [1], [0, 0, 1, 1], [], []>, transpose_lhs_hint = false} : vector<64x4xf32>, vector<4x16xf32>, vector<64x16xf32> -> vector<64x16xf32>
    %dot_general3A_64 = arith.constant dense<0.000000e+00> : vector<256x16xf32>
    %dot_general3A_65 = tpu.matmul %get3A_58, %dot_general3A_63, %dot_general3A_64 {dimension_numbers = #tpu.dot_dimension_numbers<[1], [0], [0], [1], [0, 0, 1, 1], [], []>, transpose_lhs_hint = false} : vector<256x64xf32>, vector<64x16xf32>, vector<256x16xf32> -> vector<256x16xf32>
    %add3A_66 = arith.addf %add3A_52, %dot_general3A_65 : vector<256x16xf32>
    %get3A_67 = arith.constant 128 : index
    %get3A_68 = arith.constant 0 : index
    %get3A_69 = vector.load %arg1[%get3A_67, %get3A_68] : memref<256x4xf32, #tpu.memory_space<vmem>>, vector<64x4xf32>
    %get3A_70 = arith.constant 0 : index
    %get3A_71 = arith.constant 0 : index
    %get3A_72 = vector.load %arg13[%get3A_70, %get3A_71] : memref<256x64xf32, #tpu.memory_space<vmem>>, vector<256x64xf32>
    %get3A_73 = arith.constant 0 : index
    %get3A_74 = arith.constant 0 : index
    %get3A_75 = vector.load %arg9[%get3A_73, %get3A_74] : memref<4x16xf32, #tpu.memory_space<vmem>>, vector<4x16xf32>
    %dot_general3A_76 = arith.constant dense<0.000000e+00> : vector<64x16xf32>
    %dot_general3A_77 = tpu.matmul %get3A_69, %get3A_75, %dot_general3A_76 {dimension_numbers = #tpu.dot_dimension_numbers<[1], [0], [0], [1], [0, 0, 1, 1], [], []>, transpose_lhs_hint = false} : vector<64x4xf32>, vector<4x16xf32>, vector<64x16xf32> -> vector<64x16xf32>
    %dot_general3A_78 = arith.constant dense<0.000000e+00> : vector<256x16xf32>
    %dot_general3A_79 = tpu.matmul %get3A_72, %dot_general3A_77, %dot_general3A_78 {dimension_numbers = #tpu.dot_dimension_numbers<[1], [0], [0], [1], [0, 0, 1, 1], [], []>, transpose_lhs_hint = false} : vector<256x64xf32>, vector<64x16xf32>, vector<256x16xf32> -> vector<256x16xf32>
    %add3A_80 = arith.addf %add3A_66, %dot_general3A_79 : vector<256x16xf32>
    %get3A_81 = arith.constant 192 : index
    %get3A_82 = arith.constant 0 : index
    %get3A_83 = vector.load %arg1[%get3A_81, %get3A_82] : memref<256x4xf32, #tpu.memory_space<vmem>>, vector<64x4xf32>
    %get3A_84 = arith.constant 0 : index
    %get3A_85 = arith.constant 0 : index
    %get3A_86 = vector.load %arg14[%get3A_84, %get3A_85] : memref<256x64xf32, #tpu.memory_space<vmem>>, vector<256x64xf32>
    %get3A_87 = arith.constant 0 : index
    %get3A_88 = arith.constant 0 : index
    %get3A_89 = vector.load %arg10[%get3A_87, %get3A_88] : memref<4x16xf32, #tpu.memory_space<vmem>>, vector<4x16xf32>
    %dot_general3A_90 = arith.constant dense<0.000000e+00> : vector<64x16xf32>
    %dot_general3A_91 = tpu.matmul %get3A_83, %get3A_89, %dot_general3A_90 {dimension_numbers = #tpu.dot_dimension_numbers<[1], [0], [0], [1], [0, 0, 1, 1], [], []>, transpose_lhs_hint = false} : vector<64x4xf32>, vector<4x16xf32>, vector<64x16xf32> -> vector<64x16xf32>
    %dot_general3A_92 = arith.constant dense<0.000000e+00> : vector<256x16xf32>
    %dot_general3A_93 = tpu.matmul %get3A_86, %dot_general3A_91, %dot_general3A_92 {dimension_numbers = #tpu.dot_dimension_numbers<[1], [0], [0], [1], [0, 0, 1, 1], [], []>, transpose_lhs_hint = false} : vector<256x64xf32>, vector<64x16xf32>, vector<256x16xf32> -> vector<256x16xf32>
    %add3A_94 = arith.addf %add3A_80, %dot_general3A_93 : vector<256x16xf32>
    %swap3A_95 = arith.constant 0 : index
    %swap3A_96 = arith.constant 0 : index
    %swap3A_97 = vector.load %arg17[%swap3A_95, %swap3A_96] : memref<256x16xf32, #tpu.memory_space<vmem>>, vector<256x16xf32>
    tpu.vector_store %arg17[%swap3A_95, %swap3A_96], %add3A_94 {strides = array<i32>} : memref<256x16xf32, #tpu.memory_space<vmem>>, vector<256x16xf32>,
    return
  }
  func.func @transform_0(%arg0: i32) -> (i32, i32) {
    %c0_i32 = arith.constant 0 : i32
    %c0_i32_0 = arith.constant 0 : i32
    %c0_i32_1 = arith.constant 0 : i32
    return %c0_i32, %c0_i32_0 : i32, i32
  }
  func.func @transform_1(%arg0: i32) -> (i32, i32) {
    %c0_i32 = arith.constant 0 : i32
    %c0_i32_0 = arith.constant 0 : i32
    %c0_i32_1 = arith.constant 0 : i32
    return %c0_i32, %c0_i32_0 : i32, i32
  }
  func.func @transform_2(%arg0: i32) -> (i32, i32) {
    %c0_i32 = arith.constant 0 : i32
    %c0_i32_0 = arith.constant 0 : i32
    %c0_i32_1 = arith.constant 0 : i32
    return %c0_i32, %c0_i32_0 : i32, i32
  }
  func.func @transform_3(%arg0: i32) -> (i32, i32) {
    %c0_i32 = arith.constant 0 : i32
    %c0_i32_0 = arith.constant 0 : i32
    %c0_i32_1 = arith.constant 0 : i32
    return %c0_i32, %c0_i32_0 : i32, i32
  }
  func.func @transform_4(%arg0: i32) -> (i32, i32) {
    %c0_i32 = arith.constant 0 : i32
    %c0_i32_0 = arith.constant 0 : i32
    %c0_i32_1 = arith.constant 0 : i32
    return %c0_i32, %c0_i32_0 : i32, i32
  }
  func.func @transform_5(%arg0: i32) -> (i32, i32) {
    %c0_i32 = arith.constant 0 : i32
    %c0_i32_0 = arith.constant 0 : i32
    %c0_i32_1 = arith.constant 0 : i32
    return %c0_i32, %c0_i32_0 : i32, i32
  }
  func.func @transform_6(%arg0: i32) -> (i32, i32) {
    %c0_i32 = arith.constant 0 : i32
    %c0_i32_0 = arith.constant 0 : i32
    %c0_i32_1 = arith.constant 0 : i32
    return %c0_i32, %c0_i32_0 : i32, i32
  }
  func.func @transform_7(%arg0: i32) -> (i32, i32) {
    %c0_i32 = arith.constant 0 : i32
    %c0_i32_0 = arith.constant 0 : i32
    %c0_i32_1 = arith.constant 0 : i32
    return %c0_i32, %c0_i32_0 : i32, i32
  }
  func.func @transform_8(%arg0: i32) -> (i32, i32) {
    %c0_i32 = arith.constant 0 : i32
    %c0_i32_0 = arith.constant 0 : i32
    %c0_i32_1 = arith.constant 0 : i32
    return %c0_i32, %c0_i32_0 : i32, i32
  }
  func.func @transform_9(%arg0: i32) -> (i32, i32) {
    %c0_i32 = arith.constant 0 : i32
    %c0_i32_0 = arith.constant 0 : i32
    %c0_i32_1 = arith.constant 0 : i32
    return %c0_i32, %c0_i32_0 : i32, i32
  }
  func.func @transform_10(%arg0: i32) -> (i32, i32) {
    %c0_i32 = arith.constant 0 : i32
    %c0_i32_0 = arith.constant 0 : i32
    %c0_i32_1 = arith.constant 0 : i32
    return %c0_i32, %c0_i32_0 : i32, i32
  }
  func.func @transform_11(%arg0: i32) -> (i32, i32) {
    %c0_i32 = arith.constant 0 : i32
    %c0_i32_0 = arith.constant 0 : i32
    %c0_i32_1 = arith.constant 0 : i32
    return %c0_i32, %c0_i32_0 : i32, i32
  }
  func.func @transform_12(%arg0: i32) -> (i32, i32) {
    %c0_i32 = arith.constant 0 : i32
    %c0_i32_0 = arith.constant 0 : i32
    %c0_i32_1 = arith.constant 0 : i32
    return %c0_i32, %c0_i32_0 : i32, i32
  }
  func.func @transform_13(%arg0: i32) -> (i32, i32) {
    %c0_i32 = arith.constant 0 : i32
    %c0_i32_0 = arith.constant 0 : i32
    %c0_i32_1 = arith.constant 0 : i32
    return %c0_i32, %c0_i32_0 : i32, i32
  }
  func.func @transform_14(%arg0: i32) -> (i32, i32) {
    %c0_i32 = arith.constant 0 : i32
    %c0_i32_0 = arith.constant 0 : i32
    %c0_i32_1 = arith.constant 0 : i32
    return %c0_i32, %c0_i32_0 : i32, i32
  }
  func.func @transform_15(%arg0: i32) -> (i32, i32) {
    %c0_i32 = arith.constant 0 : i32
    %c0_i32_0 = arith.constant 0 : i32
    %c0_i32_1 = arith.constant 0 : i32
    return %c0_i32, %c0_i32_0 : i32, i32
  }
  func.func @transform_16(%arg0: i32) -> (i32, i32) {
    %c0_i32 = arith.constant 0 : i32
    %c0_i32_0 = arith.constant 0 : i32
    %c0_i32_1 = arith.constant 0 : i32
    return %c0_i32, %c0_i32_0 : i32, i32
  }
}

module attributes {stable_mosaic.version = 14 : i64} {
  func.func @_k1_body(%arg0: i32, %arg1: memref<3584x4xf32, #tpu.memory_space<vmem>>, %arg2: memref<4x16xf32, #tpu.memory_space<vmem>>, %arg3: memref<4x16xf32, #tpu.memory_space<vmem>>, %arg4: memref<3584x16xf32, #tpu.memory_space<vmem>>, %arg5: memref<3584x16xf32, #tpu.memory_space<vmem>>) attributes {dimension_semantics = [#tpu.dimension_semantics<arbitrary>], iteration_bounds = array<i64: 14>, scalar_prefetch = 0 : i64, scratch_operands = 0 : i64, tpu.core_type = #tpu.core_type<tc>, window_params = [{transform_indices = @transform_0, window_bounds = array<i64: 3584, 4>}, {pipeline_mode = #tpu.pipeline_mode<synchronous>, transform_indices = @transform_1, window_bounds = array<i64: 4, 16>}, {pipeline_mode = #tpu.pipeline_mode<synchronous>, transform_indices = @transform_2, window_bounds = array<i64: 4, 16>}, {transform_indices = @transform_3, window_bounds = array<i64: 3584, 16>}, {transform_indices = @transform_4, window_bounds = array<i64: 3584, 16>}]} {
    %get3A = arith.constant 0 : index
    %get3A_0 = arith.constant 0 : index
    %get3A_1 = vector.load %arg1[%get3A, %get3A_0] : memref<3584x4xf32, #tpu.memory_space<vmem>>, vector<3584x4xf32>
    %get3A_2 = arith.constant 0 : index
    %get3A_3 = arith.constant 0 : index
    %get3A_4 = vector.load %arg2[%get3A_2, %get3A_3] : memref<4x16xf32, #tpu.memory_space<vmem>>, vector<4x16xf32>
    %dot_general3A = arith.constant dense<0.000000e+00> : vector<3584x16xf32>
    %dot_general3A_5 = tpu.matmul %get3A_1, %get3A_4, %dot_general3A {dimension_numbers = #tpu.dot_dimension_numbers<[1], [0], [0], [1], [0, 0, 1, 1], [], []>, transpose_lhs_hint = false} : vector<3584x4xf32>, vector<4x16xf32>, vector<3584x16xf32> -> vector<3584x16xf32>
    %swap3A = arith.constant 0 : index
    %swap3A_6 = arith.constant 0 : index
    %swap3A_7 = vector.load %arg4[%swap3A, %swap3A_6] : memref<3584x16xf32, #tpu.memory_space<vmem>>, vector<3584x16xf32>
    tpu.vector_store %arg4[%swap3A, %swap3A_6], %dot_general3A_5 {strides = array<i32>} : memref<3584x16xf32, #tpu.memory_space<vmem>>, vector<3584x16xf32>,
    %get3A_8 = arith.constant 0 : index
    %get3A_9 = arith.constant 0 : index
    %get3A_10 = vector.load %arg3[%get3A_8, %get3A_9] : memref<4x16xf32, #tpu.memory_space<vmem>>, vector<4x16xf32>
    %dot_general3A_11 = arith.constant dense<0.000000e+00> : vector<3584x16xf32>
    %dot_general3A_12 = tpu.matmul %get3A_1, %get3A_10, %dot_general3A_11 {dimension_numbers = #tpu.dot_dimension_numbers<[1], [0], [0], [1], [0, 0, 1, 1], [], []>, transpose_lhs_hint = false} : vector<3584x4xf32>, vector<4x16xf32>, vector<3584x16xf32> -> vector<3584x16xf32>
    %swap3A_13 = arith.constant 0 : index
    %swap3A_14 = arith.constant 0 : index
    %swap3A_15 = vector.load %arg5[%swap3A_13, %swap3A_14] : memref<3584x16xf32, #tpu.memory_space<vmem>>, vector<3584x16xf32>
    tpu.vector_store %arg5[%swap3A_13, %swap3A_14], %dot_general3A_12 {strides = array<i32>} : memref<3584x16xf32, #tpu.memory_space<vmem>>, vector<3584x16xf32>,
    return
  }
  func.func @transform_0(%arg0: i32) -> (i32, i32) {
    %c0_i32 = arith.constant 0 : i32
    %c0_i32_0 = arith.constant 0 : i32
    return %arg0, %c0_i32 : i32, i32
  }
  func.func @transform_1(%arg0: i32) -> (i32, i32) {
    %c0_i32 = arith.constant 0 : i32
    %c0_i32_0 = arith.constant 0 : i32
    %c0_i32_1 = arith.constant 0 : i32
    return %c0_i32, %c0_i32_0 : i32, i32
  }
  func.func @transform_2(%arg0: i32) -> (i32, i32) {
    %c0_i32 = arith.constant 0 : i32
    %c0_i32_0 = arith.constant 0 : i32
    %c0_i32_1 = arith.constant 0 : i32
    return %c0_i32, %c0_i32_0 : i32, i32
  }
  func.func @transform_3(%arg0: i32) -> (i32, i32) {
    %c0_i32 = arith.constant 0 : i32
    %c0_i32_0 = arith.constant 0 : i32
    return %arg0, %c0_i32 : i32, i32
  }
  func.func @transform_4(%arg0: i32) -> (i32, i32) {
    %c0_i32 = arith.constant 0 : i32
    %c0_i32_0 = arith.constant 0 : i32
    return %arg0, %c0_i32 : i32, i32
  }
}

module attributes {stable_mosaic.version = 14 : i64} {
  func.func @_k2_body(%arg0: i32, %arg1: memref<1x3584x24xf32, #tpu.memory_space<vmem>>, %arg2: memref<1x3584x24xf32, #tpu.memory_space<vmem>>, %arg3: memref<3584x16xf32, #tpu.memory_space<vmem>>, %arg4: memref<3584x16xf32, #tpu.memory_space<vmem>>, %arg5: memref<256x16xf32, #tpu.memory_space<vmem>>, %arg6: memref<256x32xf32, #tpu.memory_space<vmem>>, %arg7: memref<256x32xf32, #tpu.memory_space<vmem>>, %arg8: memref<1x256xf32, #tpu.memory_space<vmem>>, %arg9: memref<24x256xf32, #tpu.memory_space<vmem>>, %arg10: memref<4x256xf32, #tpu.memory_space<vmem>>, %arg11: memref<24x16xf32, #tpu.memory_space<vmem>>, %arg12: memref<4x16xf32, #tpu.memory_space<vmem>>, %arg13: memref<4x16xf32, #tpu.memory_space<vmem>>, %arg14: memref<24x8xf32, #tpu.memory_space<vmem>>, %arg15: memref<16x4xf32, #tpu.memory_space<vmem>>, %arg16: memref<16x4xf32, #tpu.memory_space<vmem>>, %arg17: memref<2x3584x32xf32, #tpu.memory_space<vmem>>, %arg18: memref<3584x8xf32, #tpu.memory_space<vmem>>) attributes {dimension_semantics = [#tpu.dimension_semantics<arbitrary>], iteration_bounds = array<i64: 14>, scalar_prefetch = 0 : i64, scratch_operands = 0 : i64, tpu.core_type = #tpu.core_type<tc>, window_params = [{transform_indices = @transform_0, window_bounds = array<i64: 1, 3584, 24>}, {transform_indices = @transform_1, window_bounds = array<i64: 1, 3584, 24>}, {transform_indices = @transform_2, window_bounds = array<i64: 3584, 16>}, {transform_indices = @transform_3, window_bounds = array<i64: 3584, 16>}, {pipeline_mode = #tpu.pipeline_mode<synchronous>, transform_indices = @transform_4, window_bounds = array<i64: 256, 16>}, {pipeline_mode = #tpu.pipeline_mode<synchronous>, transform_indices = @transform_5, window_bounds = array<i64: 256, 32>}, {pipeline_mode = #tpu.pipeline_mode<synchronous>, transform_indices = @transform_6, window_bounds = array<i64: 256, 32>}, {pipeline_mode = #tpu.pipeline_mode<synchronous>, transform_indices = @transform_7, window_bounds = array<i64: 1, 256>}, {pipeline_mode = #tpu.pipeline_mode<synchronous>, transform_indices = @transform_8, window_bounds = array<i64: 24, 256>}, {pipeline_mode = #tpu.pipeline_mode<synchronous>, transform_indices = @transform_9, window_bounds = array<i64: 4, 256>}, {pipeline_mode = #tpu.pipeline_mode<synchronous>, transform_indices = @transform_10, window_bounds = array<i64: 24, 16>}, {pipeline_mode = #tpu.pipeline_mode<synchronous>, transform_indices = @transform_11, window_bounds = array<i64: 4, 16>}, {pipeline_mode = #tpu.pipeline_mode<synchronous>, transform_indices = @transform_12, window_bounds = array<i64: 4, 16>}, {pipeline_mode = #tpu.pipeline_mode<synchronous>, transform_indices = @transform_13, window_bounds = array<i64: 24, 8>}, {pipeline_mode = #tpu.pipeline_mode<synchronous>, transform_indices = @transform_14, window_bounds = array<i64: 16, 4>}, {pipeline_mode = #tpu.pipeline_mode<synchronous>, transform_indices = @transform_15, window_bounds = array<i64: 16, 4>}, {transform_indices = @transform_16, window_bounds = array<i64: 2, 3584, 32>}, {transform_indices = @transform_17, window_bounds = array<i64: 3584, 8>}]} {
    %get3A = arith.constant 0 : index
    %get3A_0 = arith.constant 0 : index
    %get3A_1 = arith.constant 0 : index
    %get3A_2 = vector.load %arg1[%get3A, %get3A_0, %get3A_1] : memref<1x3584x24xf32, #tpu.memory_space<vmem>>, vector<1x3584x24xf32>
    %get3A_3 = vector.shape_cast %get3A_2 : vector<1x3584x24xf32> to vector<3584x24xf32>
    %get3A_4 = arith.constant 0 : index
    %get3A_5 = arith.constant 0 : index
    %get3A_6 = arith.constant 0 : index
    %get3A_7 = vector.load %arg2[%get3A_4, %get3A_5, %get3A_6] : memref<1x3584x24xf32, #tpu.memory_space<vmem>>, vector<1x3584x24xf32>
    %get3A_8 = vector.shape_cast %get3A_7 : vector<1x3584x24xf32> to vector<3584x24xf32>
    %add3A = arith.addf %get3A_3, %get3A_8 : vector<3584x24xf32>
    %get3A_9 = arith.constant 0 : index
    %get3A_10 = arith.constant 0 : index
    %get3A_11 = vector.load %arg3[%get3A_9, %get3A_10] : memref<3584x16xf32, #tpu.memory_space<vmem>>, vector<3584x16xf32>
    %get3A_12 = arith.constant 0 : index
    %get3A_13 = arith.constant 0 : index
    %get3A_14 = vector.load %arg4[%get3A_12, %get3A_13] : memref<3584x16xf32, #tpu.memory_space<vmem>>, vector<3584x16xf32>
    %add3A_15 = arith.addf %get3A_11, %get3A_14 : vector<3584x16xf32>
    %get3A_16 = arith.constant 0 : index
    %get3A_17 = arith.constant 0 : index
    %get3A_18 = vector.load %arg15[%get3A_16, %get3A_17] : memref<16x4xf32, #tpu.memory_space<vmem>>, vector<16x4xf32>
    %dot_general3A = arith.constant dense<0.000000e+00> : vector<3584x4xf32>
    %dot_general3A_19 = tpu.matmul %add3A_15, %get3A_18, %dot_general3A {dimension_numbers = #tpu.dot_dimension_numbers<[1], [0], [0], [1], [0, 0, 1, 1], [], []>, transpose_lhs_hint = false} : vector<3584x16xf32>, vector<16x4xf32>, vector<3584x4xf32> -> vector<3584x4xf32>
    %mul3A = arith.constant 2.000000e-01 : f32
    %mul3A_20 = vector.broadcast %mul3A : f32 to vector<3584x4xf32>
    %mul3A_21 = arith.mulf %mul3A_20, %dot_general3A_19 : vector<3584x4xf32>
    %max3A = arith.maximumf %dot_general3A_19, %mul3A_21 : vector<3584x4xf32>
    %exp3A = math.exp %max3A : vector<3584x4xf32>
    %get3A_22 = arith.constant 0 : index
    %get3A_23 = arith.constant 0 : index
    %get3A_24 = vector.load %arg16[%get3A_22, %get3A_23] : memref<16x4xf32, #tpu.memory_space<vmem>>, vector<16x4xf32>
    %dot_general3A_25 = arith.constant dense<0.000000e+00> : vector<3584x4xf32>
    %dot_general3A_26 = tpu.matmul %get3A_11, %get3A_24, %dot_general3A_25 {dimension_numbers = #tpu.dot_dimension_numbers<[1], [0], [0], [1], [0, 0, 1, 1], [], []>, transpose_lhs_hint = false} : vector<3584x16xf32>, vector<16x4xf32>, vector<3584x4xf32> -> vector<3584x4xf32>
    %get3A_27 = arith.constant 0 : index
    %get3A_28 = arith.constant 0 : index
    %get3A_29 = vector.load %arg9[%get3A_27, %get3A_28] : memref<24x256xf32, #tpu.memory_space<vmem>>, vector<24x256xf32>
    %dot_general3A_30 = arith.constant dense<0.000000e+00> : vector<3584x256xf32>
    %dot_general3A_31 = tpu.matmul %add3A, %get3A_29, %dot_general3A_30 {dimension_numbers = #tpu.dot_dimension_numbers<[1], [0], [0], [1], [0, 0, 1, 1], [], []>, transpose_lhs_hint = false} : vector<3584x24xf32>, vector<24x256xf32>, vector<3584x256xf32> -> vector<3584x256xf32>
    %get3A_32 = arith.constant 0 : index
    %get3A_33 = arith.constant 0 : index
    %get3A_34 = vector.load %arg10[%get3A_32, %get3A_33] : memref<4x256xf32, #tpu.memory_space<vmem>>, vector<4x256xf32>
    %dot_general3A_35 = arith.constant dense<0.000000e+00> : vector<3584x256xf32>
    %dot_general3A_36 = tpu.matmul %exp3A, %get3A_34, %dot_general3A_35 {dimension_numbers = #tpu.dot_dimension_numbers<[1], [0], [0], [1], [0, 0, 1, 1], [], []>, transpose_lhs_hint = false} : vector<3584x4xf32>, vector<4x256xf32>, vector<3584x256xf32> -> vector<3584x256xf32>
    %add3A_37 = arith.addf %dot_general3A_31, %dot_general3A_36 : vector<3584x256xf32>
    %get3A_38 = arith.constant 0 : index
    %get3A_39 = arith.constant 0 : index
    %get3A_40 = vector.load %arg11[%get3A_38, %get3A_39] : memref<24x16xf32, #tpu.memory_space<vmem>>, vector<24x16xf32>
    %dot_general3A_41 = arith.constant dense<0.000000e+00> : vector<3584x16xf32>
    %dot_general3A_42 = tpu.matmul %add3A, %get3A_40, %dot_general3A_41 {dimension_numbers = #tpu.dot_dimension_numbers<[1], [0], [0], [1], [0, 0, 1, 1], [], []>, transpose_lhs_hint = false} : vector<3584x24xf32>, vector<24x16xf32>, vector<3584x16xf32> -> vector<3584x16xf32>
    %get3A_43 = arith.constant 0 : index
    %get3A_44 = arith.constant 0 : index
    %get3A_45 = vector.load %arg12[%get3A_43, %get3A_44] : memref<4x16xf32, #tpu.memory_space<vmem>>, vector<4x16xf32>
    %dot_general3A_46 = arith.constant dense<0.000000e+00> : vector<3584x16xf32>
    %dot_general3A_47 = tpu.matmul %exp3A, %get3A_45, %dot_general3A_46 {dimension_numbers = #tpu.dot_dimension_numbers<[1], [0], [0], [1], [0, 0, 1, 1], [], []>, transpose_lhs_hint = false} : vector<3584x4xf32>, vector<4x16xf32>, vector<3584x16xf32> -> vector<3584x16xf32>
    %get3A_48 = arith.constant 0 : index
    %get3A_49 = arith.constant 0 : index
    %get3A_50 = vector.load %arg13[%get3A_48, %get3A_49] : memref<4x16xf32, #tpu.memory_space<vmem>>, vector<4x16xf32>
    %dot_general3A_51 = arith.constant dense<0.000000e+00> : vector<3584x16xf32>
    %dot_general3A_52 = tpu.matmul %dot_general3A_26, %get3A_50, %dot_general3A_51 {dimension_numbers = #tpu.dot_dimension_numbers<[1], [0], [0], [1], [0, 0, 1, 1], [], []>, transpose_lhs_hint = false} : vector<3584x4xf32>, vector<4x16xf32>, vector<3584x16xf32> -> vector<3584x16xf32>
    %mul3A_53 = arith.mulf %dot_general3A_47, %dot_general3A_52 : vector<3584x16xf32>
    %add3A_54 = arith.addf %dot_general3A_42, %mul3A_53 : vector<3584x16xf32>
    %get3A_55 = arith.constant 0 : index
    %get3A_56 = arith.constant 0 : index
    %get3A_57 = vector.load %arg5[%get3A_55, %get3A_56] : memref<256x16xf32, #tpu.memory_space<vmem>>, vector<256x16xf32>
    %dot_general3A_58 = arith.constant dense<0.000000e+00> : vector<3584x256xf32>
    %dot_general3A_59 = tpu.matmul %add3A_54, %get3A_57, %dot_general3A_58 {dimension_numbers = #tpu.dot_dimension_numbers<[1], [1], [0], [0], [0, 0, 1, 0], [], []>, transpose_lhs_hint = false} : vector<3584x16xf32>, vector<256x16xf32>, vector<3584x256xf32> -> vector<3584x256xf32>
    %add3A_60 = arith.constant 1.000000e-16 : f32
    %add3A_61 = vector.broadcast %add3A_60 : f32 to vector<3584x256xf32>
    %add3A_62 = arith.addf %add3A_37, %add3A_61 : vector<3584x256xf32>
    %div3A = arith.divf %dot_general3A_59, %add3A_62 : vector<3584x256xf32>
    %get3A_63 = arith.constant 0 : index
    %get3A_64 = arith.constant 0 : index
    %get3A_65 = vector.load %arg8[%get3A_63, %get3A_64] : memref<1x256xf32, #tpu.memory_space<vmem>>, vector<1x256xf32>
    %add3A_66 = vector.broadcast %get3A_65 : vector<1x256xf32> to vector<3584x256xf32>
    %add3A_67 = arith.addf %div3A, %add3A_66 : vector<3584x256xf32>
    %mul3A_68 = arith.constant 5.000000e-01 : f32
    %mul3A_69 = vector.broadcast %mul3A_68 : f32 to vector<3584x256xf32>
    %mul3A_70 = arith.mulf %mul3A_69, %add3A_67 : vector<3584x256xf32>
    %mul3A_71 = arith.constant 0.707106769 : f32
    %mul3A_72 = vector.broadcast %mul3A_71 : f32 to vector<3584x256xf32>
    %mul3A_73 = arith.mulf %add3A_67, %mul3A_72 : vector<3584x256xf32>
    %erf3A = math.erf %mul3A_73 : vector<3584x256xf32>
    %add3A_74 = arith.constant 1.000000e+00 : f32
    %add3A_75 = vector.broadcast %add3A_74 : f32 to vector<3584x256xf32>
    %add3A_76 = arith.addf %add3A_75, %erf3A : vector<3584x256xf32>
    %mul3A_77 = arith.mulf %mul3A_70, %add3A_76 : vector<3584x256xf32>
    %get3A_78 = arith.constant 0 : index
    %get3A_79 = arith.constant 0 : index
    %get3A_80 = vector.load %arg14[%get3A_78, %get3A_79] : memref<24x8xf32, #tpu.memory_space<vmem>>, vector<24x8xf32>
    %dot_general3A_81 = arith.constant dense<0.000000e+00> : vector<3584x8xf32>
    %dot_general3A_82 = tpu.matmul %add3A, %get3A_80, %dot_general3A_81 {dimension_numbers = #tpu.dot_dimension_numbers<[1], [0], [0], [1], [0, 0, 1, 1], [], []>, transpose_lhs_hint = false} : vector<3584x24xf32>, vector<24x8xf32>, vector<3584x8xf32> -> vector<3584x8xf32>
    %add3A_83 = arith.constant 1.000000e+00 : f32
    %add3A_84 = vector.broadcast %add3A_83 : f32 to vector<3584x8xf32>
    %add3A_85 = arith.addf %dot_general3A_82, %add3A_84 : vector<3584x8xf32>
    %rsqrt3A = math.rsqrt %add3A_85 : vector<3584x8xf32>
    %slice3A = vector.extract_strided_slice %rsqrt3A {offsets = [0, 0], sizes = [3584, 1], strides = [1, 1]} : vector<3584x8xf32> to vector<3584x1xf32>
    %get3A_86 = arith.constant 0 : index
    %get3A_87 = arith.constant 0 : index
    %get3A_88 = vector.load %arg6[%get3A_86, %get3A_87] : memref<256x32xf32, #tpu.memory_space<vmem>>, vector<256x32xf32>
    %dot_general3A_89 = arith.constant dense<0.000000e+00> : vector<3584x32xf32>
    %dot_general3A_90 = tpu.matmul %mul3A_77, %get3A_88, %dot_general3A_89 {dimension_numbers = #tpu.dot_dimension_numbers<[1], [0], [0], [1], [0, 0, 1, 1], [], []>, transpose_lhs_hint = false} : vector<3584x256xf32>, vector<256x32xf32>, vector<3584x32xf32> -> vector<3584x32xf32>
    %mul3A_91 = vector.broadcast %slice3A : vector<3584x1xf32> to vector<3584x32xf32>
    %mul3A_92 = arith.mulf %dot_general3A_90, %mul3A_91 : vector<3584x32xf32>
    %swap3A = arith.constant 0 : index
    %swap3A_93 = arith.constant 0 : index
    %swap3A_94 = arith.constant 0 : index
    %swap3A_95 = vector.load %arg17[%swap3A, %swap3A_93, %swap3A_94] : memref<2x3584x32xf32, #tpu.memory_space<vmem>>, vector<1x3584x32xf32>
    %swap3A_96 = vector.shape_cast %swap3A_95 : vector<1x3584x32xf32> to vector<3584x32xf32>
    %swap3A_97 = vector.shape_cast %mul3A_92 : vector<3584x32xf32> to vector<1x3584x32xf32>
    tpu.vector_store %arg17[%swap3A, %swap3A_93, %swap3A_94], %swap3A_97 {strides = array<i32>} : memref<2x3584x32xf32, #tpu.memory_space<vmem>>, vector<1x3584x32xf32>,
    %get3A_98 = arith.constant 0 : index
    %get3A_99 = arith.constant 0 : index
    %get3A_100 = vector.load %arg7[%get3A_98, %get3A_99] : memref<256x32xf32, #tpu.memory_space<vmem>>, vector<256x32xf32>
    %dot_general3A_101 = arith.constant dense<0.000000e+00> : vector<3584x32xf32>
    %dot_general3A_102 = tpu.matmul %mul3A_77, %get3A_100, %dot_general3A_101 {dimension_numbers = #tpu.dot_dimension_numbers<[1], [0], [0], [1], [0, 0, 1, 1], [], []>, transpose_lhs_hint = false} : vector<3584x256xf32>, vector<256x32xf32>, vector<3584x32xf32> -> vector<3584x32xf32>
    %mul3A_103 = vector.broadcast %slice3A : vector<3584x1xf32> to vector<3584x32xf32>
    %mul3A_104 = arith.mulf %dot_general3A_102, %mul3A_103 : vector<3584x32xf32>
    %swap3A_105 = arith.constant 1 : index
    %swap3A_106 = arith.constant 0 : index
    %swap3A_107 = arith.constant 0 : index
    %swap3A_108 = vector.load %arg17[%swap3A_105, %swap3A_106, %swap3A_107] : memref<2x3584x32xf32, #tpu.memory_space<vmem>>, vector<1x3584x32xf32>
    %swap3A_109 = vector.shape_cast %swap3A_108 : vector<1x3584x32xf32> to vector<3584x32xf32>
    %swap3A_110 = vector.shape_cast %mul3A_104 : vector<3584x32xf32> to vector<1x3584x32xf32>
    tpu.vector_store %arg17[%swap3A_105, %swap3A_106, %swap3A_107], %swap3A_110 {strides = array<i32>} : memref<2x3584x32xf32, #tpu.memory_space<vmem>>, vector<1x3584x32xf32>,
    %swap3A_111 = arith.constant 0 : index
    %swap3A_112 = arith.constant 0 : index
    %swap3A_113 = vector.load %arg18[%swap3A_111, %swap3A_112] : memref<3584x8xf32, #tpu.memory_space<vmem>>, vector<3584x8xf32>
    tpu.vector_store %arg18[%swap3A_111, %swap3A_112], %rsqrt3A {strides = array<i32>} : memref<3584x8xf32, #tpu.memory_space<vmem>>, vector<3584x8xf32>,
    return
  }
  func.func @transform_0(%arg0: i32) -> (i32, i32, i32) {
    %c0_i32 = arith.constant 0 : i32
    %c0_i32_0 = arith.constant 0 : i32
    %c0_i32_1 = arith.constant 0 : i32
    return %c0_i32, %arg0, %c0_i32_0 : i32, i32, i32
  }
  func.func @transform_1(%arg0: i32) -> (i32, i32, i32) {
    %c1_i32 = arith.constant 1 : i32
    %c0_i32 = arith.constant 0 : i32
    %c0_i32_0 = arith.constant 0 : i32
    return %c1_i32, %arg0, %c0_i32 : i32, i32, i32
  }
  func.func @transform_2(%arg0: i32) -> (i32, i32) {
    %c0_i32 = arith.constant 0 : i32
    %c0_i32_0 = arith.constant 0 : i32
    return %arg0, %c0_i32 : i32, i32
  }
  func.func @transform_3(%arg0: i32) -> (i32, i32) {
    %c0_i32 = arith.constant 0 : i32
    %c0_i32_0 = arith.constant 0 : i32
    return %arg0, %c0_i32 : i32, i32
  }
  func.func @transform_4(%arg0: i32) -> (i32, i32) {
    %c0_i32 = arith.constant 0 : i32
    %c0_i32_0 = arith.constant 0 : i32
    %c0_i32_1 = arith.constant 0 : i32
    return %c0_i32, %c0_i32_0 : i32, i32
  }
  func.func @transform_5(%arg0: i32) -> (i32, i32) {
    %c0_i32 = arith.constant 0 : i32
    %c0_i32_0 = arith.constant 0 : i32
    %c0_i32_1 = arith.constant 0 : i32
    return %c0_i32, %c0_i32_0 : i32, i32
  }
  func.func @transform_6(%arg0: i32) -> (i32, i32) {
    %c0_i32 = arith.constant 0 : i32
    %c0_i32_0 = arith.constant 0 : i32
    %c0_i32_1 = arith.constant 0 : i32
    return %c0_i32, %c0_i32_0 : i32, i32
  }
  func.func @transform_7(%arg0: i32) -> (i32, i32) {
    %c0_i32 = arith.constant 0 : i32
    %c0_i32_0 = arith.constant 0 : i32
    %c0_i32_1 = arith.constant 0 : i32
    return %c0_i32, %c0_i32_0 : i32, i32
  }
  func.func @transform_8(%arg0: i32) -> (i32, i32) {
    %c0_i32 = arith.constant 0 : i32
    %c0_i32_0 = arith.constant 0 : i32
    %c0_i32_1 = arith.constant 0 : i32
    return %c0_i32, %c0_i32_0 : i32, i32
  }
  func.func @transform_9(%arg0: i32) -> (i32, i32) {
    %c0_i32 = arith.constant 0 : i32
    %c0_i32_0 = arith.constant 0 : i32
    %c0_i32_1 = arith.constant 0 : i32
    return %c0_i32, %c0_i32_0 : i32, i32
  }
  func.func @transform_10(%arg0: i32) -> (i32, i32) {
    %c0_i32 = arith.constant 0 : i32
    %c0_i32_0 = arith.constant 0 : i32
    %c0_i32_1 = arith.constant 0 : i32
    return %c0_i32, %c0_i32_0 : i32, i32
  }
  func.func @transform_11(%arg0: i32) -> (i32, i32) {
    %c0_i32 = arith.constant 0 : i32
    %c0_i32_0 = arith.constant 0 : i32
    %c0_i32_1 = arith.constant 0 : i32
    return %c0_i32, %c0_i32_0 : i32, i32
  }
  func.func @transform_12(%arg0: i32) -> (i32, i32) {
    %c0_i32 = arith.constant 0 : i32
    %c0_i32_0 = arith.constant 0 : i32
    %c0_i32_1 = arith.constant 0 : i32
    return %c0_i32, %c0_i32_0 : i32, i32
  }
  func.func @transform_13(%arg0: i32) -> (i32, i32) {
    %c0_i32 = arith.constant 0 : i32
    %c0_i32_0 = arith.constant 0 : i32
    %c0_i32_1 = arith.constant 0 : i32
    return %c0_i32, %c0_i32_0 : i32, i32
  }
  func.func @transform_14(%arg0: i32) -> (i32, i32) {
    %c0_i32 = arith.constant 0 : i32
    %c0_i32_0 = arith.constant 0 : i32
    %c0_i32_1 = arith.constant 0 : i32
    return %c0_i32, %c0_i32_0 : i32, i32
  }
  func.func @transform_15(%arg0: i32) -> (i32, i32) {
    %c0_i32 = arith.constant 0 : i32
    %c0_i32_0 = arith.constant 0 : i32
    %c0_i32_1 = arith.constant 0 : i32
    return %c0_i32, %c0_i32_0 : i32, i32
  }
  func.func @transform_16(%arg0: i32) -> (i32, i32, i32) {
    %c0_i32 = arith.constant 0 : i32
    %c0_i32_0 = arith.constant 0 : i32
    %c0_i32_1 = arith.constant 0 : i32
    return %c0_i32, %arg0, %c0_i32_0 : i32, i32, i32
  }
  func.func @transform_17(%arg0: i32) -> (i32, i32) {
    %c0_i32 = arith.constant 0 : i32
    %c0_i32_0 = arith.constant 0 : i32
    return %arg0, %c0_i32 : i32, i32
  }
}

module attributes {stable_mosaic.version = 14 : i64} {
  func.func @_k3_body(%arg0: i32, %arg1: memref<1x3584x32xf32, #tpu.memory_space<vmem>>, %arg2: memref<1x3584x32xf32, #tpu.memory_space<vmem>>, %arg3: memref<2x3584x32xf32, #tpu.memory_space<vmem>>, %arg4: memref<3584x8xf32, #tpu.memory_space<vmem>>, %arg5: memref<1x64xf32, #tpu.memory_space<vmem>>, %arg6: memref<64x32xf32, #tpu.memory_space<vmem>>, %arg7: memref<64x32xf32, #tpu.memory_space<vmem>>, %arg8: memref<32x64xf32, #tpu.memory_space<vmem>>, %arg9: memref<32x64xf32, #tpu.memory_space<vmem>>, %arg10: memref<2x3584x32xf32, #tpu.memory_space<vmem>>) attributes {dimension_semantics = [#tpu.dimension_semantics<arbitrary>], iteration_bounds = array<i64: 14>, scalar_prefetch = 0 : i64, scratch_operands = 0 : i64, tpu.core_type = #tpu.core_type<tc>, window_params = [{transform_indices = @transform_0, window_bounds = array<i64: 1, 3584, 32>}, {transform_indices = @transform_1, window_bounds = array<i64: 1, 3584, 32>}, {transform_indices = @transform_2, window_bounds = array<i64: 2, 3584, 32>}, {transform_indices = @transform_3, window_bounds = array<i64: 3584, 8>}, {pipeline_mode = #tpu.pipeline_mode<synchronous>, transform_indices = @transform_4, window_bounds = array<i64: 1, 64>}, {pipeline_mode = #tpu.pipeline_mode<synchronous>, transform_indices = @transform_5, window_bounds = array<i64: 64, 32>}, {pipeline_mode = #tpu.pipeline_mode<synchronous>, transform_indices = @transform_6, window_bounds = array<i64: 64, 32>}, {pipeline_mode = #tpu.pipeline_mode<synchronous>, transform_indices = @transform_7, window_bounds = array<i64: 32, 64>}, {pipeline_mode = #tpu.pipeline_mode<synchronous>, transform_indices = @transform_8, window_bounds = array<i64: 32, 64>}, {transform_indices = @transform_9, window_bounds = array<i64: 2, 3584, 32>}]} {
    %get3A = arith.constant 0 : index
    %get3A_0 = arith.constant 0 : index
    %get3A_1 = vector.load %arg4[%get3A, %get3A_0] : memref<3584x8xf32, #tpu.memory_space<vmem>>, vector<3584x1xf32>
    %get3A_2 = arith.constant 0 : index
    %get3A_3 = arith.constant 0 : index
    %get3A_4 = arith.constant 0 : index
    %get3A_5 = vector.load %arg1[%get3A_2, %get3A_3, %get3A_4] : memref<1x3584x32xf32, #tpu.memory_space<vmem>>, vector<1x3584x32xf32>
    %get3A_6 = vector.shape_cast %get3A_5 : vector<1x3584x32xf32> to vector<3584x32xf32>
    %get3A_7 = arith.constant 0 : index
    %get3A_8 = arith.constant 0 : index
    %get3A_9 = arith.constant 0 : index
    %get3A_10 = vector.load %arg3[%get3A_7, %get3A_8, %get3A_9] : memref<2x3584x32xf32, #tpu.memory_space<vmem>>, vector<1x3584x32xf32>
    %get3A_11 = vector.shape_cast %get3A_10 : vector<1x3584x32xf32> to vector<3584x32xf32>
    %add3A = arith.addf %get3A_6, %get3A_11 : vector<3584x32xf32>
    %get3A_12 = arith.constant 0 : index
    %get3A_13 = arith.constant 0 : index
    %get3A_14 = arith.constant 0 : index
    %get3A_15 = vector.load %arg2[%get3A_12, %get3A_13, %get3A_14] : memref<1x3584x32xf32, #tpu.memory_space<vmem>>, vector<1x3584x32xf32>
    %get3A_16 = vector.shape_cast %get3A_15 : vector<1x3584x32xf32> to vector<3584x32xf32>
    %get3A_17 = arith.constant 1 : index
    %get3A_18 = arith.constant 0 : index
    %get3A_19 = arith.constant 0 : index
    %get3A_20 = vector.load %arg3[%get3A_17, %get3A_18, %get3A_19] : memref<2x3584x32xf32, #tpu.memory_space<vmem>>, vector<1x3584x32xf32>
    %get3A_21 = vector.shape_cast %get3A_20 : vector<1x3584x32xf32> to vector<3584x32xf32>
    %add3A_22 = arith.addf %get3A_16, %get3A_21 : vector<3584x32xf32>
    %get3A_23 = arith.constant 0 : index
    %get3A_24 = arith.constant 0 : index
    %get3A_25 = vector.load %arg8[%get3A_23, %get3A_24] : memref<32x64xf32, #tpu.memory_space<vmem>>, vector<32x64xf32>
    %dot_general3A = arith.constant dense<0.000000e+00> : vector<3584x64xf32>
    %dot_general3A_26 = tpu.matmul %add3A, %get3A_25, %dot_general3A {dimension_numbers = #tpu.dot_dimension_numbers<[1], [0], [0], [1], [0, 0, 1, 1], [], []>, transpose_lhs_hint = false} : vector<3584x32xf32>, vector<32x64xf32>, vector<3584x64xf32> -> vector<3584x64xf32>
    %get3A_27 = arith.constant 0 : index
    %get3A_28 = arith.constant 0 : index
    %get3A_29 = vector.load %arg9[%get3A_27, %get3A_28] : memref<32x64xf32, #tpu.memory_space<vmem>>, vector<32x64xf32>
    %dot_general3A_30 = arith.constant dense<0.000000e+00> : vector<3584x64xf32>
    %dot_general3A_31 = tpu.matmul %add3A_22, %get3A_29, %dot_general3A_30 {dimension_numbers = #tpu.dot_dimension_numbers<[1], [0], [0], [1], [0, 0, 1, 1], [], []>, transpose_lhs_hint = false} : vector<3584x32xf32>, vector<32x64xf32>, vector<3584x64xf32> -> vector<3584x64xf32>
    %add3A_32 = arith.addf %dot_general3A_26, %dot_general3A_31 : vector<3584x64xf32>
    %mul3A = vector.broadcast %get3A_1 : vector<3584x1xf32> to vector<3584x64xf32>
    %mul3A_33 = arith.mulf %mul3A, %add3A_32 : vector<3584x64xf32>
    %get3A_34 = arith.constant 0 : index
    %get3A_35 = arith.constant 0 : index
    %get3A_36 = vector.load %arg5[%get3A_34, %get3A_35] : memref<1x64xf32, #tpu.memory_space<vmem>>, vector<1x64xf32>
    %add3A_37 = vector.broadcast %get3A_36 : vector<1x64xf32> to vector<3584x64xf32>
    %add3A_38 = arith.addf %mul3A_33, %add3A_37 : vector<3584x64xf32>
    %mul3A_39 = arith.constant 5.000000e-01 : f32
    %mul3A_40 = vector.broadcast %mul3A_39 : f32 to vector<3584x64xf32>
    %mul3A_41 = arith.mulf %mul3A_40, %add3A_38 : vector<3584x64xf32>
    %mul3A_42 = arith.constant 0.707106769 : f32
    %mul3A_43 = vector.broadcast %mul3A_42 : f32 to vector<3584x64xf32>
    %mul3A_44 = arith.mulf %add3A_38, %mul3A_43 : vector<3584x64xf32>
    %erf3A = math.erf %mul3A_44 : vector<3584x64xf32>
    %add3A_45 = arith.constant 1.000000e+00 : f32
    %add3A_46 = vector.broadcast %add3A_45 : f32 to vector<3584x64xf32>
    %add3A_47 = arith.addf %add3A_46, %erf3A : vector<3584x64xf32>
    %mul3A_48 = arith.mulf %mul3A_41, %add3A_47 : vector<3584x64xf32>
    %get3A_49 = arith.constant 0 : index
    %get3A_50 = arith.constant 0 : index
    %get3A_51 = vector.load %arg6[%get3A_49, %get3A_50] : memref<64x32xf32, #tpu.memory_space<vmem>>, vector<64x32xf32>
    %dot_general3A_52 = arith.constant dense<0.000000e+00> : vector<3584x32xf32>
    %dot_general3A_53 = tpu.matmul %mul3A_48, %get3A_51, %dot_general3A_52 {dimension_numbers = #tpu.dot_dimension_numbers<[1], [0], [0], [1], [0, 0, 1, 1], [], []>, transpose_lhs_hint = false} : vector<3584x64xf32>, vector<64x32xf32>, vector<3584x32xf32> -> vector<3584x32xf32>
    %mul3A_54 = vector.broadcast %get3A_1 : vector<3584x1xf32> to vector<3584x32xf32>
    %mul3A_55 = arith.mulf %dot_general3A_53, %mul3A_54 : vector<3584x32xf32>
    %swap3A = arith.constant 0 : index
    %swap3A_56 = arith.constant 0 : index
    %swap3A_57 = arith.constant 0 : index
    %swap3A_58 = vector.load %arg10[%swap3A, %swap3A_56, %swap3A_57] : memref<2x3584x32xf32, #tpu.memory_space<vmem>>, vector<1x3584x32xf32>
    %swap3A_59 = vector.shape_cast %swap3A_58 : vector<1x3584x32xf32> to vector<3584x32xf32>
    %swap3A_60 = vector.shape_cast %mul3A_55 : vector<3584x32xf32> to vector<1x3584x32xf32>
    tpu.vector_store %arg10[%swap3A, %swap3A_56, %swap3A_57], %swap3A_60 {strides = array<i32>} : memref<2x3584x32xf32, #tpu.memory_space<vmem>>, vector<1x3584x32xf32>,
    %get3A_61 = arith.constant 0 : index
    %get3A_62 = arith.constant 0 : index
    %get3A_63 = vector.load %arg7[%get3A_61, %get3A_62] : memref<64x32xf32, #tpu.memory_space<vmem>>, vector<64x32xf32>
    %dot_general3A_64 = arith.constant dense<0.000000e+00> : vector<3584x32xf32>
    %dot_general3A_65 = tpu.matmul %mul3A_48, %get3A_63, %dot_general3A_64 {dimension_numbers = #tpu.dot_dimension_numbers<[1], [0], [0], [1], [0, 0, 1, 1], [], []>, transpose_lhs_hint = false} : vector<3584x64xf32>, vector<64x32xf32>, vector<3584x32xf32> -> vector<3584x32xf32>
    %mul3A_66 = vector.broadcast %get3A_1 : vector<3584x1xf32> to vector<3584x32xf32>
    %mul3A_67 = arith.mulf %dot_general3A_65, %mul3A_66 : vector<3584x32xf32>
    %swap3A_68 = arith.constant 1 : index
    %swap3A_69 = arith.constant 0 : index
    %swap3A_70 = arith.constant 0 : index
    %swap3A_71 = vector.load %arg10[%swap3A_68, %swap3A_69, %swap3A_70] : memref<2x3584x32xf32, #tpu.memory_space<vmem>>, vector<1x3584x32xf32>
    %swap3A_72 = vector.shape_cast %swap3A_71 : vector<1x3584x32xf32> to vector<3584x32xf32>
    %swap3A_73 = vector.shape_cast %mul3A_67 : vector<3584x32xf32> to vector<1x3584x32xf32>
    tpu.vector_store %arg10[%swap3A_68, %swap3A_69, %swap3A_70], %swap3A_73 {strides = array<i32>} : memref<2x3584x32xf32, #tpu.memory_space<vmem>>, vector<1x3584x32xf32>,
    return
  }
  func.func @transform_0(%arg0: i32) -> (i32, i32, i32) {
    %c0_i32 = arith.constant 0 : i32
    %c0_i32_0 = arith.constant 0 : i32
    %c0_i32_1 = arith.constant 0 : i32
    return %c0_i32, %arg0, %c0_i32_0 : i32, i32, i32
  }
  func.func @transform_1(%arg0: i32) -> (i32, i32, i32) {
    %c1_i32 = arith.constant 1 : i32
    %c0_i32 = arith.constant 0 : i32
    %c0_i32_0 = arith.constant 0 : i32
    return %c1_i32, %arg0, %c0_i32 : i32, i32, i32
  }
  func.func @transform_2(%arg0: i32) -> (i32, i32, i32) {
    %c0_i32 = arith.constant 0 : i32
    %c0_i32_0 = arith.constant 0 : i32
    %c0_i32_1 = arith.constant 0 : i32
    return %c0_i32, %arg0, %c0_i32_0 : i32, i32, i32
  }
  func.func @transform_3(%arg0: i32) -> (i32, i32) {
    %c0_i32 = arith.constant 0 : i32
    %c0_i32_0 = arith.constant 0 : i32
    return %arg0, %c0_i32 : i32, i32
  }
  func.func @transform_4(%arg0: i32) -> (i32, i32) {
    %c0_i32 = arith.constant 0 : i32
    %c0_i32_0 = arith.constant 0 : i32
    %c0_i32_1 = arith.constant 0 : i32
    return %c0_i32, %c0_i32_0 : i32, i32
  }
  func.func @transform_5(%arg0: i32) -> (i32, i32) {
    %c0_i32 = arith.constant 0 : i32
    %c0_i32_0 = arith.constant 0 : i32
    %c0_i32_1 = arith.constant 0 : i32
    return %c0_i32, %c0_i32_0 : i32, i32
  }
  func.func @transform_6(%arg0: i32) -> (i32, i32) {
    %c0_i32 = arith.constant 0 : i32
    %c0_i32_0 = arith.constant 0 : i32
    %c0_i32_1 = arith.constant 0 : i32
    return %c0_i32, %c0_i32_0 : i32, i32
  }
  func.func @transform_7(%arg0: i32) -> (i32, i32) {
    %c0_i32 = arith.constant 0 : i32
    %c0_i32_0 = arith.constant 0 : i32
    %c0_i32_1 = arith.constant 0 : i32
    return %c0_i32, %c0_i32_0 : i32, i32
  }
  func.func @transform_8(%arg0: i32) -> (i32, i32) {
    %c0_i32 = arith.constant 0 : i32
    %c0_i32_0 = arith.constant 0 : i32
    %c0_i32_1 = arith.constant 0 : i32
    return %c0_i32, %c0_i32_0 : i32, i32
  }
  func.func @transform_9(%arg0: i32) -> (i32, i32, i32) {
    %c0_i32 = arith.constant 0 : i32
    %c0_i32_0 = arith.constant 0 : i32
    %c0_i32_1 = arith.constant 0 : i32
    return %c0_i32, %arg0, %c0_i32_0 : i32, i32, i32
  }
}

module attributes {stable_mosaic.version = 14 : i64} {
  func.func @_k4_body(%arg0: i32, %arg1: memref<1x3584x32xf32, #tpu.memory_space<vmem>>, %arg2: memref<1x3584x32xf32, #tpu.memory_space<vmem>>, %arg3: memref<2x3584x32xf32, #tpu.memory_space<vmem>>, %arg4: memref<3584x8xf32, #tpu.memory_space<vmem>>, %arg5: memref<1x64xf32, #tpu.memory_space<vmem>>, %arg6: memref<32x64xf32, #tpu.memory_space<vmem>>, %arg7: memref<32x64xf32, #tpu.memory_space<vmem>>, %arg8: memref<3584x64xf32, #tpu.memory_space<vmem>>) attributes {dimension_semantics = [#tpu.dimension_semantics<arbitrary>], iteration_bounds = array<i64: 14>, scalar_prefetch = 0 : i64, scratch_operands = 0 : i64, tpu.core_type = #tpu.core_type<tc>, window_params = [{transform_indices = @transform_0, window_bounds = array<i64: 1, 3584, 32>}, {transform_indices = @transform_1, window_bounds = array<i64: 1, 3584, 32>}, {transform_indices = @transform_2, window_bounds = array<i64: 2, 3584, 32>}, {transform_indices = @transform_3, window_bounds = array<i64: 3584, 8>}, {pipeline_mode = #tpu.pipeline_mode<synchronous>, transform_indices = @transform_4, window_bounds = array<i64: 1, 64>}, {pipeline_mode = #tpu.pipeline_mode<synchronous>, transform_indices = @transform_5, window_bounds = array<i64: 32, 64>}, {pipeline_mode = #tpu.pipeline_mode<synchronous>, transform_indices = @transform_6, window_bounds = array<i64: 32, 64>}, {transform_indices = @transform_7, window_bounds = array<i64: 3584, 64>}]} {
    %get3A = arith.constant 0 : index
    %get3A_0 = arith.constant 0 : index
    %get3A_1 = vector.load %arg4[%get3A, %get3A_0] : memref<3584x8xf32, #tpu.memory_space<vmem>>, vector<3584x1xf32>
    %get3A_2 = arith.constant 0 : index
    %get3A_3 = arith.constant 0 : index
    %get3A_4 = arith.constant 0 : index
    %get3A_5 = vector.load %arg1[%get3A_2, %get3A_3, %get3A_4] : memref<1x3584x32xf32, #tpu.memory_space<vmem>>, vector<1x3584x32xf32>
    %get3A_6 = vector.shape_cast %get3A_5 : vector<1x3584x32xf32> to vector<3584x32xf32>
    %get3A_7 = arith.constant 0 : index
    %get3A_8 = arith.constant 0 : index
    %get3A_9 = arith.constant 0 : index
    %get3A_10 = vector.load %arg3[%get3A_7, %get3A_8, %get3A_9] : memref<2x3584x32xf32, #tpu.memory_space<vmem>>, vector<1x3584x32xf32>
    %get3A_11 = vector.shape_cast %get3A_10 : vector<1x3584x32xf32> to vector<3584x32xf32>
    %add3A = arith.addf %get3A_6, %get3A_11 : vector<3584x32xf32>
    %get3A_12 = arith.constant 0 : index
    %get3A_13 = arith.constant 0 : index
    %get3A_14 = arith.constant 0 : index
    %get3A_15 = vector.load %arg2[%get3A_12, %get3A_13, %get3A_14] : memref<1x3584x32xf32, #tpu.memory_space<vmem>>, vector<1x3584x32xf32>
    %get3A_16 = vector.shape_cast %get3A_15 : vector<1x3584x32xf32> to vector<3584x32xf32>
    %get3A_17 = arith.constant 1 : index
    %get3A_18 = arith.constant 0 : index
    %get3A_19 = arith.constant 0 : index
    %get3A_20 = vector.load %arg3[%get3A_17, %get3A_18, %get3A_19] : memref<2x3584x32xf32, #tpu.memory_space<vmem>>, vector<1x3584x32xf32>
    %get3A_21 = vector.shape_cast %get3A_20 : vector<1x3584x32xf32> to vector<3584x32xf32>
    %add3A_22 = arith.addf %get3A_16, %get3A_21 : vector<3584x32xf32>
    %get3A_23 = arith.constant 0 : index
    %get3A_24 = arith.constant 0 : index
    %get3A_25 = vector.load %arg6[%get3A_23, %get3A_24] : memref<32x64xf32, #tpu.memory_space<vmem>>, vector<32x64xf32>
    %dot_general3A = arith.constant dense<0.000000e+00> : vector<3584x64xf32>
    %dot_general3A_26 = tpu.matmul %add3A, %get3A_25, %dot_general3A {dimension_numbers = #tpu.dot_dimension_numbers<[1], [0], [0], [1], [0, 0, 1, 1], [], []>, transpose_lhs_hint = false} : vector<3584x32xf32>, vector<32x64xf32>, vector<3584x64xf32> -> vector<3584x64xf32>
    %get3A_27 = arith.constant 0 : index
    %get3A_28 = arith.constant 0 : index
    %get3A_29 = vector.load %arg7[%get3A_27, %get3A_28] : memref<32x64xf32, #tpu.memory_space<vmem>>, vector<32x64xf32>
    %dot_general3A_30 = arith.constant dense<0.000000e+00> : vector<3584x64xf32>
    %dot_general3A_31 = tpu.matmul %add3A_22, %get3A_29, %dot_general3A_30 {dimension_numbers = #tpu.dot_dimension_numbers<[1], [0], [0], [1], [0, 0, 1, 1], [], []>, transpose_lhs_hint = false} : vector<3584x32xf32>, vector<32x64xf32>, vector<3584x64xf32> -> vector<3584x64xf32>
    %add3A_32 = arith.addf %dot_general3A_26, %dot_general3A_31 : vector<3584x64xf32>
    %mul3A = vector.broadcast %get3A_1 : vector<3584x1xf32> to vector<3584x64xf32>
    %mul3A_33 = arith.mulf %mul3A, %add3A_32 : vector<3584x64xf32>
    %get3A_34 = arith.constant 0 : index
    %get3A_35 = arith.constant 0 : index
    %get3A_36 = vector.load %arg5[%get3A_34, %get3A_35] : memref<1x64xf32, #tpu.memory_space<vmem>>, vector<1x64xf32>
    %add3A_37 = vector.broadcast %get3A_36 : vector<1x64xf32> to vector<3584x64xf32>
    %add3A_38 = arith.addf %mul3A_33, %add3A_37 : vector<3584x64xf32>
    %swap3A = arith.constant 0 : index
    %swap3A_39 = arith.constant 0 : index
    %swap3A_40 = vector.load %arg8[%swap3A, %swap3A_39] : memref<3584x64xf32, #tpu.memory_space<vmem>>, vector<3584x64xf32>
    tpu.vector_store %arg8[%swap3A, %swap3A_39], %add3A_38 {strides = array<i32>} : memref<3584x64xf32, #tpu.memory_space<vmem>>, vector<3584x64xf32>,
    return
  }
  func.func @transform_0(%arg0: i32) -> (i32, i32, i32) {
    %c0_i32 = arith.constant 0 : i32
    %c0_i32_0 = arith.constant 0 : i32
    %c0_i32_1 = arith.constant 0 : i32
    return %c0_i32, %arg0, %c0_i32_0 : i32, i32, i32
  }
  func.func @transform_1(%arg0: i32) -> (i32, i32, i32) {
    %c1_i32 = arith.constant 1 : i32
    %c0_i32 = arith.constant 0 : i32
    %c0_i32_0 = arith.constant 0 : i32
    return %c1_i32, %arg0, %c0_i32 : i32, i32, i32
  }
  func.func @transform_2(%arg0: i32) -> (i32, i32, i32) {
    %c0_i32 = arith.constant 0 : i32
    %c0_i32_0 = arith.constant 0 : i32
    %c0_i32_1 = arith.constant 0 : i32
    return %c0_i32, %arg0, %c0_i32_0 : i32, i32, i32
  }
  func.func @transform_3(%arg0: i32) -> (i32, i32) {
    %c0_i32 = arith.constant 0 : i32
    %c0_i32_0 = arith.constant 0 : i32
    return %arg0, %c0_i32 : i32, i32
  }
  func.func @transform_4(%arg0: i32) -> (i32, i32) {
    %c0_i32 = arith.constant 0 : i32
    %c0_i32_0 = arith.constant 0 : i32
    %c0_i32_1 = arith.constant 0 : i32
    return %c0_i32, %c0_i32_0 : i32, i32
  }
  func.func @transform_5(%arg0: i32) -> (i32, i32) {
    %c0_i32 = arith.constant 0 : i32
    %c0_i32_0 = arith.constant 0 : i32
    %c0_i32_1 = arith.constant 0 : i32
    return %c0_i32, %c0_i32_0 : i32, i32
  }
  func.func @transform_6(%arg0: i32) -> (i32, i32) {
    %c0_i32 = arith.constant 0 : i32
    %c0_i32_0 = arith.constant 0 : i32
    %c0_i32_1 = arith.constant 0 : i32
    return %c0_i32, %c0_i32_0 : i32, i32
  }
  func.func @transform_7(%arg0: i32) -> (i32, i32) {
    %c0_i32 = arith.constant 0 : i32
    %c0_i32_0 = arith.constant 0 : i32
    return %arg0, %c0_i32 : i32, i32
  }
}

</mosaic_0001>

<sc_bundles>
// kernel: kernel.10.cloned.1.call-start
scs
__scs_entry_jumppad:
0x0: {  	(pc) =	sbr.rel $0x88, $3  }
0x1: {  	(tag) =	ssettag $0x0;
	lr =	simm.s32 $0x1  }
0x2: {  	[smem:$0x3F97] =	sst lr;
	_ =	strace $0xD0000000  }
0x3: {  	_ = 	snop  }
0x4: {  	_ = 	snop  }
0x5: {  	_ = 	snop  }
0x6: {  	_ = 	snop  }
0x7: {  	_ = 	snop  }
__scs_overlays_trampoline_lowered:
0x8: {  	[smem:$0x3FA6] =	sst s0  }
0x9: {  	[smem:$0x3FA7] =	sst s1  }
0xa: {  	[smem:$0x3FA8] =	sst s2  }
0xb: {  	[smem:$0x3FA9] =	sst s3  }
0xc: {  	[smem:$0x3FAA] =	sst s4  }
0xd: {  	[smem:$0x3FAB] =	sst s5  }
0xe: {  	[smem:$0x3FAC] =	sst s6  }
0xf: {  	[smem:$0x3FAD] =	sst s7  }
0x10: {  	[smem:$0x3FAE] =	sst s8  }
0x11: {  	[smem:$0x3FAF] =	sst s9;
	s0 =	simm.s32 @!p0 $0x0  }
0x12: {  	s1 =	sld [smem:$0x3F95];
	s0 =	simm.s32 @p0 $0x1  }
0x13: {  	[smem:$0x3FB0] =	sst s0;
	s0 =	simm.s32 @!p1 $0x0  }
0x14: {  	s2 =	sld [smem:$0x3F94];
	s0 =	simm.s32 @p1 $0x1  }
0x15: {  	[smem:$0x3FB1] =	sst s0;
	s0 =	simm.s32 @!p2 $0x0  }
0x16: {  	s3 =	sld [smem:$0x3FDB];
	s0 =	simm.s32 @p2 $0x1  }
0x17: {  	s4 =	simm.s32 $0x1BF5;
	[smem:$0x3FB3] =	sst s0  }
0x18: {  	s0 =	sld [smem:$0x3F96];
	_ =	swait.ge [sflag:s4], $0x0  }
0x19: {  	s7 =	sld [smem:$0x3F97]  }
0x1a: {  	s8 =	sadd.s32 $0xFFFFE003, lr  }
0x1b: {  	s9 =	sadd.s32 $0xFFFFFEF7, lr;
	s5 =	simm.s32 $0xFFFFFFFF;
	p2 =	slt.u32 s8, $0xFFFFF086  }
0x1c: {  	p1 =	slt.u32 s9, $0xF7A;
	s5 =	simm.s32 @!p2 $0x0  }
0x1d: {  	s5 =	simm.s32 @p1 $0x1;
	p0 =	seq.s32 s7, s2  }
0x1e: {  	s7 =	smul.u32 @!p0 $0xF7A, s2;
	p2 =	seq.s32 @!p0 s5, $0x0  }
0x1f: {  	s9 =	smul.u32 $0xF7A, s1;
	s8 =	simm.s32 @!p0 $0x1BF5;
	p2 =	por !p2, p0  }
0x20: {  	[sflag:s8] =	ssyncset.s32 @!p0 $0xFFFFF086;
	s6 =	sadd.s32 @!p0 s3, s7;
	s7 =	simm.s32 @!p0 $0x108  }
0x21: {  	s3 =	sadd.s32 s3, s9;
	s6 =	sadd.s32 @!p0 $0x88, s6;
	s7 =	simm.s32 @p2 $0x1082  }
0x22: {  	[simem:s7], [sflag:s8] =	dma.local @!p0 [hbm:s6], $0xF7A  }
0x23: {  	s9 =	sor.u32 $0xD0000000, s2;
	s6 =	simm.s32 $0x108;
	_ =	swait.ge @!p0 [sflag:s8], $0x0  }
0x24: {  	s3 =	sadd.s32 $0x88, s3;
	s6 =	simm.s32 @!p1 $0x1082;
	[sflag:s4] =	ssyncset.s32 $0xFFFFF086  }
0x25: {  	[simem:s6], [sflag:s4] =	dma.local [hbm:s3], $0xF7A  }
0x26: {  	[smem:$0x3F97] =	sst s1;
	(tag) =	ssettag s2;
	_ =	strace s9  }
0x27: {  	s1 =	sld [smem:$0x3FA7]  }
0x28: {  	s2 =	sld [smem:$0x3FA8]  }
0x29: {  	s4 =	sld [smem:$0x3FAA]  }
0x2a: {  	p0 =	seq.s32 s5, $0x0;
	s5 =	sld [smem:$0x3FAB]  }
0x2b: {  	s6 =	sld [smem:$0x3FAC]  }
0x2c: {  	s7 =	sld [smem:$0x3FAD]  }
0x2d: {  	s3 =	simm.s32 $0x108;
	s8 =	sld [smem:$0x3FAE]  }
0x2e: {  	s3 =	simm.s32 @!p0 $0x1082;
	s9 =	sld [smem:$0x3FAF]  }
0x2f: {  	lr =	sadd.s32 s0, s3;
	s0 =	sld [smem:$0x3FA6]  }
0x30: {  	s3 =	sld [smem:$0x3FA9]  }
0x31: {  	[smem:$0x3FB2] =	sst s10  }
0x32: {  	s10 =	sld [smem:$0x3FB0];
	_ =	sdelay $0x3  }
0x33: {  	p0 =	seq.s32 s10, $0x1;
	s10 =	sld [smem:$0x3FB2];
	_ =	sdelay $0x3  }
0x34: {  	[smem:$0x3FB2] =	sst s10  }
0x35: {  	s10 =	sld [smem:$0x3FB1];
	_ =	sdelay $0x3  }
0x36: {  	p1 =	seq.s32 s10, $0x1;
	s10 =	sld [smem:$0x3FB2];
	_ =	sdelay $0x3  }
0x37: {  	[smem:$0x3FB2] =	sst s10  }
0x38: {  	s10 =	sld [smem:$0x3FB3]  }
0x39: {  	_ = 	snop;
	(pc) =	sbr.ind lr, $3  }
0x3a: {  	_ = 	snop  }
0x3b: {  	_ = 	snop  }
0x3c: {  	p2 =	seq.s32 s10, $0x1;
	s10 =	sld [smem:$0x3FB2]  }
0x3d: {  	_ =	shalt  }
0x3e: {  	_ =	shalt  }
0x3f: {  	_ =	shalt  }
0x40: {  	_ =	shalt  }
0x41: {  	_ =	shalt  }
0x42: {  	_ =	shalt  }
0x43: {  	_ =	shalt  }
0x44: {  	_ =	shalt  }
0x45: {  	_ =	shalt  }
0x46: {  	_ =	shalt  }
0x47: {  	_ =	shalt  }
0x48: {  	_ =	shalt  }
0x49: {  	_ =	shalt  }
0x4a: {  	_ =	shalt  }
0x4b: {  	_ =	shalt  }
0x4c: {  	_ =	shalt  }
0x4d: {  	_ =	shalt  }
0x4e: {  	_ =	shalt  }
0x4f: {  	_ =	shalt  }
0x50: {  	_ =	shalt  }
0x51: {  	_ =	shalt  }
0x52: {  	_ =	shalt  }
0x53: {  	_ =	shalt  }
0x54: {  	_ =	shalt  }
0x55: {  	_ =	shalt  }
0x56: {  	_ =	shalt  }
0x57: {  	_ =	shalt  }
0x58: {  	_ =	shalt  }
0x59: {  	_ =	shalt  }
0x5a: {  	_ =	shalt  }
0x5b: {  	_ =	shalt  }
0x5c: {  	_ =	shalt  }
0x5d: {  	_ =	shalt  }
0x5e: {  	_ =	shalt  }
0x5f: {  	_ =	shalt  }
0x60: {  	_ =	shalt  }
0x61: {  	_ =	shalt  }
0x62: {  	_ =	shalt  }
0x63: {  	_ =	shalt  }
0x64: {  	_ =	shalt  }
0x65: {  	_ =	shalt  }
0x66: {  	_ =	shalt  }
0x67: {  	_ =	shalt  }
0x68: {  	_ =	shalt  }
0x69: {  	_ =	shalt  }
0x6a: {  	_ =	shalt  }
0x6b: {  	_ =	shalt  }
0x6c: {  	_ =	shalt  }
0x6d: {  	_ =	shalt  }
0x6e: {  	_ =	shalt  }
0x6f: {  	_ =	shalt  }
0x70: {  	_ =	shalt  }
0x71: {  	_ =	shalt  }
0x72: {  	_ =	shalt  }
0x73: {  	_ =	shalt  }
0x74: {  	_ =	shalt  }
0x75: {  	_ =	shalt  }
0x76: {  	_ =	shalt  }
0x77: {  	_ =	shalt  }
0x78: {  	_ =	shalt  }
0x79: {  	_ =	shalt  }
0x7a: {  	_ =	shalt  }
0x7b: {  	_ =	shalt  }
0x7c: {  	_ =	shalt  }
0x7d: {  	_ =	shalt  }
0x7e: {  	_ =	shalt  }
0x7f: {  	_ =	shalt  }
0x80: {  	_ =	shalt  }
0x81: {  	_ =	shalt  }
0x82: {  	_ =	shalt  }
0x83: {  	_ =	shalt  }
0x84: {  	_ =	shalt  }
0x85: {  	_ =	shalt  }
0x86: {  	_ =	shalt  }
0x87: {  	_ =	shalt  }
.Lfunc_end0:
.L_simem_size_0:
called_computation_lowered:
.L_overlay_start_0:
0x88: {  	s2 =	sld [smem:$0x3FD9]  }
0x89: {  	s3 =	sld [smem:$0x3FFE];
	_ =	sdelay $0x1  }
0x8a: {  	s1 =	srdreg.scid  }
0x8b: {  	s0 =	sand.u32 $0x1, s1  }
0x8c: {  	s17 =	sshll.u32 s0, $0xA;
	s2 =	sadd.s32 s3, s2  }
0x8d: {  	s2 =	sadd.s32 s2, s17  }
0x8e: {  	[smem:$0x3FBE] =	sst s2  }
0x8f: {  	_ = 	snop  }
0x90: {  	s2 =	sld [smem:$0x3FD0];
	(tm) =	ssettm $0x1  }
0x91: {  	s18 =	sld [smem:$0x3FFB];
	_ =	sdelay $0x3  }
0x92: {  	_ =	strace s18  }
0x93: {  	s3 =	sld [smem:$0x3FFC];
	_ =	sdelay $0x3  }
0x94: {  	_ =	strace s3  }
0x95: {  	s3 =	sld [smem:$0x3FFD];
	_ =	sdelay $0x3  }
0x96: {  	_ =	strace s3  }
0x97: {  	_ =	strace $0x8FFFFFFF  }
0x98: {  	s19 =	sld [smem:$0x3FDB];
	_ =	sdelay $0x1  }
0x99: {  	s4 =	simm.s32 $_scs_section_size  }
0x9a: {  	s5 =	simm.s32 $_size__tile_overlayer_lowered;
	s6 =	simm.s32 $_tile_overlayer_lowered  }
0x9b: {  	s22 =	simm.s32 $0x1BFF;
	s21 =	sshll.u32 s6, $0x1;
	s3 =	sadd.s32 s4, s19  }
0x9c: {  	s7 =	simm.s32 $0x0;
	s20 =	sshll.u32 s5, $0x1;
	s5 =	sadd.s32 s21, s3  }
0x9d: {  	[timem:s7], [sflag:s22] =	dma.local [hbm:s5], s20  }
0x9e: {  	_ =	swait.ge [sflag:s22], s20  }
0x9f: {  	s4 =	ssub.s32 $0x0, s20;
	[sflag:s22] =	ssyncset.done $0x0  }
0xa0: {  	[sflag:s22] =	ssyncadd.s32 s4;
	_ =	sdelay $0x1  }
0xa1: {  	s23 =	simm.s32 $0x1B8B  }
0xa2: {  	_ =	swait.ge [sflag:s23], $0x1  }
0xa3: {  	[sflag:s23] =	ssyncset.done $0x0  }
0xa4: {  	s25 =	simm.s32 $0x1B8E;
	s24 =	sld [smem:$0x3FFE];
	[sflag:s23] =	ssyncadd.s32 $0xFFFFFFFF  }
0xa5: {  	s26 =	simm.s32 $execute0_lowered;
	[smem:$0x3FD2] =	sst s25  }
0xa6: {  	s5 =	sshll.u32 s26, $0x1;
	_ =	strace $0x80000046;
	[dreg:$0x1] =	wrdreg $0xFFFFFFFF  }
0xa7: {  	s28 =	simm.s32 $_size_execute0_lowered;
	s3 =	sadd.s32 s3, s5;
	[dreg:$0x0] =	wrdreg $0x0  }
0xa8: {  	s5 =	sshll.u32 s28, $0x1;
	[dreg:$0x2] =	wrdreg s3  }
0xa9: {  	[dreg:$0x3] =	wrdreg s5  }
0xaa: {  	[dreg:$0x4] =	wrdreg $0xC0  }
0xab: {  	_ =	task [dreg:s7], $0x5FFFF  }
0xac: {  	[dreg:$0x1] =	wrdreg $0xFFFFFFFF  }
0xad: {  	[dreg:$0x0] =	wrdreg $0x60  }
0xae: {  	[dreg:$0x2] =	wrdreg s24  }
0xaf: {  	[dreg:$0x3] =	wrdreg s2  }
0xb0: {  	[dreg:$0x4] =	wrdreg $0x84000  }
0xb1: {  	[dreg:$0x5] =	wrdreg $0x9  }
0xb2: {  	_ =	task.clear_ibuf [dreg:s7], $0x6FFFF;
	_ =	strace $0x90000046  }
0xb3: {  	s29 =	simm.s32 $0x9;
	_ =	strace $0x80000048  }
0xb4: {  	_ =	swait.ge [sflag:s29], $0x1  }
0xb5: {  	[sflag:s29] =	ssyncadd.s32 $0xFFFFFFFF  }
0xb6: {  	_ =	strace $0x90000048  }
0xb7: {  	_ =	sfence  }
0xb8: {  	s30 =	sld [smem:$0x0];
	_ =	sdelay $0x2  }
0xb9: {  	s31 =	sshll.u32 s1, $0xD;
	s1 =	sshrl.u32 s1, $0x2  }
0xba: {  	s3 =	sand.u32 $0x4000, s31;
	s1 =	sadd.s32 s1, s30  }
0xbb: {  	s0 =	sor.u32 s3, s0;
	s1 =	sshll.u32 s1, $0x11  }
0xbc: {  	s0 =	sor.u32 s1, s0  }
0xbd: {  	s0 =	sadd.s32 $0x8F2B, s0  }
0xbe: {  	[sflag:s0] =	ssyncadd.remote.s32 $0x1  }
0xbf: {  	_ =	sfence.sel $0xFFFF  }
0xc0: {  	[dreg:$0x0] =	wrdreg $0xFFFFFFFF;
	(pc) =	sbr.abs _section_cstart, $3  }
0xc1: {  	[dreg:$0x1] =	wrdreg $0xFFFFFFFF  }
0xc2: {  	_ =	task.clear_ibuf [dreg:s7], $0x2FFFF;
	_ =	strace $0x9FFFFFFF  }
0xc3: {  	(tm) =	ssettm $0x7FFFFFFF  }
tec
execute0_lowered:
.L_overlay_start_1:
0x0: {  	(tag) =	ssettag $0x1  }
0x1: {  	s0 =	rddreg [dreg:$0x0]  }
0x2: {  	s2 =	rddreg [dreg:$0x1]  }
0x3: {  	s1 =	rddreg [dreg:$0x2];
	s4 =	srdreg.scid;
	s3 =	simm.s32 $0x0  }
0x4: {  	s11 =	stileid.u32;
	s16 =	simm.s32 $0x7800;
	s17 =	simm.s32 $0x4  }
0x5: {  	s18 =	simm.s32 $0x400;
	s19 =	simm.s32 $0x1;
	s20 =	simm.s32 $0x100  }
0x6: {  	s22 =	simm.s32 $0x2800;
	s23 =	simm.s32 $0x500;
	s24 =	simm.s32 $0x2  }
0x7: {  	s25 =	simm.s32 $0x3;
	s26 =	simm.s32 $0x0;
	s9 =	sand.u32 $0x1, s4  }
0x8: {  	[smem:$0x7FF] =	sst s3;
	s4 =	sadd.s32 $0x1D400, s0;
	s14 =	smul.u32 $0x4B000, s11  }
0x9: {  	s6 =	sadd.s32 $0x35C00, s0;
	s8 =	sadd.s32 $0x4E400, s0;
	s15 =	smul.u32 $0x12C00, s11  }
0xa: {  	s5 =	sshll.u32 s9, $0x4;
	_ =	strace $0x80000047;
	s29 =	ssub.s32 $0x2, s9  }
0xb: {  	s13 =	smul.u32 $0x12C000, s9;
	s7 =	sor.u32 s11, s5;
	s5 =	sadd.s32 $0x4C00, s0  }
0xc: {  	s30 =	sshrl.u32 s29, $0x1;
	s14 =	sshrl.u32 s14, $0x2;
	s7 =	smul.u32 $0x6200, s7  }
0xd: {  	s0 =	ssub.s32 s29, s30;
	s15 =	sadd.s32 s15, s13;
	s14 =	sadd.s32 s14, s1  }
0xe: {  	v0 =	vimm.f32 $0.0e+00;
	vm0 =	vcmask $0x1310;
	v2 =	vlaneseq.u32;
	s13 =	smax.u32 s0, $0x1;
	s31 =	sshrl.u32 s15, $0x3;
	s10 =	sshrl.u32 s7, $0x3  }
0xf: {  	v1 =	vsel vm0, $0x3F800000, v0;
	v3 =	vand.u32 $0x3, v2;
	s15 =	sadd.s32 s31, s2;
	s12 =	sor.u32 $0x20, s10;
	s9 =	sadd.s32 s6, s10  }
0x10: {  	vm0 =	vmmov $0xf;
	v2 =	vshrl.u32 v2, $0x2;
	v3 =	vor.u32 $0x4, v3;
	s10 =	sadd.s32 s8, s10;
	s11 =	sadd.s32 s6, s12;
	s12 =	sadd.s32 s8, s12  }
.LBB2_1:
0x11: {  	s0 =	simm.s32 $0x0  }
.LBB2_2:
0x12: {  	p0 =	sne.s32 s0, $0x2FA0  }
.Ltmp0:
0x13: {  	_ = 	snop;
	(pc) =	sbr.rel @p0 .LBB2_2-.Ltmp0, $4  }
0x14: {  	_ = 	snop  }
0x15: {  	s2 =	sshra.s32 s0, $0x2  }
0x16: {  	[tilespmem:s2+$0x7800] =	vst v0  }
0x17: {  	s0 =	sadd.s32 $0x60, s0;
	[tilespmem:s2+$0x7808] =	vst v0  }
0x18: {  	s0 =	sadd.s32 $0x0, s14  }
0x19: {  	[spmem:s0] =	stream.linear.scatter [tilespmem:s16], [sflag:$0x4], $0xC00, $0x38;
	[tilespmem:$0x1B000] =	vst v63  }
0x1a: {  	s0 =	simm.s32 $0x3000;
	_ =	swait.ge [sflag:s17], $0xC00  }
.LBB2_4:
0x1b: {  	s2 =	sshra.s32 s0, $0x2;
	[sflag:s17] =	ssyncset.done $0x0;
	p0 =	sne.s32 s0, $0x48000  }
.Ltmp1:
0x1c: {  	s2 =	sadd.s32 s2, s14;
	[sflag:s17] =	ssyncadd.s32 $0xFFFFF400;
	(pc) =	sbr.rel @p0 .LBB2_4-.Ltmp1, $3  }
0x1d: {  	[spmem:s2] =	stream.linear.scatter [tilespmem:s16], [sflag:$0x4], $0xC00, $0x38;
	[tilespmem:$0x1B000] =	vst v63  }
0x1e: {  	s0 =	sadd.s32 $0x3000, s0;
	_ =	sdelay $0x1  }
0x1f: {  	_ =	swait.ge [sflag:s17], $0xC00  }
0x20: {  	[sflag:s17] =	ssyncset.done $0x0  }
0x21: {  	[sflag:s17] =	ssyncadd.s32 $0xFFFFF400  }
0x22: {  	s28 =	simm.s32 $0x0;
	[bflag:$0x0] =	sbarrier.arrive $0xFFFF  }
0x23: {  	[tilespmem:s28], [sflag:$0x1] =	stream.linear.gather [hbm4b:s9+s28], $0x100, $0x38;
	[tilespmem:$0x1B000] =	vst v63  }
0x24: {  	_ = 	snop  }
0x25: {  	[tilespmem:s18], [sflag:$0x1] =	stream.linear.gather [hbm4b:s10+s28], $0x100, $0x38;
	[tilespmem:$0x1B000] =	vst v63  }
0x26: {  	_ =	swait.ge [sflag:s19], $0x100  }
0x27: {  	[sflag:s19] =	ssyncset.done $0x0  }
0x28: {  	[sflag:s19] =	ssyncadd.s32 $0xFFFFFF00  }
0x29: {  	_ =	swait.ge [sflag:s19], $0x100  }
0x2a: {  	[sflag:s19] =	ssyncset.done $0x0  }
0x2b: {  	s0 =	simm.s32 $0x800;
	[sflag:s19] =	ssyncadd.s32 $0xFFFFFF00  }
0x2c: {  	[tilespmem:s0], [sflag:$0x2] =	stream.indirect.gather [hbm4b:s4+s20], $0x10, s28, s20, $0xb8;
	[tilespmem:$0x1B000] =	vst v63  }
0x2d: {  	_ = 	snop  }
0x2e: {  	[tilespmem:s22], [sflag:$0x2] =	stream.indirect.gather [hbm4b:s5+s20], $0x10, s18, s20, $0xb8;
	[tilespmem:$0x1B000] =	vst v63  }
0x2f: {  	_ = 	snop  }
0x30: {  	[tilespmem:s20], [sflag:$0x1] =	stream.linear.gather [hbm4b:s11+s28], $0x100, $0x38;
	[tilespmem:$0x1B000] =	vst v63  }
0x31: {  	_ = 	snop  }
0x32: {  	[tilespmem:s23], [sflag:$0x1] =	stream.linear.gather [hbm4b:s12+s28], $0x100, $0x38;
	[tilespmem:$0x1B000] =	vst v63  }
.LBB2_6:
0x33: {  	_ =	swait.ge [sflag:s24], $0x1000  }
0x34: {  	p0 =	slt.u32 s28, $0x2;
	[sflag:s24] =	ssyncset.done $0x0  }
0x35: {  	p1 =	sgt.u32 @!p0 s28, $0x5F;
	[sflag:s24] =	ssyncadd.s32 $0xFFFFF000  }
0x36: {  	p1 =	por p0, !p1;
	_ =	swait.ge [sflag:s24], $0x1000  }
.Ltmp2:
0x37: {  	[sflag:s24] =	ssyncset.done $0x0;
	(pc) =	sbr.rel @!p1 .LBB2_9-.Ltmp2, $4  }
0x38: {  	s2 =	simm.s32 @!p0 $0x3;
	[sflag:s24] =	ssyncadd.s32 $0xFFFFF000  }
0x39: {  	_ =	swait.ge @!p0 [sflag:s2], $0x1800  }
0x3a: {  	[sflag:s2] =	ssyncset.done @!p0 $0x0  }
0x3b: {  	s0 =	sand.u32 $0x1, s28;
	s29 =	sshll.u32 s28, $0x8;
	[sflag:s2] =	ssyncadd.s32 @!p0 $0xFFFFE800  }
0x3c: {  	s2 =	sadd.s32 $0x200, s29  }
0x3d: {  	s21 =	sadd.s32 s7, s2  }
.Ltmp3:
0x3e: {  	s21 =	sshrl.u32 s21, $0x3;
	(pc) =	sbr.rel .LBB2_8-.Ltmp3, $4  }
0x3f: {  	s2 =	sand.u32 $0x300, s2;
	s30 =	sadd.s32 s6, s21  }
0x40: {  	[tilespmem:s2], [sflag:$0x1] =	stream.linear.gather [hbm4b:s30+s3], $0x100, $0x38;
	[tilespmem:$0x1B000] =	vst v63  }
0x41: {  	s28 =	sadd.s32 $0x1, s28;
	s21 =	sadd.s32 s8, s21;
	s2 =	sor.u32 $0x400, s2  }
0x42: {  	[tilespmem:s2], [sflag:$0x1] =	stream.linear.gather [hbm4b:s21+s3], $0x100, $0x38;
	[tilespmem:$0x1B000] =	vst v63  }
.LBB2_9:
0x43: {  	p0 =	seq.s32 s28, $0x61  }
.Ltmp4:
0x44: {  	_ = 	snop;
	(pc) =	sbr.rel @!p0 .LBB2_8-.Ltmp4, $2  }
0x45: {  	_ =	sdelay $0x2  }
0x46: {  	s28 =	simm.s32 $0x61  }
.Ltmp5:
0x47: {  	(pc) =	sbr.rel .LBB2_11-.Ltmp5, $2  }
0x48: {  	_ =	sdelay $0x2  }
0x49: {  	s28 =	simm.s32 $0x62;
	s2 =	simm.s32 $0x1000  }
.LBB2_8:
0x4a: {  	_ =	swait.ge [sflag:s19], $0x100  }
0x4b: {  	[sflag:s19] =	ssyncset.done $0x0  }
0x4c: {  	[sflag:s19] =	ssyncadd.s32 $0xFFFFFF00  }
0x4d: {  	s2 =	sshll.u32 s0, $0xC;
	_ =	swait.ge [sflag:s19], $0x100  }
0x4e: {  	s21 =	sshll.u32 s28, $0x8;
	s30 =	sxor.u32 $0x1000, s2;
	[sflag:s19] =	ssyncset.done $0x0  }
0x4f: {  	s21 =	sand.u32 $0x300, s21;
	s31 =	sor.u32 $0x800, s30;
	[sflag:s19] =	ssyncadd.s32 $0xFFFFFF00  }
0x50: {  	[tilespmem:s31], [sflag:$0x2] =	stream.indirect.gather [hbm4b:s4+s20], $0x10, s21, s20, $0xb8;
	[tilespmem:$0x1B000] =	vst v63  }
0x51: {  	s30 =	sor.u32 $0x2800, s30;
	s21 =	sor.u32 $0x400, s21  }
0x52: {  	[tilespmem:s30], [sflag:$0x2] =	stream.indirect.gather [hbm4b:s5+s20], $0x10, s21, s20, $0xb8;
	[tilespmem:$0x1B000] =	vst v63  }
.LBB2_11:
0x53: {  	s0 =	smul.u32 $0x6000, s0;
	_ =	sdelay $0x1  }
0x54: {  	s0 =	sshrl.u32 s0, $0x2  }
0x55: {  	s21 =	simm.s32 $0xFFFFFFF0;
	s30 =	sadd.s32 $0x4800, s0  }
0x56: {  	s31 =	sadd.s32 $0x48C0, s0;
	s0 =	sadd.s32 $0x880, s2;
	s2 =	sadd.s32 $0x2880, s2  }
.LBB2_12:
0x57: {  	v4 =	vld [tilespmem:s0+$0xFFFFFF80]  }
0x58: {  	v5 =	vld [tilespmem:s2+$0xFFFFFF80];
	_ =	sdelay $0x4  }
0x59: {  	v4 =	vadd.f32 v5, v4;
	_ =	sdelay $0x1  }
0x5a: {  	v5 =	vmul.f32 $2.000000030e-01, v4;
	_ =	sdelay $0x1  }
0x5b: {  	v5 =	vmax.f32 v4, v5  }
0x5c: {  	v5 =	vmul.f32 $1.442695020e+00, v5;
	_ =	sdelay $0x1  }
0x5d: {  	(erf) = vpow2.f32 v5;
	_ =	sdelay $0x8  }
0x5e: {  	v5 =	vpop (erf)  }
0x5f: {  	v4 =	vperm.xlane v4, v3;
	v6 =	vperm.xlane v5, v2;
	_ =	sdelay $0x1  }
0x60: {  	v5 =	vsel vm0, v5, v1;
	v4 =	vmul.f32 v4, v6  }
0x61: {  	[tilespmem:s31+$0xFFFFFF40] =	vst v5  }
0x62: {  	[tilespmem:s31+$0xFFFFFF48] =	vst v4  }
0x63: {  	v4 =	vld [tilespmem:s0+$0xFFFFFF90]  }
0x64: {  	v5 =	vld [tilespmem:s2+$0xFFFFFF90];
	_ =	sdelay $0x4  }
0x65: {  	v4 =	vadd.f32 v5, v4;
	_ =	sdelay $0x1  }
0x66: {  	v5 =	vmul.f32 $2.000000030e-01, v4;
	_ =	sdelay $0x1  }
0x67: {  	v5 =	vmax.f32 v4, v5  }
0x68: {  	v5 =	vmul.f32 $1.442695020e+00, v5;
	_ =	sdelay $0x1  }
0x69: {  	(erf) = vpow2.f32 v5;
	_ =	sdelay $0x8  }
0x6a: {  	v5 =	vpop (erf)  }
0x6b: {  	v4 =	vperm.xlane v4, v3;
	v49 =	vperm.xlane v5, v2;
	_ =	sdelay $0x1  }
0x6c: {  	v5 =	vsel vm0, v5, v1;
	v4 =	vmul.f32 v4, v49  }
0x6d: {  	[tilespmem:s31+$0xFFFFFF58] =	vst v5  }
0x6e: {  	[tilespmem:s31+$0xFFFFFF60] =	vst v4  }
0x6f: {  	v4 =	vld [tilespmem:s0+$0xFFFFFFA0]  }
0x70: {  	v5 =	vld [tilespmem:s2+$0xFFFFFFA0];
	_ =	sdelay $0x4  }
0x71: {  	v4 =	vadd.f32 v5, v4;
	_ =	sdelay $0x1  }
0x72: {  	v5 =	vmul.f32 $2.000000030e-01, v4;
	_ =	sdelay $0x1  }
0x73: {  	v5 =	vmax.f32 v4, v5  }
0x74: {  	v5 =	vmul.f32 $1.442695020e+00, v5;
	_ =	sdelay $0x1  }
0x75: {  	(erf) = vpow2.f32 v5;
	_ =	sdelay $0x8  }
0x76: {  	v5 =	vpop (erf)  }
0x77: {  	v4 =	vperm.xlane v4, v3;
	v50 =	vperm.xlane v5, v2;
	_ =	sdelay $0x1  }
0x78: {  	v5 =	vsel vm0, v5, v1;
	v4 =	vmul.f32 v4, v50  }
0x79: {  	[tilespmem:s31+$0xFFFFFF70] =	vst v5  }
0x7a: {  	[tilespmem:s31+$0xFFFFFF78] =	vst v4  }
0x7b: {  	v4 =	vld [tilespmem:s0+$0xFFFFFFB0]  }
0x7c: {  	v5 =	vld [tilespmem:s2+$0xFFFFFFB0];
	_ =	sdelay $0x4  }
0x7d: {  	v4 =	vadd.f32 v5, v4;
	_ =	sdelay $0x1  }
0x7e: {  	v5 =	vmul.f32 $2.000000030e-01, v4;
	_ =	sdelay $0x1  }
0x7f: {  	v5 =	vmax.f32 v4, v5  }
0x80: {  	v5 =	vmul.f32 $1.442695020e+00, v5;
	_ =	sdelay $0x1  }
0x81: {  	(erf) = vpow2.f32 v5;
	_ =	sdelay $0x8  }
0x82: {  	v5 =	vpop (erf)  }
0x83: {  	v4 =	vperm.xlane v4, v3;
	v51 =	vperm.xlane v5, v2;
	_ =	sdelay $0x1  }
0x84: {  	v5 =	vsel vm0, v5, v1;
	v4 =	vmul.f32 v4, v51  }
0x85: {  	[tilespmem:s31+$0xFFFFFF88] =	vst v5  }
0x86: {  	[tilespmem:s31+$0xFFFFFF90] =	vst v4  }
0x87: {  	v4 =	vld [tilespmem:s0+$0xFFFFFFC0]  }
0x88: {  	v5 =	vld [tilespmem:s2+$0xFFFFFFC0];
	_ =	sdelay $0x4  }
0x89: {  	v4 =	vadd.f32 v5, v4;
	_ =	sdelay $0x1  }
0x8a: {  	v5 =	vmul.f32 $2.000000030e-01, v4;
	_ =	sdelay $0x1  }
0x8b: {  	v5 =	vmax.f32 v4, v5  }
0x8c: {  	v5 =	vmul.f32 $1.442695020e+00, v5;
	_ =	sdelay $0x1  }
0x8d: {  	(erf) = vpow2.f32 v5;
	_ =	sdelay $0x8  }
0x8e: {  	v5 =	vpop (erf)  }
0x8f: {  	v4 =	vperm.xlane v4, v3;
	v52 =	vperm.xlane v5, v2;
	_ =	sdelay $0x1  }
0x90: {  	v5 =	vsel vm0, v5, v1;
	v4 =	vmul.f32 v4, v52  }
0x91: {  	[tilespmem:s31+$0xFFFFFFA0] =	vst v5  }
0x92: {  	[tilespmem:s31+$0xFFFFFFA8] =	vst v4  }
0x93: {  	v4 =	vld [tilespmem:s0+$0xFFFFFFD0]  }
0x94: {  	v5 =	vld [tilespmem:s2+$0xFFFFFFD0];
	_ =	sdelay $0x4  }
0x95: {  	v4 =	vadd.f32 v5, v4;
	_ =	sdelay $0x1  }
0x96: {  	v5 =	vmul.f32 $2.000000030e-01, v4;
	_ =	sdelay $0x1  }
0x97: {  	v5 =	vmax.f32 v4, v5  }
0x98: {  	v5 =	vmul.f32 $1.442695020e+00, v5;
	_ =	sdelay $0x1  }
0x99: {  	(erf) = vpow2.f32 v5;
	_ =	sdelay $0x8  }
0x9a: {  	v5 =	vpop (erf)  }
0x9b: {  	v4 =	vperm.xlane v4, v3;
	v53 =	vperm.xlane v5, v2;
	_ =	sdelay $0x1  }
0x9c: {  	v5 =	vsel vm0, v5, v1;
	v4 =	vmul.f32 v4, v53  }
0x9d: {  	[tilespmem:s31+$0xFFFFFFB8] =	vst v5  }
0x9e: {  	[tilespmem:s31+$0xFFFFFFC0] =	vst v4  }
0x9f: {  	v4 =	vld [tilespmem:s0+$0xFFFFFFE0]  }
0xa0: {  	v5 =	vld [tilespmem:s2+$0xFFFFFFE0];
	_ =	sdelay $0x4  }
0xa1: {  	v4 =	vadd.f32 v5, v4;
	_ =	sdelay $0x1  }
0xa2: {  	v5 =	vmul.f32 $2.000000030e-01, v4;
	_ =	sdelay $0x1  }
0xa3: {  	v5 =	vmax.f32 v4, v5  }
0xa4: {  	v5 =	vmul.f32 $1.442695020e+00, v5;
	_ =	sdelay $0x1  }
0xa5: {  	(erf) = vpow2.f32 v5;
	_ =	sdelay $0x8  }
0xa6: {  	v5 =	vpop (erf)  }
0xa7: {  	v4 =	vperm.xlane v4, v3;
	v54 =	vperm.xlane v5, v2;
	_ =	sdelay $0x1  }
0xa8: {  	v5 =	vsel vm0, v5, v1;
	v4 =	vmul.f32 v4, v54  }
0xa9: {  	[tilespmem:s31+$0xFFFFFFD0] =	vst v5  }
0xaa: {  	[tilespmem:s31+$0xFFFFFFD8] =	vst v4  }
0xab: {  	v4 =	vld [tilespmem:s0+$0xFFFFFFF0]  }
0xac: {  	v5 =	vld [tilespmem:s2+$0xFFFFFFF0];
	_ =	sdelay $0x4  }
0xad: {  	v4 =	vadd.f32 v5, v4;
	_ =	sdelay $0x1  }
0xae: {  	v5 =	vmul.f32 $2.000000030e-01, v4;
	_ =	sdelay $0x1  }
0xaf: {  	v5 =	vmax.f32 v4, v5  }
0xb0: {  	v5 =	vmul.f32 $1.442695020e+00, v5;
	_ =	sdelay $0x1  }
0xb1: {  	(erf) = vpow2.f32 v5;
	_ =	sdelay $0x8  }
0xb2: {  	v5 =	vpop (erf)  }
0xb3: {  	v4 =	vperm.xlane v4, v3;
	v55 =	vperm.xlane v5, v2;
	_ =	sdelay $0x1  }
0xb4: {  	v5 =	vsel vm0, v5, v1;
	v4 =	vmul.f32 v4, v55  }
0xb5: {  	[tilespmem:s31+$0xFFFFFFE8] =	vst v5  }
0xb6: {  	[tilespmem:s31+$0xFFFFFFF0] =	vst v4  }
0xb7: {  	v4 =	vld [tilespmem:s0+$0x0]  }
0xb8: {  	v5 =	vld [tilespmem:s2+$0x0];
	_ =	sdelay $0x4  }
0xb9: {  	v4 =	vadd.f32 v5, v4;
	_ =	sdelay $0x1  }
0xba: {  	v5 =	vmul.f32 $2.000000030e-01, v4;
	_ =	sdelay $0x1  }
0xbb: {  	v5 =	vmax.f32 v4, v5  }
0xbc: {  	v5 =	vmul.f32 $1.442695020e+00, v5;
	_ =	sdelay $0x1  }
0xbd: {  	(erf) = vpow2.f32 v5;
	_ =	sdelay $0x8  }
0xbe: {  	v5 =	vpop (erf)  }
0xbf: {  	v4 =	vperm.xlane v4, v3;
	v56 =	vperm.xlane v5, v2;
	_ =	sdelay $0x1  }
0xc0: {  	v5 =	vsel vm0, v5, v1;
	v4 =	vmul.f32 v4, v56  }
0xc1: {  	[tilespmem:s31+$0x0] =	vst v5  }
0xc2: {  	[tilespmem:s31+$0x8] =	vst v4  }
0xc3: {  	v4 =	vld [tilespmem:s0+$0x10]  }
0xc4: {  	v5 =	vld [tilespmem:s2+$0x10];
	_ =	sdelay $0x4  }
0xc5: {  	v4 =	vadd.f32 v5, v4;
	_ =	sdelay $0x1  }
0xc6: {  	v5 =	vmul.f32 $2.000000030e-01, v4;
	_ =	sdelay $0x1  }
0xc7: {  	v5 =	vmax.f32 v4, v5  }
0xc8: {  	v5 =	vmul.f32 $1.442695020e+00, v5;
	_ =	sdelay $0x1  }
0xc9: {  	(erf) = vpow2.f32 v5;
	_ =	sdelay $0x8  }
0xca: {  	v5 =	vpop (erf)  }
0xcb: {  	v4 =	vperm.xlane v4, v3;
	v57 =	vperm.xlane v5, v2;
	_ =	sdelay $0x1  }
0xcc: {  	v5 =	vsel vm0, v5, v1;
	v4 =	vmul.f32 v4, v57  }
0xcd: {  	[tilespmem:s31+$0x18] =	vst v5  }
0xce: {  	[tilespmem:s31+$0x20] =	vst v4  }
0xcf: {  	v4 =	vld [tilespmem:s0+$0x20]  }
0xd0: {  	v5 =	vld [tilespmem:s2+$0x20];
	_ =	sdelay $0x4  }
0xd1: {  	v4 =	vadd.f32 v5, v4;
	_ =	sdelay $0x1  }
0xd2: {  	v5 =	vmul.f32 $2.000000030e-01, v4;
	_ =	sdelay $0x1  }
0xd3: {  	v5 =	vmax.f32 v4, v5  }
0xd4: {  	v5 =	vmul.f32 $1.442695020e+00, v5;
	_ =	sdelay $0x1  }
0xd5: {  	(erf) = vpow2.f32 v5;
	_ =	sdelay $0x8  }
0xd6: {  	v5 =	vpop (erf)  }
0xd7: {  	v4 =	vperm.xlane v4, v3;
	v58 =	vperm.xlane v5, v2;
	_ =	sdelay $0x1  }
0xd8: {  	v5 =	vsel vm0, v5, v1;
	v4 =	vmul.f32 v4, v58  }
0xd9: {  	[tilespmem:s31+$0x30] =	vst v5  }
0xda: {  	[tilespmem:s31+$0x38] =	vst v4  }
0xdb: {  	v4 =	vld [tilespmem:s0+$0x30]  }
0xdc: {  	v5 =	vld [tilespmem:s2+$0x30];
	_ =	sdelay $0x4  }
0xdd: {  	v4 =	vadd.f32 v5, v4;
	_ =	sdelay $0x1  }
0xde: {  	v5 =	vmul.f32 $2.000000030e-01, v4;
	_ =	sdelay $0x1  }
0xdf: {  	v5 =	vmax.f32 v4, v5  }
0xe0: {  	v5 =	vmul.f32 $1.442695020e+00, v5;
	_ =	sdelay $0x1  }
0xe1: {  	(erf) = vpow2.f32 v5;
	_ =	sdelay $0x8  }
0xe2: {  	v5 =	vpop (erf)  }
0xe3: {  	v4 =	vperm.xlane v4, v3;
	v59 =	vperm.xlane v5, v2;
	_ =	sdelay $0x1  }
0xe4: {  	v5 =	vsel vm0, v5, v1;
	v4 =	vmul.f32 v4, v59  }
0xe5: {  	[tilespmem:s31+$0x48] =	vst v5  }
0xe6: {  	[tilespmem:s31+$0x50] =	vst v4  }
0xe7: {  	v4 =	vld [tilespmem:s0+$0x40]  }
0xe8: {  	v5 =	vld [tilespmem:s2+$0x40];
	_ =	sdelay $0x4  }
0xe9: {  	v4 =	vadd.f32 v5, v4;
	_ =	sdelay $0x1  }
0xea: {  	v5 =	vmul.f32 $2.000000030e-01, v4;
	_ =	sdelay $0x1  }
0xeb: {  	v5 =	vmax.f32 v4, v5  }
0xec: {  	v5 =	vmul.f32 $1.442695020e+00, v5;
	_ =	sdelay $0x1  }
0xed: {  	(erf) = vpow2.f32 v5;
	_ =	sdelay $0x8  }
0xee: {  	v5 =	vpop (erf)  }
0xef: {  	v4 =	vperm.xlane v4, v3;
	v60 =	vperm.xlane v5, v2;
	_ =	sdelay $0x1  }
0xf0: {  	v5 =	vsel vm0, v5, v1;
	v4 =	vmul.f32 v4, v60  }
0xf1: {  	[tilespmem:s31+$0x60] =	vst v5  }
0xf2: {  	[tilespmem:s31+$0x68] =	vst v4  }
0xf3: {  	v4 =	vld [tilespmem:s0+$0x50]  }
0xf4: {  	v5 =	vld [tilespmem:s2+$0x50];
	_ =	sdelay $0x4  }
0xf5: {  	v4 =	vadd.f32 v5, v4;
	_ =	sdelay $0x1  }
0xf6: {  	v5 =	vmul.f32 $2.000000030e-01, v4;
	_ =	sdelay $0x1  }
0xf7: {  	v5 =	vmax.f32 v4, v5  }
0xf8: {  	v5 =	vmul.f32 $1.442695020e+00, v5;
	_ =	sdelay $0x1  }
0xf9: {  	(erf) = vpow2.f32 v5;
	_ =	sdelay $0x8  }
0xfa: {  	v5 =	vpop (erf)  }
0xfb: {  	v4 =	vperm.xlane v4, v3;
	v61 =	vperm.xlane v5, v2;
	_ =	sdelay $0x1  }
0xfc: {  	v5 =	vsel vm0, v5, v1;
	v4 =	vmul.f32 v4, v61  }
0xfd: {  	[tilespmem:s31+$0x78] =	vst v5  }
0xfe: {  	[tilespmem:s31+$0x80] =	vst v4  }
0xff: {  	v4 =	vld [tilespmem:s0+$0x60]  }
0x100: {  	v5 =	vld [tilespmem:s2+$0x60];
	_ =	sdelay $0x4  }
0x101: {  	v4 =	vadd.f32 v5, v4;
	_ =	sdelay $0x1  }
0x102: {  	v5 =	vmul.f32 $2.000000030e-01, v4;
	_ =	sdelay $0x1  }
0x103: {  	v5 =	vmax.f32 v4, v5  }
0x104: {  	v5 =	vmul.f32 $1.442695020e+00, v5;
	_ =	sdelay $0x1  }
0x105: {  	(erf) = vpow2.f32 v5;
	_ =	sdelay $0x8  }
0x106: {  	v5 =	vpop (erf)  }
0x107: {  	v4 =	vperm.xlane v4, v3;
	v62 =	vperm.xlane v5, v2;
	_ =	sdelay $0x1  }
0x108: {  	v5 =	vsel vm0, v5, v1;
	v4 =	vmul.f32 v4, v62  }
0x109: {  	[tilespmem:s31+$0x90] =	vst v5  }
0x10a: {  	[tilespmem:s31+$0x98] =	vst v4  }
0x10b: {  	v4 =	vld [tilespmem:s0+$0x70]  }
0x10c: {  	v5 =	vld [tilespmem:s2+$0x70];
	_ =	sdelay $0x4  }
0x10d: {  	v4 =	vadd.f32 v5, v4;
	_ =	sdelay $0x1  }
0x10e: {  	v5 =	vmul.f32 $2.000000030e-01, v4;
	_ =	sdelay $0x1  }
0x10f: {  	v5 =	vmax.f32 v4, v5  }
0x110: {  	v5 =	vmul.f32 $1.442695020e+00, v5;
	_ =	sdelay $0x1  }
0x111: {  	(erf) = vpow2.f32 v5;
	_ =	sdelay $0x7  }
0x112: {  	s21 =	sadd.s32 $0x10, s21  }
0x113: {  	p0 =	slt.u32 s21, $0xF0;
	v5 =	vpop (erf)  }
.Ltmp6:
0x114: {  	v4 =	vperm.xlane v4, v3;
	v63 =	vperm.xlane v5, v2;
	(pc) =	sbr.rel @p0 .LBB2_12-.Ltmp6, $4  }
0x115: {  	_ = 	snop  }
0x116: {  	v5 =	vsel vm0, v5, v1;
	v4 =	vmul.f32 v4, v63  }
0x117: {  	[tilespmem:s31+$0xA8] =	vst v5  }
0x118: {  	s0 =	sadd.s32 $0x100, s0;
	s2 =	sadd.s32 $0x100, s2;
	[tilespmem:s31+$0xB0] =	vst v4;
	s31 =	sadd.s32 $0x180, s31  }
0x119: {  	p0 =	slt.u32 s28, $0x62  }
.Ltmp7:
0x11a: {  	_ = 	snop;
	(pc) =	sbr.rel @p0 .LBB2_6-.Ltmp7, $4  }
0x11b: {  	_ = 	snop  }
0x11c: {  	s0 =	sand.u32 $0x300, s29  }
0x11d: {  	s0 =	sor.u32 $0x400, s0  }
0x11e: {  	[spmem:s1] =	stream.indirect.scatter.add.f32 [tilespmem:s30], [sflag:$0x3], $0x18, s0, s20, $0xb8;
	[tilespmem:$0x1B000] =	vst v63  }
0x11f: {  	_ =	swait.ge [sflag:s25], $0x1800  }
0x120: {  	[sflag:s25] =	ssyncset.done $0x0  }
0x121: {  	[sflag:s25] =	ssyncadd.s32 $0xFFFFE800  }
0x122: {  	_ =	swait.ge [sflag:s25], $0x1800  }
0x123: {  	[sflag:s25] =	ssyncset.done $0x0  }
0x124: {  	[sflag:s25] =	ssyncadd.s32 $0xFFFFE800  }
0x125: {  	[bflag:$0x0] =	sbarrier.arrive $0xFFFF  }
0x126: {  	[tilespmem:s16], [sflag:$0x4] =	stream.linear.gather [spmem:s14], $0xC00, $0x38;
	[tilespmem:$0x1B000] =	vst v63  }
0x127: {  	_ =	swait.ge [sflag:s17], $0xC00  }
0x128: {  	[sflag:s17] =	ssyncset.done $0x0  }
0x129: {  	s0 =	sadd.s32 $0x0, s15;
	[sflag:s17] =	ssyncadd.s32 $0xFFFFF400  }
0x12a: {  	[hbm4b:s0+s3] =	stream.linear.scatter [tilespmem:s16], [sflag:$0x4], $0xC00, $0x38;
	[tilespmem:$0x1B000] =	vst v63  }
0x12b: {  	_ =	swait.ge [sflag:s17], $0xC00  }
0x12c: {  	s2 =	smov.u32 s14;
	s0 =	simm.s32 $0x180;
	[sflag:s17] =	ssyncset.done $0x0  }
.LBB2_15:
0x12d: {  	p0 =	sne.s32 s0, $0x2400;
	[sflag:s17] =	ssyncadd.s32 $0xFFFFF400;
	s2 =	sadd.s32 $0xC00, s2  }
0x12e: {  	[tilespmem:s16], [sflag:$0x4] =	stream.linear.gather [spmem:s2], $0xC00, $0x38;
	[tilespmem:$0x1B000] =	vst v63  }
0x12f: {  	s21 =	smov.u32 s0;
	s0 =	sadd.s32 $0x180, s0;
	_ =	swait.ge [sflag:s17], $0xC00  }
.Ltmp8:
0x130: {  	[sflag:s17] =	ssyncset.done $0x0;
	(pc) =	sbr.rel @p0 .LBB2_15-.Ltmp8, $4  }
0x131: {  	s21 =	sadd.s32 s21, s15;
	[sflag:s17] =	ssyncadd.s32 $0xFFFFF400  }
0x132: {  	[hbm4b:s21+s3] =	stream.linear.scatter [tilespmem:s16], [sflag:$0x4], $0xC00, $0x38;
	[tilespmem:$0x1B000] =	vst v63  }
0x133: {  	_ =	swait.ge [sflag:s17], $0xC00  }
0x134: {  	[sflag:s17] =	ssyncset.done $0x0  }
0x135: {  	s26 =	sadd.s32 $0x1, s26  }
0x136: {  	p0 =	sne.s32 s26, s13  }
.Ltmp9:
0x137: {  	_ = 	snop;
	(pc) =	sbr.rel @p0 .LBB2_1-.Ltmp9, $2  }
0x138: {  	_ =	sdelay $0x2  }
0x139: {  	[sflag:s17] =	ssyncadd.s32 $0xFFFFF400  }
0x13a: {  	_ =	sfence.sel $0x180000  }
0x13b: {  	[bflag:$0x0] =	sbarrier.arrive $0xFFFF  }
0x13c: {  	_ =	strace $0x90000047  }
0x13d: {  	s0 =	stileid.u32;
	[bflag:$0x2] =	sbarrier.arrive $0xFFFF  }
0x13e: {  	p0 =	sne.s32 s0, $0x0;
	s0 =	rddreg [dreg:$0x3]  }
0x13f: {  	s0 =	sadd.s32 @!p0 $0x100000, s0  }
0x140: {  	[sflag:s0] =	ssyncadd.tile.s32 @!p0 $0x1;
	_ =	shalt  }
.Lfunc_end2:
_tile_overlayer_lowered:
.L_overlay_start_2:
0x141: {  	(tag) =	ssettag $0x2  }
0x142: {  	s0 =	rddreg [dreg:$0x0];
	s2 =	stileid.u32  }
0x143: {  	s1 =	rddreg [dreg:$0x1];
	p0 =	sne.s32 s2, $0x0  }
0x144: {  	s3 =	rddreg [dreg:$0x2];
	[bflag:$0x3] =	sbarrier.arrive $0xFFFF;
	s2 =	simm.s32 @!p0 $0x1C04  }
0x145: {  	[timem:s3], [sflag:s2] =	dma.local @!p0 [hbm:s0], s1  }
0x146: {  	s0 =	simm.s32 @!p0 $0x4  }
0x147: {  	_ =	swait.ge @!p0 [sflag:s0], s1  }
0x148: {  	s1 =	ssub.s32 @!p0 $0x0, s1;
	[sflag:s0] =	ssyncset.done @!p0 $0x0  }
0x149: {  	[sflag:s0] =	ssyncadd.s32 @!p0 s1  }
0x14a: {  	[bflag:$0x3] =	sbarrier.arrive $0xFFFF  }
0x14b: {  	_ =	shalt  }

// kernel: kernel.13.cloned.1.call-start
scs
__scs_entry_jumppad:
0x0: {  	(pc) =	sbr.rel $0x88, $3  }
0x1: {  	(tag) =	ssettag $0x0;
	lr =	simm.s32 $0x1  }
0x2: {  	[smem:$0x3F97] =	sst lr;
	_ =	strace $0xD0000000  }
0x3: {  	_ = 	snop  }
0x4: {  	_ = 	snop  }
0x5: {  	_ = 	snop  }
0x6: {  	_ = 	snop  }
0x7: {  	_ = 	snop  }
__scs_overlays_trampoline_lowered:
0x8: {  	[smem:$0x3FA6] =	sst s0  }
0x9: {  	[smem:$0x3FA7] =	sst s1  }
0xa: {  	[smem:$0x3FA8] =	sst s2  }
0xb: {  	[smem:$0x3FA9] =	sst s3  }
0xc: {  	[smem:$0x3FAA] =	sst s4  }
0xd: {  	[smem:$0x3FAB] =	sst s5  }
0xe: {  	[smem:$0x3FAC] =	sst s6  }
0xf: {  	[smem:$0x3FAD] =	sst s7  }
0x10: {  	[smem:$0x3FAE] =	sst s8  }
0x11: {  	[smem:$0x3FAF] =	sst s9;
	s0 =	simm.s32 @!p0 $0x0  }
0x12: {  	s1 =	sld [smem:$0x3F95];
	s0 =	simm.s32 @p0 $0x1  }
0x13: {  	[smem:$0x3FB0] =	sst s0;
	s0 =	simm.s32 @!p1 $0x0  }
0x14: {  	s2 =	sld [smem:$0x3F94];
	s0 =	simm.s32 @p1 $0x1  }
0x15: {  	[smem:$0x3FB1] =	sst s0;
	s0 =	simm.s32 @!p2 $0x0  }
0x16: {  	s3 =	sld [smem:$0x3FDB];
	s0 =	simm.s32 @p2 $0x1  }
0x17: {  	s4 =	simm.s32 $0x1BF5;
	[smem:$0x3FB3] =	sst s0  }
0x18: {  	s0 =	sld [smem:$0x3F96];
	_ =	swait.ge [sflag:s4], $0x0  }
0x19: {  	s7 =	sld [smem:$0x3F97]  }
0x1a: {  	s8 =	sadd.s32 $0xFFFFE003, lr  }
0x1b: {  	s9 =	sadd.s32 $0xFFFFFEF7, lr;
	s5 =	simm.s32 $0xFFFFFFFF;
	p2 =	slt.u32 s8, $0xFFFFF086  }
0x1c: {  	p1 =	slt.u32 s9, $0xF7A;
	s5 =	simm.s32 @!p2 $0x0  }
0x1d: {  	s5 =	simm.s32 @p1 $0x1;
	p0 =	seq.s32 s7, s2  }
0x1e: {  	s7 =	smul.u32 @!p0 $0xF7A, s2;
	p2 =	seq.s32 @!p0 s5, $0x0  }
0x1f: {  	s9 =	smul.u32 $0xF7A, s1;
	s8 =	simm.s32 @!p0 $0x1BF5;
	p2 =	por !p2, p0  }
0x20: {  	[sflag:s8] =	ssyncset.s32 @!p0 $0xFFFFF086;
	s6 =	sadd.s32 @!p0 s3, s7;
	s7 =	simm.s32 @!p0 $0x108  }
0x21: {  	s3 =	sadd.s32 s3, s9;
	s6 =	sadd.s32 @!p0 $0x88, s6;
	s7 =	simm.s32 @p2 $0x1082  }
0x22: {  	[simem:s7], [sflag:s8] =	dma.local @!p0 [hbm:s6], $0xF7A  }
0x23: {  	s9 =	sor.u32 $0xD0000000, s2;
	s6 =	simm.s32 $0x108;
	_ =	swait.ge @!p0 [sflag:s8], $0x0  }
0x24: {  	s3 =	sadd.s32 $0x88, s3;
	s6 =	simm.s32 @!p1 $0x1082;
	[sflag:s4] =	ssyncset.s32 $0xFFFFF086  }
0x25: {  	[simem:s6], [sflag:s4] =	dma.local [hbm:s3], $0xF7A  }
0x26: {  	[smem:$0x3F97] =	sst s1;
	(tag) =	ssettag s2;
	_ =	strace s9  }
0x27: {  	s1 =	sld [smem:$0x3FA7]  }
0x28: {  	s2 =	sld [smem:$0x3FA8]  }
0x29: {  	s4 =	sld [smem:$0x3FAA]  }
0x2a: {  	p0 =	seq.s32 s5, $0x0;
	s5 =	sld [smem:$0x3FAB]  }
0x2b: {  	s6 =	sld [smem:$0x3FAC]  }
0x2c: {  	s7 =	sld [smem:$0x3FAD]  }
0x2d: {  	s3 =	simm.s32 $0x108;
	s8 =	sld [smem:$0x3FAE]  }
0x2e: {  	s3 =	simm.s32 @!p0 $0x1082;
	s9 =	sld [smem:$0x3FAF]  }
0x2f: {  	lr =	sadd.s32 s0, s3;
	s0 =	sld [smem:$0x3FA6]  }
0x30: {  	s3 =	sld [smem:$0x3FA9]  }
0x31: {  	[smem:$0x3FB2] =	sst s10  }
0x32: {  	s10 =	sld [smem:$0x3FB0];
	_ =	sdelay $0x3  }
0x33: {  	p0 =	seq.s32 s10, $0x1;
	s10 =	sld [smem:$0x3FB2];
	_ =	sdelay $0x3  }
0x34: {  	[smem:$0x3FB2] =	sst s10  }
0x35: {  	s10 =	sld [smem:$0x3FB1];
	_ =	sdelay $0x3  }
0x36: {  	p1 =	seq.s32 s10, $0x1;
	s10 =	sld [smem:$0x3FB2];
	_ =	sdelay $0x3  }
0x37: {  	[smem:$0x3FB2] =	sst s10  }
0x38: {  	s10 =	sld [smem:$0x3FB3]  }
0x39: {  	_ = 	snop;
	(pc) =	sbr.ind lr, $3  }
0x3a: {  	_ = 	snop  }
0x3b: {  	_ = 	snop  }
0x3c: {  	p2 =	seq.s32 s10, $0x1;
	s10 =	sld [smem:$0x3FB2]  }
0x3d: {  	_ =	shalt  }
0x3e: {  	_ =	shalt  }
0x3f: {  	_ =	shalt  }
0x40: {  	_ =	shalt  }
0x41: {  	_ =	shalt  }
0x42: {  	_ =	shalt  }
0x43: {  	_ =	shalt  }
0x44: {  	_ =	shalt  }
0x45: {  	_ =	shalt  }
0x46: {  	_ =	shalt  }
0x47: {  	_ =	shalt  }
0x48: {  	_ =	shalt  }
0x49: {  	_ =	shalt  }
0x4a: {  	_ =	shalt  }
0x4b: {  	_ =	shalt  }
0x4c: {  	_ =	shalt  }
0x4d: {  	_ =	shalt  }
0x4e: {  	_ =	shalt  }
0x4f: {  	_ =	shalt  }
0x50: {  	_ =	shalt  }
0x51: {  	_ =	shalt  }
0x52: {  	_ =	shalt  }
0x53: {  	_ =	shalt  }
0x54: {  	_ =	shalt  }
0x55: {  	_ =	shalt  }
0x56: {  	_ =	shalt  }
0x57: {  	_ =	shalt  }
0x58: {  	_ =	shalt  }
0x59: {  	_ =	shalt  }
0x5a: {  	_ =	shalt  }
0x5b: {  	_ =	shalt  }
0x5c: {  	_ =	shalt  }
0x5d: {  	_ =	shalt  }
0x5e: {  	_ =	shalt  }
0x5f: {  	_ =	shalt  }
0x60: {  	_ =	shalt  }
0x61: {  	_ =	shalt  }
0x62: {  	_ =	shalt  }
0x63: {  	_ =	shalt  }
0x64: {  	_ =	shalt  }
0x65: {  	_ =	shalt  }
0x66: {  	_ =	shalt  }
0x67: {  	_ =	shalt  }
0x68: {  	_ =	shalt  }
0x69: {  	_ =	shalt  }
0x6a: {  	_ =	shalt  }
0x6b: {  	_ =	shalt  }
0x6c: {  	_ =	shalt  }
0x6d: {  	_ =	shalt  }
0x6e: {  	_ =	shalt  }
0x6f: {  	_ =	shalt  }
0x70: {  	_ =	shalt  }
0x71: {  	_ =	shalt  }
0x72: {  	_ =	shalt  }
0x73: {  	_ =	shalt  }
0x74: {  	_ =	shalt  }
0x75: {  	_ =	shalt  }
0x76: {  	_ =	shalt  }
0x77: {  	_ =	shalt  }
0x78: {  	_ =	shalt  }
0x79: {  	_ =	shalt  }
0x7a: {  	_ =	shalt  }
0x7b: {  	_ =	shalt  }
0x7c: {  	_ =	shalt  }
0x7d: {  	_ =	shalt  }
0x7e: {  	_ =	shalt  }
0x7f: {  	_ =	shalt  }
0x80: {  	_ =	shalt  }
0x81: {  	_ =	shalt  }
0x82: {  	_ =	shalt  }
0x83: {  	_ =	shalt  }
0x84: {  	_ =	shalt  }
0x85: {  	_ =	shalt  }
0x86: {  	_ =	shalt  }
0x87: {  	_ =	shalt  }
.Lfunc_end0:
.L_simem_size_0:
called_computation.1_lowered:
.L_overlay_start_0:
0x88: {  	s2 =	sld [smem:$0x3FD9]  }
0x89: {  	s3 =	sld [smem:$0x3FFE];
	_ =	sdelay $0x1  }
0x8a: {  	s1 =	srdreg.scid  }
0x8b: {  	s0 =	sand.u32 $0x1, s1  }
0x8c: {  	s16 =	sshll.u32 s0, $0xA;
	s2 =	sadd.s32 s3, s2  }
0x8d: {  	s2 =	sadd.s32 s2, s16  }
0x8e: {  	[smem:$0x3FBE] =	sst s2  }
0x8f: {  	_ = 	snop  }
0x90: {  	(tm) =	ssettm $0x1  }
0x91: {  	s17 =	sld [smem:$0x3FFB];
	_ =	sdelay $0x3  }
0x92: {  	_ =	strace s17  }
0x93: {  	s2 =	sld [smem:$0x3FFC];
	_ =	sdelay $0x3  }
0x94: {  	_ =	strace s2  }
0x95: {  	s2 =	sld [smem:$0x3FFD];
	_ =	sdelay $0x3  }
0x96: {  	_ =	strace s2  }
0x97: {  	_ =	strace $0x8FFFFFFF  }
0x98: {  	s18 =	sld [smem:$0x3FDB];
	_ =	sdelay $0x1  }
0x99: {  	s19 =	simm.s32 $_scs_section_size  }
0x9a: {  	s4 =	simm.s32 $_size__tile_overlayer_lowered;
	s5 =	simm.s32 $_tile_overlayer_lowered  }
0x9b: {  	s22 =	simm.s32 $0x1BFF;
	s21 =	sshll.u32 s5, $0x1;
	s2 =	sadd.s32 s19, s18  }
0x9c: {  	s6 =	simm.s32 $0x0;
	s20 =	sshll.u32 s4, $0x1;
	s4 =	sadd.s32 s21, s2  }
0x9d: {  	[timem:s6], [sflag:s22] =	dma.local [hbm:s4], s20  }
0x9e: {  	_ =	swait.ge [sflag:s22], s20  }
0x9f: {  	s3 =	ssub.s32 $0x0, s20;
	[sflag:s22] =	ssyncset.done $0x0  }
0xa0: {  	[sflag:s22] =	ssyncadd.s32 s3;
	_ =	sdelay $0x1  }
0xa1: {  	s23 =	simm.s32 $0x1B8B  }
0xa2: {  	_ =	swait.ge [sflag:s23], $0x1  }
0xa3: {  	[sflag:s23] =	ssyncset.done $0x0  }
0xa4: {  	s25 =	simm.s32 $0x1B8E;
	s24 =	sld [smem:$0x3FFE];
	[sflag:s23] =	ssyncadd.s32 $0xFFFFFFFF  }
0xa5: {  	s26 =	simm.s32 $execute0_lowered;
	[smem:$0x3FD2] =	sst s25  }
0xa6: {  	s4 =	sshll.u32 s26, $0x1;
	_ =	strace $0x80000049;
	[dreg:$0x1] =	wrdreg $0xFFFFFFFF  }
0xa7: {  	s28 =	simm.s32 $_size_execute0_lowered;
	s2 =	sadd.s32 s2, s4;
	[dreg:$0x0] =	wrdreg $0x0  }
0xa8: {  	s4 =	sshll.u32 s28, $0x1;
	[dreg:$0x2] =	wrdreg s2  }
0xa9: {  	[dreg:$0x3] =	wrdreg s4  }
0xaa: {  	[dreg:$0x4] =	wrdreg $0xC0  }
0xab: {  	_ =	task [dreg:s6], $0x5FFFF  }
0xac: {  	[dreg:$0x1] =	wrdreg $0xFFFFFFFF  }
0xad: {  	[dreg:$0x0] =	wrdreg $0x60  }
0xae: {  	[dreg:$0x2] =	wrdreg s24  }
0xaf: {  	[dreg:$0x3] =	wrdreg $0x58000  }
0xb0: {  	[dreg:$0x4] =	wrdreg $0x9  }
0xb1: {  	_ =	task.clear_ibuf [dreg:s6], $0x5FFFF;
	_ =	strace $0x90000049  }
0xb2: {  	s29 =	simm.s32 $0x9;
	_ =	strace $0x8000004B  }
0xb3: {  	_ =	swait.ge [sflag:s29], $0x1  }
0xb4: {  	[sflag:s29] =	ssyncadd.s32 $0xFFFFFFFF  }
0xb5: {  	_ =	strace $0x9000004B  }
0xb6: {  	_ =	sfence  }
0xb7: {  	s30 =	sld [smem:$0x0];
	_ =	sdelay $0x2  }
0xb8: {  	s31 =	sshll.u32 s1, $0xD;
	s1 =	sshrl.u32 s1, $0x2  }
0xb9: {  	s3 =	sand.u32 $0x4000, s31;
	s1 =	sadd.s32 s1, s30  }
0xba: {  	s0 =	sor.u32 s3, s0;
	s1 =	sshll.u32 s1, $0x11  }
0xbb: {  	s0 =	sor.u32 s1, s0  }
0xbc: {  	s0 =	sadd.s32 $0x8F2B, s0  }
0xbd: {  	[sflag:s0] =	ssyncadd.remote.s32 $0x1  }
0xbe: {  	_ =	sfence.sel $0xFFFF  }
0xbf: {  	[dreg:$0x0] =	wrdreg $0xFFFFFFFF;
	(pc) =	sbr.abs _section_cstart, $3  }
0xc0: {  	[dreg:$0x1] =	wrdreg $0xFFFFFFFF  }
0xc1: {  	_ =	task.clear_ibuf [dreg:s6], $0x2FFFF;
	_ =	strace $0x9FFFFFFF  }
0xc2: {  	(tm) =	ssettm $0x7FFFFFFF  }
0xc3: {  	_ =	shalt  }
tec
execute0_lowered:
.L_overlay_start_1:
0x0: {  	(tag) =	ssettag $0x1  }
0x1: {  	s0 =	rddreg [dreg:$0x0]  }
0x2: {  	s2 =	rddreg [dreg:$0x1]  }
0x3: {  	s1 =	srdreg.scid;
	s9 =	stileid.u32;
	s3 =	simm.s32 $0x0  }
0x4: {  	s18 =	simm.s32 $0x4800;
	s19 =	simm.s32 $0x4;
	s20 =	simm.s32 $0x400  }
0x5: {  	s21 =	simm.s32 $0x100;
	s22 =	simm.s32 $0x800;
	s7 =	smul.u32 $0x19000, s9  }
0x6: {  	s29 =	simm.s32 $0x3;
	s30 =	simm.s32 $0x1;
	s5 =	smul.u32 $0xC400, s9  }
0x7: {  	s1 =	sand.u32 $0x1, s1;
	[smem:$0x7FF] =	sst s3;
	s24 =	smul.u32 $0x64000, s9  }
0x8: {  	s4 =	sadd.s32 $0x97C00, s0;
	s6 =	sadd.s32 $0x66C00, s0;
	s8 =	smul.u32 $0x190000, s1  }
0x9: {  	_ =	strace $0x8000004A;
	s10 =	ssub.s32 $0x2, s1;
	s1 =	smul.u32 $0xC4000, s1  }
0xa: {  	s26 =	sshrl.u32 s10, $0x1;
	s28 =	sshrl.u32 s24, $0x2;
	s13 =	sor.u32 $0x100, s5  }
0xb: {  	s11 =	sshrl.u32 s5, $0x3;
	s15 =	sor.u32 $0x200, s5;
	s24 =	simm.s32 $0x2  }
0xc: {  	s7 =	sadd.s32 s7, s8;
	s14 =	ssub.s32 s10, s26;
	s8 =	sadd.s32 s5, s1  }
0xd: {  	s9 =	sadd.s32 s28, s2;
	s12 =	sadd.s32 s1, s13;
	s13 =	sshrl.u32 s13, $0x3  }
0xe: {  	s1 =	sadd.s32 s1, s15;
	s16 =	sshrl.u32 s15, $0x3;
	s25 =	sshrl.u32 s7, $0x3  }
0xf: {  	s7 =	sadd.s32 $0x4E400, s0;
	s31 =	sshrl.u32 s8, $0x3;
	s12 =	sshrl.u32 s12, $0x3  }
0x10: {  	s1 =	sshrl.u32 s1, $0x3;
	s14 =	smax.u32 s14, $0x1;
	s0 =	sadd.s32 s25, s0  }
0x11: {  	s10 =	sadd.s32 s6, s31;
	s11 =	sadd.s32 s7, s11;
	s12 =	sadd.s32 s6, s12  }
0x12: {  	s13 =	sadd.s32 s7, s13;
	s15 =	sadd.s32 s6, s1;
	s16 =	sadd.s32 s7, s16  }
0x13: {  	v0 =	vimm.f32 $0.0e+00;
	[dreg:$0x3] =	wrdreg s10;
	s17 =	sadd.s32 $0xF9C00, s0;
	s0 =	simm.s32 $0x0  }
.LBB2_1:
0x14: {  	s1 =	simm.s32 $0x0  }
.LBB2_2:
0x15: {  	p0 =	sne.s32 s1, $0x3F80  }
.Ltmp0:
0x16: {  	_ = 	snop;
	(pc) =	sbr.rel @p0 .LBB2_2-.Ltmp0, $4  }
0x17: {  	_ = 	snop  }
0x18: {  	s23 =	sshra.s32 s1, $0x2  }
0x19: {  	[tilespmem:s23+$0x4800] =	vst v0  }
0x1a: {  	s1 =	sadd.s32 $0x80, s1;
	[tilespmem:s23+$0x4810] =	vst v0  }
0x1b: {  	s1 =	sadd.s32 $0x0, s9  }
0x1c: {  	[spmem:s1] =	stream.linear.scatter [tilespmem:s18], [sflag:$0x4], $0x1000, $0x38;
	[tilespmem:$0x1E800] =	vst v63  }
0x1d: {  	s1 =	simm.s32 $0x4000;
	_ =	swait.ge [sflag:s19], $0x1000  }
.LBB2_4:
0x1e: {  	s23 =	sshra.s32 s1, $0x2;
	[sflag:s19] =	ssyncset.done $0x0;
	p0 =	sne.s32 s1, $0x60000  }
.Ltmp1:
0x1f: {  	s23 =	sadd.s32 s23, s9;
	[sflag:s19] =	ssyncadd.s32 $0xFFFFF000;
	(pc) =	sbr.rel @p0 .LBB2_4-.Ltmp1, $3  }
0x20: {  	[spmem:s23] =	stream.linear.scatter [tilespmem:s18], [sflag:$0x4], $0x1000, $0x38;
	[tilespmem:$0x1E800] =	vst v63  }
0x21: {  	s1 =	sadd.s32 $0x4000, s1;
	_ =	sdelay $0x1  }
0x22: {  	_ =	swait.ge [sflag:s19], $0x1000  }
0x23: {  	[sflag:s19] =	ssyncset.done $0x0  }
0x24: {  	[sflag:s19] =	ssyncadd.s32 $0xFFFFF000  }
0x25: {  	[bflag:$0x0] =	sbarrier.arrive $0xFFFF  }
0x26: {  	s1 =	rddreg [dreg:$0x3]  }
0x27: {  	[tilespmem:s3], [sflag:$0x1] =	stream.linear.gather [hbm4b:s1+s3], $0x100, $0x38;
	[tilespmem:$0x1E800] =	vst v63  }
0x28: {  	s1 =	simm.s32 $0x1  }
0x29: {  	[tilespmem:s20], [sflag:$0x1] =	stream.linear.gather [hbm4b:s11+s3], $0x100, $0x38;
	[tilespmem:$0x1E800] =	vst v63  }
0x2a: {  	_ =	swait.ge [sflag:s1], $0x100  }
0x2b: {  	[sflag:s1] =	ssyncset.done $0x0  }
0x2c: {  	[sflag:s1] =	ssyncadd.s32 $0xFFFFFF00  }
0x2d: {  	_ =	swait.ge [sflag:s1], $0x100  }
0x2e: {  	[sflag:s1] =	ssyncset.done $0x0  }
0x2f: {  	[sflag:s1] =	ssyncadd.s32 $0xFFFFFF00  }
0x30: {  	[tilespmem:s22], [sflag:$0x2] =	stream.indirect.gather [hbm4b:s4+s21], $0x20, s3, s21, $0xb8;
	[tilespmem:$0x1E800] =	vst v63  }
0x31: {  	_ = 	snop  }
0x32: {  	[tilespmem:s21], [sflag:$0x1] =	stream.linear.gather [hbm4b:s12+s3], $0x100, $0x38;
	[tilespmem:$0x1E800] =	vst v63  }
0x33: {  	s10 =	simm.s32 $0x500  }
0x34: {  	[tilespmem:s10], [sflag:$0x1] =	stream.linear.gather [hbm4b:s13+s3], $0x100, $0x38;
	[tilespmem:$0x1E800] =	vst v63  }
0x35: {  	_ =	swait.ge [sflag:s24], $0x2000  }
0x36: {  	[sflag:s24] =	ssyncset.done $0x0  }
0x37: {  	s26 =	simm.s32 $0x200;
	[sflag:s24] =	ssyncadd.s32 $0xFFFFE000  }
0x38: {  	[tilespmem:s26], [sflag:$0x1] =	stream.linear.gather [hbm4b:s15+s3], $0x100, $0x38;
	[tilespmem:$0x1E800] =	vst v63  }
0x39: {  	s28 =	simm.s32 $0x600  }
0x3a: {  	[tilespmem:s28], [sflag:$0x1] =	stream.linear.gather [hbm4b:s16+s3], $0x100, $0x38;
	[tilespmem:$0x1E800] =	vst v63  }
0x3b: {  	_ =	swait.ge [sflag:s1], $0x100  }
0x3c: {  	[sflag:s1] =	ssyncset.done $0x0  }
0x3d: {  	[sflag:s1] =	ssyncadd.s32 $0xFFFFFF00  }
0x3e: {  	_ =	swait.ge [sflag:s1], $0x100  }
.Ltmp2:
0x3f: {  	[sflag:s1] =	ssyncset.done $0x0;
	(pc) =	sbr.rel .LBB2_6-.Ltmp2, $4  }
0x40: {  	s31 =	simm.s32 $0x2800;
	[sflag:s1] =	ssyncadd.s32 $0xFFFFFF00  }
0x41: {  	[tilespmem:s31], [sflag:$0x2] =	stream.indirect.gather [hbm4b:s4+s21], $0x20, s21, s21, $0xb8;
	[tilespmem:$0x1E800] =	vst v63  }
0x42: {  	s23 =	simm.s32 $0x300  }
0x43: {  	[spmem:s2] =	stream.indirect.scatter.add.f32 [tilespmem:s22], [sflag:$0x3], $0x20, s20, s21, $0xb8;
	[tilespmem:$0x1E800] =	vst v63  }
.LBB2_7:
0x44: {  	s28 =	sadd.s32 s23, s8  }
0x45: {  	s31 =	sadd.s32 s23, s5;
	s28 =	sshrl.u32 s28, $0x3  }
0x46: {  	s10 =	sand.u32 $0x300, s23;
	s31 =	sshrl.u32 s31, $0x3;
	s28 =	sadd.s32 s6, s28  }
0x47: {  	[tilespmem:s10], [sflag:$0x1] =	stream.linear.gather [hbm4b:s28+s3], $0x100, $0x38;
	[tilespmem:$0x1E800] =	vst v63  }
0x48: {  	s10 =	sor.u32 $0x400, s10;
	s28 =	sadd.s32 s7, s31  }
0x49: {  	[tilespmem:s10], [sflag:$0x1] =	stream.linear.gather [hbm4b:s28+s3], $0x100, $0x38;
	[tilespmem:$0x1E800] =	vst v63  }
.LBB2_9:
0x4a: {  	_ =	swait.ge [sflag:s30], $0x100  }
0x4b: {  	[sflag:s30] =	ssyncset.done $0x0  }
0x4c: {  	[sflag:s30] =	ssyncadd.s32 $0xFFFFFF00  }
0x4d: {  	s10 =	sadd.s32 $0xFFFFFF00, s23;
	_ =	swait.ge [sflag:s30], $0x100  }
0x4e: {  	s26 =	sxor.u32 $0x2000, s26;
	s31 =	sadd.s32 $0xFFFFFE00, s23;
	[sflag:s30] =	ssyncset.done $0x0  }
0x4f: {  	s10 =	sand.u32 $0x300, s10;
	s26 =	sor.u32 $0x800, s26;
	[sflag:s30] =	ssyncadd.s32 $0xFFFFFF00  }
0x50: {  	[tilespmem:s26], [sflag:$0x2] =	stream.indirect.gather [hbm4b:s4+s21], $0x20, s10, s21, $0xb8;
	[tilespmem:$0x1E800] =	vst v63  }
0x51: {  	s10 =	sand.u32 $0x300, s31  }
0x52: {  	s1 =	sadd.s32 $0x1, s1;
	s23 =	sadd.s32 $0x100, s23;
	s10 =	sor.u32 $0x400, s10  }
0x53: {  	[spmem:s2] =	stream.indirect.scatter.add.f32 [tilespmem:s25], [sflag:$0x3], $0x20, s10, s21, $0xb8;
	[tilespmem:$0x1E800] =	vst v63  }
.LBB2_6:
0x54: {  	_ =	swait.ge [sflag:s24], $0x2000;
	p0 =	sgt.u32 s1, $0xC1  }
.Ltmp3:
0x55: {  	[sflag:s24] =	ssyncset.done $0x0;
	(pc) =	sbr.rel @!p0 .LBB2_7-.Ltmp3, $4  }
0x56: {  	[sflag:s24] =	ssyncadd.s32 $0xFFFFE000  }
0x57: {  	s25 =	sand.u32 $0x1, s1;
	_ =	swait.ge [sflag:s29], $0x2000  }
0x58: {  	s26 =	sshll.u32 s25, $0xD;
	[sflag:s29] =	ssyncset.done $0x0  }
0x59: {  	s25 =	sor.u32 $0x800, s26;
	[sflag:s29] =	ssyncadd.s32 $0xFFFFE000  }
0x5a: {  	p0 =	seq.s32 s1, $0xC3  }
.Ltmp4:
0x5b: {  	_ = 	snop;
	(pc) =	sbr.rel @!p0 .LBB2_9-.Ltmp4, $1  }
0x5c: {  	_ =	sdelay $0x3  }
0x5d: {  	s1 =	simm.s32 $0x700  }
0x5e: {  	[spmem:s2] =	stream.indirect.scatter.add.f32 [tilespmem:s25], [sflag:$0x3], $0x20, s1, s21, $0xb8;
	[tilespmem:$0x1E800] =	vst v63  }
0x5f: {  	_ =	swait.ge [sflag:s29], $0x2000  }
0x60: {  	[sflag:s29] =	ssyncset.done $0x0  }
0x61: {  	[sflag:s29] =	ssyncadd.s32 $0xFFFFE000  }
0x62: {  	[bflag:$0x0] =	sbarrier.arrive $0xFFFF  }
0x63: {  	[tilespmem:s18], [sflag:$0x4] =	stream.linear.gather [spmem:s9], $0x1000, $0x38;
	[tilespmem:$0x1E800] =	vst v63  }
0x64: {  	_ =	swait.ge [sflag:s19], $0x1000  }
0x65: {  	[sflag:s19] =	ssyncset.done $0x0  }
0x66: {  	s31 =	sadd.s32 $0x0, s17;
	[sflag:s19] =	ssyncadd.s32 $0xFFFFF000  }
0x67: {  	[hbm4b:s31+s3] =	stream.linear.scatter [tilespmem:s18], [sflag:$0x4], $0x1000, $0x38;
	[tilespmem:$0x1E800] =	vst v63  }
0x68: {  	_ =	swait.ge [sflag:s19], $0x1000  }
0x69: {  	s23 =	smov.u32 s9;
	s1 =	simm.s32 $0x200;
	[sflag:s19] =	ssyncset.done $0x0  }
.LBB2_11:
0x6a: {  	p0 =	sne.s32 s1, $0x3000;
	[sflag:s19] =	ssyncadd.s32 $0xFFFFF000;
	s23 =	sadd.s32 $0x1000, s23  }
0x6b: {  	[tilespmem:s18], [sflag:$0x4] =	stream.linear.gather [spmem:s23], $0x1000, $0x38;
	[tilespmem:$0x1E800] =	vst v63  }
0x6c: {  	s10 =	smov.u32 s1;
	s1 =	sadd.s32 $0x200, s1;
	_ =	swait.ge [sflag:s19], $0x1000  }
.Ltmp5:
0x6d: {  	[sflag:s19] =	ssyncset.done $0x0;
	(pc) =	sbr.rel @p0 .LBB2_11-.Ltmp5, $4  }
0x6e: {  	s10 =	sadd.s32 s10, s17;
	[sflag:s19] =	ssyncadd.s32 $0xFFFFF000  }
0x6f: {  	[hbm4b:s10+s3] =	stream.linear.scatter [tilespmem:s18], [sflag:$0x4], $0x1000, $0x38;
	[tilespmem:$0x1E800] =	vst v63  }
0x70: {  	_ =	swait.ge [sflag:s19], $0x1000  }
0x71: {  	[sflag:s19] =	ssyncset.done $0x0  }
0x72: {  	s0 =	sadd.s32 $0x1, s0  }
0x73: {  	p0 =	sne.s32 s0, s14  }
.Ltmp6:
0x74: {  	_ = 	snop;
	(pc) =	sbr.rel @p0 .LBB2_1-.Ltmp6, $2  }
0x75: {  	_ =	sdelay $0x2  }
0x76: {  	[sflag:s19] =	ssyncadd.s32 $0xFFFFF000  }
0x77: {  	_ =	sfence.sel $0x180000  }
0x78: {  	[bflag:$0x0] =	sbarrier.arrive $0xFFFF  }
0x79: {  	_ =	strace $0x9000004A  }
0x7a: {  	s0 =	stileid.u32;
	[bflag:$0x2] =	sbarrier.arrive $0xFFFF  }
0x7b: {  	p0 =	sne.s32 s0, $0x0;
	s0 =	rddreg [dreg:$0x2]  }
0x7c: {  	s0 =	sadd.s32 @!p0 $0x100000, s0  }
0x7d: {  	[sflag:s0] =	ssyncadd.tile.s32 @!p0 $0x1;
	_ =	shalt  }
.Lfunc_end2:
_tile_overlayer_lowered:
.L_overlay_start_2:
0x7e: {  	(tag) =	ssettag $0x2  }
0x7f: {  	s0 =	rddreg [dreg:$0x0];
	s2 =	stileid.u32  }
0x80: {  	s1 =	rddreg [dreg:$0x1];
	p0 =	sne.s32 s2, $0x0  }
0x81: {  	s3 =	rddreg [dreg:$0x2];
	[bflag:$0x3] =	sbarrier.arrive $0xFFFF;
	s2 =	simm.s32 @!p0 $0x1C04  }
0x82: {  	[timem:s3], [sflag:s2] =	dma.local @!p0 [hbm:s0], s1  }
0x83: {  	s0 =	simm.s32 @!p0 $0x4  }
0x84: {  	_ =	swait.ge @!p0 [sflag:s0], s1  }
0x85: {  	s1 =	ssub.s32 @!p0 $0x0, s1;
	[sflag:s0] =	ssyncset.done @!p0 $0x0  }
0x86: {  	[sflag:s0] =	ssyncadd.s32 @!p0 s1  }
0x87: {  	[bflag:$0x3] =	sbarrier.arrive $0xFFFF  }
0x88: {  	_ =	shalt  }

// kernel: kernel.16.cloned.1.call-start
scs
__scs_entry_jumppad:
0x0: {  	(pc) =	sbr.rel $0x88, $3  }
0x1: {  	(tag) =	ssettag $0x0;
	lr =	simm.s32 $0x1  }
0x2: {  	[smem:$0x3F97] =	sst lr;
	_ =	strace $0xD0000000  }
0x3: {  	_ = 	snop  }
0x4: {  	_ = 	snop  }
0x5: {  	_ = 	snop  }
0x6: {  	_ = 	snop  }
0x7: {  	_ = 	snop  }
__scs_overlays_trampoline_lowered:
0x8: {  	[smem:$0x3FA6] =	sst s0  }
0x9: {  	[smem:$0x3FA7] =	sst s1  }
0xa: {  	[smem:$0x3FA8] =	sst s2  }
0xb: {  	[smem:$0x3FA9] =	sst s3  }
0xc: {  	[smem:$0x3FAA] =	sst s4  }
0xd: {  	[smem:$0x3FAB] =	sst s5  }
0xe: {  	[smem:$0x3FAC] =	sst s6  }
0xf: {  	[smem:$0x3FAD] =	sst s7  }
0x10: {  	[smem:$0x3FAE] =	sst s8  }
0x11: {  	[smem:$0x3FAF] =	sst s9;
	s0 =	simm.s32 @!p0 $0x0  }
0x12: {  	s1 =	sld [smem:$0x3F95];
	s0 =	simm.s32 @p0 $0x1  }
0x13: {  	[smem:$0x3FB0] =	sst s0;
	s0 =	simm.s32 @!p1 $0x0  }
0x14: {  	s2 =	sld [smem:$0x3F94];
	s0 =	simm.s32 @p1 $0x1  }
0x15: {  	[smem:$0x3FB1] =	sst s0;
	s0 =	simm.s32 @!p2 $0x0  }
0x16: {  	s3 =	sld [smem:$0x3FDB];
	s0 =	simm.s32 @p2 $0x1  }
0x17: {  	s4 =	simm.s32 $0x1BF5;
	[smem:$0x3FB3] =	sst s0  }
0x18: {  	s0 =	sld [smem:$0x3F96];
	_ =	swait.ge [sflag:s4], $0x0  }
0x19: {  	s7 =	sld [smem:$0x3F97]  }
0x1a: {  	s8 =	sadd.s32 $0xFFFFE003, lr  }
0x1b: {  	s9 =	sadd.s32 $0xFFFFFEF7, lr;
	s5 =	simm.s32 $0xFFFFFFFF;
	p2 =	slt.u32 s8, $0xFFFFF086  }
0x1c: {  	p1 =	slt.u32 s9, $0xF7A;
	s5 =	simm.s32 @!p2 $0x0  }
0x1d: {  	s5 =	simm.s32 @p1 $0x1;
	p0 =	seq.s32 s7, s2  }
0x1e: {  	s7 =	smul.u32 @!p0 $0xF7A, s2;
	p2 =	seq.s32 @!p0 s5, $0x0  }
0x1f: {  	s9 =	smul.u32 $0xF7A, s1;
	s8 =	simm.s32 @!p0 $0x1BF5;
	p2 =	por !p2, p0  }
0x20: {  	[sflag:s8] =	ssyncset.s32 @!p0 $0xFFFFF086;
	s6 =	sadd.s32 @!p0 s3, s7;
	s7 =	simm.s32 @!p0 $0x108  }
0x21: {  	s3 =	sadd.s32 s3, s9;
	s6 =	sadd.s32 @!p0 $0x88, s6;
	s7 =	simm.s32 @p2 $0x1082  }
0x22: {  	[simem:s7], [sflag:s8] =	dma.local @!p0 [hbm:s6], $0xF7A  }
0x23: {  	s9 =	sor.u32 $0xD0000000, s2;
	s6 =	simm.s32 $0x108;
	_ =	swait.ge @!p0 [sflag:s8], $0x0  }
0x24: {  	s3 =	sadd.s32 $0x88, s3;
	s6 =	simm.s32 @!p1 $0x1082;
	[sflag:s4] =	ssyncset.s32 $0xFFFFF086  }
0x25: {  	[simem:s6], [sflag:s4] =	dma.local [hbm:s3], $0xF7A  }
0x26: {  	[smem:$0x3F97] =	sst s1;
	(tag) =	ssettag s2;
	_ =	strace s9  }
0x27: {  	s1 =	sld [smem:$0x3FA7]  }
0x28: {  	s2 =	sld [smem:$0x3FA8]  }
0x29: {  	s4 =	sld [smem:$0x3FAA]  }
0x2a: {  	p0 =	seq.s32 s5, $0x0;
	s5 =	sld [smem:$0x3FAB]  }
0x2b: {  	s6 =	sld [smem:$0x3FAC]  }
0x2c: {  	s7 =	sld [smem:$0x3FAD]  }
0x2d: {  	s3 =	simm.s32 $0x108;
	s8 =	sld [smem:$0x3FAE]  }
0x2e: {  	s3 =	simm.s32 @!p0 $0x1082;
	s9 =	sld [smem:$0x3FAF]  }
0x2f: {  	lr =	sadd.s32 s0, s3;
	s0 =	sld [smem:$0x3FA6]  }
0x30: {  	s3 =	sld [smem:$0x3FA9]  }
0x31: {  	[smem:$0x3FB2] =	sst s10  }
0x32: {  	s10 =	sld [smem:$0x3FB0];
	_ =	sdelay $0x3  }
0x33: {  	p0 =	seq.s32 s10, $0x1;
	s10 =	sld [smem:$0x3FB2];
	_ =	sdelay $0x3  }
0x34: {  	[smem:$0x3FB2] =	sst s10  }
0x35: {  	s10 =	sld [smem:$0x3FB1];
	_ =	sdelay $0x3  }
0x36: {  	p1 =	seq.s32 s10, $0x1;
	s10 =	sld [smem:$0x3FB2];
	_ =	sdelay $0x3  }
0x37: {  	[smem:$0x3FB2] =	sst s10  }
0x38: {  	s10 =	sld [smem:$0x3FB3]  }
0x39: {  	_ = 	snop;
	(pc) =	sbr.ind lr, $3  }
0x3a: {  	_ = 	snop  }
0x3b: {  	_ = 	snop  }
0x3c: {  	p2 =	seq.s32 s10, $0x1;
	s10 =	sld [smem:$0x3FB2]  }
0x3d: {  	_ =	shalt  }
0x3e: {  	_ =	shalt  }
0x3f: {  	_ =	shalt  }
0x40: {  	_ =	shalt  }
0x41: {  	_ =	shalt  }
0x42: {  	_ =	shalt  }
0x43: {  	_ =	shalt  }
0x44: {  	_ =	shalt  }
0x45: {  	_ =	shalt  }
0x46: {  	_ =	shalt  }
0x47: {  	_ =	shalt  }
0x48: {  	_ =	shalt  }
0x49: {  	_ =	shalt  }
0x4a: {  	_ =	shalt  }
0x4b: {  	_ =	shalt  }
0x4c: {  	_ =	shalt  }
0x4d: {  	_ =	shalt  }
0x4e: {  	_ =	shalt  }
0x4f: {  	_ =	shalt  }
0x50: {  	_ =	shalt  }
0x51: {  	_ =	shalt  }
0x52: {  	_ =	shalt  }
0x53: {  	_ =	shalt  }
0x54: {  	_ =	shalt  }
0x55: {  	_ =	shalt  }
0x56: {  	_ =	shalt  }
0x57: {  	_ =	shalt  }
0x58: {  	_ =	shalt  }
0x59: {  	_ =	shalt  }
0x5a: {  	_ =	shalt  }
0x5b: {  	_ =	shalt  }
0x5c: {  	_ =	shalt  }
0x5d: {  	_ =	shalt  }
0x5e: {  	_ =	shalt  }
0x5f: {  	_ =	shalt  }
0x60: {  	_ =	shalt  }
0x61: {  	_ =	shalt  }
0x62: {  	_ =	shalt  }
0x63: {  	_ =	shalt  }
0x64: {  	_ =	shalt  }
0x65: {  	_ =	shalt  }
0x66: {  	_ =	shalt  }
0x67: {  	_ =	shalt  }
0x68: {  	_ =	shalt  }
0x69: {  	_ =	shalt  }
0x6a: {  	_ =	shalt  }
0x6b: {  	_ =	shalt  }
0x6c: {  	_ =	shalt  }
0x6d: {  	_ =	shalt  }
0x6e: {  	_ =	shalt  }
0x6f: {  	_ =	shalt  }
0x70: {  	_ =	shalt  }
0x71: {  	_ =	shalt  }
0x72: {  	_ =	shalt  }
0x73: {  	_ =	shalt  }
0x74: {  	_ =	shalt  }
0x75: {  	_ =	shalt  }
0x76: {  	_ =	shalt  }
0x77: {  	_ =	shalt  }
0x78: {  	_ =	shalt  }
0x79: {  	_ =	shalt  }
0x7a: {  	_ =	shalt  }
0x7b: {  	_ =	shalt  }
0x7c: {  	_ =	shalt  }
0x7d: {  	_ =	shalt  }
0x7e: {  	_ =	shalt  }
0x7f: {  	_ =	shalt  }
0x80: {  	_ =	shalt  }
0x81: {  	_ =	shalt  }
0x82: {  	_ =	shalt  }
0x83: {  	_ =	shalt  }
0x84: {  	_ =	shalt  }
0x85: {  	_ =	shalt  }
0x86: {  	_ =	shalt  }
0x87: {  	_ =	shalt  }
.Lfunc_end0:
.L_simem_size_0:
called_computation.2_lowered:
.L_overlay_start_0:
0x88: {  	s2 =	sld [smem:$0x3FD9]  }
0x89: {  	s3 =	sld [smem:$0x3FFE];
	_ =	sdelay $0x1  }
0x8a: {  	s1 =	srdreg.scid  }
0x8b: {  	s0 =	sand.u32 $0x1, s1  }
0x8c: {  	s16 =	sshll.u32 s0, $0xA;
	s2 =	sadd.s32 s3, s2  }
0x8d: {  	s2 =	sadd.s32 s2, s16  }
0x8e: {  	[smem:$0x3FBE] =	sst s2  }
0x8f: {  	_ = 	snop  }
0x90: {  	(tm) =	ssettm $0x1  }
0x91: {  	s17 =	sld [smem:$0x3FFB];
	_ =	sdelay $0x3  }
0x92: {  	_ =	strace s17  }
0x93: {  	s2 =	sld [smem:$0x3FFC];
	_ =	sdelay $0x3  }
0x94: {  	_ =	strace s2  }
0x95: {  	s2 =	sld [smem:$0x3FFD];
	_ =	sdelay $0x3  }
0x96: {  	_ =	strace s2  }
0x97: {  	_ =	strace $0x8FFFFFFF  }
0x98: {  	s18 =	sld [smem:$0x3FDB];
	_ =	sdelay $0x1  }
0x99: {  	s19 =	simm.s32 $_scs_section_size  }
0x9a: {  	s4 =	simm.s32 $_size__tile_overlayer_lowered;
	s5 =	simm.s32 $_tile_overlayer_lowered  }
0x9b: {  	s22 =	simm.s32 $0x1BFF;
	s21 =	sshll.u32 s5, $0x1;
	s2 =	sadd.s32 s19, s18  }
0x9c: {  	s6 =	simm.s32 $0x0;
	s20 =	sshll.u32 s4, $0x1;
	s4 =	sadd.s32 s21, s2  }
0x9d: {  	[timem:s6], [sflag:s22] =	dma.local [hbm:s4], s20  }
0x9e: {  	_ =	swait.ge [sflag:s22], s20  }
0x9f: {  	s3 =	ssub.s32 $0x0, s20;
	[sflag:s22] =	ssyncset.done $0x0  }
0xa0: {  	[sflag:s22] =	ssyncadd.s32 s3;
	_ =	sdelay $0x1  }
0xa1: {  	s23 =	simm.s32 $0x1B8B  }
0xa2: {  	_ =	swait.ge [sflag:s23], $0x1  }
0xa3: {  	[sflag:s23] =	ssyncset.done $0x0  }
0xa4: {  	s25 =	simm.s32 $0x1B8E;
	s24 =	sld [smem:$0x3FFE];
	[sflag:s23] =	ssyncadd.s32 $0xFFFFFFFF  }
0xa5: {  	s26 =	simm.s32 $execute0_lowered;
	[smem:$0x3FD2] =	sst s25  }
0xa6: {  	s4 =	sshll.u32 s26, $0x1;
	_ =	strace $0x8000004C;
	[dreg:$0x1] =	wrdreg $0xFFFFFFFF  }
0xa7: {  	s28 =	simm.s32 $_size_execute0_lowered;
	s2 =	sadd.s32 s2, s4;
	[dreg:$0x0] =	wrdreg $0x0  }
0xa8: {  	s4 =	sshll.u32 s28, $0x1;
	[dreg:$0x2] =	wrdreg s2  }
0xa9: {  	[dreg:$0x3] =	wrdreg s4  }
0xaa: {  	[dreg:$0x4] =	wrdreg $0xC0  }
0xab: {  	_ =	task [dreg:s6], $0x5FFFF  }
0xac: {  	[dreg:$0x1] =	wrdreg $0xFFFFFFFF  }
0xad: {  	[dreg:$0x0] =	wrdreg $0x60  }
0xae: {  	[dreg:$0x2] =	wrdreg s24  }
0xaf: {  	[dreg:$0x3] =	wrdreg $0x58000  }
0xb0: {  	[dreg:$0x4] =	wrdreg $0x9  }
0xb1: {  	_ =	task.clear_ibuf [dreg:s6], $0x5FFFF;
	_ =	strace $0x9000004C  }
0xb2: {  	s29 =	simm.s32 $0x9;
	_ =	strace $0x8000004E  }
0xb3: {  	_ =	swait.ge [sflag:s29], $0x1  }
0xb4: {  	[sflag:s29] =	ssyncadd.s32 $0xFFFFFFFF  }
0xb5: {  	_ =	strace $0x9000004E  }
0xb6: {  	_ =	sfence  }
0xb7: {  	s30 =	sld [smem:$0x0];
	_ =	sdelay $0x2  }
0xb8: {  	s31 =	sshll.u32 s1, $0xD;
	s1 =	sshrl.u32 s1, $0x2  }
0xb9: {  	s3 =	sand.u32 $0x4000, s31;
	s1 =	sadd.s32 s1, s30  }
0xba: {  	s0 =	sor.u32 s3, s0;
	s1 =	sshll.u32 s1, $0x11  }
0xbb: {  	s0 =	sor.u32 s1, s0  }
0xbc: {  	s0 =	sadd.s32 $0x8F2B, s0  }
0xbd: {  	[sflag:s0] =	ssyncadd.remote.s32 $0x1  }
0xbe: {  	_ =	sfence.sel $0xFFFF  }
0xbf: {  	[dreg:$0x0] =	wrdreg $0xFFFFFFFF;
	(pc) =	sbr.abs _section_cstart, $3  }
0xc0: {  	[dreg:$0x1] =	wrdreg $0xFFFFFFFF  }
0xc1: {  	_ =	task.clear_ibuf [dreg:s6], $0x2FFFF;
	_ =	strace $0x9FFFFFFF  }
0xc2: {  	(tm) =	ssettm $0x7FFFFFFF  }
0xc3: {  	_ =	shalt  }
tec
execute0_lowered:
.L_overlay_start_1:
0x0: {  	(tag) =	ssettag $0x1  }
0x1: {  	s0 =	rddreg [dreg:$0x0]  }
0x2: {  	s2 =	rddreg [dreg:$0x1]  }
0x3: {  	s1 =	srdreg.scid;
	s9 =	stileid.u32;
	s3 =	simm.s32 $0x0  }
0x4: {  	s18 =	simm.s32 $0x4800;
	s19 =	simm.s32 $0x4;
	s20 =	simm.s32 $0x400  }
0x5: {  	s21 =	simm.s32 $0x100;
	s22 =	simm.s32 $0x800;
	s7 =	smul.u32 $0x19000, s9  }
0x6: {  	s29 =	simm.s32 $0x3;
	s30 =	simm.s32 $0x1;
	s5 =	smul.u32 $0xC400, s9  }
0x7: {  	s1 =	sand.u32 $0x1, s1;
	[smem:$0x7FF] =	sst s3;
	s24 =	smul.u32 $0x64000, s9  }
0x8: {  	s4 =	sadd.s32 $0x97C00, s0;
	s6 =	sadd.s32 $0x66C00, s0;
	s8 =	smul.u32 $0x190000, s1  }
0x9: {  	_ =	strace $0x8000004D;
	s10 =	ssub.s32 $0x2, s1;
	s1 =	smul.u32 $0xC4000, s1  }
0xa: {  	s26 =	sshrl.u32 s10, $0x1;
	s28 =	sshrl.u32 s24, $0x2;
	s13 =	sor.u32 $0x100, s5  }
0xb: {  	s11 =	sshrl.u32 s5, $0x3;
	s15 =	sor.u32 $0x200, s5;
	s24 =	simm.s32 $0x2  }
0xc: {  	s7 =	sadd.s32 s7, s8;
	s14 =	ssub.s32 s10, s26;
	s8 =	sadd.s32 s5, s1  }
0xd: {  	s9 =	sadd.s32 s28, s2;
	s12 =	sadd.s32 s1, s13;
	s13 =	sshrl.u32 s13, $0x3  }
0xe: {  	s1 =	sadd.s32 s1, s15;
	s16 =	sshrl.u32 s15, $0x3;
	s25 =	sshrl.u32 s7, $0x3  }
0xf: {  	s7 =	sadd.s32 $0x4E400, s0;
	s31 =	sshrl.u32 s8, $0x3;
	s12 =	sshrl.u32 s12, $0x3  }
0x10: {  	s1 =	sshrl.u32 s1, $0x3;
	s14 =	smax.u32 s14, $0x1;
	s0 =	sadd.s32 s25, s0  }
0x11: {  	s10 =	sadd.s32 s6, s31;
	s11 =	sadd.s32 s7, s11;
	s12 =	sadd.s32 s6, s12  }
0x12: {  	s13 =	sadd.s32 s7, s13;
	s15 =	sadd.s32 s6, s1;
	s16 =	sadd.s32 s7, s16  }
0x13: {  	v0 =	vimm.f32 $0.0e+00;
	[dreg:$0x3] =	wrdreg s10;
	s17 =	sadd.s32 $0xF9C00, s0;
	s0 =	simm.s32 $0x0  }
.LBB2_1:
0x14: {  	s1 =	simm.s32 $0x0  }
.LBB2_2:
0x15: {  	p0 =	sne.s32 s1, $0x3F80  }
.Ltmp0:
0x16: {  	_ = 	snop;
	(pc) =	sbr.rel @p0 .LBB2_2-.Ltmp0, $4  }
0x17: {  	_ = 	snop  }
0x18: {  	s23 =	sshra.s32 s1, $0x2  }
0x19: {  	[tilespmem:s23+$0x4800] =	vst v0  }
0x1a: {  	s1 =	sadd.s32 $0x80, s1;
	[tilespmem:s23+$0x4810] =	vst v0  }
0x1b: {  	s1 =	sadd.s32 $0x0, s9  }
0x1c: {  	[spmem:s1] =	stream.linear.scatter [tilespmem:s18], [sflag:$0x4], $0x1000, $0x38;
	[tilespmem:$0x1E800] =	vst v63  }
0x1d: {  	s1 =	simm.s32 $0x4000;
	_ =	swait.ge [sflag:s19], $0x1000  }
.LBB2_4:
0x1e: {  	s23 =	sshra.s32 s1, $0x2;
	[sflag:s19] =	ssyncset.done $0x0;
	p0 =	sne.s32 s1, $0x60000  }
.Ltmp1:
0x1f: {  	s23 =	sadd.s32 s23, s9;
	[sflag:s19] =	ssyncadd.s32 $0xFFFFF000;
	(pc) =	sbr.rel @p0 .LBB2_4-.Ltmp1, $3  }
0x20: {  	[spmem:s23] =	stream.linear.scatter [tilespmem:s18], [sflag:$0x4], $0x1000, $0x38;
	[tilespmem:$0x1E800] =	vst v63  }
0x21: {  	s1 =	sadd.s32 $0x4000, s1;
	_ =	sdelay $0x1  }
0x22: {  	_ =	swait.ge [sflag:s19], $0x1000  }
0x23: {  	[sflag:s19] =	ssyncset.done $0x0  }
0x24: {  	[sflag:s19] =	ssyncadd.s32 $0xFFFFF000  }
0x25: {  	[bflag:$0x0] =	sbarrier.arrive $0xFFFF  }
0x26: {  	s1 =	rddreg [dreg:$0x3]  }
0x27: {  	[tilespmem:s3], [sflag:$0x1] =	stream.linear.gather [hbm4b:s1+s3], $0x100, $0x38;
	[tilespmem:$0x1E800] =	vst v63  }
0x28: {  	s1 =	simm.s32 $0x1  }
0x29: {  	[tilespmem:s20], [sflag:$0x1] =	stream.linear.gather [hbm4b:s11+s3], $0x100, $0x38;
	[tilespmem:$0x1E800] =	vst v63  }
0x2a: {  	_ =	swait.ge [sflag:s1], $0x100  }
0x2b: {  	[sflag:s1] =	ssyncset.done $0x0  }
0x2c: {  	[sflag:s1] =	ssyncadd.s32 $0xFFFFFF00  }
0x2d: {  	_ =	swait.ge [sflag:s1], $0x100  }
0x2e: {  	[sflag:s1] =	ssyncset.done $0x0  }
0x2f: {  	[sflag:s1] =	ssyncadd.s32 $0xFFFFFF00  }
0x30: {  	[tilespmem:s22], [sflag:$0x2] =	stream.indirect.gather [hbm4b:s4+s21], $0x20, s3, s21, $0xb8;
	[tilespmem:$0x1E800] =	vst v63  }
0x31: {  	_ = 	snop  }
0x32: {  	[tilespmem:s21], [sflag:$0x1] =	stream.linear.gather [hbm4b:s12+s3], $0x100, $0x38;
	[tilespmem:$0x1E800] =	vst v63  }
0x33: {  	s10 =	simm.s32 $0x500  }
0x34: {  	[tilespmem:s10], [sflag:$0x1] =	stream.linear.gather [hbm4b:s13+s3], $0x100, $0x38;
	[tilespmem:$0x1E800] =	vst v63  }
0x35: {  	_ =	swait.ge [sflag:s24], $0x2000  }
0x36: {  	[sflag:s24] =	ssyncset.done $0x0  }
0x37: {  	s26 =	simm.s32 $0x200;
	[sflag:s24] =	ssyncadd.s32 $0xFFFFE000  }
0x38: {  	[tilespmem:s26], [sflag:$0x1] =	stream.linear.gather [hbm4b:s15+s3], $0x100, $0x38;
	[tilespmem:$0x1E800] =	vst v63  }
0x39: {  	s28 =	simm.s32 $0x600  }
0x3a: {  	[tilespmem:s28], [sflag:$0x1] =	stream.linear.gather [hbm4b:s16+s3], $0x100, $0x38;
	[tilespmem:$0x1E800] =	vst v63  }
0x3b: {  	_ =	swait.ge [sflag:s1], $0x100  }
0x3c: {  	[sflag:s1] =	ssyncset.done $0x0  }
0x3d: {  	[sflag:s1] =	ssyncadd.s32 $0xFFFFFF00  }
0x3e: {  	_ =	swait.ge [sflag:s1], $0x100  }
.Ltmp2:
0x3f: {  	[sflag:s1] =	ssyncset.done $0x0;
	(pc) =	sbr.rel .LBB2_6-.Ltmp2, $4  }
0x40: {  	s31 =	simm.s32 $0x2800;
	[sflag:s1] =	ssyncadd.s32 $0xFFFFFF00  }
0x41: {  	[tilespmem:s31], [sflag:$0x2] =	stream.indirect.gather [hbm4b:s4+s21], $0x20, s21, s21, $0xb8;
	[tilespmem:$0x1E800] =	vst v63  }
0x42: {  	s23 =	simm.s32 $0x300  }
0x43: {  	[spmem:s2] =	stream.indirect.scatter.add.f32 [tilespmem:s22], [sflag:$0x3], $0x20, s20, s21, $0xb8;
	[tilespmem:$0x1E800] =	vst v63  }
.LBB2_7:
0x44: {  	s28 =	sadd.s32 s23, s8  }
0x45: {  	s31 =	sadd.s32 s23, s5;
	s28 =	sshrl.u32 s28, $0x3  }
0x46: {  	s10 =	sand.u32 $0x300, s23;
	s31 =	sshrl.u32 s31, $0x3;
	s28 =	sadd.s32 s6, s28  }
0x47: {  	[tilespmem:s10], [sflag:$0x1] =	stream.linear.gather [hbm4b:s28+s3], $0x100, $0x38;
	[tilespmem:$0x1E800] =	vst v63  }
0x48: {  	s10 =	sor.u32 $0x400, s10;
	s28 =	sadd.s32 s7, s31  }
0x49: {  	[tilespmem:s10], [sflag:$0x1] =	stream.linear.gather [hbm4b:s28+s3], $0x100, $0x38;
	[tilespmem:$0x1E800] =	vst v63  }
.LBB2_9:
0x4a: {  	_ =	swait.ge [sflag:s30], $0x100  }
0x4b: {  	[sflag:s30] =	ssyncset.done $0x0  }
0x4c: {  	[sflag:s30] =	ssyncadd.s32 $0xFFFFFF00  }
0x4d: {  	s10 =	sadd.s32 $0xFFFFFF00, s23;
	_ =	swait.ge [sflag:s30], $0x100  }
0x4e: {  	s26 =	sxor.u32 $0x2000, s26;
	s31 =	sadd.s32 $0xFFFFFE00, s23;
	[sflag:s30] =	ssyncset.done $0x0  }
0x4f: {  	s10 =	sand.u32 $0x300, s10;
	s26 =	sor.u32 $0x800, s26;
	[sflag:s30] =	ssyncadd.s32 $0xFFFFFF00  }
0x50: {  	[tilespmem:s26], [sflag:$0x2] =	stream.indirect.gather [hbm4b:s4+s21], $0x20, s10, s21, $0xb8;
	[tilespmem:$0x1E800] =	vst v63  }
0x51: {  	s10 =	sand.u32 $0x300, s31  }
0x52: {  	s1 =	sadd.s32 $0x1, s1;
	s23 =	sadd.s32 $0x100, s23;
	s10 =	sor.u32 $0x400, s10  }
0x53: {  	[spmem:s2] =	stream.indirect.scatter.add.f32 [tilespmem:s25], [sflag:$0x3], $0x20, s10, s21, $0xb8;
	[tilespmem:$0x1E800] =	vst v63  }
.LBB2_6:
0x54: {  	_ =	swait.ge [sflag:s24], $0x2000;
	p0 =	sgt.u32 s1, $0xC1  }
.Ltmp3:
0x55: {  	[sflag:s24] =	ssyncset.done $0x0;
	(pc) =	sbr.rel @!p0 .LBB2_7-.Ltmp3, $4  }
0x56: {  	[sflag:s24] =	ssyncadd.s32 $0xFFFFE000  }
0x57: {  	s25 =	sand.u32 $0x1, s1;
	_ =	swait.ge [sflag:s29], $0x2000  }
0x58: {  	s26 =	sshll.u32 s25, $0xD;
	[sflag:s29] =	ssyncset.done $0x0  }
0x59: {  	s25 =	sor.u32 $0x800, s26;
	[sflag:s29] =	ssyncadd.s32 $0xFFFFE000  }
0x5a: {  	p0 =	seq.s32 s1, $0xC3  }
.Ltmp4:
0x5b: {  	_ = 	snop;
	(pc) =	sbr.rel @!p0 .LBB2_9-.Ltmp4, $1  }
0x5c: {  	_ =	sdelay $0x3  }
0x5d: {  	s1 =	simm.s32 $0x700  }
0x5e: {  	[spmem:s2] =	stream.indirect.scatter.add.f32 [tilespmem:s25], [sflag:$0x3], $0x20, s1, s21, $0xb8;
	[tilespmem:$0x1E800] =	vst v63  }
0x5f: {  	_ =	swait.ge [sflag:s29], $0x2000  }
0x60: {  	[sflag:s29] =	ssyncset.done $0x0  }
0x61: {  	[sflag:s29] =	ssyncadd.s32 $0xFFFFE000  }
0x62: {  	[bflag:$0x0] =	sbarrier.arrive $0xFFFF  }
0x63: {  	[tilespmem:s18], [sflag:$0x4] =	stream.linear.gather [spmem:s9], $0x1000, $0x38;
	[tilespmem:$0x1E800] =	vst v63  }
0x64: {  	_ =	swait.ge [sflag:s19], $0x1000  }
0x65: {  	[sflag:s19] =	ssyncset.done $0x0  }
0x66: {  	s31 =	sadd.s32 $0x0, s17;
	[sflag:s19] =	ssyncadd.s32 $0xFFFFF000  }
0x67: {  	[hbm4b:s31+s3] =	stream.linear.scatter [tilespmem:s18], [sflag:$0x4], $0x1000, $0x38;
	[tilespmem:$0x1E800] =	vst v63  }
0x68: {  	_ =	swait.ge [sflag:s19], $0x1000  }
0x69: {  	s23 =	smov.u32 s9;
	s1 =	simm.s32 $0x200;
	[sflag:s19] =	ssyncset.done $0x0  }
.LBB2_11:
0x6a: {  	p0 =	sne.s32 s1, $0x3000;
	[sflag:s19] =	ssyncadd.s32 $0xFFFFF000;
	s23 =	sadd.s32 $0x1000, s23  }
0x6b: {  	[tilespmem:s18], [sflag:$0x4] =	stream.linear.gather [spmem:s23], $0x1000, $0x38;
	[tilespmem:$0x1E800] =	vst v63  }
0x6c: {  	s10 =	smov.u32 s1;
	s1 =	sadd.s32 $0x200, s1;
	_ =	swait.ge [sflag:s19], $0x1000  }
.Ltmp5:
0x6d: {  	[sflag:s19] =	ssyncset.done $0x0;
	(pc) =	sbr.rel @p0 .LBB2_11-.Ltmp5, $4  }
0x6e: {  	s10 =	sadd.s32 s10, s17;
	[sflag:s19] =	ssyncadd.s32 $0xFFFFF000  }
0x6f: {  	[hbm4b:s10+s3] =	stream.linear.scatter [tilespmem:s18], [sflag:$0x4], $0x1000, $0x38;
	[tilespmem:$0x1E800] =	vst v63  }
0x70: {  	_ =	swait.ge [sflag:s19], $0x1000  }
0x71: {  	[sflag:s19] =	ssyncset.done $0x0  }
0x72: {  	s0 =	sadd.s32 $0x1, s0  }
0x73: {  	p0 =	sne.s32 s0, s14  }
.Ltmp6:
0x74: {  	_ = 	snop;
	(pc) =	sbr.rel @p0 .LBB2_1-.Ltmp6, $2  }
0x75: {  	_ =	sdelay $0x2  }
0x76: {  	[sflag:s19] =	ssyncadd.s32 $0xFFFFF000  }
0x77: {  	_ =	sfence.sel $0x180000  }
0x78: {  	[bflag:$0x0] =	sbarrier.arrive $0xFFFF  }
0x79: {  	_ =	strace $0x9000004D  }
0x7a: {  	s0 =	stileid.u32;
	[bflag:$0x2] =	sbarrier.arrive $0xFFFF  }
0x7b: {  	p0 =	sne.s32 s0, $0x0;
	s0 =	rddreg [dreg:$0x2]  }
0x7c: {  	s0 =	sadd.s32 @!p0 $0x100000, s0  }
0x7d: {  	[sflag:s0] =	ssyncadd.tile.s32 @!p0 $0x1;
	_ =	shalt  }
.Lfunc_end2:
_tile_overlayer_lowered:
.L_overlay_start_2:
0x7e: {  	(tag) =	ssettag $0x2  }
0x7f: {  	s0 =	rddreg [dreg:$0x0];
	s2 =	stileid.u32  }
0x80: {  	s1 =	rddreg [dreg:$0x1];
	p0 =	sne.s32 s2, $0x0  }
0x81: {  	s3 =	rddreg [dreg:$0x2];
	[bflag:$0x3] =	sbarrier.arrive $0xFFFF;
	s2 =	simm.s32 @!p0 $0x1C04  }
0x82: {  	[timem:s3], [sflag:s2] =	dma.local @!p0 [hbm:s0], s1  }
0x83: {  	s0 =	simm.s32 @!p0 $0x4  }
0x84: {  	_ =	swait.ge @!p0 [sflag:s0], s1  }
0x85: {  	s1 =	ssub.s32 @!p0 $0x0, s1;
	[sflag:s0] =	ssyncset.done @!p0 $0x0  }
0x86: {  	[sflag:s0] =	ssyncadd.s32 @!p0 s1  }
0x87: {  	[bflag:$0x3] =	sbarrier.arrive $0xFFFF  }
0x88: {  	_ =	shalt  }

</sc_bundles>
